<compile_context>
chip_gen: v7x
topology: tpu7x:2x2x1
jax: 0.10.2.dev20260603
libtpu: 0.0.44.dev20260713+nightly
codegen_flags: <defaults>
</compile_context>

<pallas_src>
import jax
import jax.numpy as jnp
from jax import lax
from jax.experimental import pallas as pl
from jax.experimental.pallas import tpu as pltpu
from jax.experimental.pallas import tpu_sc as plsc

N_NODES = 10000
N_EDGES = 320000
D = 128
NQ = 256
TOK = 1000
NKEEP = N_NODES - TOK

NC = 2
NS = 16
B = 40
ROWS_PER_TILE = N_NODES // NS

EBLK = 6400
LO_BLKS = 24
HI_BLKS = 26
LO_EDGES = LO_BLKS * EBLK
HI_EDGES = HI_BLKS * EBLK
NB_LO = LO_EDGES // (NC * NS) // B
NB_HI = HI_EDGES // (NC * NS) // B


def _xm_body(x_ref, wm_ref, b_ref, o_ref):
    o_ref[...] = (
        jnp.dot(x_ref[...], wm_ref[...], preferred_element_type=jnp.float32)
        + b_ref[...]
    )


def _ea_body(ea_ref, we_ref, o_ref):
    o_ref[...] = lax.dot_general(
        ea_ref[...], we_ref[...], (((0,), (0,)), ((), ())),
        preferred_element_type=jnp.float32,
    )


def _ea_body_after_xm(ea_ref, we_ref, xm_ref, o_ref):
    o_ref[...] = lax.dot_general(
        ea_ref[...], we_ref[...], (((0,), (0,)), ((), ())),
        preferred_element_type=jnp.float32,
    ) + 0.0 * xm_ref[0, 0]


def _make_sc_body(nbatch, gbase):

    def _sc_body(src_ref, dst_ref, xm_ref, ea_ref, out_ref,
                 xr0, xr1, er0, er1, or0, or1, si0, si1, di0, di1, aggS,
                 sld0, sld1, ssc0, ssc1, ssi0, ssi1, sdi0, sdi1):
        c = lax.axis_index("c")
        s = lax.axis_index("s")
        wid = c * NS + s
        ebase = wid * (nbatch * B)
        ibase = gbase + ebase

        zeros16 = jnp.zeros((16,), jnp.float32)

        def zrow(r, carry):
            for ch in range(8):
                or0[r, pl.ds(ch * 16, 16)] = zeros16
            return carry

        lax.fori_loop(0, B, zrow, 0)
        for k in range(15):
            pltpu.sync_copy(or0, aggS.at[pl.ds(s * ROWS_PER_TILE + k * B, B), :])
        pltpu.sync_copy(
            or0.at[pl.ds(0, 25)],
            aggS.at[pl.ds(s * ROWS_PER_TILE + 600, 25), :],
        )
        plsc.subcore_barrier()

        slot0 = (xr0, er0, or0, si0, di0, sld0, ssc0, ssi0, sdi0)
        slot1 = (xr1, er1, or1, si1, di1, sld1, ssc1, ssi1, sdi1)

        def issue_loads(slot, i):
            xr, er, _, si, _, sld, _, _, _ = slot
            pltpu.async_copy(xm_ref.at[si], xr, sld)
            pltpu.async_copy(ea_ref.at[pl.ds(ebase + i * B, B), :], er, sld)

        def handle(slot, i, first, pref):
            xr, er, orb, si, di, sld, ssc, ssi, sdi = slot
            pltpu.make_async_copy(xm_ref.at[si], xr, sld).wait()
            pltpu.make_async_copy(ea_ref.at[pl.ds(0, B), :], er, sld).wait()
            if pref is not None:
                pltpu.async_copy(src_ref.at[pl.ds(ibase + pref * B, B)], si, ssi)
            if not first:
                pltpu.make_async_copy(orb, aggS.at[di], ssc).wait()
            pltpu.async_copy(dst_ref.at[pl.ds(ibase + i * B, B)], di, sdi)

            def rowfn(r, rc):
                for ch in range(8):
                    sl = pl.ds(ch * 16, 16)
                    orb[r, sl] = jnp.maximum(xr[r, sl] + er[r, sl], 0.0)
                return rc

            lax.fori_loop(0, B, rowfn, 0)
            pltpu.make_async_copy(dst_ref.at[pl.ds(0, B)], di, sdi).wait()
            pltpu.async_copy(orb, aggS.at[di], ssc, add=True)
            if pref is not None:
                pltpu.make_async_copy(src_ref.at[pl.ds(0, B)], si, ssi).wait()
                issue_loads(slot, pref)

        pltpu.sync_copy(src_ref.at[pl.ds(ibase, B)], si0)
        pltpu.sync_copy(src_ref.at[pl.ds(ibase + B, B)], si1)
        issue_loads(slot0, 0)
        issue_loads(slot1, 1)
        handle(slot0, 0, True, 2)
        handle(slot1, 1, True, 3)

        def gbody(g, carry):
            handle(slot0, 2 * g, False, 2 * g + 2)
            handle(slot1, 2 * g + 1, False, 2 * g + 3)
            return carry

        lax.fori_loop(1, nbatch // 2 - 1, gbody, 0)
        handle(slot0, nbatch - 2, False, None)
        handle(slot1, nbatch - 1, False, None)
        pltpu.make_async_copy(or0, aggS.at[di0], ssc0).wait()
        pltpu.make_async_copy(or1, aggS.at[di1], ssc1).wait()
        plsc.subcore_barrier()
        pltpu.sync_copy(
            aggS.at[pl.ds(s * 624, 624), :],
            out_ref.at[c, pl.ds(s * 624, 624), :],
        )

        @pl.when(s == NS - 1)
        def _tail():
            pltpu.sync_copy(
                aggS.at[pl.ds(9984, 16), :],
                out_ref.at[c, pl.ds(9984, 16), :],
            )

    return _sc_body


def _fin_body(agg_a_ref, agg_b_ref, x_ref, wu_ref, ws_ref, q_ref, tn_ref,
              xh_ref, prob_ref):
    agg = (agg_a_ref[0] + agg_a_ref[1]) + (agg_b_ref[0] + agg_b_ref[1])
    xh = jnp.maximum(
        jnp.dot(agg, wu_ref[...], preferred_element_type=jnp.float32)
        + jnp.dot(x_ref[...], ws_ref[...], preferred_element_type=jnp.float32),
        0.0,
    )
    xh_ref[...] = xh
    tn = tn_ref[0]

    def qstep(i, acc):
        return acc + xh_ref[pl.ds(q_ref[i] + tn, 1), :]

    qsum = lax.fori_loop(0, NQ, qstep, jnp.zeros((1, D), jnp.float32))
    qbar = qsum * (1.0 / NQ)
    slab = xh_ref[pl.ds(tn, NKEEP), :]
    p2 = lax.dot_general(
        slab, qbar, (((1,), (1,)), ((), ())), preferred_element_type=jnp.float32
    )
    prob_ref[...] = p2[:, 0]


_SC_SCRATCH = [
    pltpu.VMEM((B, D), jnp.float32),
    pltpu.VMEM((B, D), jnp.float32),
    pltpu.VMEM((B, D), jnp.float32),
    pltpu.VMEM((B, D), jnp.float32),
    pltpu.VMEM((B, D), jnp.float32),
    pltpu.VMEM((B, D), jnp.float32),
    pltpu.VMEM((B,), jnp.int32),
    pltpu.VMEM((B,), jnp.int32),
    pltpu.VMEM((B,), jnp.int32),
    pltpu.VMEM((B,), jnp.int32),
    pltpu.VMEM_SHARED((N_NODES, D), jnp.float32),
] + [pltpu.SemaphoreType.DMA] * 8


def kernel(x, edge_index, edge_attr, query, token_num, W_msg, W_edge, b_msg, W_upd, W_self):
    xm = pl.pallas_call(
        _xm_body,
        out_shape=jax.ShapeDtypeStruct((N_NODES, D), jnp.float32),
    )(x, W_msg, b_msg.reshape(1, D))

    ea_t = edge_attr.T
    ea_lo = pl.pallas_call(
        _ea_body_after_xm,
        grid=(LO_BLKS,),
        in_specs=[
            pl.BlockSpec((16, EBLK), lambda g: (0, g)),
            pl.BlockSpec((16, D), lambda g: (0, 0)),
            pl.BlockSpec((8, D), lambda g: (0, 0)),
        ],
        out_specs=pl.BlockSpec((EBLK, D), lambda g: (g, 0)),
        out_shape=jax.ShapeDtypeStruct((LO_EDGES, D), jnp.float32),
    )(ea_t, W_edge, xm)
    ea_hi = pl.pallas_call(
        _ea_body,
        grid=(HI_BLKS,),
        in_specs=[
            pl.BlockSpec((16, EBLK), lambda g: (0, LO_BLKS + g)),
            pl.BlockSpec((16, D), lambda g: (0, 0)),
        ],
        out_specs=pl.BlockSpec((EBLK, D), lambda g: (g, 0)),
        out_shape=jax.ShapeDtypeStruct((HI_EDGES, D), jnp.float32),
    )(ea_t, W_edge)

    mesh = plsc.VectorSubcoreMesh(core_axis_name="c", subcore_axis_name="s")
    agg_lo = pl.kernel(
        _make_sc_body(NB_LO, 0),
        out_type=jax.ShapeDtypeStruct((NC, N_NODES, D), jnp.float32),
        mesh=mesh,
        scratch_types=_SC_SCRATCH,
    )(edge_index[0], edge_index[1], xm, ea_lo)
    agg_hi = pl.kernel(
        _make_sc_body(NB_HI, LO_EDGES),
        out_type=jax.ShapeDtypeStruct((NC, N_NODES, D), jnp.float32),
        mesh=mesh,
        scratch_types=_SC_SCRATCH,
    )(edge_index[0], edge_index[1], xm, ea_hi)

    tn_arr = jnp.reshape(token_num, (1,)).astype(jnp.int32)
    x_hid, prob2d = pl.pallas_call(
        _fin_body,
        in_specs=[
            pl.BlockSpec(memory_space=pltpu.VMEM),
            pl.BlockSpec(memory_space=pltpu.VMEM),
            pl.BlockSpec(memory_space=pltpu.VMEM),
            pl.BlockSpec(memory_space=pltpu.VMEM),
            pl.BlockSpec(memory_space=pltpu.VMEM),
            pl.BlockSpec(memory_space=pltpu.SMEM),
            pl.BlockSpec(memory_space=pltpu.SMEM),
        ],
        out_shape=(
            jax.ShapeDtypeStruct((N_NODES, D), jnp.float32),
            jax.ShapeDtypeStruct((NKEEP,), jnp.float32),
        ),
    )(agg_lo, agg_hi, x, W_upd, W_self, query, tn_arr)

    return (prob2d, x_hid)

# --- scband reference (transcript-rebuilt; emitter-appended) ---
"""Pipeline reference for scband-csattr-p-65996467470346 (READ-ONLY COPY).

The authoritative reference and input builder live on the scoring server;
editing this copy changes nothing except your own understanding.
"""

import jax, jax.numpy as jnp
import numpy as np

N_NODES = 10000
N_EDGES = 320000
D_FEAT = 128
D_EDGE = 16
N_QUERY = 256
TOKEN_NUM = 1000


def setup_inputs(seed: int = 0) -> dict:
    key = jax.random.key(seed)
    ks = jax.random.split(key, 10)
    x = jax.random.normal(ks[0], (N_NODES, D_FEAT), dtype=jnp.float32)
    edge_index = jax.random.randint(ks[1], (2, N_EDGES), 0, N_NODES, dtype=jnp.int32)
    edge_attr = jax.random.normal(ks[2], (N_EDGES, D_EDGE), dtype=jnp.float32)
    query = jax.random.randint(ks[3], (N_QUERY,), 0, N_NODES - TOKEN_NUM, dtype=jnp.int32)
    token_num = TOKEN_NUM
    scale = 1.0 / np.sqrt(D_FEAT)
    W_msg = jax.random.normal(ks[4], (D_FEAT, D_FEAT), dtype=jnp.float32) * scale
    W_edge = jax.random.normal(ks[5], (D_EDGE, D_FEAT), dtype=jnp.float32) * (1.0 / np.sqrt(D_EDGE))
    b_msg = jnp.zeros((D_FEAT,), dtype=jnp.float32)
    W_upd = jax.random.normal(ks[6], (D_FEAT, D_FEAT), dtype=jnp.float32) * scale
    W_self = jax.random.normal(ks[7], (D_FEAT, D_FEAT), dtype=jnp.float32) * scale
    return {"x": x, "edge_index": edge_index, "edge_attr": edge_attr, "query": query,
            "token_num": token_num, "W_msg": W_msg, "W_edge": W_edge, "b_msg": b_msg,
            "W_upd": W_upd, "W_self": W_self}


def _gnn(x, edge_index, edge_attr, W_msg, W_edge, b_msg, W_upd, W_self):
    src = edge_index[0]
    dst = edge_index[1]
    # per-edge message: gather source node features + edge feature projection
    m = jax.nn.relu(jnp.take(x, src, axis=0) @ W_msg + edge_attr @ W_edge + b_msg)
    # scatter-add aggregation to destination nodes
    agg = jax.ops.segment_sum(m, dst, num_segments=x.shape[0])
    x_hid = jax.nn.relu(agg @ W_upd + x @ W_self)
    return x_hid


def reference(x, edge_index, edge_attr, query, token_num, W_msg, W_edge, b_msg, W_upd, W_self):
    x_hid = _gnn(x, edge_index, edge_attr, W_msg, W_edge, b_msg, W_upd, W_self)
    x_hid_ = jax.lax.dynamic_slice_in_dim(x_hid, token_num, x_hid.shape[0] - TOKEN_NUM, axis=0)
    q = jnp.take(x_hid_, query, axis=0)
    hid = jnp.einsum('nc,kc->nk', q, x_hid_)
    prob = jnp.mean(hid, axis=0)
    return (prob, x_hid)

if __name__ == "__main__":
    import jax
    _d = setup_inputs()
    print(jax.jit(kernel)(*tuple(_d.values())))

</pallas_src>

<mosaic_0001>
#map = affine_map<(d0, d1) -> (0)>
#map1 = affine_map<(d0, d1) -> (0, 0)>
#map2 = affine_map<(d0, d1) -> (0, 0, 0)>
module attributes {stable_mosaic.version = 14 : i64} {
  func.func @_sc_body(%arg0: i32, %arg1: i32, %arg2: memref<320000xi32, #tpu.memory_space<hbm>>, %arg3: memref<320000xi32, #tpu.memory_space<hbm>>, %arg4: memref<10000x128xf32, #tpu.memory_space<hbm>>, %arg5: memref<166400x128xf32, #tpu.memory_space<hbm>>, %arg6: memref<2x10000x128xf32, #tpu.memory_space<hbm>>, %arg7: memref<40x128xf32, #tpu.memory_space<vmem>>, %arg8: memref<40x128xf32, #tpu.memory_space<vmem>>, %arg9: memref<40x128xf32, #tpu.memory_space<vmem>>, %arg10: memref<40x128xf32, #tpu.memory_space<vmem>>, %arg11: memref<40x128xf32, #tpu.memory_space<vmem>>, %arg12: memref<40x128xf32, #tpu.memory_space<vmem>>, %arg13: memref<40xi32, #tpu.memory_space<vmem>>, %arg14: memref<40xi32, #tpu.memory_space<vmem>>, %arg15: memref<40xi32, #tpu.memory_space<vmem>>, %arg16: memref<40xi32, #tpu.memory_space<vmem>>, %arg17: memref<10000x128xf32, #tpu.memory_space<vmem_shared>>, %arg18: memref<!tpu.dma_semaphore, #tpu.memory_space<semaphore_mem>>, %arg19: memref<!tpu.dma_semaphore, #tpu.memory_space<semaphore_mem>>, %arg20: memref<!tpu.dma_semaphore, #tpu.memory_space<semaphore_mem>>, %arg21: memref<!tpu.dma_semaphore, #tpu.memory_space<semaphore_mem>>, %arg22: memref<!tpu.dma_semaphore, #tpu.memory_space<semaphore_mem>>, %arg23: memref<!tpu.dma_semaphore, #tpu.memory_space<semaphore_mem>>, %arg24: memref<!tpu.dma_semaphore, #tpu.memory_space<semaphore_mem>>, %arg25: memref<!tpu.dma_semaphore, #tpu.memory_space<semaphore_mem>>) attributes {dimension_semantics = [#tpu.dimension_semantics<core_parallel>, #tpu.dimension_semantics<subcore_parallel>], iteration_bounds = array<i64: 2, 16>, scalar_prefetch = 0 : i64, scratch_operands = 19 : i64, tpu.core_type = #tpu.core_type<sc_vector_subcore>, window_params = [{transform_indices = #map}, {transform_indices = #map}, {transform_indices = #map1}, {transform_indices = #map1}, {transform_indices = #map2}]} {
    %mul3A = arith.constant 16 : i32
    %mul3A_0 = arith.muli %arg0, %mul3A : i32
    %add3A = arith.addi %mul3A_0, %arg1 : i32
    %mul3A_1 = arith.constant 5200 : i32
    %mul3A_2 = arith.muli %add3A, %mul3A_1 : i32
    %add3A_3 = arith.constant 153600 : i32
    %add3A_4 = arith.addi %add3A_3, %mul3A_2 : i32
    %broadcast_in_dim3A = arith.constant 0.000000e+00 : f32
    %broadcast_in_dim3A_5 = vector.broadcast %broadcast_in_dim3A : f32 to vector<16xf32>
    %scan3A = arith.constant 0 : i32
    %scan3A_6 = arith.constant 0 : i32
    %scan3A_7 = arith.constant 40 : i32
    %scan3A_8 = arith.addi %scan3A_6, %scan3A_7 : i32
    %scan3A_9 = arith.constant 1 : i32
    scf.for %scan3A_256 = %scan3A_6 to %scan3A_8 step %scan3A_9  : i32 {
      %swap3A = arith.index_cast %scan3A_256 : i32 to index
      %swap3A_257 = arith.constant 0 : index
      %swap3A_258 = tpu.vector_load %arg11[%swap3A, %swap3A_257] {strides = array<i32>} : memref<40x128xf32, #tpu.memory_space<vmem>>, vector<1x16xf32>,
      %swap3A_259 = vector.shape_cast %swap3A_258 : vector<1x16xf32> to vector<16xf32>
      %swap3A_260 = vector.shape_cast %broadcast_in_dim3A_5 : vector<16xf32> to vector<1x16xf32>
      tpu.vector_store %arg11[%swap3A, %swap3A_257], %swap3A_260 {strides = array<i32>} : memref<40x128xf32, #tpu.memory_space<vmem>>, vector<1x16xf32>,
      %swap3A_261 = arith.index_cast %scan3A_256 : i32 to index
      %swap3A_262 = arith.constant 16 : index
      %swap3A_263 = tpu.vector_load %arg11[%swap3A_261, %swap3A_262] {strides = array<i32>} : memref<40x128xf32, #tpu.memory_space<vmem>>, vector<1x16xf32>,
      %swap3A_264 = vector.shape_cast %swap3A_263 : vector<1x16xf32> to vector<16xf32>
      %swap3A_265 = vector.shape_cast %broadcast_in_dim3A_5 : vector<16xf32> to vector<1x16xf32>
      tpu.vector_store %arg11[%swap3A_261, %swap3A_262], %swap3A_265 {strides = array<i32>} : memref<40x128xf32, #tpu.memory_space<vmem>>, vector<1x16xf32>,
      %swap3A_266 = arith.index_cast %scan3A_256 : i32 to index
      %swap3A_267 = arith.constant 32 : index
      %swap3A_268 = tpu.vector_load %arg11[%swap3A_266, %swap3A_267] {strides = array<i32>} : memref<40x128xf32, #tpu.memory_space<vmem>>, vector<1x16xf32>,
      %swap3A_269 = vector.shape_cast %swap3A_268 : vector<1x16xf32> to vector<16xf32>
      %swap3A_270 = vector.shape_cast %broadcast_in_dim3A_5 : vector<16xf32> to vector<1x16xf32>
      tpu.vector_store %arg11[%swap3A_266, %swap3A_267], %swap3A_270 {strides = array<i32>} : memref<40x128xf32, #tpu.memory_space<vmem>>, vector<1x16xf32>,
      %swap3A_271 = arith.index_cast %scan3A_256 : i32 to index
      %swap3A_272 = arith.constant 48 : index
      %swap3A_273 = tpu.vector_load %arg11[%swap3A_271, %swap3A_272] {strides = array<i32>} : memref<40x128xf32, #tpu.memory_space<vmem>>, vector<1x16xf32>,
      %swap3A_274 = vector.shape_cast %swap3A_273 : vector<1x16xf32> to vector<16xf32>
      %swap3A_275 = vector.shape_cast %broadcast_in_dim3A_5 : vector<16xf32> to vector<1x16xf32>
      tpu.vector_store %arg11[%swap3A_271, %swap3A_272], %swap3A_275 {strides = array<i32>} : memref<40x128xf32, #tpu.memory_space<vmem>>, vector<1x16xf32>,
      %swap3A_276 = arith.index_cast %scan3A_256 : i32 to index
      %swap3A_277 = arith.constant 64 : index
      %swap3A_278 = tpu.vector_load %arg11[%swap3A_276, %swap3A_277] {strides = array<i32>} : memref<40x128xf32, #tpu.memory_space<vmem>>, vector<1x16xf32>,
      %swap3A_279 = vector.shape_cast %swap3A_278 : vector<1x16xf32> to vector<16xf32>
      %swap3A_280 = vector.shape_cast %broadcast_in_dim3A_5 : vector<16xf32> to vector<1x16xf32>
      tpu.vector_store %arg11[%swap3A_276, %swap3A_277], %swap3A_280 {strides = array<i32>} : memref<40x128xf32, #tpu.memory_space<vmem>>, vector<1x16xf32>,
      %swap3A_281 = arith.index_cast %scan3A_256 : i32 to index
      %swap3A_282 = arith.constant 80 : index
      %swap3A_283 = tpu.vector_load %arg11[%swap3A_281, %swap3A_282] {strides = array<i32>} : memref<40x128xf32, #tpu.memory_space<vmem>>, vector<1x16xf32>,
      %swap3A_284 = vector.shape_cast %swap3A_283 : vector<1x16xf32> to vector<16xf32>
      %swap3A_285 = vector.shape_cast %broadcast_in_dim3A_5 : vector<16xf32> to vector<1x16xf32>
      tpu.vector_store %arg11[%swap3A_281, %swap3A_282], %swap3A_285 {strides = array<i32>} : memref<40x128xf32, #tpu.memory_space<vmem>>, vector<1x16xf32>,
      %swap3A_286 = arith.index_cast %scan3A_256 : i32 to index
      %swap3A_287 = arith.constant 96 : index
      %swap3A_288 = tpu.vector_load %arg11[%swap3A_286, %swap3A_287] {strides = array<i32>} : memref<40x128xf32, #tpu.memory_space<vmem>>, vector<1x16xf32>,
      %swap3A_289 = vector.shape_cast %swap3A_288 : vector<1x16xf32> to vector<16xf32>
      %swap3A_290 = vector.shape_cast %broadcast_in_dim3A_5 : vector<16xf32> to vector<1x16xf32>
      tpu.vector_store %arg11[%swap3A_286, %swap3A_287], %swap3A_290 {strides = array<i32>} : memref<40x128xf32, #tpu.memory_space<vmem>>, vector<1x16xf32>,
      %swap3A_291 = arith.index_cast %scan3A_256 : i32 to index
      %swap3A_292 = arith.constant 112 : index
      %swap3A_293 = tpu.vector_load %arg11[%swap3A_291, %swap3A_292] {strides = array<i32>} : memref<40x128xf32, #tpu.memory_space<vmem>>, vector<1x16xf32>,
      %swap3A_294 = vector.shape_cast %swap3A_293 : vector<1x16xf32> to vector<16xf32>
      %swap3A_295 = vector.shape_cast %broadcast_in_dim3A_5 : vector<16xf32> to vector<1x16xf32>
      tpu.vector_store %arg11[%swap3A_291, %swap3A_292], %swap3A_295 {strides = array<i32>} : memref<40x128xf32, #tpu.memory_space<vmem>>, vector<1x16xf32>,
    }
    %scan3A_10 = arith.constant 40 : i32
    %mul3A_11 = arith.constant 625 : i32
    %mul3A_12 = arith.muli %arg1, %mul3A_11 : i32
    %add3A_13 = arith.constant 0 : i32
    %add3A_14 = arith.addi %mul3A_12, %add3A_13 : i32
    "tpu.region"() ({
      %run_scoped3A = tpu.sem_alloc : memref<!tpu.dma_semaphore, #tpu.memory_space<semaphore_mem>>
      %dma_start3A_256 = arith.constant 0 : i32
      %dma_start3A_257 = tpu.memref_slice %arg17[%add3A_14, %dma_start3A_256] : memref<10000x128xf32, #tpu.memory_space<vmem_shared>> -> memref<40x128xf32, #tpu.memory_space<vmem_shared>>
      %dma_start3A_258 = arith.constant 0 : i32
      %dma_start3A_259 = tpu.memref_slice %arg17[%add3A_14, %dma_start3A_258] : memref<10000x128xf32, #tpu.memory_space<vmem_shared>> -> memref<40x128xf32, #tpu.memory_space<vmem_shared>>
      tpu.enqueue_dma source(%arg11 : memref<40x128xf32, #tpu.memory_space<vmem>>) target(%dma_start3A_259 : memref<40x128xf32, #tpu.memory_space<vmem_shared>>) target_semaphore(%run_scoped3A : memref<!tpu.dma_semaphore, #tpu.memory_space<semaphore_mem>>)
      %dma_wait3A_260 = arith.constant 0 : i32
      %dma_wait3A_261 = tpu.memref_slice %arg17[%add3A_14, %dma_wait3A_260] : memref<10000x128xf32, #tpu.memory_space<vmem_shared>> -> memref<40x128xf32, #tpu.memory_space<vmem_shared>>
      %dma_wait3A_262 = arith.constant 0 : i32
      %dma_wait3A_263 = tpu.memref_slice %arg17[%add3A_14, %dma_wait3A_262] : memref<10000x128xf32, #tpu.memory_space<vmem_shared>> -> memref<40x128xf32, #tpu.memory_space<vmem_shared>>
      tpu.wait_dma2 semaphore(%run_scoped3A : memref<!tpu.dma_semaphore, #tpu.memory_space<semaphore_mem>>) src(%arg11 : memref<40x128xf32, #tpu.memory_space<vmem>>) dst(%dma_wait3A_263 : memref<40x128xf32, #tpu.memory_space<vmem_shared>>)
      tpu.yield
    }) : () -> ()
    %mul3A_15 = arith.constant 625 : i32
    %mul3A_16 = arith.muli %arg1, %mul3A_15 : i32
    %add3A_17 = arith.constant 40 : i32
    %add3A_18 = arith.addi %mul3A_16, %add3A_17 : i32
    "tpu.region"() ({
      %run_scoped3A = tpu.sem_alloc : memref<!tpu.dma_semaphore, #tpu.memory_space<semaphore_mem>>
      %dma_start3A_256 = arith.constant 0 : i32
      %dma_start3A_257 = tpu.memref_slice %arg17[%add3A_18, %dma_start3A_256] : memref<10000x128xf32, #tpu.memory_space<vmem_shared>> -> memref<40x128xf32, #tpu.memory_space<vmem_shared>>
      %dma_start3A_258 = arith.constant 0 : i32
      %dma_start3A_259 = tpu.memref_slice %arg17[%add3A_18, %dma_start3A_258] : memref<10000x128xf32, #tpu.memory_space<vmem_shared>> -> memref<40x128xf32, #tpu.memory_space<vmem_shared>>
      tpu.enqueue_dma source(%arg11 : memref<40x128xf32, #tpu.memory_space<vmem>>) target(%dma_start3A_259 : memref<40x128xf32, #tpu.memory_space<vmem_shared>>) target_semaphore(%run_scoped3A : memref<!tpu.dma_semaphore, #tpu.memory_space<semaphore_mem>>)
      %dma_wait3A_260 = arith.constant 0 : i32
      %dma_wait3A_261 = tpu.memref_slice %arg17[%add3A_18, %dma_wait3A_260] : memref<10000x128xf32, #tpu.memory_space<vmem_shared>> -> memref<40x128xf32, #tpu.memory_space<vmem_shared>>
      %dma_wait3A_262 = arith.constant 0 : i32
      %dma_wait3A_263 = tpu.memref_slice %arg17[%add3A_18, %dma_wait3A_262] : memref<10000x128xf32, #tpu.memory_space<vmem_shared>> -> memref<40x128xf32, #tpu.memory_space<vmem_shared>>
      tpu.wait_dma2 semaphore(%run_scoped3A : memref<!tpu.dma_semaphore, #tpu.memory_space<semaphore_mem>>) src(%arg11 : memref<40x128xf32, #tpu.memory_space<vmem>>) dst(%dma_wait3A_263 : memref<40x128xf32, #tpu.memory_space<vmem_shared>>)
      tpu.yield
    }) : () -> ()
    %mul3A_19 = arith.constant 625 : i32
    %mul3A_20 = arith.muli %arg1, %mul3A_19 : i32
    %add3A_21 = arith.constant 80 : i32
    %add3A_22 = arith.addi %mul3A_20, %add3A_21 : i32
    "tpu.region"() ({
      %run_scoped3A = tpu.sem_alloc : memref<!tpu.dma_semaphore, #tpu.memory_space<semaphore_mem>>
      %dma_start3A_256 = arith.constant 0 : i32
      %dma_start3A_257 = tpu.memref_slice %arg17[%add3A_22, %dma_start3A_256] : memref<10000x128xf32, #tpu.memory_space<vmem_shared>> -> memref<40x128xf32, #tpu.memory_space<vmem_shared>>
      %dma_start3A_258 = arith.constant 0 : i32
      %dma_start3A_259 = tpu.memref_slice %arg17[%add3A_22, %dma_start3A_258] : memref<10000x128xf32, #tpu.memory_space<vmem_shared>> -> memref<40x128xf32, #tpu.memory_space<vmem_shared>>
      tpu.enqueue_dma source(%arg11 : memref<40x128xf32, #tpu.memory_space<vmem>>) target(%dma_start3A_259 : memref<40x128xf32, #tpu.memory_space<vmem_shared>>) target_semaphore(%run_scoped3A : memref<!tpu.dma_semaphore, #tpu.memory_space<semaphore_mem>>)
      %dma_wait3A_260 = arith.constant 0 : i32
      %dma_wait3A_261 = tpu.memref_slice %arg17[%add3A_22, %dma_wait3A_260] : memref<10000x128xf32, #tpu.memory_space<vmem_shared>> -> memref<40x128xf32, #tpu.memory_space<vmem_shared>>
      %dma_wait3A_262 = arith.constant 0 : i32
      %dma_wait3A_263 = tpu.memref_slice %arg17[%add3A_22, %dma_wait3A_262] : memref<10000x128xf32, #tpu.memory_space<vmem_shared>> -> memref<40x128xf32, #tpu.memory_space<vmem_shared>>
      tpu.wait_dma2 semaphore(%run_scoped3A : memref<!tpu.dma_semaphore, #tpu.memory_space<semaphore_mem>>) src(%arg11 : memref<40x128xf32, #tpu.memory_space<vmem>>) dst(%dma_wait3A_263 : memref<40x128xf32, #tpu.memory_space<vmem_shared>>)
      tpu.yield
    }) : () -> ()
    %mul3A_23 = arith.constant 625 : i32
    %mul3A_24 = arith.muli %arg1, %mul3A_23 : i32
    %add3A_25 = arith.constant 120 : i32
    %add3A_26 = arith.addi %mul3A_24, %add3A_25 : i32
    "tpu.region"() ({
      %run_scoped3A = tpu.sem_alloc : memref<!tpu.dma_semaphore, #tpu.memory_space<semaphore_mem>>
      %dma_start3A_256 = arith.constant 0 : i32
      %dma_start3A_257 = tpu.memref_slice %arg17[%add3A_26, %dma_start3A_256] : memref<10000x128xf32, #tpu.memory_space<vmem_shared>> -> memref<40x128xf32, #tpu.memory_space<vmem_shared>>
      %dma_start3A_258 = arith.constant 0 : i32
      %dma_start3A_259 = tpu.memref_slice %arg17[%add3A_26, %dma_start3A_258] : memref<10000x128xf32, #tpu.memory_space<vmem_shared>> -> memref<40x128xf32, #tpu.memory_space<vmem_shared>>
      tpu.enqueue_dma source(%arg11 : memref<40x128xf32, #tpu.memory_space<vmem>>) target(%dma_start3A_259 : memref<40x128xf32, #tpu.memory_space<vmem_shared>>) target_semaphore(%run_scoped3A : memref<!tpu.dma_semaphore, #tpu.memory_space<semaphore_mem>>)
      %dma_wait3A_260 = arith.constant 0 : i32
      %dma_wait3A_261 = tpu.memref_slice %arg17[%add3A_26, %dma_wait3A_260] : memref<10000x128xf32, #tpu.memory_space<vmem_shared>> -> memref<40x128xf32, #tpu.memory_space<vmem_shared>>
      %dma_wait3A_262 = arith.constant 0 : i32
      %dma_wait3A_263 = tpu.memref_slice %arg17[%add3A_26, %dma_wait3A_262] : memref<10000x128xf32, #tpu.memory_space<vmem_shared>> -> memref<40x128xf32, #tpu.memory_space<vmem_shared>>
      tpu.wait_dma2 semaphore(%run_scoped3A : memref<!tpu.dma_semaphore, #tpu.memory_space<semaphore_mem>>) src(%arg11 : memref<40x128xf32, #tpu.memory_space<vmem>>) dst(%dma_wait3A_263 : memref<40x128xf32, #tpu.memory_space<vmem_shared>>)
      tpu.yield
    }) : () -> ()
    %mul3A_27 = arith.constant 625 : i32
    %mul3A_28 = arith.muli %arg1, %mul3A_27 : i32
    %add3A_29 = arith.constant 160 : i32
    %add3A_30 = arith.addi %mul3A_28, %add3A_29 : i32
    "tpu.region"() ({
      %run_scoped3A = tpu.sem_alloc : memref<!tpu.dma_semaphore, #tpu.memory_space<semaphore_mem>>
      %dma_start3A_256 = arith.constant 0 : i32
      %dma_start3A_257 = tpu.memref_slice %arg17[%add3A_30, %dma_start3A_256] : memref<10000x128xf32, #tpu.memory_space<vmem_shared>> -> memref<40x128xf32, #tpu.memory_space<vmem_shared>>
      %dma_start3A_258 = arith.constant 0 : i32
      %dma_start3A_259 = tpu.memref_slice %arg17[%add3A_30, %dma_start3A_258] : memref<10000x128xf32, #tpu.memory_space<vmem_shared>> -> memref<40x128xf32, #tpu.memory_space<vmem_shared>>
      tpu.enqueue_dma source(%arg11 : memref<40x128xf32, #tpu.memory_space<vmem>>) target(%dma_start3A_259 : memref<40x128xf32, #tpu.memory_space<vmem_shared>>) target_semaphore(%run_scoped3A : memref<!tpu.dma_semaphore, #tpu.memory_space<semaphore_mem>>)
      %dma_wait3A_260 = arith.constant 0 : i32
      %dma_wait3A_261 = tpu.memref_slice %arg17[%add3A_30, %dma_wait3A_260] : memref<10000x128xf32, #tpu.memory_space<vmem_shared>> -> memref<40x128xf32, #tpu.memory_space<vmem_shared>>
      %dma_wait3A_262 = arith.constant 0 : i32
      %dma_wait3A_263 = tpu.memref_slice %arg17[%add3A_30, %dma_wait3A_262] : memref<10000x128xf32, #tpu.memory_space<vmem_shared>> -> memref<40x128xf32, #tpu.memory_space<vmem_shared>>
      tpu.wait_dma2 semaphore(%run_scoped3A : memref<!tpu.dma_semaphore, #tpu.memory_space<semaphore_mem>>) src(%arg11 : memref<40x128xf32, #tpu.memory_space<vmem>>) dst(%dma_wait3A_263 : memref<40x128xf32, #tpu.memory_space<vmem_shared>>)
      tpu.yield
    }) : () -> ()
    %mul3A_31 = arith.constant 625 : i32
    %mul3A_32 = arith.muli %arg1, %mul3A_31 : i32
    %add3A_33 = arith.constant 200 : i32
    %add3A_34 = arith.addi %mul3A_32, %add3A_33 : i32
    "tpu.region"() ({
      %run_scoped3A = tpu.sem_alloc : memref<!tpu.dma_semaphore, #tpu.memory_space<semaphore_mem>>
      %dma_start3A_256 = arith.constant 0 : i32
      %dma_start3A_257 = tpu.memref_slice %arg17[%add3A_34, %dma_start3A_256] : memref<10000x128xf32, #tpu.memory_space<vmem_shared>> -> memref<40x128xf32, #tpu.memory_space<vmem_shared>>
      %dma_start3A_258 = arith.constant 0 : i32
      %dma_start3A_259 = tpu.memref_slice %arg17[%add3A_34, %dma_start3A_258] : memref<10000x128xf32, #tpu.memory_space<vmem_shared>> -> memref<40x128xf32, #tpu.memory_space<vmem_shared>>
      tpu.enqueue_dma source(%arg11 : memref<40x128xf32, #tpu.memory_space<vmem>>) target(%dma_start3A_259 : memref<40x128xf32, #tpu.memory_space<vmem_shared>>) target_semaphore(%run_scoped3A : memref<!tpu.dma_semaphore, #tpu.memory_space<semaphore_mem>>)
      %dma_wait3A_260 = arith.constant 0 : i32
      %dma_wait3A_261 = tpu.memref_slice %arg17[%add3A_34, %dma_wait3A_260] : memref<10000x128xf32, #tpu.memory_space<vmem_shared>> -> memref<40x128xf32, #tpu.memory_space<vmem_shared>>
      %dma_wait3A_262 = arith.constant 0 : i32
      %dma_wait3A_263 = tpu.memref_slice %arg17[%add3A_34, %dma_wait3A_262] : memref<10000x128xf32, #tpu.memory_space<vmem_shared>> -> memref<40x128xf32, #tpu.memory_space<vmem_shared>>
      tpu.wait_dma2 semaphore(%run_scoped3A : memref<!tpu.dma_semaphore, #tpu.memory_space<semaphore_mem>>) src(%arg11 : memref<40x128xf32, #tpu.memory_space<vmem>>) dst(%dma_wait3A_263 : memref<40x128xf32, #tpu.memory_space<vmem_shared>>)
      tpu.yield
    }) : () -> ()
    %mul3A_35 = arith.constant 625 : i32
    %mul3A_36 = arith.muli %arg1, %mul3A_35 : i32
    %add3A_37 = arith.constant 240 : i32
    %add3A_38 = arith.addi %mul3A_36, %add3A_37 : i32
    "tpu.region"() ({
      %run_scoped3A = tpu.sem_alloc : memref<!tpu.dma_semaphore, #tpu.memory_space<semaphore_mem>>
      %dma_start3A_256 = arith.constant 0 : i32
      %dma_start3A_257 = tpu.memref_slice %arg17[%add3A_38, %dma_start3A_256] : memref<10000x128xf32, #tpu.memory_space<vmem_shared>> -> memref<40x128xf32, #tpu.memory_space<vmem_shared>>
      %dma_start3A_258 = arith.constant 0 : i32
      %dma_start3A_259 = tpu.memref_slice %arg17[%add3A_38, %dma_start3A_258] : memref<10000x128xf32, #tpu.memory_space<vmem_shared>> -> memref<40x128xf32, #tpu.memory_space<vmem_shared>>
      tpu.enqueue_dma source(%arg11 : memref<40x128xf32, #tpu.memory_space<vmem>>) target(%dma_start3A_259 : memref<40x128xf32, #tpu.memory_space<vmem_shared>>) target_semaphore(%run_scoped3A : memref<!tpu.dma_semaphore, #tpu.memory_space<semaphore_mem>>)
      %dma_wait3A_260 = arith.constant 0 : i32
      %dma_wait3A_261 = tpu.memref_slice %arg17[%add3A_38, %dma_wait3A_260] : memref<10000x128xf32, #tpu.memory_space<vmem_shared>> -> memref<40x128xf32, #tpu.memory_space<vmem_shared>>
      %dma_wait3A_262 = arith.constant 0 : i32
      %dma_wait3A_263 = tpu.memref_slice %arg17[%add3A_38, %dma_wait3A_262] : memref<10000x128xf32, #tpu.memory_space<vmem_shared>> -> memref<40x128xf32, #tpu.memory_space<vmem_shared>>
      tpu.wait_dma2 semaphore(%run_scoped3A : memref<!tpu.dma_semaphore, #tpu.memory_space<semaphore_mem>>) src(%arg11 : memref<40x128xf32, #tpu.memory_space<vmem>>) dst(%dma_wait3A_263 : memref<40x128xf32, #tpu.memory_space<vmem_shared>>)
      tpu.yield
    }) : () -> ()
    %mul3A_39 = arith.constant 625 : i32
    %mul3A_40 = arith.muli %arg1, %mul3A_39 : i32
    %add3A_41 = arith.constant 280 : i32
    %add3A_42 = arith.addi %mul3A_40, %add3A_41 : i32
    "tpu.region"() ({
      %run_scoped3A = tpu.sem_alloc : memref<!tpu.dma_semaphore, #tpu.memory_space<semaphore_mem>>
      %dma_start3A_256 = arith.constant 0 : i32
      %dma_start3A_257 = tpu.memref_slice %arg17[%add3A_42, %dma_start3A_256] : memref<10000x128xf32, #tpu.memory_space<vmem_shared>> -> memref<40x128xf32, #tpu.memory_space<vmem_shared>>
      %dma_start3A_258 = arith.constant 0 : i32
      %dma_start3A_259 = tpu.memref_slice %arg17[%add3A_42, %dma_start3A_258] : memref<10000x128xf32, #tpu.memory_space<vmem_shared>> -> memref<40x128xf32, #tpu.memory_space<vmem_shared>>
      tpu.enqueue_dma source(%arg11 : memref<40x128xf32, #tpu.memory_space<vmem>>) target(%dma_start3A_259 : memref<40x128xf32, #tpu.memory_space<vmem_shared>>) target_semaphore(%run_scoped3A : memref<!tpu.dma_semaphore, #tpu.memory_space<semaphore_mem>>)
      %dma_wait3A_260 = arith.constant 0 : i32
      %dma_wait3A_261 = tpu.memref_slice %arg17[%add3A_42, %dma_wait3A_260] : memref<10000x128xf32, #tpu.memory_space<vmem_shared>> -> memref<40x128xf32, #tpu.memory_space<vmem_shared>>
      %dma_wait3A_262 = arith.constant 0 : i32
      %dma_wait3A_263 = tpu.memref_slice %arg17[%add3A_42, %dma_wait3A_262] : memref<10000x128xf32, #tpu.memory_space<vmem_shared>> -> memref<40x128xf32, #tpu.memory_space<vmem_shared>>
      tpu.wait_dma2 semaphore(%run_scoped3A : memref<!tpu.dma_semaphore, #tpu.memory_space<semaphore_mem>>) src(%arg11 : memref<40x128xf32, #tpu.memory_space<vmem>>) dst(%dma_wait3A_263 : memref<40x128xf32, #tpu.memory_space<vmem_shared>>)
      tpu.yield
    }) : () -> ()
    %mul3A_43 = arith.constant 625 : i32
    %mul3A_44 = arith.muli %arg1, %mul3A_43 : i32
    %add3A_45 = arith.constant 320 : i32
    %add3A_46 = arith.addi %mul3A_44, %add3A_45 : i32
    "tpu.region"() ({
      %run_scoped3A = tpu.sem_alloc : memref<!tpu.dma_semaphore, #tpu.memory_space<semaphore_mem>>
      %dma_start3A_256 = arith.constant 0 : i32
      %dma_start3A_257 = tpu.memref_slice %arg17[%add3A_46, %dma_start3A_256] : memref<10000x128xf32, #tpu.memory_space<vmem_shared>> -> memref<40x128xf32, #tpu.memory_space<vmem_shared>>
      %dma_start3A_258 = arith.constant 0 : i32
      %dma_start3A_259 = tpu.memref_slice %arg17[%add3A_46, %dma_start3A_258] : memref<10000x128xf32, #tpu.memory_space<vmem_shared>> -> memref<40x128xf32, #tpu.memory_space<vmem_shared>>
      tpu.enqueue_dma source(%arg11 : memref<40x128xf32, #tpu.memory_space<vmem>>) target(%dma_start3A_259 : memref<40x128xf32, #tpu.memory_space<vmem_shared>>) target_semaphore(%run_scoped3A : memref<!tpu.dma_semaphore, #tpu.memory_space<semaphore_mem>>)
      %dma_wait3A_260 = arith.constant 0 : i32
      %dma_wait3A_261 = tpu.memref_slice %arg17[%add3A_46, %dma_wait3A_260] : memref<10000x128xf32, #tpu.memory_space<vmem_shared>> -> memref<40x128xf32, #tpu.memory_space<vmem_shared>>
      %dma_wait3A_262 = arith.constant 0 : i32
      %dma_wait3A_263 = tpu.memref_slice %arg17[%add3A_46, %dma_wait3A_262] : memref<10000x128xf32, #tpu.memory_space<vmem_shared>> -> memref<40x128xf32, #tpu.memory_space<vmem_shared>>
      tpu.wait_dma2 semaphore(%run_scoped3A : memref<!tpu.dma_semaphore, #tpu.memory_space<semaphore_mem>>) src(%arg11 : memref<40x128xf32, #tpu.memory_space<vmem>>) dst(%dma_wait3A_263 : memref<40x128xf32, #tpu.memory_space<vmem_shared>>)
      tpu.yield
    }) : () -> ()
    %mul3A_47 = arith.constant 625 : i32
    %mul3A_48 = arith.muli %arg1, %mul3A_47 : i32
    %add3A_49 = arith.constant 360 : i32
    %add3A_50 = arith.addi %mul3A_48, %add3A_49 : i32
    "tpu.region"() ({
      %run_scoped3A = tpu.sem_alloc : memref<!tpu.dma_semaphore, #tpu.memory_space<semaphore_mem>>
      %dma_start3A_256 = arith.constant 0 : i32
      %dma_start3A_257 = tpu.memref_slice %arg17[%add3A_50, %dma_start3A_256] : memref<10000x128xf32, #tpu.memory_space<vmem_shared>> -> memref<40x128xf32, #tpu.memory_space<vmem_shared>>
      %dma_start3A_258 = arith.constant 0 : i32
      %dma_start3A_259 = tpu.memref_slice %arg17[%add3A_50, %dma_start3A_258] : memref<10000x128xf32, #tpu.memory_space<vmem_shared>> -> memref<40x128xf32, #tpu.memory_space<vmem_shared>>
      tpu.enqueue_dma source(%arg11 : memref<40x128xf32, #tpu.memory_space<vmem>>) target(%dma_start3A_259 : memref<40x128xf32, #tpu.memory_space<vmem_shared>>) target_semaphore(%run_scoped3A : memref<!tpu.dma_semaphore, #tpu.memory_space<semaphore_mem>>)
      %dma_wait3A_260 = arith.constant 0 : i32
      %dma_wait3A_261 = tpu.memref_slice %arg17[%add3A_50, %dma_wait3A_260] : memref<10000x128xf32, #tpu.memory_space<vmem_shared>> -> memref<40x128xf32, #tpu.memory_space<vmem_shared>>
      %dma_wait3A_262 = arith.constant 0 : i32
      %dma_wait3A_263 = tpu.memref_slice %arg17[%add3A_50, %dma_wait3A_262] : memref<10000x128xf32, #tpu.memory_space<vmem_shared>> -> memref<40x128xf32, #tpu.memory_space<vmem_shared>>
      tpu.wait_dma2 semaphore(%run_scoped3A : memref<!tpu.dma_semaphore, #tpu.memory_space<semaphore_mem>>) src(%arg11 : memref<40x128xf32, #tpu.memory_space<vmem>>) dst(%dma_wait3A_263 : memref<40x128xf32, #tpu.memory_space<vmem_shared>>)
      tpu.yield
    }) : () -> ()
    %mul3A_51 = arith.constant 625 : i32
    %mul3A_52 = arith.muli %arg1, %mul3A_51 : i32
    %add3A_53 = arith.constant 400 : i32
    %add3A_54 = arith.addi %mul3A_52, %add3A_53 : i32
    "tpu.region"() ({
      %run_scoped3A = tpu.sem_alloc : memref<!tpu.dma_semaphore, #tpu.memory_space<semaphore_mem>>
      %dma_start3A_256 = arith.constant 0 : i32
      %dma_start3A_257 = tpu.memref_slice %arg17[%add3A_54, %dma_start3A_256] : memref<10000x128xf32, #tpu.memory_space<vmem_shared>> -> memref<40x128xf32, #tpu.memory_space<vmem_shared>>
      %dma_start3A_258 = arith.constant 0 : i32
      %dma_start3A_259 = tpu.memref_slice %arg17[%add3A_54, %dma_start3A_258] : memref<10000x128xf32, #tpu.memory_space<vmem_shared>> -> memref<40x128xf32, #tpu.memory_space<vmem_shared>>
      tpu.enqueue_dma source(%arg11 : memref<40x128xf32, #tpu.memory_space<vmem>>) target(%dma_start3A_259 : memref<40x128xf32, #tpu.memory_space<vmem_shared>>) target_semaphore(%run_scoped3A : memref<!tpu.dma_semaphore, #tpu.memory_space<semaphore_mem>>)
      %dma_wait3A_260 = arith.constant 0 : i32
      %dma_wait3A_261 = tpu.memref_slice %arg17[%add3A_54, %dma_wait3A_260] : memref<10000x128xf32, #tpu.memory_space<vmem_shared>> -> memref<40x128xf32, #tpu.memory_space<vmem_shared>>
      %dma_wait3A_262 = arith.constant 0 : i32
      %dma_wait3A_263 = tpu.memref_slice %arg17[%add3A_54, %dma_wait3A_262] : memref<10000x128xf32, #tpu.memory_space<vmem_shared>> -> memref<40x128xf32, #tpu.memory_space<vmem_shared>>
      tpu.wait_dma2 semaphore(%run_scoped3A : memref<!tpu.dma_semaphore, #tpu.memory_space<semaphore_mem>>) src(%arg11 : memref<40x128xf32, #tpu.memory_space<vmem>>) dst(%dma_wait3A_263 : memref<40x128xf32, #tpu.memory_space<vmem_shared>>)
      tpu.yield
    }) : () -> ()
    %mul3A_55 = arith.constant 625 : i32
    %mul3A_56 = arith.muli %arg1, %mul3A_55 : i32
    %add3A_57 = arith.constant 440 : i32
    %add3A_58 = arith.addi %mul3A_56, %add3A_57 : i32
    "tpu.region"() ({
      %run_scoped3A = tpu.sem_alloc : memref<!tpu.dma_semaphore, #tpu.memory_space<semaphore_mem>>
      %dma_start3A_256 = arith.constant 0 : i32
      %dma_start3A_257 = tpu.memref_slice %arg17[%add3A_58, %dma_start3A_256] : memref<10000x128xf32, #tpu.memory_space<vmem_shared>> -> memref<40x128xf32, #tpu.memory_space<vmem_shared>>
      %dma_start3A_258 = arith.constant 0 : i32
      %dma_start3A_259 = tpu.memref_slice %arg17[%add3A_58, %dma_start3A_258] : memref<10000x128xf32, #tpu.memory_space<vmem_shared>> -> memref<40x128xf32, #tpu.memory_space<vmem_shared>>
      tpu.enqueue_dma source(%arg11 : memref<40x128xf32, #tpu.memory_space<vmem>>) target(%dma_start3A_259 : memref<40x128xf32, #tpu.memory_space<vmem_shared>>) target_semaphore(%run_scoped3A : memref<!tpu.dma_semaphore, #tpu.memory_space<semaphore_mem>>)
      %dma_wait3A_260 = arith.constant 0 : i32
      %dma_wait3A_261 = tpu.memref_slice %arg17[%add3A_58, %dma_wait3A_260] : memref<10000x128xf32, #tpu.memory_space<vmem_shared>> -> memref<40x128xf32, #tpu.memory_space<vmem_shared>>
      %dma_wait3A_262 = arith.constant 0 : i32
      %dma_wait3A_263 = tpu.memref_slice %arg17[%add3A_58, %dma_wait3A_262] : memref<10000x128xf32, #tpu.memory_space<vmem_shared>> -> memref<40x128xf32, #tpu.memory_space<vmem_shared>>
      tpu.wait_dma2 semaphore(%run_scoped3A : memref<!tpu.dma_semaphore, #tpu.memory_space<semaphore_mem>>) src(%arg11 : memref<40x128xf32, #tpu.memory_space<vmem>>) dst(%dma_wait3A_263 : memref<40x128xf32, #tpu.memory_space<vmem_shared>>)
      tpu.yield
    }) : () -> ()
    %mul3A_59 = arith.constant 625 : i32
    %mul3A_60 = arith.muli %arg1, %mul3A_59 : i32
    %add3A_61 = arith.constant 480 : i32
    %add3A_62 = arith.addi %mul3A_60, %add3A_61 : i32
    "tpu.region"() ({
      %run_scoped3A = tpu.sem_alloc : memref<!tpu.dma_semaphore, #tpu.memory_space<semaphore_mem>>
      %dma_start3A_256 = arith.constant 0 : i32
      %dma_start3A_257 = tpu.memref_slice %arg17[%add3A_62, %dma_start3A_256] : memref<10000x128xf32, #tpu.memory_space<vmem_shared>> -> memref<40x128xf32, #tpu.memory_space<vmem_shared>>
      %dma_start3A_258 = arith.constant 0 : i32
      %dma_start3A_259 = tpu.memref_slice %arg17[%add3A_62, %dma_start3A_258] : memref<10000x128xf32, #tpu.memory_space<vmem_shared>> -> memref<40x128xf32, #tpu.memory_space<vmem_shared>>
      tpu.enqueue_dma source(%arg11 : memref<40x128xf32, #tpu.memory_space<vmem>>) target(%dma_start3A_259 : memref<40x128xf32, #tpu.memory_space<vmem_shared>>) target_semaphore(%run_scoped3A : memref<!tpu.dma_semaphore, #tpu.memory_space<semaphore_mem>>)
      %dma_wait3A_260 = arith.constant 0 : i32
      %dma_wait3A_261 = tpu.memref_slice %arg17[%add3A_62, %dma_wait3A_260] : memref<10000x128xf32, #tpu.memory_space<vmem_shared>> -> memref<40x128xf32, #tpu.memory_space<vmem_shared>>
      %dma_wait3A_262 = arith.constant 0 : i32
      %dma_wait3A_263 = tpu.memref_slice %arg17[%add3A_62, %dma_wait3A_262] : memref<10000x128xf32, #tpu.memory_space<vmem_shared>> -> memref<40x128xf32, #tpu.memory_space<vmem_shared>>
      tpu.wait_dma2 semaphore(%run_scoped3A : memref<!tpu.dma_semaphore, #tpu.memory_space<semaphore_mem>>) src(%arg11 : memref<40x128xf32, #tpu.memory_space<vmem>>) dst(%dma_wait3A_263 : memref<40x128xf32, #tpu.memory_space<vmem_shared>>)
      tpu.yield
    }) : () -> ()
    %mul3A_63 = arith.constant 625 : i32
    %mul3A_64 = arith.muli %arg1, %mul3A_63 : i32
    %add3A_65 = arith.constant 520 : i32
    %add3A_66 = arith.addi %mul3A_64, %add3A_65 : i32
    "tpu.region"() ({
      %run_scoped3A = tpu.sem_alloc : memref<!tpu.dma_semaphore, #tpu.memory_space<semaphore_mem>>
      %dma_start3A_256 = arith.constant 0 : i32
      %dma_start3A_257 = tpu.memref_slice %arg17[%add3A_66, %dma_start3A_256] : memref<10000x128xf32, #tpu.memory_space<vmem_shared>> -> memref<40x128xf32, #tpu.memory_space<vmem_shared>>
      %dma_start3A_258 = arith.constant 0 : i32
      %dma_start3A_259 = tpu.memref_slice %arg17[%add3A_66, %dma_start3A_258] : memref<10000x128xf32, #tpu.memory_space<vmem_shared>> -> memref<40x128xf32, #tpu.memory_space<vmem_shared>>
      tpu.enqueue_dma source(%arg11 : memref<40x128xf32, #tpu.memory_space<vmem>>) target(%dma_start3A_259 : memref<40x128xf32, #tpu.memory_space<vmem_shared>>) target_semaphore(%run_scoped3A : memref<!tpu.dma_semaphore, #tpu.memory_space<semaphore_mem>>)
      %dma_wait3A_260 = arith.constant 0 : i32
      %dma_wait3A_261 = tpu.memref_slice %arg17[%add3A_66, %dma_wait3A_260] : memref<10000x128xf32, #tpu.memory_space<vmem_shared>> -> memref<40x128xf32, #tpu.memory_space<vmem_shared>>
      %dma_wait3A_262 = arith.constant 0 : i32
      %dma_wait3A_263 = tpu.memref_slice %arg17[%add3A_66, %dma_wait3A_262] : memref<10000x128xf32, #tpu.memory_space<vmem_shared>> -> memref<40x128xf32, #tpu.memory_space<vmem_shared>>
      tpu.wait_dma2 semaphore(%run_scoped3A : memref<!tpu.dma_semaphore, #tpu.memory_space<semaphore_mem>>) src(%arg11 : memref<40x128xf32, #tpu.memory_space<vmem>>) dst(%dma_wait3A_263 : memref<40x128xf32, #tpu.memory_space<vmem_shared>>)
      tpu.yield
    }) : () -> ()
    %mul3A_67 = arith.constant 625 : i32
    %mul3A_68 = arith.muli %arg1, %mul3A_67 : i32
    %add3A_69 = arith.constant 560 : i32
    %add3A_70 = arith.addi %mul3A_68, %add3A_69 : i32
    "tpu.region"() ({
      %run_scoped3A = tpu.sem_alloc : memref<!tpu.dma_semaphore, #tpu.memory_space<semaphore_mem>>
      %dma_start3A_256 = arith.constant 0 : i32
      %dma_start3A_257 = tpu.memref_slice %arg17[%add3A_70, %dma_start3A_256] : memref<10000x128xf32, #tpu.memory_space<vmem_shared>> -> memref<40x128xf32, #tpu.memory_space<vmem_shared>>
      %dma_start3A_258 = arith.constant 0 : i32
      %dma_start3A_259 = tpu.memref_slice %arg17[%add3A_70, %dma_start3A_258] : memref<10000x128xf32, #tpu.memory_space<vmem_shared>> -> memref<40x128xf32, #tpu.memory_space<vmem_shared>>
      tpu.enqueue_dma source(%arg11 : memref<40x128xf32, #tpu.memory_space<vmem>>) target(%dma_start3A_259 : memref<40x128xf32, #tpu.memory_space<vmem_shared>>) target_semaphore(%run_scoped3A : memref<!tpu.dma_semaphore, #tpu.memory_space<semaphore_mem>>)
      %dma_wait3A_260 = arith.constant 0 : i32
      %dma_wait3A_261 = tpu.memref_slice %arg17[%add3A_70, %dma_wait3A_260] : memref<10000x128xf32, #tpu.memory_space<vmem_shared>> -> memref<40x128xf32, #tpu.memory_space<vmem_shared>>
      %dma_wait3A_262 = arith.constant 0 : i32
      %dma_wait3A_263 = tpu.memref_slice %arg17[%add3A_70, %dma_wait3A_262] : memref<10000x128xf32, #tpu.memory_space<vmem_shared>> -> memref<40x128xf32, #tpu.memory_space<vmem_shared>>
      tpu.wait_dma2 semaphore(%run_scoped3A : memref<!tpu.dma_semaphore, #tpu.memory_space<semaphore_mem>>) src(%arg11 : memref<40x128xf32, #tpu.memory_space<vmem>>) dst(%dma_wait3A_263 : memref<40x128xf32, #tpu.memory_space<vmem_shared>>)
      tpu.yield
    }) : () -> ()
    %mul3A_71 = arith.constant 625 : i32
    %mul3A_72 = arith.muli %arg1, %mul3A_71 : i32
    %add3A_73 = arith.constant 600 : i32
    %add3A_74 = arith.addi %mul3A_72, %add3A_73 : i32
    "tpu.region"() ({
      %run_scoped3A = tpu.sem_alloc : memref<!tpu.dma_semaphore, #tpu.memory_space<semaphore_mem>>
      %dma_start3A_256 = arith.constant 0 : i32
      %dma_start3A_257 = arith.constant 0 : i32
      %dma_start3A_258 = tpu.memref_slice %arg11[%dma_start3A_256, %dma_start3A_257] : memref<40x128xf32, #tpu.memory_space<vmem>> -> memref<25x128xf32, #tpu.memory_space<vmem>>
      %dma_start3A_259 = arith.constant 0 : i32
      %dma_start3A_260 = tpu.memref_slice %arg17[%add3A_74, %dma_start3A_259] : memref<10000x128xf32, #tpu.memory_space<vmem_shared>> -> memref<25x128xf32, #tpu.memory_space<vmem_shared>>
      %dma_start3A_261 = arith.constant 0 : i32
      %dma_start3A_262 = tpu.memref_slice %arg17[%add3A_74, %dma_start3A_261] : memref<10000x128xf32, #tpu.memory_space<vmem_shared>> -> memref<25x128xf32, #tpu.memory_space<vmem_shared>>
      %dma_start3A_263 = arith.constant 0 : i32
      %dma_start3A_264 = arith.constant 0 : i32
      %dma_start3A_265 = tpu.memref_slice %arg11[%dma_start3A_263, %dma_start3A_264] : memref<40x128xf32, #tpu.memory_space<vmem>> -> memref<25x128xf32, #tpu.memory_space<vmem>>
      tpu.enqueue_dma source(%dma_start3A_265 : memref<25x128xf32, #tpu.memory_space<vmem>>) target(%dma_start3A_262 : memref<25x128xf32, #tpu.memory_space<vmem_shared>>) target_semaphore(%run_scoped3A : memref<!tpu.dma_semaphore, #tpu.memory_space<semaphore_mem>>)
      %dma_wait3A_266 = arith.constant 0 : i32
      %dma_wait3A_267 = arith.constant 0 : i32
      %dma_wait3A_268 = tpu.memref_slice %arg11[%dma_wait3A_266, %dma_wait3A_267] : memref<40x128xf32, #tpu.memory_space<vmem>> -> memref<25x128xf32, #tpu.memory_space<vmem>>
      %dma_wait3A_269 = arith.constant 0 : i32
      %dma_wait3A_270 = tpu.memref_slice %arg17[%add3A_74, %dma_wait3A_269] : memref<10000x128xf32, #tpu.memory_space<vmem_shared>> -> memref<25x128xf32, #tpu.memory_space<vmem_shared>>
      %dma_wait3A_271 = arith.constant 0 : i32
      %dma_wait3A_272 = tpu.memref_slice %arg17[%add3A_74, %dma_wait3A_271] : memref<10000x128xf32, #tpu.memory_space<vmem_shared>> -> memref<25x128xf32, #tpu.memory_space<vmem_shared>>
      %dma_wait3A_273 = arith.constant 0 : i32
      %dma_wait3A_274 = arith.constant 0 : i32
      %dma_wait3A_275 = tpu.memref_slice %arg11[%dma_wait3A_273, %dma_wait3A_274] : memref<40x128xf32, #tpu.memory_space<vmem>> -> memref<25x128xf32, #tpu.memory_space<vmem>>
      tpu.wait_dma2 semaphore(%run_scoped3A : memref<!tpu.dma_semaphore, #tpu.memory_space<semaphore_mem>>) src(%dma_wait3A_275 : memref<25x128xf32, #tpu.memory_space<vmem>>) dst(%dma_wait3A_272 : memref<25x128xf32, #tpu.memory_space<vmem_shared>>)
      tpu.yield
    }) : () -> ()
    %barrier3A = arith.constant 0 : index
    tpu.barrier barrier_id(%barrier3A)
    "tpu.region"() ({
      %run_scoped3A = tpu.sem_alloc : memref<!tpu.dma_semaphore, #tpu.memory_space<semaphore_mem>>
      %dma_start3A_256 = tpu.memref_slice %arg2[%add3A_4] : memref<320000xi32, #tpu.memory_space<hbm>> -> memref<40xi32, #tpu.memory_space<hbm>>
      %dma_start3A_257 = tpu.memref_slice %arg2[%add3A_4] : memref<320000xi32, #tpu.memory_space<hbm>> -> memref<40xi32, #tpu.memory_space<hbm>>
      tpu.enqueue_dma source(%dma_start3A_257 : memref<40xi32, #tpu.memory_space<hbm>>) target(%arg13 : memref<40xi32, #tpu.memory_space<vmem>>) target_semaphore(%run_scoped3A : memref<!tpu.dma_semaphore, #tpu.memory_space<semaphore_mem>>)
      %dma_wait3A_258 = tpu.memref_slice %arg2[%add3A_4] : memref<320000xi32, #tpu.memory_space<hbm>> -> memref<40xi32, #tpu.memory_space<hbm>>
      %dma_wait3A_259 = tpu.memref_slice %arg2[%add3A_4] : memref<320000xi32, #tpu.memory_space<hbm>> -> memref<40xi32, #tpu.memory_space<hbm>>
      tpu.wait_dma2 semaphore(%run_scoped3A : memref<!tpu.dma_semaphore, #tpu.memory_space<semaphore_mem>>) src(%dma_wait3A_259 : memref<40xi32, #tpu.memory_space<hbm>>) dst(%arg13 : memref<40xi32, #tpu.memory_space<vmem>>)
      tpu.yield
    }) : () -> ()
    %add3A_75 = arith.constant 40 : i32
    %add3A_76 = arith.addi %add3A_4, %add3A_75 : i32
    "tpu.region"() ({
      %run_scoped3A = tpu.sem_alloc : memref<!tpu.dma_semaphore, #tpu.memory_space<semaphore_mem>>
      %dma_start3A_256 = tpu.memref_slice %arg2[%add3A_76] : memref<320000xi32, #tpu.memory_space<hbm>> -> memref<40xi32, #tpu.memory_space<hbm>>
      %dma_start3A_257 = tpu.memref_slice %arg2[%add3A_76] : memref<320000xi32, #tpu.memory_space<hbm>> -> memref<40xi32, #tpu.memory_space<hbm>>
      tpu.enqueue_dma source(%dma_start3A_257 : memref<40xi32, #tpu.memory_space<hbm>>) target(%arg14 : memref<40xi32, #tpu.memory_space<vmem>>) target_semaphore(%run_scoped3A : memref<!tpu.dma_semaphore, #tpu.memory_space<semaphore_mem>>)
      %dma_wait3A_258 = tpu.memref_slice %arg2[%add3A_76] : memref<320000xi32, #tpu.memory_space<hbm>> -> memref<40xi32, #tpu.memory_space<hbm>>
      %dma_wait3A_259 = tpu.memref_slice %arg2[%add3A_76] : memref<320000xi32, #tpu.memory_space<hbm>> -> memref<40xi32, #tpu.memory_space<hbm>>
      tpu.wait_dma2 semaphore(%run_scoped3A : memref<!tpu.dma_semaphore, #tpu.memory_space<semaphore_mem>>) src(%dma_wait3A_259 : memref<40xi32, #tpu.memory_space<hbm>>) dst(%arg14 : memref<40xi32, #tpu.memory_space<vmem>>)
      tpu.yield
    }) : () -> ()
    %dma_start3A = arith.constant 0 : i32
    %dma_start3A_77 = arith.constant 0 : i32
    %dma_start3A_78 = tpu.memref_slice %arg4[%dma_start3A, %dma_start3A_77] : memref<10000x128xf32, #tpu.memory_space<hbm>> -> memref<10000x128xf32, #tpu.memory_space<hbm>>
    tpu.enqueue_indirect_dma source(%dma_start3A_78 : memref<10000x128xf32, #tpu.memory_space<hbm>>) target(%arg7 : memref<40x128xf32, #tpu.memory_space<vmem>>) offsets(%arg13 : memref<40xi32, #tpu.memory_space<vmem>>) semaphore(%arg18 : memref<!tpu.dma_semaphore, #tpu.memory_space<semaphore_mem>>)
    %add3A_79 = arith.constant 0 : i32
    %add3A_80 = arith.addi %mul3A_2, %add3A_79 : i32
    %dma_start3A_81 = arith.constant 0 : i32
    %dma_start3A_82 = tpu.memref_slice %arg5[%add3A_80, %dma_start3A_81] : memref<166400x128xf32, #tpu.memory_space<hbm>> -> memref<40x128xf32, #tpu.memory_space<hbm>>
    %dma_start3A_83 = arith.constant 0 : i32
    %dma_start3A_84 = tpu.memref_slice %arg5[%add3A_80, %dma_start3A_83] : memref<166400x128xf32, #tpu.memory_space<hbm>> -> memref<40x128xf32, #tpu.memory_space<hbm>>
    tpu.enqueue_dma source(%dma_start3A_84 : memref<40x128xf32, #tpu.memory_space<hbm>>) target(%arg9 : memref<40x128xf32, #tpu.memory_space<vmem>>) target_semaphore(%arg18 : memref<!tpu.dma_semaphore, #tpu.memory_space<semaphore_mem>>)
    %dma_start3A_85 = arith.constant 0 : i32
    %dma_start3A_86 = arith.constant 0 : i32
    %dma_start3A_87 = tpu.memref_slice %arg4[%dma_start3A_85, %dma_start3A_86] : memref<10000x128xf32, #tpu.memory_space<hbm>> -> memref<10000x128xf32, #tpu.memory_space<hbm>>
    tpu.enqueue_indirect_dma source(%dma_start3A_87 : memref<10000x128xf32, #tpu.memory_space<hbm>>) target(%arg8 : memref<40x128xf32, #tpu.memory_space<vmem>>) offsets(%arg14 : memref<40xi32, #tpu.memory_space<vmem>>) semaphore(%arg19 : memref<!tpu.dma_semaphore, #tpu.memory_space<semaphore_mem>>)
    %add3A_88 = arith.constant 40 : i32
    %add3A_89 = arith.addi %mul3A_2, %add3A_88 : i32
    %dma_start3A_90 = arith.constant 0 : i32
    %dma_start3A_91 = tpu.memref_slice %arg5[%add3A_89, %dma_start3A_90] : memref<166400x128xf32, #tpu.memory_space<hbm>> -> memref<40x128xf32, #tpu.memory_space<hbm>>
    %dma_start3A_92 = arith.constant 0 : i32
    %dma_start3A_93 = tpu.memref_slice %arg5[%add3A_89, %dma_start3A_92] : memref<166400x128xf32, #tpu.memory_space<hbm>> -> memref<40x128xf32, #tpu.memory_space<hbm>>
    tpu.enqueue_dma source(%dma_start3A_93 : memref<40x128xf32, #tpu.memory_space<hbm>>) target(%arg10 : memref<40x128xf32, #tpu.memory_space<vmem>>) target_semaphore(%arg19 : memref<!tpu.dma_semaphore, #tpu.memory_space<semaphore_mem>>)
    %dma_wait3A = arith.constant 0 : i32
    %dma_wait3A_94 = arith.constant 0 : i32
    %dma_wait3A_95 = tpu.memref_slice %arg4[%dma_wait3A, %dma_wait3A_94] : memref<10000x128xf32, #tpu.memory_space<hbm>> -> memref<10000x128xf32, #tpu.memory_space<hbm>>
    tpu.wait_indirect_dma semaphore(%arg18 : memref<!tpu.dma_semaphore, #tpu.memory_space<semaphore_mem>>) src(%dma_wait3A_95 : memref<10000x128xf32, #tpu.memory_space<hbm>>) dst(%arg7 : memref<40x128xf32, #tpu.memory_space<vmem>>)
    %dma_wait3A_96 = arith.constant 0 : i32
    %dma_wait3A_97 = arith.constant 0 : i32
    %dma_wait3A_98 = tpu.memref_slice %arg5[%dma_wait3A_96, %dma_wait3A_97] : memref<166400x128xf32, #tpu.memory_space<hbm>> -> memref<40x128xf32, #tpu.memory_space<hbm>>
    %dma_wait3A_99 = arith.constant 0 : i32
    %dma_wait3A_100 = arith.constant 0 : i32
    %dma_wait3A_101 = tpu.memref_slice %arg5[%dma_wait3A_99, %dma_wait3A_100] : memref<166400x128xf32, #tpu.memory_space<hbm>> -> memref<40x128xf32, #tpu.memory_space<hbm>>
    tpu.wait_dma2 semaphore(%arg18 : memref<!tpu.dma_semaphore, #tpu.memory_space<semaphore_mem>>) src(%dma_wait3A_101 : memref<40x128xf32, #tpu.memory_space<hbm>>) dst(%arg9 : memref<40x128xf32, #tpu.memory_space<vmem>>)
    %add3A_102 = arith.constant 80 : i32
    %add3A_103 = arith.addi %add3A_4, %add3A_102 : i32
    %dma_start3A_104 = tpu.memref_slice %arg2[%add3A_103] : memref<320000xi32, #tpu.memory_space<hbm>> -> memref<40xi32, #tpu.memory_space<hbm>>
    %dma_start3A_105 = tpu.memref_slice %arg2[%add3A_103] : memref<320000xi32, #tpu.memory_space<hbm>> -> memref<40xi32, #tpu.memory_space<hbm>>
    tpu.enqueue_dma source(%dma_start3A_105 : memref<40xi32, #tpu.memory_space<hbm>>) target(%arg13 : memref<40xi32, #tpu.memory_space<vmem>>) target_semaphore(%arg22 : memref<!tpu.dma_semaphore, #tpu.memory_space<semaphore_mem>>)
    %add3A_106 = arith.constant 0 : i32
    %add3A_107 = arith.addi %add3A_4, %add3A_106 : i32
    %dma_start3A_108 = tpu.memref_slice %arg3[%add3A_107] : memref<320000xi32, #tpu.memory_space<hbm>> -> memref<40xi32, #tpu.memory_space<hbm>>
    %dma_start3A_109 = tpu.memref_slice %arg3[%add3A_107] : memref<320000xi32, #tpu.memory_space<hbm>> -> memref<40xi32, #tpu.memory_space<hbm>>
    tpu.enqueue_dma source(%dma_start3A_109 : memref<40xi32, #tpu.memory_space<hbm>>) target(%arg15 : memref<40xi32, #tpu.memory_space<vmem>>) target_semaphore(%arg24 : memref<!tpu.dma_semaphore, #tpu.memory_space<semaphore_mem>>)
    %scan3A_110 = arith.constant 0 : i32
    %scan3A_111 = arith.constant 0 : i32
    %scan3A_112 = arith.constant 40 : i32
    %scan3A_113 = arith.addi %scan3A_111, %scan3A_112 : i32
    %scan3A_114 = arith.constant 1 : i32
    scf.for %scan3A_256 = %scan3A_111 to %scan3A_113 step %scan3A_114  : i32 {
      %get3A = arith.index_cast %scan3A_256 : i32 to index
      %get3A_257 = arith.constant 0 : index
      %get3A_258 = tpu.vector_load %arg7[%get3A, %get3A_257] {strides = array<i32>} : memref<40x128xf32, #tpu.memory_space<vmem>>, vector<1x16xf32>,
      %get3A_259 = vector.shape_cast %get3A_258 : vector<1x16xf32> to vector<16xf32>
      %get3A_260 = arith.index_cast %scan3A_256 : i32 to index
      %get3A_261 = arith.constant 0 : index
      %get3A_262 = tpu.vector_load %arg9[%get3A_260, %get3A_261] {strides = array<i32>} : memref<40x128xf32, #tpu.memory_space<vmem>>, vector<1x16xf32>,
      %get3A_263 = vector.shape_cast %get3A_262 : vector<1x16xf32> to vector<16xf32>
      %add3A_264 = arith.addf %get3A_259, %get3A_263 : vector<16xf32>
      %max3A = arith.constant 0.000000e+00 : f32
      %max3A_265 = vector.broadcast %max3A : f32 to vector<16xf32>
      %max3A_266 = arith.maximumf %add3A_264, %max3A_265 : vector<16xf32>
      %swap3A = arith.index_cast %scan3A_256 : i32 to index
      %swap3A_267 = arith.constant 0 : index
      %swap3A_268 = tpu.vector_load %arg11[%swap3A, %swap3A_267] {strides = array<i32>} : memref<40x128xf32, #tpu.memory_space<vmem>>, vector<1x16xf32>,
      %swap3A_269 = vector.shape_cast %swap3A_268 : vector<1x16xf32> to vector<16xf32>
      %swap3A_270 = vector.shape_cast %max3A_266 : vector<16xf32> to vector<1x16xf32>
      tpu.vector_store %arg11[%swap3A, %swap3A_267], %swap3A_270 {strides = array<i32>} : memref<40x128xf32, #tpu.memory_space<vmem>>, vector<1x16xf32>,
      %get3A_271 = arith.index_cast %scan3A_256 : i32 to index
      %get3A_272 = arith.constant 16 : index
      %get3A_273 = tpu.vector_load %arg7[%get3A_271, %get3A_272] {strides = array<i32>} : memref<40x128xf32, #tpu.memory_space<vmem>>, vector<1x16xf32>,
      %get3A_274 = vector.shape_cast %get3A_273 : vector<1x16xf32> to vector<16xf32>
      %get3A_275 = arith.index_cast %scan3A_256 : i32 to index
      %get3A_276 = arith.constant 16 : index
      %get3A_277 = tpu.vector_load %arg9[%get3A_275, %get3A_276] {strides = array<i32>} : memref<40x128xf32, #tpu.memory_space<vmem>>, vector<1x16xf32>,
      %get3A_278 = vector.shape_cast %get3A_277 : vector<1x16xf32> to vector<16xf32>
      %add3A_279 = arith.addf %get3A_274, %get3A_278 : vector<16xf32>
      %max3A_280 = arith.constant 0.000000e+00 : f32
      %max3A_281 = vector.broadcast %max3A_280 : f32 to vector<16xf32>
      %max3A_282 = arith.maximumf %add3A_279, %max3A_281 : vector<16xf32>
      %swap3A_283 = arith.index_cast %scan3A_256 : i32 to index
      %swap3A_284 = arith.constant 16 : index
      %swap3A_285 = tpu.vector_load %arg11[%swap3A_283, %swap3A_284] {strides = array<i32>} : memref<40x128xf32, #tpu.memory_space<vmem>>, vector<1x16xf32>,
      %swap3A_286 = vector.shape_cast %swap3A_285 : vector<1x16xf32> to vector<16xf32>
      %swap3A_287 = vector.shape_cast %max3A_282 : vector<16xf32> to vector<1x16xf32>
      tpu.vector_store %arg11[%swap3A_283, %swap3A_284], %swap3A_287 {strides = array<i32>} : memref<40x128xf32, #tpu.memory_space<vmem>>, vector<1x16xf32>,
      %get3A_288 = arith.index_cast %scan3A_256 : i32 to index
      %get3A_289 = arith.constant 32 : index
      %get3A_290 = tpu.vector_load %arg7[%get3A_288, %get3A_289] {strides = array<i32>} : memref<40x128xf32, #tpu.memory_space<vmem>>, vector<1x16xf32>,
      %get3A_291 = vector.shape_cast %get3A_290 : vector<1x16xf32> to vector<16xf32>
      %get3A_292 = arith.index_cast %scan3A_256 : i32 to index
      %get3A_293 = arith.constant 32 : index
      %get3A_294 = tpu.vector_load %arg9[%get3A_292, %get3A_293] {strides = array<i32>} : memref<40x128xf32, #tpu.memory_space<vmem>>, vector<1x16xf32>,
      %get3A_295 = vector.shape_cast %get3A_294 : vector<1x16xf32> to vector<16xf32>
      %add3A_296 = arith.addf %get3A_291, %get3A_295 : vector<16xf32>
      %max3A_297 = arith.constant 0.000000e+00 : f32
      %max3A_298 = vector.broadcast %max3A_297 : f32 to vector<16xf32>
      %max3A_299 = arith.maximumf %add3A_296, %max3A_298 : vector<16xf32>
      %swap3A_300 = arith.index_cast %scan3A_256 : i32 to index
      %swap3A_301 = arith.constant 32 : index
      %swap3A_302 = tpu.vector_load %arg11[%swap3A_300, %swap3A_301] {strides = array<i32>} : memref<40x128xf32, #tpu.memory_space<vmem>>, vector<1x16xf32>,
      %swap3A_303 = vector.shape_cast %swap3A_302 : vector<1x16xf32> to vector<16xf32>
      %swap3A_304 = vector.shape_cast %max3A_299 : vector<16xf32> to vector<1x16xf32>
      tpu.vector_store %arg11[%swap3A_300, %swap3A_301], %swap3A_304 {strides = array<i32>} : memref<40x128xf32, #tpu.memory_space<vmem>>, vector<1x16xf32>,
      %get3A_305 = arith.index_cast %scan3A_256 : i32 to index
      %get3A_306 = arith.constant 48 : index
      %get3A_307 = tpu.vector_load %arg7[%get3A_305, %get3A_306] {strides = array<i32>} : memref<40x128xf32, #tpu.memory_space<vmem>>, vector<1x16xf32>,
      %get3A_308 = vector.shape_cast %get3A_307 : vector<1x16xf32> to vector<16xf32>
      %get3A_309 = arith.index_cast %scan3A_256 : i32 to index
      %get3A_310 = arith.constant 48 : index
      %get3A_311 = tpu.vector_load %arg9[%get3A_309, %get3A_310] {strides = array<i32>} : memref<40x128xf32, #tpu.memory_space<vmem>>, vector<1x16xf32>,
      %get3A_312 = vector.shape_cast %get3A_311 : vector<1x16xf32> to vector<16xf32>
      %add3A_313 = arith.addf %get3A_308, %get3A_312 : vector<16xf32>
      %max3A_314 = arith.constant 0.000000e+00 : f32
      %max3A_315 = vector.broadcast %max3A_314 : f32 to vector<16xf32>
      %max3A_316 = arith.maximumf %add3A_313, %max3A_315 : vector<16xf32>
      %swap3A_317 = arith.index_cast %scan3A_256 : i32 to index
      %swap3A_318 = arith.constant 48 : index
      %swap3A_319 = tpu.vector_load %arg11[%swap3A_317, %swap3A_318] {strides = array<i32>} : memref<40x128xf32, #tpu.memory_space<vmem>>, vector<1x16xf32>,
      %swap3A_320 = vector.shape_cast %swap3A_319 : vector<1x16xf32> to vector<16xf32>
      %swap3A_321 = vector.shape_cast %max3A_316 : vector<16xf32> to vector<1x16xf32>
      tpu.vector_store %arg11[%swap3A_317, %swap3A_318], %swap3A_321 {strides = array<i32>} : memref<40x128xf32, #tpu.memory_space<vmem>>, vector<1x16xf32>,
      %get3A_322 = arith.index_cast %scan3A_256 : i32 to index
      %get3A_323 = arith.constant 64 : index
      %get3A_324 = tpu.vector_load %arg7[%get3A_322, %get3A_323] {strides = array<i32>} : memref<40x128xf32, #tpu.memory_space<vmem>>, vector<1x16xf32>,
      %get3A_325 = vector.shape_cast %get3A_324 : vector<1x16xf32> to vector<16xf32>
      %get3A_326 = arith.index_cast %scan3A_256 : i32 to index
      %get3A_327 = arith.constant 64 : index
      %get3A_328 = tpu.vector_load %arg9[%get3A_326, %get3A_327] {strides = array<i32>} : memref<40x128xf32, #tpu.memory_space<vmem>>, vector<1x16xf32>,
      %get3A_329 = vector.shape_cast %get3A_328 : vector<1x16xf32> to vector<16xf32>
      %add3A_330 = arith.addf %get3A_325, %get3A_329 : vector<16xf32>
      %max3A_331 = arith.constant 0.000000e+00 : f32
      %max3A_332 = vector.broadcast %max3A_331 : f32 to vector<16xf32>
      %max3A_333 = arith.maximumf %add3A_330, %max3A_332 : vector<16xf32>
      %swap3A_334 = arith.index_cast %scan3A_256 : i32 to index
      %swap3A_335 = arith.constant 64 : index
      %swap3A_336 = tpu.vector_load %arg11[%swap3A_334, %swap3A_335] {strides = array<i32>} : memref<40x128xf32, #tpu.memory_space<vmem>>, vector<1x16xf32>,
      %swap3A_337 = vector.shape_cast %swap3A_336 : vector<1x16xf32> to vector<16xf32>
      %swap3A_338 = vector.shape_cast %max3A_333 : vector<16xf32> to vector<1x16xf32>
      tpu.vector_store %arg11[%swap3A_334, %swap3A_335], %swap3A_338 {strides = array<i32>} : memref<40x128xf32, #tpu.memory_space<vmem>>, vector<1x16xf32>,
      %get3A_339 = arith.index_cast %scan3A_256 : i32 to index
      %get3A_340 = arith.constant 80 : index
      %get3A_341 = tpu.vector_load %arg7[%get3A_339, %get3A_340] {strides = array<i32>} : memref<40x128xf32, #tpu.memory_space<vmem>>, vector<1x16xf32>,
      %get3A_342 = vector.shape_cast %get3A_341 : vector<1x16xf32> to vector<16xf32>
      %get3A_343 = arith.index_cast %scan3A_256 : i32 to index
      %get3A_344 = arith.constant 80 : index
      %get3A_345 = tpu.vector_load %arg9[%get3A_343, %get3A_344] {strides = array<i32>} : memref<40x128xf32, #tpu.memory_space<vmem>>, vector<1x16xf32>,
      %get3A_346 = vector.shape_cast %get3A_345 : vector<1x16xf32> to vector<16xf32>
      %add3A_347 = arith.addf %get3A_342, %get3A_346 : vector<16xf32>
      %max3A_348 = arith.constant 0.000000e+00 : f32
      %max3A_349 = vector.broadcast %max3A_348 : f32 to vector<16xf32>
      %max3A_350 = arith.maximumf %add3A_347, %max3A_349 : vector<16xf32>
      %swap3A_351 = arith.index_cast %scan3A_256 : i32 to index
      %swap3A_352 = arith.constant 80 : index
      %swap3A_353 = tpu.vector_load %arg11[%swap3A_351, %swap3A_352] {strides = array<i32>} : memref<40x128xf32, #tpu.memory_space<vmem>>, vector<1x16xf32>,
      %swap3A_354 = vector.shape_cast %swap3A_353 : vector<1x16xf32> to vector<16xf32>
      %swap3A_355 = vector.shape_cast %max3A_350 : vector<16xf32> to vector<1x16xf32>
      tpu.vector_store %arg11[%swap3A_351, %swap3A_352], %swap3A_355 {strides = array<i32>} : memref<40x128xf32, #tpu.memory_space<vmem>>, vector<1x16xf32>,
      %get3A_356 = arith.index_cast %scan3A_256 : i32 to index
      %get3A_357 = arith.constant 96 : index
      %get3A_358 = tpu.vector_load %arg7[%get3A_356, %get3A_357] {strides = array<i32>} : memref<40x128xf32, #tpu.memory_space<vmem>>, vector<1x16xf32>,
      %get3A_359 = vector.shape_cast %get3A_358 : vector<1x16xf32> to vector<16xf32>
      %get3A_360 = arith.index_cast %scan3A_256 : i32 to index
      %get3A_361 = arith.constant 96 : index
      %get3A_362 = tpu.vector_load %arg9[%get3A_360, %get3A_361] {strides = array<i32>} : memref<40x128xf32, #tpu.memory_space<vmem>>, vector<1x16xf32>,
      %get3A_363 = vector.shape_cast %get3A_362 : vector<1x16xf32> to vector<16xf32>
      %add3A_364 = arith.addf %get3A_359, %get3A_363 : vector<16xf32>
      %max3A_365 = arith.constant 0.000000e+00 : f32
      %max3A_366 = vector.broadcast %max3A_365 : f32 to vector<16xf32>
      %max3A_367 = arith.maximumf %add3A_364, %max3A_366 : vector<16xf32>
      %swap3A_368 = arith.index_cast %scan3A_256 : i32 to index
      %swap3A_369 = arith.constant 96 : index
      %swap3A_370 = tpu.vector_load %arg11[%swap3A_368, %swap3A_369] {strides = array<i32>} : memref<40x128xf32, #tpu.memory_space<vmem>>, vector<1x16xf32>,
      %swap3A_371 = vector.shape_cast %swap3A_370 : vector<1x16xf32> to vector<16xf32>
      %swap3A_372 = vector.shape_cast %max3A_367 : vector<16xf32> to vector<1x16xf32>
      tpu.vector_store %arg11[%swap3A_368, %swap3A_369], %swap3A_372 {strides = array<i32>} : memref<40x128xf32, #tpu.memory_space<vmem>>, vector<1x16xf32>,
      %get3A_373 = arith.index_cast %scan3A_256 : i32 to index
      %get3A_374 = arith.constant 112 : index
      %get3A_375 = tpu.vector_load %arg7[%get3A_373, %get3A_374] {strides = array<i32>} : memref<40x128xf32, #tpu.memory_space<vmem>>, vector<1x16xf32>,
      %get3A_376 = vector.shape_cast %get3A_375 : vector<1x16xf32> to vector<16xf32>
      %get3A_377 = arith.index_cast %scan3A_256 : i32 to index
      %get3A_378 = arith.constant 112 : index
      %get3A_379 = tpu.vector_load %arg9[%get3A_377, %get3A_378] {strides = array<i32>} : memref<40x128xf32, #tpu.memory_space<vmem>>, vector<1x16xf32>,
      %get3A_380 = vector.shape_cast %get3A_379 : vector<1x16xf32> to vector<16xf32>
      %add3A_381 = arith.addf %get3A_376, %get3A_380 : vector<16xf32>
      %max3A_382 = arith.constant 0.000000e+00 : f32
      %max3A_383 = vector.broadcast %max3A_382 : f32 to vector<16xf32>
      %max3A_384 = arith.maximumf %add3A_381, %max3A_383 : vector<16xf32>
      %swap3A_385 = arith.index_cast %scan3A_256 : i32 to index
      %swap3A_386 = arith.constant 112 : index
      %swap3A_387 = tpu.vector_load %arg11[%swap3A_385, %swap3A_386] {strides = array<i32>} : memref<40x128xf32, #tpu.memory_space<vmem>>, vector<1x16xf32>,
      %swap3A_388 = vector.shape_cast %swap3A_387 : vector<1x16xf32> to vector<16xf32>
      %swap3A_389 = vector.shape_cast %max3A_384 : vector<16xf32> to vector<1x16xf32>
      tpu.vector_store %arg11[%swap3A_385, %swap3A_386], %swap3A_389 {strides = array<i32>} : memref<40x128xf32, #tpu.memory_space<vmem>>, vector<1x16xf32>,
    }
    %scan3A_115 = arith.constant 40 : i32
    %dma_wait3A_116 = arith.constant 0 : i32
    %dma_wait3A_117 = tpu.memref_slice %arg3[%dma_wait3A_116] : memref<320000xi32, #tpu.memory_space<hbm>> -> memref<40xi32, #tpu.memory_space<hbm>>
    %dma_wait3A_118 = arith.constant 0 : i32
    %dma_wait3A_119 = tpu.memref_slice %arg3[%dma_wait3A_118] : memref<320000xi32, #tpu.memory_space<hbm>> -> memref<40xi32, #tpu.memory_space<hbm>>
    tpu.wait_dma2 semaphore(%arg24 : memref<!tpu.dma_semaphore, #tpu.memory_space<semaphore_mem>>) src(%dma_wait3A_119 : memref<40xi32, #tpu.memory_space<hbm>>) dst(%arg15 : memref<40xi32, #tpu.memory_space<vmem>>)
    %dma_start3A_120 = arith.constant 0 : i32
    %dma_start3A_121 = arith.constant 0 : i32
    %dma_start3A_122 = tpu.memref_slice %arg17[%dma_start3A_120, %dma_start3A_121] : memref<10000x128xf32, #tpu.memory_space<vmem_shared>> -> memref<10000x128xf32, #tpu.memory_space<vmem_shared>>
    tpu.enqueue_indirect_dma source(%arg11 : memref<40x128xf32, #tpu.memory_space<vmem>>) target(%dma_start3A_122 : memref<10000x128xf32, #tpu.memory_space<vmem_shared>>) offsets(%arg15 : memref<40xi32, #tpu.memory_space<vmem>>) semaphore(%arg20 : memref<!tpu.dma_semaphore, #tpu.memory_space<semaphore_mem>>) {add = true}
    %dma_wait3A_123 = arith.constant 0 : i32
    %dma_wait3A_124 = tpu.memref_slice %arg2[%dma_wait3A_123] : memref<320000xi32, #tpu.memory_space<hbm>> -> memref<40xi32, #tpu.memory_space<hbm>>
    %dma_wait3A_125 = arith.constant 0 : i32
    %dma_wait3A_126 = tpu.memref_slice %arg2[%dma_wait3A_125] : memref<320000xi32, #tpu.memory_space<hbm>> -> memref<40xi32, #tpu.memory_space<hbm>>
    tpu.wait_dma2 semaphore(%arg22 : memref<!tpu.dma_semaphore, #tpu.memory_space<semaphore_mem>>) src(%dma_wait3A_126 : memref<40xi32, #tpu.memory_space<hbm>>) dst(%arg13 : memref<40xi32, #tpu.memory_space<vmem>>)
    %dma_start3A_127 = arith.constant 0 : i32
    %dma_start3A_128 = arith.constant 0 : i32
    %dma_start3A_129 = tpu.memref_slice %arg4[%dma_start3A_127, %dma_start3A_128] : memref<10000x128xf32, #tpu.memory_space<hbm>> -> memref<10000x128xf32, #tpu.memory_space<hbm>>
    tpu.enqueue_indirect_dma source(%dma_start3A_129 : memref<10000x128xf32, #tpu.memory_space<hbm>>) target(%arg7 : memref<40x128xf32, #tpu.memory_space<vmem>>) offsets(%arg13 : memref<40xi32, #tpu.memory_space<vmem>>) semaphore(%arg18 : memref<!tpu.dma_semaphore, #tpu.memory_space<semaphore_mem>>)
    %add3A_130 = arith.constant 80 : i32
    %add3A_131 = arith.addi %mul3A_2, %add3A_130 : i32
    %dma_start3A_132 = arith.constant 0 : i32
    %dma_start3A_133 = tpu.memref_slice %arg5[%add3A_131, %dma_start3A_132] : memref<166400x128xf32, #tpu.memory_space<hbm>> -> memref<40x128xf32, #tpu.memory_space<hbm>>
    %dma_start3A_134 = arith.constant 0 : i32
    %dma_start3A_135 = tpu.memref_slice %arg5[%add3A_131, %dma_start3A_134] : memref<166400x128xf32, #tpu.memory_space<hbm>> -> memref<40x128xf32, #tpu.memory_space<hbm>>
    tpu.enqueue_dma source(%dma_start3A_135 : memref<40x128xf32, #tpu.memory_space<hbm>>) target(%arg9 : memref<40x128xf32, #tpu.memory_space<vmem>>) target_semaphore(%arg18 : memref<!tpu.dma_semaphore, #tpu.memory_space<semaphore_mem>>)
    %dma_wait3A_136 = arith.constant 0 : i32
    %dma_wait3A_137 = arith.constant 0 : i32
    %dma_wait3A_138 = tpu.memref_slice %arg4[%dma_wait3A_136, %dma_wait3A_137] : memref<10000x128xf32, #tpu.memory_space<hbm>> -> memref<10000x128xf32, #tpu.memory_space<hbm>>
    tpu.wait_indirect_dma semaphore(%arg19 : memref<!tpu.dma_semaphore, #tpu.memory_space<semaphore_mem>>) src(%dma_wait3A_138 : memref<10000x128xf32, #tpu.memory_space<hbm>>) dst(%arg8 : memref<40x128xf32, #tpu.memory_space<vmem>>)
    %dma_wait3A_139 = arith.constant 0 : i32
    %dma_wait3A_140 = arith.constant 0 : i32
    %dma_wait3A_141 = tpu.memref_slice %arg5[%dma_wait3A_139, %dma_wait3A_140] : memref<166400x128xf32, #tpu.memory_space<hbm>> -> memref<40x128xf32, #tpu.memory_space<hbm>>
    %dma_wait3A_142 = arith.constant 0 : i32
    %dma_wait3A_143 = arith.constant 0 : i32
    %dma_wait3A_144 = tpu.memref_slice %arg5[%dma_wait3A_142, %dma_wait3A_143] : memref<166400x128xf32, #tpu.memory_space<hbm>> -> memref<40x128xf32, #tpu.memory_space<hbm>>
    tpu.wait_dma2 semaphore(%arg19 : memref<!tpu.dma_semaphore, #tpu.memory_space<semaphore_mem>>) src(%dma_wait3A_144 : memref<40x128xf32, #tpu.memory_space<hbm>>) dst(%arg10 : memref<40x128xf32, #tpu.memory_space<vmem>>)
    %add3A_145 = arith.constant 120 : i32
    %add3A_146 = arith.addi %add3A_4, %add3A_145 : i32
    %dma_start3A_147 = tpu.memref_slice %arg2[%add3A_146] : memref<320000xi32, #tpu.memory_space<hbm>> -> memref<40xi32, #tpu.memory_space<hbm>>
    %dma_start3A_148 = tpu.memref_slice %arg2[%add3A_146] : memref<320000xi32, #tpu.memory_space<hbm>> -> memref<40xi32, #tpu.memory_space<hbm>>
    tpu.enqueue_dma source(%dma_start3A_148 : memref<40xi32, #tpu.memory_space<hbm>>) target(%arg14 : memref<40xi32, #tpu.memory_space<vmem>>) target_semaphore(%arg23 : memref<!tpu.dma_semaphore, #tpu.memory_space<semaphore_mem>>)
    %add3A_149 = arith.constant 40 : i32
    %add3A_150 = arith.addi %add3A_4, %add3A_149 : i32
    %dma_start3A_151 = tpu.memref_slice %arg3[%add3A_150] : memref<320000xi32, #tpu.memory_space<hbm>> -> memref<40xi32, #tpu.memory_space<hbm>>
    %dma_start3A_152 = tpu.memref_slice %arg3[%add3A_150] : memref<320000xi32, #tpu.memory_space<hbm>> -> memref<40xi32, #tpu.memory_space<hbm>>
    tpu.enqueue_dma source(%dma_start3A_152 : memref<40xi32, #tpu.memory_space<hbm>>) target(%arg16 : memref<40xi32, #tpu.memory_space<vmem>>) target_semaphore(%arg25 : memref<!tpu.dma_semaphore, #tpu.memory_space<semaphore_mem>>)
    %scan3A_153 = arith.constant 0 : i32
    %scan3A_154 = arith.constant 0 : i32
    %scan3A_155 = arith.constant 40 : i32
    %scan3A_156 = arith.addi %scan3A_154, %scan3A_155 : i32
    %scan3A_157 = arith.constant 1 : i32
    scf.for %scan3A_256 = %scan3A_154 to %scan3A_156 step %scan3A_157  : i32 {
      %get3A = arith.index_cast %scan3A_256 : i32 to index
      %get3A_257 = arith.constant 0 : index
      %get3A_258 = tpu.vector_load %arg8[%get3A, %get3A_257] {strides = array<i32>} : memref<40x128xf32, #tpu.memory_space<vmem>>, vector<1x16xf32>,
      %get3A_259 = vector.shape_cast %get3A_258 : vector<1x16xf32> to vector<16xf32>
      %get3A_260 = arith.index_cast %scan3A_256 : i32 to index
      %get3A_261 = arith.constant 0 : index
      %get3A_262 = tpu.vector_load %arg10[%get3A_260, %get3A_261] {strides = array<i32>} : memref<40x128xf32, #tpu.memory_space<vmem>>, vector<1x16xf32>,
      %get3A_263 = vector.shape_cast %get3A_262 : vector<1x16xf32> to vector<16xf32>
      %add3A_264 = arith.addf %get3A_259, %get3A_263 : vector<16xf32>
      %max3A = arith.constant 0.000000e+00 : f32
      %max3A_265 = vector.broadcast %max3A : f32 to vector<16xf32>
      %max3A_266 = arith.maximumf %add3A_264, %max3A_265 : vector<16xf32>
      %swap3A = arith.index_cast %scan3A_256 : i32 to index
      %swap3A_267 = arith.constant 0 : index
      %swap3A_268 = tpu.vector_load %arg12[%swap3A, %swap3A_267] {strides = array<i32>} : memref<40x128xf32, #tpu.memory_space<vmem>>, vector<1x16xf32>,
      %swap3A_269 = vector.shape_cast %swap3A_268 : vector<1x16xf32> to vector<16xf32>
      %swap3A_270 = vector.shape_cast %max3A_266 : vector<16xf32> to vector<1x16xf32>
      tpu.vector_store %arg12[%swap3A, %swap3A_267], %swap3A_270 {strides = array<i32>} : memref<40x128xf32, #tpu.memory_space<vmem>>, vector<1x16xf32>,
      %get3A_271 = arith.index_cast %scan3A_256 : i32 to index
      %get3A_272 = arith.constant 16 : index
      %get3A_273 = tpu.vector_load %arg8[%get3A_271, %get3A_272] {strides = array<i32>} : memref<40x128xf32, #tpu.memory_space<vmem>>, vector<1x16xf32>,
      %get3A_274 = vector.shape_cast %get3A_273 : vector<1x16xf32> to vector<16xf32>
      %get3A_275 = arith.index_cast %scan3A_256 : i32 to index
      %get3A_276 = arith.constant 16 : index
      %get3A_277 = tpu.vector_load %arg10[%get3A_275, %get3A_276] {strides = array<i32>} : memref<40x128xf32, #tpu.memory_space<vmem>>, vector<1x16xf32>,
      %get3A_278 = vector.shape_cast %get3A_277 : vector<1x16xf32> to vector<16xf32>
      %add3A_279 = arith.addf %get3A_274, %get3A_278 : vector<16xf32>
      %max3A_280 = arith.constant 0.000000e+00 : f32
      %max3A_281 = vector.broadcast %max3A_280 : f32 to vector<16xf32>
      %max3A_282 = arith.maximumf %add3A_279, %max3A_281 : vector<16xf32>
      %swap3A_283 = arith.index_cast %scan3A_256 : i32 to index
      %swap3A_284 = arith.constant 16 : index
      %swap3A_285 = tpu.vector_load %arg12[%swap3A_283, %swap3A_284] {strides = array<i32>} : memref<40x128xf32, #tpu.memory_space<vmem>>, vector<1x16xf32>,
      %swap3A_286 = vector.shape_cast %swap3A_285 : vector<1x16xf32> to vector<16xf32>
      %swap3A_287 = vector.shape_cast %max3A_282 : vector<16xf32> to vector<1x16xf32>
      tpu.vector_store %arg12[%swap3A_283, %swap3A_284], %swap3A_287 {strides = array<i32>} : memref<40x128xf32, #tpu.memory_space<vmem>>, vector<1x16xf32>,
      %get3A_288 = arith.index_cast %scan3A_256 : i32 to index
      %get3A_289 = arith.constant 32 : index
      %get3A_290 = tpu.vector_load %arg8[%get3A_288, %get3A_289] {strides = array<i32>} : memref<40x128xf32, #tpu.memory_space<vmem>>, vector<1x16xf32>,
      %get3A_291 = vector.shape_cast %get3A_290 : vector<1x16xf32> to vector<16xf32>
      %get3A_292 = arith.index_cast %scan3A_256 : i32 to index
      %get3A_293 = arith.constant 32 : index
      %get3A_294 = tpu.vector_load %arg10[%get3A_292, %get3A_293] {strides = array<i32>} : memref<40x128xf32, #tpu.memory_space<vmem>>, vector<1x16xf32>,
      %get3A_295 = vector.shape_cast %get3A_294 : vector<1x16xf32> to vector<16xf32>
      %add3A_296 = arith.addf %get3A_291, %get3A_295 : vector<16xf32>
      %max3A_297 = arith.constant 0.000000e+00 : f32
      %max3A_298 = vector.broadcast %max3A_297 : f32 to vector<16xf32>
      %max3A_299 = arith.maximumf %add3A_296, %max3A_298 : vector<16xf32>
      %swap3A_300 = arith.index_cast %scan3A_256 : i32 to index
      %swap3A_301 = arith.constant 32 : index
      %swap3A_302 = tpu.vector_load %arg12[%swap3A_300, %swap3A_301] {strides = array<i32>} : memref<40x128xf32, #tpu.memory_space<vmem>>, vector<1x16xf32>,
      %swap3A_303 = vector.shape_cast %swap3A_302 : vector<1x16xf32> to vector<16xf32>
      %swap3A_304 = vector.shape_cast %max3A_299 : vector<16xf32> to vector<1x16xf32>
      tpu.vector_store %arg12[%swap3A_300, %swap3A_301], %swap3A_304 {strides = array<i32>} : memref<40x128xf32, #tpu.memory_space<vmem>>, vector<1x16xf32>,
      %get3A_305 = arith.index_cast %scan3A_256 : i32 to index
      %get3A_306 = arith.constant 48 : index
      %get3A_307 = tpu.vector_load %arg8[%get3A_305, %get3A_306] {strides = array<i32>} : memref<40x128xf32, #tpu.memory_space<vmem>>, vector<1x16xf32>,
      %get3A_308 = vector.shape_cast %get3A_307 : vector<1x16xf32> to vector<16xf32>
      %get3A_309 = arith.index_cast %scan3A_256 : i32 to index
      %get3A_310 = arith.constant 48 : index
      %get3A_311 = tpu.vector_load %arg10[%get3A_309, %get3A_310] {strides = array<i32>} : memref<40x128xf32, #tpu.memory_space<vmem>>, vector<1x16xf32>,
      %get3A_312 = vector.shape_cast %get3A_311 : vector<1x16xf32> to vector<16xf32>
      %add3A_313 = arith.addf %get3A_308, %get3A_312 : vector<16xf32>
      %max3A_314 = arith.constant 0.000000e+00 : f32
      %max3A_315 = vector.broadcast %max3A_314 : f32 to vector<16xf32>
      %max3A_316 = arith.maximumf %add3A_313, %max3A_315 : vector<16xf32>
      %swap3A_317 = arith.index_cast %scan3A_256 : i32 to index
      %swap3A_318 = arith.constant 48 : index
      %swap3A_319 = tpu.vector_load %arg12[%swap3A_317, %swap3A_318] {strides = array<i32>} : memref<40x128xf32, #tpu.memory_space<vmem>>, vector<1x16xf32>,
      %swap3A_320 = vector.shape_cast %swap3A_319 : vector<1x16xf32> to vector<16xf32>
      %swap3A_321 = vector.shape_cast %max3A_316 : vector<16xf32> to vector<1x16xf32>
      tpu.vector_store %arg12[%swap3A_317, %swap3A_318], %swap3A_321 {strides = array<i32>} : memref<40x128xf32, #tpu.memory_space<vmem>>, vector<1x16xf32>,
      %get3A_322 = arith.index_cast %scan3A_256 : i32 to index
      %get3A_323 = arith.constant 64 : index
      %get3A_324 = tpu.vector_load %arg8[%get3A_322, %get3A_323] {strides = array<i32>} : memref<40x128xf32, #tpu.memory_space<vmem>>, vector<1x16xf32>,
      %get3A_325 = vector.shape_cast %get3A_324 : vector<1x16xf32> to vector<16xf32>
      %get3A_326 = arith.index_cast %scan3A_256 : i32 to index
      %get3A_327 = arith.constant 64 : index
      %get3A_328 = tpu.vector_load %arg10[%get3A_326, %get3A_327] {strides = array<i32>} : memref<40x128xf32, #tpu.memory_space<vmem>>, vector<1x16xf32>,
      %get3A_329 = vector.shape_cast %get3A_328 : vector<1x16xf32> to vector<16xf32>
      %add3A_330 = arith.addf %get3A_325, %get3A_329 : vector<16xf32>
      %max3A_331 = arith.constant 0.000000e+00 : f32
      %max3A_332 = vector.broadcast %max3A_331 : f32 to vector<16xf32>
      %max3A_333 = arith.maximumf %add3A_330, %max3A_332 : vector<16xf32>
      %swap3A_334 = arith.index_cast %scan3A_256 : i32 to index
      %swap3A_335 = arith.constant 64 : index
      %swap3A_336 = tpu.vector_load %arg12[%swap3A_334, %swap3A_335] {strides = array<i32>} : memref<40x128xf32, #tpu.memory_space<vmem>>, vector<1x16xf32>,
      %swap3A_337 = vector.shape_cast %swap3A_336 : vector<1x16xf32> to vector<16xf32>
      %swap3A_338 = vector.shape_cast %max3A_333 : vector<16xf32> to vector<1x16xf32>
      tpu.vector_store %arg12[%swap3A_334, %swap3A_335], %swap3A_338 {strides = array<i32>} : memref<40x128xf32, #tpu.memory_space<vmem>>, vector<1x16xf32>,
      %get3A_339 = arith.index_cast %scan3A_256 : i32 to index
      %get3A_340 = arith.constant 80 : index
      %get3A_341 = tpu.vector_load %arg8[%get3A_339, %get3A_340] {strides = array<i32>} : memref<40x128xf32, #tpu.memory_space<vmem>>, vector<1x16xf32>,
      %get3A_342 = vector.shape_cast %get3A_341 : vector<1x16xf32> to vector<16xf32>
      %get3A_343 = arith.index_cast %scan3A_256 : i32 to index
      %get3A_344 = arith.constant 80 : index
      %get3A_345 = tpu.vector_load %arg10[%get3A_343, %get3A_344] {strides = array<i32>} : memref<40x128xf32, #tpu.memory_space<vmem>>, vector<1x16xf32>,
      %get3A_346 = vector.shape_cast %get3A_345 : vector<1x16xf32> to vector<16xf32>
      %add3A_347 = arith.addf %get3A_342, %get3A_346 : vector<16xf32>
      %max3A_348 = arith.constant 0.000000e+00 : f32
      %max3A_349 = vector.broadcast %max3A_348 : f32 to vector<16xf32>
      %max3A_350 = arith.maximumf %add3A_347, %max3A_349 : vector<16xf32>
      %swap3A_351 = arith.index_cast %scan3A_256 : i32 to index
      %swap3A_352 = arith.constant 80 : index
      %swap3A_353 = tpu.vector_load %arg12[%swap3A_351, %swap3A_352] {strides = array<i32>} : memref<40x128xf32, #tpu.memory_space<vmem>>, vector<1x16xf32>,
      %swap3A_354 = vector.shape_cast %swap3A_353 : vector<1x16xf32> to vector<16xf32>
      %swap3A_355 = vector.shape_cast %max3A_350 : vector<16xf32> to vector<1x16xf32>
      tpu.vector_store %arg12[%swap3A_351, %swap3A_352], %swap3A_355 {strides = array<i32>} : memref<40x128xf32, #tpu.memory_space<vmem>>, vector<1x16xf32>,
      %get3A_356 = arith.index_cast %scan3A_256 : i32 to index
      %get3A_357 = arith.constant 96 : index
      %get3A_358 = tpu.vector_load %arg8[%get3A_356, %get3A_357] {strides = array<i32>} : memref<40x128xf32, #tpu.memory_space<vmem>>, vector<1x16xf32>,
      %get3A_359 = vector.shape_cast %get3A_358 : vector<1x16xf32> to vector<16xf32>
      %get3A_360 = arith.index_cast %scan3A_256 : i32 to index
      %get3A_361 = arith.constant 96 : index
      %get3A_362 = tpu.vector_load %arg10[%get3A_360, %get3A_361] {strides = array<i32>} : memref<40x128xf32, #tpu.memory_space<vmem>>, vector<1x16xf32>,
      %get3A_363 = vector.shape_cast %get3A_362 : vector<1x16xf32> to vector<16xf32>
      %add3A_364 = arith.addf %get3A_359, %get3A_363 : vector<16xf32>
      %max3A_365 = arith.constant 0.000000e+00 : f32
      %max3A_366 = vector.broadcast %max3A_365 : f32 to vector<16xf32>
      %max3A_367 = arith.maximumf %add3A_364, %max3A_366 : vector<16xf32>
      %swap3A_368 = arith.index_cast %scan3A_256 : i32 to index
      %swap3A_369 = arith.constant 96 : index
      %swap3A_370 = tpu.vector_load %arg12[%swap3A_368, %swap3A_369] {strides = array<i32>} : memref<40x128xf32, #tpu.memory_space<vmem>>, vector<1x16xf32>,
      %swap3A_371 = vector.shape_cast %swap3A_370 : vector<1x16xf32> to vector<16xf32>
      %swap3A_372 = vector.shape_cast %max3A_367 : vector<16xf32> to vector<1x16xf32>
      tpu.vector_store %arg12[%swap3A_368, %swap3A_369], %swap3A_372 {strides = array<i32>} : memref<40x128xf32, #tpu.memory_space<vmem>>, vector<1x16xf32>,
      %get3A_373 = arith.index_cast %scan3A_256 : i32 to index
      %get3A_374 = arith.constant 112 : index
      %get3A_375 = tpu.vector_load %arg8[%get3A_373, %get3A_374] {strides = array<i32>} : memref<40x128xf32, #tpu.memory_space<vmem>>, vector<1x16xf32>,
      %get3A_376 = vector.shape_cast %get3A_375 : vector<1x16xf32> to vector<16xf32>
      %get3A_377 = arith.index_cast %scan3A_256 : i32 to index
      %get3A_378 = arith.constant 112 : index
      %get3A_379 = tpu.vector_load %arg10[%get3A_377, %get3A_378] {strides = array<i32>} : memref<40x128xf32, #tpu.memory_space<vmem>>, vector<1x16xf32>,
      %get3A_380 = vector.shape_cast %get3A_379 : vector<1x16xf32> to vector<16xf32>
      %add3A_381 = arith.addf %get3A_376, %get3A_380 : vector<16xf32>
      %max3A_382 = arith.constant 0.000000e+00 : f32
      %max3A_383 = vector.broadcast %max3A_382 : f32 to vector<16xf32>
      %max3A_384 = arith.maximumf %add3A_381, %max3A_383 : vector<16xf32>
      %swap3A_385 = arith.index_cast %scan3A_256 : i32 to index
      %swap3A_386 = arith.constant 112 : index
      %swap3A_387 = tpu.vector_load %arg12[%swap3A_385, %swap3A_386] {strides = array<i32>} : memref<40x128xf32, #tpu.memory_space<vmem>>, vector<1x16xf32>,
      %swap3A_388 = vector.shape_cast %swap3A_387 : vector<1x16xf32> to vector<16xf32>
      %swap3A_389 = vector.shape_cast %max3A_384 : vector<16xf32> to vector<1x16xf32>
      tpu.vector_store %arg12[%swap3A_385, %swap3A_386], %swap3A_389 {strides = array<i32>} : memref<40x128xf32, #tpu.memory_space<vmem>>, vector<1x16xf32>,
    }
    %scan3A_158 = arith.constant 40 : i32
    %dma_wait3A_159 = arith.constant 0 : i32
    %dma_wait3A_160 = tpu.memref_slice %arg3[%dma_wait3A_159] : memref<320000xi32, #tpu.memory_space<hbm>> -> memref<40xi32, #tpu.memory_space<hbm>>
    %dma_wait3A_161 = arith.constant 0 : i32
    %dma_wait3A_162 = tpu.memref_slice %arg3[%dma_wait3A_161] : memref<320000xi32, #tpu.memory_space<hbm>> -> memref<40xi32, #tpu.memory_space<hbm>>
    tpu.wait_dma2 semaphore(%arg25 : memref<!tpu.dma_semaphore, #tpu.memory_space<semaphore_mem>>) src(%dma_wait3A_162 : memref<40xi32, #tpu.memory_space<hbm>>) dst(%arg16 : memref<40xi32, #tpu.memory_space<vmem>>)
    %dma_start3A_163 = arith.constant 0 : i32
    %dma_start3A_164 = arith.constant 0 : i32
    %dma_start3A_165 = tpu.memref_slice %arg17[%dma_start3A_163, %dma_start3A_164] : memref<10000x128xf32, #tpu.memory_space<vmem_shared>> -> memref<10000x128xf32, #tpu.memory_space<vmem_shared>>
    tpu.enqueue_indirect_dma source(%arg12 : memref<40x128xf32, #tpu.memory_space<vmem>>) target(%dma_start3A_165 : memref<10000x128xf32, #tpu.memory_space<vmem_shared>>) offsets(%arg16 : memref<40xi32, #tpu.memory_space<vmem>>) semaphore(%arg21 : memref<!tpu.dma_semaphore, #tpu.memory_space<semaphore_mem>>) {add = true}
    %dma_wait3A_166 = arith.constant 0 : i32
    %dma_wait3A_167 = tpu.memref_slice %arg2[%dma_wait3A_166] : memref<320000xi32, #tpu.memory_space<hbm>> -> memref<40xi32, #tpu.memory_space<hbm>>
    %dma_wait3A_168 = arith.constant 0 : i32
    %dma_wait3A_169 = tpu.memref_slice %arg2[%dma_wait3A_168] : memref<320000xi32, #tpu.memory_space<hbm>> -> memref<40xi32, #tpu.memory_space<hbm>>
    tpu.wait_dma2 semaphore(%arg23 : memref<!tpu.dma_semaphore, #tpu.memory_space<semaphore_mem>>) src(%dma_wait3A_169 : memref<40xi32, #tpu.memory_space<hbm>>) dst(%arg14 : memref<40xi32, #tpu.memory_space<vmem>>)
    %dma_start3A_170 = arith.constant 0 : i32
    %dma_start3A_171 = arith.constant 0 : i32
    %dma_start3A_172 = tpu.memref_slice %arg4[%dma_start3A_170, %dma_start3A_171] : memref<10000x128xf32, #tpu.memory_space<hbm>> -> memref<10000x128xf32, #tpu.memory_space<hbm>>
    tpu.enqueue_indirect_dma source(%dma_start3A_172 : memref<10000x128xf32, #tpu.memory_space<hbm>>) target(%arg8 : memref<40x128xf32, #tpu.memory_space<vmem>>) offsets(%arg14 : memref<40xi32, #tpu.memory_space<vmem>>) semaphore(%arg19 : memref<!tpu.dma_semaphore, #tpu.memory_space<semaphore_mem>>)
    %add3A_173 = arith.constant 120 : i32
    %add3A_174 = arith.addi %mul3A_2, %add3A_173 : i32
    %dma_start3A_175 = arith.constant 0 : i32
    %dma_start3A_176 = tpu.memref_slice %arg5[%add3A_174, %dma_start3A_175] : memref<166400x128xf32, #tpu.memory_space<hbm>> -> memref<40x128xf32, #tpu.memory_space<hbm>>
    %dma_start3A_177 = arith.constant 0 : i32
    %dma_start3A_178 = tpu.memref_slice %arg5[%add3A_174, %dma_start3A_177] : memref<166400x128xf32, #tpu.memory_space<hbm>> -> memref<40x128xf32, #tpu.memory_space<hbm>>
    tpu.enqueue_dma source(%dma_start3A_178 : memref<40x128xf32, #tpu.memory_space<hbm>>) target(%arg10 : memref<40x128xf32, #tpu.memory_space<vmem>>) target_semaphore(%arg19 : memref<!tpu.dma_semaphore, #tpu.memory_space<semaphore_mem>>)
    %scan3A_179 = arith.constant 0 : i32
    %scan3A_180 = arith.constant 1 : i32
    %scan3A_181 = arith.constant 63 : i32
    %scan3A_182 = arith.addi %scan3A_180, %scan3A_181 : i32
    %scan3A_183 = arith.constant 1 : i32
    scf.for %scan3A_256 = %scan3A_180 to %scan3A_182 step %scan3A_183  : i32 {
      %mul3A_257 = arith.constant 2 : i32
      %mul3A_258 = arith.muli %mul3A_257, %scan3A_256 : i32
      %mul3A_259 = arith.constant 2 : i32
      %mul3A_260 = arith.muli %mul3A_259, %scan3A_256 : i32
      %add3A_261 = arith.constant 2 : i32
      %add3A_262 = arith.addi %mul3A_260, %add3A_261 : i32
      %dma_wait3A_263 = arith.constant 0 : i32
      %dma_wait3A_264 = arith.constant 0 : i32
      %dma_wait3A_265 = tpu.memref_slice %arg4[%dma_wait3A_263, %dma_wait3A_264] : memref<10000x128xf32, #tpu.memory_space<hbm>> -> memref<10000x128xf32, #tpu.memory_space<hbm>>
      tpu.wait_indirect_dma semaphore(%arg18 : memref<!tpu.dma_semaphore, #tpu.memory_space<semaphore_mem>>) src(%dma_wait3A_265 : memref<10000x128xf32, #tpu.memory_space<hbm>>) dst(%arg7 : memref<40x128xf32, #tpu.memory_space<vmem>>)
      %dma_wait3A_266 = arith.constant 0 : i32
      %dma_wait3A_267 = arith.constant 0 : i32
      %dma_wait3A_268 = tpu.memref_slice %arg5[%dma_wait3A_266, %dma_wait3A_267] : memref<166400x128xf32, #tpu.memory_space<hbm>> -> memref<40x128xf32, #tpu.memory_space<hbm>>
      %dma_wait3A_269 = arith.constant 0 : i32
      %dma_wait3A_270 = arith.constant 0 : i32
      %dma_wait3A_271 = tpu.memref_slice %arg5[%dma_wait3A_269, %dma_wait3A_270] : memref<166400x128xf32, #tpu.memory_space<hbm>> -> memref<40x128xf32, #tpu.memory_space<hbm>>
      tpu.wait_dma2 semaphore(%arg18 : memref<!tpu.dma_semaphore, #tpu.memory_space<semaphore_mem>>) src(%dma_wait3A_271 : memref<40x128xf32, #tpu.memory_space<hbm>>) dst(%arg9 : memref<40x128xf32, #tpu.memory_space<vmem>>)
      %mul3A_272 = arith.constant 40 : i32
      %mul3A_273 = arith.muli %add3A_262, %mul3A_272 : i32
      %add3A_274 = arith.addi %add3A_4, %mul3A_273 : i32
      %dma_start3A_275 = tpu.memref_slice %arg2[%add3A_274] : memref<320000xi32, #tpu.memory_space<hbm>> -> memref<40xi32, #tpu.memory_space<hbm>>
      %dma_start3A_276 = tpu.memref_slice %arg2[%add3A_274] : memref<320000xi32, #tpu.memory_space<hbm>> -> memref<40xi32, #tpu.memory_space<hbm>>
      tpu.enqueue_dma source(%dma_start3A_276 : memref<40xi32, #tpu.memory_space<hbm>>) target(%arg13 : memref<40xi32, #tpu.memory_space<vmem>>) target_semaphore(%arg22 : memref<!tpu.dma_semaphore, #tpu.memory_space<semaphore_mem>>)
      %dma_wait3A_277 = arith.constant 0 : i32
      %dma_wait3A_278 = arith.constant 0 : i32
      %dma_wait3A_279 = tpu.memref_slice %arg17[%dma_wait3A_277, %dma_wait3A_278] : memref<10000x128xf32, #tpu.memory_space<vmem_shared>> -> memref<10000x128xf32, #tpu.memory_space<vmem_shared>>
      tpu.wait_indirect_dma semaphore(%arg20 : memref<!tpu.dma_semaphore, #tpu.memory_space<semaphore_mem>>) src(%arg11 : memref<40x128xf32, #tpu.memory_space<vmem>>) dst(%dma_wait3A_279 : memref<10000x128xf32, #tpu.memory_space<vmem_shared>>)
      %mul3A_280 = arith.constant 40 : i32
      %mul3A_281 = arith.muli %mul3A_258, %mul3A_280 : i32
      %add3A_282 = arith.addi %add3A_4, %mul3A_281 : i32
      %dma_start3A_283 = tpu.memref_slice %arg3[%add3A_282] : memref<320000xi32, #tpu.memory_space<hbm>> -> memref<40xi32, #tpu.memory_space<hbm>>
      %dma_start3A_284 = tpu.memref_slice %arg3[%add3A_282] : memref<320000xi32, #tpu.memory_space<hbm>> -> memref<40xi32, #tpu.memory_space<hbm>>
      tpu.enqueue_dma source(%dma_start3A_284 : memref<40xi32, #tpu.memory_space<hbm>>) target(%arg15 : memref<40xi32, #tpu.memory_space<vmem>>) target_semaphore(%arg24 : memref<!tpu.dma_semaphore, #tpu.memory_space<semaphore_mem>>)
      %scan3A_285 = arith.constant 0 : i32
      %scan3A_286 = arith.constant 0 : i32
      %scan3A_287 = arith.constant 40 : i32
      %scan3A_288 = arith.addi %scan3A_286, %scan3A_287 : i32
      %scan3A_289 = arith.constant 1 : i32
      scf.for %scan3A_369 = %scan3A_286 to %scan3A_288 step %scan3A_289  : i32 {
        %get3A = arith.index_cast %scan3A_369 : i32 to index
        %get3A_370 = arith.constant 0 : index
        %get3A_371 = tpu.vector_load %arg7[%get3A, %get3A_370] {strides = array<i32>} : memref<40x128xf32, #tpu.memory_space<vmem>>, vector<1x16xf32>,
        %get3A_372 = vector.shape_cast %get3A_371 : vector<1x16xf32> to vector<16xf32>
        %get3A_373 = arith.index_cast %scan3A_369 : i32 to index
        %get3A_374 = arith.constant 0 : index
        %get3A_375 = tpu.vector_load %arg9[%get3A_373, %get3A_374] {strides = array<i32>} : memref<40x128xf32, #tpu.memory_space<vmem>>, vector<1x16xf32>,
        %get3A_376 = vector.shape_cast %get3A_375 : vector<1x16xf32> to vector<16xf32>
        %add3A_377 = arith.addf %get3A_372, %get3A_376 : vector<16xf32>
        %max3A = arith.constant 0.000000e+00 : f32
        %max3A_378 = vector.broadcast %max3A : f32 to vector<16xf32>
        %max3A_379 = arith.maximumf %add3A_377, %max3A_378 : vector<16xf32>
        %swap3A = arith.index_cast %scan3A_369 : i32 to index
        %swap3A_380 = arith.constant 0 : index
        %swap3A_381 = tpu.vector_load %arg11[%swap3A, %swap3A_380] {strides = array<i32>} : memref<40x128xf32, #tpu.memory_space<vmem>>, vector<1x16xf32>,
        %swap3A_382 = vector.shape_cast %swap3A_381 : vector<1x16xf32> to vector<16xf32>
        %swap3A_383 = vector.shape_cast %max3A_379 : vector<16xf32> to vector<1x16xf32>
        tpu.vector_store %arg11[%swap3A, %swap3A_380], %swap3A_383 {strides = array<i32>} : memref<40x128xf32, #tpu.memory_space<vmem>>, vector<1x16xf32>,
        %get3A_384 = arith.index_cast %scan3A_369 : i32 to index
        %get3A_385 = arith.constant 16 : index
        %get3A_386 = tpu.vector_load %arg7[%get3A_384, %get3A_385] {strides = array<i32>} : memref<40x128xf32, #tpu.memory_space<vmem>>, vector<1x16xf32>,
        %get3A_387 = vector.shape_cast %get3A_386 : vector<1x16xf32> to vector<16xf32>
        %get3A_388 = arith.index_cast %scan3A_369 : i32 to index
        %get3A_389 = arith.constant 16 : index
        %get3A_390 = tpu.vector_load %arg9[%get3A_388, %get3A_389] {strides = array<i32>} : memref<40x128xf32, #tpu.memory_space<vmem>>, vector<1x16xf32>,
        %get3A_391 = vector.shape_cast %get3A_390 : vector<1x16xf32> to vector<16xf32>
        %add3A_392 = arith.addf %get3A_387, %get3A_391 : vector<16xf32>
        %max3A_393 = arith.constant 0.000000e+00 : f32
        %max3A_394 = vector.broadcast %max3A_393 : f32 to vector<16xf32>
        %max3A_395 = arith.maximumf %add3A_392, %max3A_394 : vector<16xf32>
        %swap3A_396 = arith.index_cast %scan3A_369 : i32 to index
        %swap3A_397 = arith.constant 16 : index
        %swap3A_398 = tpu.vector_load %arg11[%swap3A_396, %swap3A_397] {strides = array<i32>} : memref<40x128xf32, #tpu.memory_space<vmem>>, vector<1x16xf32>,
        %swap3A_399 = vector.shape_cast %swap3A_398 : vector<1x16xf32> to vector<16xf32>
        %swap3A_400 = vector.shape_cast %max3A_395 : vector<16xf32> to vector<1x16xf32>
        tpu.vector_store %arg11[%swap3A_396, %swap3A_397], %swap3A_400 {strides = array<i32>} : memref<40x128xf32, #tpu.memory_space<vmem>>, vector<1x16xf32>,
        %get3A_401 = arith.index_cast %scan3A_369 : i32 to index
        %get3A_402 = arith.constant 32 : index
        %get3A_403 = tpu.vector_load %arg7[%get3A_401, %get3A_402] {strides = array<i32>} : memref<40x128xf32, #tpu.memory_space<vmem>>, vector<1x16xf32>,
        %get3A_404 = vector.shape_cast %get3A_403 : vector<1x16xf32> to vector<16xf32>
        %get3A_405 = arith.index_cast %scan3A_369 : i32 to index
        %get3A_406 = arith.constant 32 : index
        %get3A_407 = tpu.vector_load %arg9[%get3A_405, %get3A_406] {strides = array<i32>} : memref<40x128xf32, #tpu.memory_space<vmem>>, vector<1x16xf32>,
        %get3A_408 = vector.shape_cast %get3A_407 : vector<1x16xf32> to vector<16xf32>
        %add3A_409 = arith.addf %get3A_404, %get3A_408 : vector<16xf32>
        %max3A_410 = arith.constant 0.000000e+00 : f32
        %max3A_411 = vector.broadcast %max3A_410 : f32 to vector<16xf32>
        %max3A_412 = arith.maximumf %add3A_409, %max3A_411 : vector<16xf32>
        %swap3A_413 = arith.index_cast %scan3A_369 : i32 to index
        %swap3A_414 = arith.constant 32 : index
        %swap3A_415 = tpu.vector_load %arg11[%swap3A_413, %swap3A_414] {strides = array<i32>} : memref<40x128xf32, #tpu.memory_space<vmem>>, vector<1x16xf32>,
        %swap3A_416 = vector.shape_cast %swap3A_415 : vector<1x16xf32> to vector<16xf32>
        %swap3A_417 = vector.shape_cast %max3A_412 : vector<16xf32> to vector<1x16xf32>
        tpu.vector_store %arg11[%swap3A_413, %swap3A_414], %swap3A_417 {strides = array<i32>} : memref<40x128xf32, #tpu.memory_space<vmem>>, vector<1x16xf32>,
        %get3A_418 = arith.index_cast %scan3A_369 : i32 to index
        %get3A_419 = arith.constant 48 : index
        %get3A_420 = tpu.vector_load %arg7[%get3A_418, %get3A_419] {strides = array<i32>} : memref<40x128xf32, #tpu.memory_space<vmem>>, vector<1x16xf32>,
        %get3A_421 = vector.shape_cast %get3A_420 : vector<1x16xf32> to vector<16xf32>
        %get3A_422 = arith.index_cast %scan3A_369 : i32 to index
        %get3A_423 = arith.constant 48 : index
        %get3A_424 = tpu.vector_load %arg9[%get3A_422, %get3A_423] {strides = array<i32>} : memref<40x128xf32, #tpu.memory_space<vmem>>, vector<1x16xf32>,
        %get3A_425 = vector.shape_cast %get3A_424 : vector<1x16xf32> to vector<16xf32>
        %add3A_426 = arith.addf %get3A_421, %get3A_425 : vector<16xf32>
        %max3A_427 = arith.constant 0.000000e+00 : f32
        %max3A_428 = vector.broadcast %max3A_427 : f32 to vector<16xf32>
        %max3A_429 = arith.maximumf %add3A_426, %max3A_428 : vector<16xf32>
        %swap3A_430 = arith.index_cast %scan3A_369 : i32 to index
        %swap3A_431 = arith.constant 48 : index
        %swap3A_432 = tpu.vector_load %arg11[%swap3A_430, %swap3A_431] {strides = array<i32>} : memref<40x128xf32, #tpu.memory_space<vmem>>, vector<1x16xf32>,
        %swap3A_433 = vector.shape_cast %swap3A_432 : vector<1x16xf32> to vector<16xf32>
        %swap3A_434 = vector.shape_cast %max3A_429 : vector<16xf32> to vector<1x16xf32>
        tpu.vector_store %arg11[%swap3A_430, %swap3A_431], %swap3A_434 {strides = array<i32>} : memref<40x128xf32, #tpu.memory_space<vmem>>, vector<1x16xf32>,
        %get3A_435 = arith.index_cast %scan3A_369 : i32 to index
        %get3A_436 = arith.constant 64 : index
        %get3A_437 = tpu.vector_load %arg7[%get3A_435, %get3A_436] {strides = array<i32>} : memref<40x128xf32, #tpu.memory_space<vmem>>, vector<1x16xf32>,
        %get3A_438 = vector.shape_cast %get3A_437 : vector<1x16xf32> to vector<16xf32>
        %get3A_439 = arith.index_cast %scan3A_369 : i32 to index
        %get3A_440 = arith.constant 64 : index
        %get3A_441 = tpu.vector_load %arg9[%get3A_439, %get3A_440] {strides = array<i32>} : memref<40x128xf32, #tpu.memory_space<vmem>>, vector<1x16xf32>,
        %get3A_442 = vector.shape_cast %get3A_441 : vector<1x16xf32> to vector<16xf32>
        %add3A_443 = arith.addf %get3A_438, %get3A_442 : vector<16xf32>
        %max3A_444 = arith.constant 0.000000e+00 : f32
        %max3A_445 = vector.broadcast %max3A_444 : f32 to vector<16xf32>
        %max3A_446 = arith.maximumf %add3A_443, %max3A_445 : vector<16xf32>
        %swap3A_447 = arith.index_cast %scan3A_369 : i32 to index
        %swap3A_448 = arith.constant 64 : index
        %swap3A_449 = tpu.vector_load %arg11[%swap3A_447, %swap3A_448] {strides = array<i32>} : memref<40x128xf32, #tpu.memory_space<vmem>>, vector<1x16xf32>,
        %swap3A_450 = vector.shape_cast %swap3A_449 : vector<1x16xf32> to vector<16xf32>
        %swap3A_451 = vector.shape_cast %max3A_446 : vector<16xf32> to vector<1x16xf32>
        tpu.vector_store %arg11[%swap3A_447, %swap3A_448], %swap3A_451 {strides = array<i32>} : memref<40x128xf32, #tpu.memory_space<vmem>>, vector<1x16xf32>,
        %get3A_452 = arith.index_cast %scan3A_369 : i32 to index
        %get3A_453 = arith.constant 80 : index
        %get3A_454 = tpu.vector_load %arg7[%get3A_452, %get3A_453] {strides = array<i32>} : memref<40x128xf32, #tpu.memory_space<vmem>>, vector<1x16xf32>,
        %get3A_455 = vector.shape_cast %get3A_454 : vector<1x16xf32> to vector<16xf32>
        %get3A_456 = arith.index_cast %scan3A_369 : i32 to index
        %get3A_457 = arith.constant 80 : index
        %get3A_458 = tpu.vector_load %arg9[%get3A_456, %get3A_457] {strides = array<i32>} : memref<40x128xf32, #tpu.memory_space<vmem>>, vector<1x16xf32>,
        %get3A_459 = vector.shape_cast %get3A_458 : vector<1x16xf32> to vector<16xf32>
        %add3A_460 = arith.addf %get3A_455, %get3A_459 : vector<16xf32>
        %max3A_461 = arith.constant 0.000000e+00 : f32
        %max3A_462 = vector.broadcast %max3A_461 : f32 to vector<16xf32>
        %max3A_463 = arith.maximumf %add3A_460, %max3A_462 : vector<16xf32>
        %swap3A_464 = arith.index_cast %scan3A_369 : i32 to index
        %swap3A_465 = arith.constant 80 : index
        %swap3A_466 = tpu.vector_load %arg11[%swap3A_464, %swap3A_465] {strides = array<i32>} : memref<40x128xf32, #tpu.memory_space<vmem>>, vector<1x16xf32>,
        %swap3A_467 = vector.shape_cast %swap3A_466 : vector<1x16xf32> to vector<16xf32>
        %swap3A_468 = vector.shape_cast %max3A_463 : vector<16xf32> to vector<1x16xf32>
        tpu.vector_store %arg11[%swap3A_464, %swap3A_465], %swap3A_468 {strides = array<i32>} : memref<40x128xf32, #tpu.memory_space<vmem>>, vector<1x16xf32>,
        %get3A_469 = arith.index_cast %scan3A_369 : i32 to index
        %get3A_470 = arith.constant 96 : index
        %get3A_471 = tpu.vector_load %arg7[%get3A_469, %get3A_470] {strides = array<i32>} : memref<40x128xf32, #tpu.memory_space<vmem>>, vector<1x16xf32>,
        %get3A_472 = vector.shape_cast %get3A_471 : vector<1x16xf32> to vector<16xf32>
        %get3A_473 = arith.index_cast %scan3A_369 : i32 to index
        %get3A_474 = arith.constant 96 : index
        %get3A_475 = tpu.vector_load %arg9[%get3A_473, %get3A_474] {strides = array<i32>} : memref<40x128xf32, #tpu.memory_space<vmem>>, vector<1x16xf32>,
        %get3A_476 = vector.shape_cast %get3A_475 : vector<1x16xf32> to vector<16xf32>
        %add3A_477 = arith.addf %get3A_472, %get3A_476 : vector<16xf32>
        %max3A_478 = arith.constant 0.000000e+00 : f32
        %max3A_479 = vector.broadcast %max3A_478 : f32 to vector<16xf32>
        %max3A_480 = arith.maximumf %add3A_477, %max3A_479 : vector<16xf32>
        %swap3A_481 = arith.index_cast %scan3A_369 : i32 to index
        %swap3A_482 = arith.constant 96 : index
        %swap3A_483 = tpu.vector_load %arg11[%swap3A_481, %swap3A_482] {strides = array<i32>} : memref<40x128xf32, #tpu.memory_space<vmem>>, vector<1x16xf32>,
        %swap3A_484 = vector.shape_cast %swap3A_483 : vector<1x16xf32> to vector<16xf32>
        %swap3A_485 = vector.shape_cast %max3A_480 : vector<16xf32> to vector<1x16xf32>
        tpu.vector_store %arg11[%swap3A_481, %swap3A_482], %swap3A_485 {strides = array<i32>} : memref<40x128xf32, #tpu.memory_space<vmem>>, vector<1x16xf32>,
        %get3A_486 = arith.index_cast %scan3A_369 : i32 to index
        %get3A_487 = arith.constant 112 : index
        %get3A_488 = tpu.vector_load %arg7[%get3A_486, %get3A_487] {strides = array<i32>} : memref<40x128xf32, #tpu.memory_space<vmem>>, vector<1x16xf32>,
        %get3A_489 = vector.shape_cast %get3A_488 : vector<1x16xf32> to vector<16xf32>
        %get3A_490 = arith.index_cast %scan3A_369 : i32 to index
        %get3A_491 = arith.constant 112 : index
        %get3A_492 = tpu.vector_load %arg9[%get3A_490, %get3A_491] {strides = array<i32>} : memref<40x128xf32, #tpu.memory_space<vmem>>, vector<1x16xf32>,
        %get3A_493 = vector.shape_cast %get3A_492 : vector<1x16xf32> to vector<16xf32>
        %add3A_494 = arith.addf %get3A_489, %get3A_493 : vector<16xf32>
        %max3A_495 = arith.constant 0.000000e+00 : f32
        %max3A_496 = vector.broadcast %max3A_495 : f32 to vector<16xf32>
        %max3A_497 = arith.maximumf %add3A_494, %max3A_496 : vector<16xf32>
        %swap3A_498 = arith.index_cast %scan3A_369 : i32 to index
        %swap3A_499 = arith.constant 112 : index
        %swap3A_500 = tpu.vector_load %arg11[%swap3A_498, %swap3A_499] {strides = array<i32>} : memref<40x128xf32, #tpu.memory_space<vmem>>, vector<1x16xf32>,
        %swap3A_501 = vector.shape_cast %swap3A_500 : vector<1x16xf32> to vector<16xf32>
        %swap3A_502 = vector.shape_cast %max3A_497 : vector<16xf32> to vector<1x16xf32>
        tpu.vector_store %arg11[%swap3A_498, %swap3A_499], %swap3A_502 {strides = array<i32>} : memref<40x128xf32, #tpu.memory_space<vmem>>, vector<1x16xf32>,
      }
      %scan3A_290 = arith.constant 40 : i32
      %dma_wait3A_291 = arith.constant 0 : i32
      %dma_wait3A_292 = tpu.memref_slice %arg3[%dma_wait3A_291] : memref<320000xi32, #tpu.memory_space<hbm>> -> memref<40xi32, #tpu.memory_space<hbm>>
      %dma_wait3A_293 = arith.constant 0 : i32
      %dma_wait3A_294 = tpu.memref_slice %arg3[%dma_wait3A_293] : memref<320000xi32, #tpu.memory_space<hbm>> -> memref<40xi32, #tpu.memory_space<hbm>>
      tpu.wait_dma2 semaphore(%arg24 : memref<!tpu.dma_semaphore, #tpu.memory_space<semaphore_mem>>) src(%dma_wait3A_294 : memref<40xi32, #tpu.memory_space<hbm>>) dst(%arg15 : memref<40xi32, #tpu.memory_space<vmem>>)
      %dma_start3A_295 = arith.constant 0 : i32
      %dma_start3A_296 = arith.constant 0 : i32
      %dma_start3A_297 = tpu.memref_slice %arg17[%dma_start3A_295, %dma_start3A_296] : memref<10000x128xf32, #tpu.memory_space<vmem_shared>> -> memref<10000x128xf32, #tpu.memory_space<vmem_shared>>
      tpu.enqueue_indirect_dma source(%arg11 : memref<40x128xf32, #tpu.memory_space<vmem>>) target(%dma_start3A_297 : memref<10000x128xf32, #tpu.memory_space<vmem_shared>>) offsets(%arg15 : memref<40xi32, #tpu.memory_space<vmem>>) semaphore(%arg20 : memref<!tpu.dma_semaphore, #tpu.memory_space<semaphore_mem>>) {add = true}
      %dma_wait3A_298 = arith.constant 0 : i32
      %dma_wait3A_299 = tpu.memref_slice %arg2[%dma_wait3A_298] : memref<320000xi32, #tpu.memory_space<hbm>> -> memref<40xi32, #tpu.memory_space<hbm>>
      %dma_wait3A_300 = arith.constant 0 : i32
      %dma_wait3A_301 = tpu.memref_slice %arg2[%dma_wait3A_300] : memref<320000xi32, #tpu.memory_space<hbm>> -> memref<40xi32, #tpu.memory_space<hbm>>
      tpu.wait_dma2 semaphore(%arg22 : memref<!tpu.dma_semaphore, #tpu.memory_space<semaphore_mem>>) src(%dma_wait3A_301 : memref<40xi32, #tpu.memory_space<hbm>>) dst(%arg13 : memref<40xi32, #tpu.memory_space<vmem>>)
      %dma_start3A_302 = arith.constant 0 : i32
      %dma_start3A_303 = arith.constant 0 : i32
      %dma_start3A_304 = tpu.memref_slice %arg4[%dma_start3A_302, %dma_start3A_303] : memref<10000x128xf32, #tpu.memory_space<hbm>> -> memref<10000x128xf32, #tpu.memory_space<hbm>>
      tpu.enqueue_indirect_dma source(%dma_start3A_304 : memref<10000x128xf32, #tpu.memory_space<hbm>>) target(%arg7 : memref<40x128xf32, #tpu.memory_space<vmem>>) offsets(%arg13 : memref<40xi32, #tpu.memory_space<vmem>>) semaphore(%arg18 : memref<!tpu.dma_semaphore, #tpu.memory_space<semaphore_mem>>)
      %mul3A_305 = arith.constant 40 : i32
      %mul3A_306 = arith.muli %add3A_262, %mul3A_305 : i32
      %add3A_307 = arith.addi %mul3A_2, %mul3A_306 : i32
      %dma_start3A_308 = arith.constant 0 : i32
      %dma_start3A_309 = tpu.memref_slice %arg5[%add3A_307, %dma_start3A_308] : memref<166400x128xf32, #tpu.memory_space<hbm>> -> memref<40x128xf32, #tpu.memory_space<hbm>>
      %dma_start3A_310 = arith.constant 0 : i32
      %dma_start3A_311 = tpu.memref_slice %arg5[%add3A_307, %dma_start3A_310] : memref<166400x128xf32, #tpu.memory_space<hbm>> -> memref<40x128xf32, #tpu.memory_space<hbm>>
      tpu.enqueue_dma source(%dma_start3A_311 : memref<40x128xf32, #tpu.memory_space<hbm>>) target(%arg9 : memref<40x128xf32, #tpu.memory_space<vmem>>) target_semaphore(%arg18 : memref<!tpu.dma_semaphore, #tpu.memory_space<semaphore_mem>>)
      %mul3A_312 = arith.constant 2 : i32
      %mul3A_313 = arith.muli %mul3A_312, %scan3A_256 : i32
      %add3A_314 = arith.constant 1 : i32
      %add3A_315 = arith.addi %mul3A_313, %add3A_314 : i32
      %mul3A_316 = arith.constant 2 : i32
      %mul3A_317 = arith.muli %mul3A_316, %scan3A_256 : i32
      %add3A_318 = arith.constant 3 : i32
      %add3A_319 = arith.addi %mul3A_317, %add3A_318 : i32
      %dma_wait3A_320 = arith.constant 0 : i32
      %dma_wait3A_321 = arith.constant 0 : i32
      %dma_wait3A_322 = tpu.memref_slice %arg4[%dma_wait3A_320, %dma_wait3A_321] : memref<10000x128xf32, #tpu.memory_space<hbm>> -> memref<10000x128xf32, #tpu.memory_space<hbm>>
      tpu.wait_indirect_dma semaphore(%arg19 : memref<!tpu.dma_semaphore, #tpu.memory_space<semaphore_mem>>) src(%dma_wait3A_322 : memref<10000x128xf32, #tpu.memory_space<hbm>>) dst(%arg8 : memref<40x128xf32, #tpu.memory_space<vmem>>)
      %dma_wait3A_323 = arith.constant 0 : i32
      %dma_wait3A_324 = arith.constant 0 : i32
      %dma_wait3A_325 = tpu.memref_slice %arg5[%dma_wait3A_323, %dma_wait3A_324] : memref<166400x128xf32, #tpu.memory_space<hbm>> -> memref<40x128xf32, #tpu.memory_space<hbm>>
      %dma_wait3A_326 = arith.constant 0 : i32
      %dma_wait3A_327 = arith.constant 0 : i32
      %dma_wait3A_328 = tpu.memref_slice %arg5[%dma_wait3A_326, %dma_wait3A_327] : memref<166400x128xf32, #tpu.memory_space<hbm>> -> memref<40x128xf32, #tpu.memory_space<hbm>>
      tpu.wait_dma2 semaphore(%arg19 : memref<!tpu.dma_semaphore, #tpu.memory_space<semaphore_mem>>) src(%dma_wait3A_328 : memref<40x128xf32, #tpu.memory_space<hbm>>) dst(%arg10 : memref<40x128xf32, #tpu.memory_space<vmem>>)
      %mul3A_329 = arith.constant 40 : i32
      %mul3A_330 = arith.muli %add3A_319, %mul3A_329 : i32
      %add3A_331 = arith.addi %add3A_4, %mul3A_330 : i32
      %dma_start3A_332 = tpu.memref_slice %arg2[%add3A_331] : memref<320000xi32, #tpu.memory_space<hbm>> -> memref<40xi32, #tpu.memory_space<hbm>>
      %dma_start3A_333 = tpu.memref_slice %arg2[%add3A_331] : memref<320000xi32, #tpu.memory_space<hbm>> -> memref<40xi32, #tpu.memory_space<hbm>>
      tpu.enqueue_dma source(%dma_start3A_333 : memref<40xi32, #tpu.memory_space<hbm>>) target(%arg14 : memref<40xi32, #tpu.memory_space<vmem>>) target_semaphore(%arg23 : memref<!tpu.dma_semaphore, #tpu.memory_space<semaphore_mem>>)
      %dma_wait3A_334 = arith.constant 0 : i32
      %dma_wait3A_335 = arith.constant 0 : i32
      %dma_wait3A_336 = tpu.memref_slice %arg17[%dma_wait3A_334, %dma_wait3A_335] : memref<10000x128xf32, #tpu.memory_space<vmem_shared>> -> memref<10000x128xf32, #tpu.memory_space<vmem_shared>>
      tpu.wait_indirect_dma semaphore(%arg21 : memref<!tpu.dma_semaphore, #tpu.memory_space<semaphore_mem>>) src(%arg12 : memref<40x128xf32, #tpu.memory_space<vmem>>) dst(%dma_wait3A_336 : memref<10000x128xf32, #tpu.memory_space<vmem_shared>>)
      %mul3A_337 = arith.constant 40 : i32
      %mul3A_338 = arith.muli %add3A_315, %mul3A_337 : i32
      %add3A_339 = arith.addi %add3A_4, %mul3A_338 : i32
      %dma_start3A_340 = tpu.memref_slice %arg3[%add3A_339] : memref<320000xi32, #tpu.memory_space<hbm>> -> memref<40xi32, #tpu.memory_space<hbm>>
      %dma_start3A_341 = tpu.memref_slice %arg3[%add3A_339] : memref<320000xi32, #tpu.memory_space<hbm>> -> memref<40xi32, #tpu.memory_space<hbm>>
      tpu.enqueue_dma source(%dma_start3A_341 : memref<40xi32, #tpu.memory_space<hbm>>) target(%arg16 : memref<40xi32, #tpu.memory_space<vmem>>) target_semaphore(%arg25 : memref<!tpu.dma_semaphore, #tpu.memory_space<semaphore_mem>>)
      %scan3A_342 = arith.constant 0 : i32
      %scan3A_343 = arith.constant 0 : i32
      %scan3A_344 = arith.constant 40 : i32
      %scan3A_345 = arith.addi %scan3A_343, %scan3A_344 : i32
      %scan3A_346 = arith.constant 1 : i32
      scf.for %scan3A_369 = %scan3A_343 to %scan3A_345 step %scan3A_346  : i32 {
        %get3A = arith.index_cast %scan3A_369 : i32 to index
        %get3A_370 = arith.constant 0 : index
        %get3A_371 = tpu.vector_load %arg8[%get3A, %get3A_370] {strides = array<i32>} : memref<40x128xf32, #tpu.memory_space<vmem>>, vector<1x16xf32>,
        %get3A_372 = vector.shape_cast %get3A_371 : vector<1x16xf32> to vector<16xf32>
        %get3A_373 = arith.index_cast %scan3A_369 : i32 to index
        %get3A_374 = arith.constant 0 : index
        %get3A_375 = tpu.vector_load %arg10[%get3A_373, %get3A_374] {strides = array<i32>} : memref<40x128xf32, #tpu.memory_space<vmem>>, vector<1x16xf32>,
        %get3A_376 = vector.shape_cast %get3A_375 : vector<1x16xf32> to vector<16xf32>
        %add3A_377 = arith.addf %get3A_372, %get3A_376 : vector<16xf32>
        %max3A = arith.constant 0.000000e+00 : f32
        %max3A_378 = vector.broadcast %max3A : f32 to vector<16xf32>
        %max3A_379 = arith.maximumf %add3A_377, %max3A_378 : vector<16xf32>
        %swap3A = arith.index_cast %scan3A_369 : i32 to index
        %swap3A_380 = arith.constant 0 : index
        %swap3A_381 = tpu.vector_load %arg12[%swap3A, %swap3A_380] {strides = array<i32>} : memref<40x128xf32, #tpu.memory_space<vmem>>, vector<1x16xf32>,
        %swap3A_382 = vector.shape_cast %swap3A_381 : vector<1x16xf32> to vector<16xf32>
        %swap3A_383 = vector.shape_cast %max3A_379 : vector<16xf32> to vector<1x16xf32>
        tpu.vector_store %arg12[%swap3A, %swap3A_380], %swap3A_383 {strides = array<i32>} : memref<40x128xf32, #tpu.memory_space<vmem>>, vector<1x16xf32>,
        %get3A_384 = arith.index_cast %scan3A_369 : i32 to index
        %get3A_385 = arith.constant 16 : index
        %get3A_386 = tpu.vector_load %arg8[%get3A_384, %get3A_385] {strides = array<i32>} : memref<40x128xf32, #tpu.memory_space<vmem>>, vector<1x16xf32>,
        %get3A_387 = vector.shape_cast %get3A_386 : vector<1x16xf32> to vector<16xf32>
        %get3A_388 = arith.index_cast %scan3A_369 : i32 to index
        %get3A_389 = arith.constant 16 : index
        %get3A_390 = tpu.vector_load %arg10[%get3A_388, %get3A_389] {strides = array<i32>} : memref<40x128xf32, #tpu.memory_space<vmem>>, vector<1x16xf32>,
        %get3A_391 = vector.shape_cast %get3A_390 : vector<1x16xf32> to vector<16xf32>
        %add3A_392 = arith.addf %get3A_387, %get3A_391 : vector<16xf32>
        %max3A_393 = arith.constant 0.000000e+00 : f32
        %max3A_394 = vector.broadcast %max3A_393 : f32 to vector<16xf32>
        %max3A_395 = arith.maximumf %add3A_392, %max3A_394 : vector<16xf32>
        %swap3A_396 = arith.index_cast %scan3A_369 : i32 to index
        %swap3A_397 = arith.constant 16 : index
        %swap3A_398 = tpu.vector_load %arg12[%swap3A_396, %swap3A_397] {strides = array<i32>} : memref<40x128xf32, #tpu.memory_space<vmem>>, vector<1x16xf32>,
        %swap3A_399 = vector.shape_cast %swap3A_398 : vector<1x16xf32> to vector<16xf32>
        %swap3A_400 = vector.shape_cast %max3A_395 : vector<16xf32> to vector<1x16xf32>
        tpu.vector_store %arg12[%swap3A_396, %swap3A_397], %swap3A_400 {strides = array<i32>} : memref<40x128xf32, #tpu.memory_space<vmem>>, vector<1x16xf32>,
        %get3A_401 = arith.index_cast %scan3A_369 : i32 to index
        %get3A_402 = arith.constant 32 : index
        %get3A_403 = tpu.vector_load %arg8[%get3A_401, %get3A_402] {strides = array<i32>} : memref<40x128xf32, #tpu.memory_space<vmem>>, vector<1x16xf32>,
        %get3A_404 = vector.shape_cast %get3A_403 : vector<1x16xf32> to vector<16xf32>
        %get3A_405 = arith.index_cast %scan3A_369 : i32 to index
        %get3A_406 = arith.constant 32 : index
        %get3A_407 = tpu.vector_load %arg10[%get3A_405, %get3A_406] {strides = array<i32>} : memref<40x128xf32, #tpu.memory_space<vmem>>, vector<1x16xf32>,
        %get3A_408 = vector.shape_cast %get3A_407 : vector<1x16xf32> to vector<16xf32>
        %add3A_409 = arith.addf %get3A_404, %get3A_408 : vector<16xf32>
        %max3A_410 = arith.constant 0.000000e+00 : f32
        %max3A_411 = vector.broadcast %max3A_410 : f32 to vector<16xf32>
        %max3A_412 = arith.maximumf %add3A_409, %max3A_411 : vector<16xf32>
        %swap3A_413 = arith.index_cast %scan3A_369 : i32 to index
        %swap3A_414 = arith.constant 32 : index
        %swap3A_415 = tpu.vector_load %arg12[%swap3A_413, %swap3A_414] {strides = array<i32>} : memref<40x128xf32, #tpu.memory_space<vmem>>, vector<1x16xf32>,
        %swap3A_416 = vector.shape_cast %swap3A_415 : vector<1x16xf32> to vector<16xf32>
        %swap3A_417 = vector.shape_cast %max3A_412 : vector<16xf32> to vector<1x16xf32>
        tpu.vector_store %arg12[%swap3A_413, %swap3A_414], %swap3A_417 {strides = array<i32>} : memref<40x128xf32, #tpu.memory_space<vmem>>, vector<1x16xf32>,
        %get3A_418 = arith.index_cast %scan3A_369 : i32 to index
        %get3A_419 = arith.constant 48 : index
        %get3A_420 = tpu.vector_load %arg8[%get3A_418, %get3A_419] {strides = array<i32>} : memref<40x128xf32, #tpu.memory_space<vmem>>, vector<1x16xf32>,
        %get3A_421 = vector.shape_cast %get3A_420 : vector<1x16xf32> to vector<16xf32>
        %get3A_422 = arith.index_cast %scan3A_369 : i32 to index
        %get3A_423 = arith.constant 48 : index
        %get3A_424 = tpu.vector_load %arg10[%get3A_422, %get3A_423] {strides = array<i32>} : memref<40x128xf32, #tpu.memory_space<vmem>>, vector<1x16xf32>,
        %get3A_425 = vector.shape_cast %get3A_424 : vector<1x16xf32> to vector<16xf32>
        %add3A_426 = arith.addf %get3A_421, %get3A_425 : vector<16xf32>
        %max3A_427 = arith.constant 0.000000e+00 : f32
        %max3A_428 = vector.broadcast %max3A_427 : f32 to vector<16xf32>
        %max3A_429 = arith.maximumf %add3A_426, %max3A_428 : vector<16xf32>
        %swap3A_430 = arith.index_cast %scan3A_369 : i32 to index
        %swap3A_431 = arith.constant 48 : index
        %swap3A_432 = tpu.vector_load %arg12[%swap3A_430, %swap3A_431] {strides = array<i32>} : memref<40x128xf32, #tpu.memory_space<vmem>>, vector<1x16xf32>,
        %swap3A_433 = vector.shape_cast %swap3A_432 : vector<1x16xf32> to vector<16xf32>
        %swap3A_434 = vector.shape_cast %max3A_429 : vector<16xf32> to vector<1x16xf32>
        tpu.vector_store %arg12[%swap3A_430, %swap3A_431], %swap3A_434 {strides = array<i32>} : memref<40x128xf32, #tpu.memory_space<vmem>>, vector<1x16xf32>,
        %get3A_435 = arith.index_cast %scan3A_369 : i32 to index
        %get3A_436 = arith.constant 64 : index
        %get3A_437 = tpu.vector_load %arg8[%get3A_435, %get3A_436] {strides = array<i32>} : memref<40x128xf32, #tpu.memory_space<vmem>>, vector<1x16xf32>,
        %get3A_438 = vector.shape_cast %get3A_437 : vector<1x16xf32> to vector<16xf32>
        %get3A_439 = arith.index_cast %scan3A_369 : i32 to index
        %get3A_440 = arith.constant 64 : index
        %get3A_441 = tpu.vector_load %arg10[%get3A_439, %get3A_440] {strides = array<i32>} : memref<40x128xf32, #tpu.memory_space<vmem>>, vector<1x16xf32>,
        %get3A_442 = vector.shape_cast %get3A_441 : vector<1x16xf32> to vector<16xf32>
        %add3A_443 = arith.addf %get3A_438, %get3A_442 : vector<16xf32>
        %max3A_444 = arith.constant 0.000000e+00 : f32
        %max3A_445 = vector.broadcast %max3A_444 : f32 to vector<16xf32>
        %max3A_446 = arith.maximumf %add3A_443, %max3A_445 : vector<16xf32>
        %swap3A_447 = arith.index_cast %scan3A_369 : i32 to index
        %swap3A_448 = arith.constant 64 : index
        %swap3A_449 = tpu.vector_load %arg12[%swap3A_447, %swap3A_448] {strides = array<i32>} : memref<40x128xf32, #tpu.memory_space<vmem>>, vector<1x16xf32>,
        %swap3A_450 = vector.shape_cast %swap3A_449 : vector<1x16xf32> to vector<16xf32>
        %swap3A_451 = vector.shape_cast %max3A_446 : vector<16xf32> to vector<1x16xf32>
        tpu.vector_store %arg12[%swap3A_447, %swap3A_448], %swap3A_451 {strides = array<i32>} : memref<40x128xf32, #tpu.memory_space<vmem>>, vector<1x16xf32>,
        %get3A_452 = arith.index_cast %scan3A_369 : i32 to index
        %get3A_453 = arith.constant 80 : index
        %get3A_454 = tpu.vector_load %arg8[%get3A_452, %get3A_453] {strides = array<i32>} : memref<40x128xf32, #tpu.memory_space<vmem>>, vector<1x16xf32>,
        %get3A_455 = vector.shape_cast %get3A_454 : vector<1x16xf32> to vector<16xf32>
        %get3A_456 = arith.index_cast %scan3A_369 : i32 to index
        %get3A_457 = arith.constant 80 : index
        %get3A_458 = tpu.vector_load %arg10[%get3A_456, %get3A_457] {strides = array<i32>} : memref<40x128xf32, #tpu.memory_space<vmem>>, vector<1x16xf32>,
        %get3A_459 = vector.shape_cast %get3A_458 : vector<1x16xf32> to vector<16xf32>
        %add3A_460 = arith.addf %get3A_455, %get3A_459 : vector<16xf32>
        %max3A_461 = arith.constant 0.000000e+00 : f32
        %max3A_462 = vector.broadcast %max3A_461 : f32 to vector<16xf32>
        %max3A_463 = arith.maximumf %add3A_460, %max3A_462 : vector<16xf32>
        %swap3A_464 = arith.index_cast %scan3A_369 : i32 to index
        %swap3A_465 = arith.constant 80 : index
        %swap3A_466 = tpu.vector_load %arg12[%swap3A_464, %swap3A_465] {strides = array<i32>} : memref<40x128xf32, #tpu.memory_space<vmem>>, vector<1x16xf32>,
        %swap3A_467 = vector.shape_cast %swap3A_466 : vector<1x16xf32> to vector<16xf32>
        %swap3A_468 = vector.shape_cast %max3A_463 : vector<16xf32> to vector<1x16xf32>
        tpu.vector_store %arg12[%swap3A_464, %swap3A_465], %swap3A_468 {strides = array<i32>} : memref<40x128xf32, #tpu.memory_space<vmem>>, vector<1x16xf32>,
        %get3A_469 = arith.index_cast %scan3A_369 : i32 to index
        %get3A_470 = arith.constant 96 : index
        %get3A_471 = tpu.vector_load %arg8[%get3A_469, %get3A_470] {strides = array<i32>} : memref<40x128xf32, #tpu.memory_space<vmem>>, vector<1x16xf32>,
        %get3A_472 = vector.shape_cast %get3A_471 : vector<1x16xf32> to vector<16xf32>
        %get3A_473 = arith.index_cast %scan3A_369 : i32 to index
        %get3A_474 = arith.constant 96 : index
        %get3A_475 = tpu.vector_load %arg10[%get3A_473, %get3A_474] {strides = array<i32>} : memref<40x128xf32, #tpu.memory_space<vmem>>, vector<1x16xf32>,
        %get3A_476 = vector.shape_cast %get3A_475 : vector<1x16xf32> to vector<16xf32>
        %add3A_477 = arith.addf %get3A_472, %get3A_476 : vector<16xf32>
        %max3A_478 = arith.constant 0.000000e+00 : f32
        %max3A_479 = vector.broadcast %max3A_478 : f32 to vector<16xf32>
        %max3A_480 = arith.maximumf %add3A_477, %max3A_479 : vector<16xf32>
        %swap3A_481 = arith.index_cast %scan3A_369 : i32 to index
        %swap3A_482 = arith.constant 96 : index
        %swap3A_483 = tpu.vector_load %arg12[%swap3A_481, %swap3A_482] {strides = array<i32>} : memref<40x128xf32, #tpu.memory_space<vmem>>, vector<1x16xf32>,
        %swap3A_484 = vector.shape_cast %swap3A_483 : vector<1x16xf32> to vector<16xf32>
        %swap3A_485 = vector.shape_cast %max3A_480 : vector<16xf32> to vector<1x16xf32>
        tpu.vector_store %arg12[%swap3A_481, %swap3A_482], %swap3A_485 {strides = array<i32>} : memref<40x128xf32, #tpu.memory_space<vmem>>, vector<1x16xf32>,
        %get3A_486 = arith.index_cast %scan3A_369 : i32 to index
        %get3A_487 = arith.constant 112 : index
        %get3A_488 = tpu.vector_load %arg8[%get3A_486, %get3A_487] {strides = array<i32>} : memref<40x128xf32, #tpu.memory_space<vmem>>, vector<1x16xf32>,
        %get3A_489 = vector.shape_cast %get3A_488 : vector<1x16xf32> to vector<16xf32>
        %get3A_490 = arith.index_cast %scan3A_369 : i32 to index
        %get3A_491 = arith.constant 112 : index
        %get3A_492 = tpu.vector_load %arg10[%get3A_490, %get3A_491] {strides = array<i32>} : memref<40x128xf32, #tpu.memory_space<vmem>>, vector<1x16xf32>,
        %get3A_493 = vector.shape_cast %get3A_492 : vector<1x16xf32> to vector<16xf32>
        %add3A_494 = arith.addf %get3A_489, %get3A_493 : vector<16xf32>
        %max3A_495 = arith.constant 0.000000e+00 : f32
        %max3A_496 = vector.broadcast %max3A_495 : f32 to vector<16xf32>
        %max3A_497 = arith.maximumf %add3A_494, %max3A_496 : vector<16xf32>
        %swap3A_498 = arith.index_cast %scan3A_369 : i32 to index
        %swap3A_499 = arith.constant 112 : index
        %swap3A_500 = tpu.vector_load %arg12[%swap3A_498, %swap3A_499] {strides = array<i32>} : memref<40x128xf32, #tpu.memory_space<vmem>>, vector<1x16xf32>,
        %swap3A_501 = vector.shape_cast %swap3A_500 : vector<1x16xf32> to vector<16xf32>
        %swap3A_502 = vector.shape_cast %max3A_497 : vector<16xf32> to vector<1x16xf32>
        tpu.vector_store %arg12[%swap3A_498, %swap3A_499], %swap3A_502 {strides = array<i32>} : memref<40x128xf32, #tpu.memory_space<vmem>>, vector<1x16xf32>,
      }
      %scan3A_347 = arith.constant 40 : i32
      %dma_wait3A_348 = arith.constant 0 : i32
      %dma_wait3A_349 = tpu.memref_slice %arg3[%dma_wait3A_348] : memref<320000xi32, #tpu.memory_space<hbm>> -> memref<40xi32, #tpu.memory_space<hbm>>
      %dma_wait3A_350 = arith.constant 0 : i32
      %dma_wait3A_351 = tpu.memref_slice %arg3[%dma_wait3A_350] : memref<320000xi32, #tpu.memory_space<hbm>> -> memref<40xi32, #tpu.memory_space<hbm>>
      tpu.wait_dma2 semaphore(%arg25 : memref<!tpu.dma_semaphore, #tpu.memory_space<semaphore_mem>>) src(%dma_wait3A_351 : memref<40xi32, #tpu.memory_space<hbm>>) dst(%arg16 : memref<40xi32, #tpu.memory_space<vmem>>)
      %dma_start3A_352 = arith.constant 0 : i32
      %dma_start3A_353 = arith.constant 0 : i32
      %dma_start3A_354 = tpu.memref_slice %arg17[%dma_start3A_352, %dma_start3A_353] : memref<10000x128xf32, #tpu.memory_space<vmem_shared>> -> memref<10000x128xf32, #tpu.memory_space<vmem_shared>>
      tpu.enqueue_indirect_dma source(%arg12 : memref<40x128xf32, #tpu.memory_space<vmem>>) target(%dma_start3A_354 : memref<10000x128xf32, #tpu.memory_space<vmem_shared>>) offsets(%arg16 : memref<40xi32, #tpu.memory_space<vmem>>) semaphore(%arg21 : memref<!tpu.dma_semaphore, #tpu.memory_space<semaphore_mem>>) {add = true}
      %dma_wait3A_355 = arith.constant 0 : i32
      %dma_wait3A_356 = tpu.memref_slice %arg2[%dma_wait3A_355] : memref<320000xi32, #tpu.memory_space<hbm>> -> memref<40xi32, #tpu.memory_space<hbm>>
      %dma_wait3A_357 = arith.constant 0 : i32
      %dma_wait3A_358 = tpu.memref_slice %arg2[%dma_wait3A_357] : memref<320000xi32, #tpu.memory_space<hbm>> -> memref<40xi32, #tpu.memory_space<hbm>>
      tpu.wait_dma2 semaphore(%arg23 : memref<!tpu.dma_semaphore, #tpu.memory_space<semaphore_mem>>) src(%dma_wait3A_358 : memref<40xi32, #tpu.memory_space<hbm>>) dst(%arg14 : memref<40xi32, #tpu.memory_space<vmem>>)
      %dma_start3A_359 = arith.constant 0 : i32
      %dma_start3A_360 = arith.constant 0 : i32
      %dma_start3A_361 = tpu.memref_slice %arg4[%dma_start3A_359, %dma_start3A_360] : memref<10000x128xf32, #tpu.memory_space<hbm>> -> memref<10000x128xf32, #tpu.memory_space<hbm>>
      tpu.enqueue_indirect_dma source(%dma_start3A_361 : memref<10000x128xf32, #tpu.memory_space<hbm>>) target(%arg8 : memref<40x128xf32, #tpu.memory_space<vmem>>) offsets(%arg14 : memref<40xi32, #tpu.memory_space<vmem>>) semaphore(%arg19 : memref<!tpu.dma_semaphore, #tpu.memory_space<semaphore_mem>>)
      %mul3A_362 = arith.constant 40 : i32
      %mul3A_363 = arith.muli %add3A_319, %mul3A_362 : i32
      %add3A_364 = arith.addi %mul3A_2, %mul3A_363 : i32
      %dma_start3A_365 = arith.constant 0 : i32
      %dma_start3A_366 = tpu.memref_slice %arg5[%add3A_364, %dma_start3A_365] : memref<166400x128xf32, #tpu.memory_space<hbm>> -> memref<40x128xf32, #tpu.memory_space<hbm>>
      %dma_start3A_367 = arith.constant 0 : i32
      %dma_start3A_368 = tpu.memref_slice %arg5[%add3A_364, %dma_start3A_367] : memref<166400x128xf32, #tpu.memory_space<hbm>> -> memref<40x128xf32, #tpu.memory_space<hbm>>
      tpu.enqueue_dma source(%dma_start3A_368 : memref<40x128xf32, #tpu.memory_space<hbm>>) target(%arg10 : memref<40x128xf32, #tpu.memory_space<vmem>>) target_semaphore(%arg19 : memref<!tpu.dma_semaphore, #tpu.memory_space<semaphore_mem>>)
    }
    %scan3A_184 = arith.constant 63 : i32
    %dma_wait3A_185 = arith.constant 0 : i32
    %dma_wait3A_186 = arith.constant 0 : i32
    %dma_wait3A_187 = tpu.memref_slice %arg4[%dma_wait3A_185, %dma_wait3A_186] : memref<10000x128xf32, #tpu.memory_space<hbm>> -> memref<10000x128xf32, #tpu.memory_space<hbm>>
    tpu.wait_indirect_dma semaphore(%arg18 : memref<!tpu.dma_semaphore, #tpu.memory_space<semaphore_mem>>) src(%dma_wait3A_187 : memref<10000x128xf32, #tpu.memory_space<hbm>>) dst(%arg7 : memref<40x128xf32, #tpu.memory_space<vmem>>)
    %dma_wait3A_188 = arith.constant 0 : i32
    %dma_wait3A_189 = arith.constant 0 : i32
    %dma_wait3A_190 = tpu.memref_slice %arg5[%dma_wait3A_188, %dma_wait3A_189] : memref<166400x128xf32, #tpu.memory_space<hbm>> -> memref<40x128xf32, #tpu.memory_space<hbm>>
    %dma_wait3A_191 = arith.constant 0 : i32
    %dma_wait3A_192 = arith.constant 0 : i32
    %dma_wait3A_193 = tpu.memref_slice %arg5[%dma_wait3A_191, %dma_wait3A_192] : memref<166400x128xf32, #tpu.memory_space<hbm>> -> memref<40x128xf32, #tpu.memory_space<hbm>>
    tpu.wait_dma2 semaphore(%arg18 : memref<!tpu.dma_semaphore, #tpu.memory_space<semaphore_mem>>) src(%dma_wait3A_193 : memref<40x128xf32, #tpu.memory_space<hbm>>) dst(%arg9 : memref<40x128xf32, #tpu.memory_space<vmem>>)
    %dma_wait3A_194 = arith.constant 0 : i32
    %dma_wait3A_195 = arith.constant 0 : i32
    %dma_wait3A_196 = tpu.memref_slice %arg17[%dma_wait3A_194, %dma_wait3A_195] : memref<10000x128xf32, #tpu.memory_space<vmem_shared>> -> memref<10000x128xf32, #tpu.memory_space<vmem_shared>>
    tpu.wait_indirect_dma semaphore(%arg20 : memref<!tpu.dma_semaphore, #tpu.memory_space<semaphore_mem>>) src(%arg11 : memref<40x128xf32, #tpu.memory_space<vmem>>) dst(%dma_wait3A_196 : memref<10000x128xf32, #tpu.memory_space<vmem_shared>>)
    %add3A_197 = arith.constant 5120 : i32
    %add3A_198 = arith.addi %add3A_4, %add3A_197 : i32
    %dma_start3A_199 = tpu.memref_slice %arg3[%add3A_198] : memref<320000xi32, #tpu.memory_space<hbm>> -> memref<40xi32, #tpu.memory_space<hbm>>
    %dma_start3A_200 = tpu.memref_slice %arg3[%add3A_198] : memref<320000xi32, #tpu.memory_space<hbm>> -> memref<40xi32, #tpu.memory_space<hbm>>
    tpu.enqueue_dma source(%dma_start3A_200 : memref<40xi32, #tpu.memory_space<hbm>>) target(%arg15 : memref<40xi32, #tpu.memory_space<vmem>>) target_semaphore(%arg24 : memref<!tpu.dma_semaphore, #tpu.memory_space<semaphore_mem>>)
    %scan3A_201 = arith.constant 0 : i32
    %scan3A_202 = arith.constant 0 : i32
    %scan3A_203 = arith.constant 40 : i32
    %scan3A_204 = arith.addi %scan3A_202, %scan3A_203 : i32
    %scan3A_205 = arith.constant 1 : i32
    scf.for %scan3A_256 = %scan3A_202 to %scan3A_204 step %scan3A_205  : i32 {
      %get3A = arith.index_cast %scan3A_256 : i32 to index
      %get3A_257 = arith.constant 0 : index
      %get3A_258 = tpu.vector_load %arg7[%get3A, %get3A_257] {strides = array<i32>} : memref<40x128xf32, #tpu.memory_space<vmem>>, vector<1x16xf32>,
      %get3A_259 = vector.shape_cast %get3A_258 : vector<1x16xf32> to vector<16xf32>
      %get3A_260 = arith.index_cast %scan3A_256 : i32 to index
      %get3A_261 = arith.constant 0 : index
      %get3A_262 = tpu.vector_load %arg9[%get3A_260, %get3A_261] {strides = array<i32>} : memref<40x128xf32, #tpu.memory_space<vmem>>, vector<1x16xf32>,
      %get3A_263 = vector.shape_cast %get3A_262 : vector<1x16xf32> to vector<16xf32>
      %add3A_264 = arith.addf %get3A_259, %get3A_263 : vector<16xf32>
      %max3A = arith.constant 0.000000e+00 : f32
      %max3A_265 = vector.broadcast %max3A : f32 to vector<16xf32>
      %max3A_266 = arith.maximumf %add3A_264, %max3A_265 : vector<16xf32>
      %swap3A = arith.index_cast %scan3A_256 : i32 to index
      %swap3A_267 = arith.constant 0 : index
      %swap3A_268 = tpu.vector_load %arg11[%swap3A, %swap3A_267] {strides = array<i32>} : memref<40x128xf32, #tpu.memory_space<vmem>>, vector<1x16xf32>,
      %swap3A_269 = vector.shape_cast %swap3A_268 : vector<1x16xf32> to vector<16xf32>
      %swap3A_270 = vector.shape_cast %max3A_266 : vector<16xf32> to vector<1x16xf32>
      tpu.vector_store %arg11[%swap3A, %swap3A_267], %swap3A_270 {strides = array<i32>} : memref<40x128xf32, #tpu.memory_space<vmem>>, vector<1x16xf32>,
      %get3A_271 = arith.index_cast %scan3A_256 : i32 to index
      %get3A_272 = arith.constant 16 : index
      %get3A_273 = tpu.vector_load %arg7[%get3A_271, %get3A_272] {strides = array<i32>} : memref<40x128xf32, #tpu.memory_space<vmem>>, vector<1x16xf32>,
      %get3A_274 = vector.shape_cast %get3A_273 : vector<1x16xf32> to vector<16xf32>
      %get3A_275 = arith.index_cast %scan3A_256 : i32 to index
      %get3A_276 = arith.constant 16 : index
      %get3A_277 = tpu.vector_load %arg9[%get3A_275, %get3A_276] {strides = array<i32>} : memref<40x128xf32, #tpu.memory_space<vmem>>, vector<1x16xf32>,
      %get3A_278 = vector.shape_cast %get3A_277 : vector<1x16xf32> to vector<16xf32>
      %add3A_279 = arith.addf %get3A_274, %get3A_278 : vector<16xf32>
      %max3A_280 = arith.constant 0.000000e+00 : f32
      %max3A_281 = vector.broadcast %max3A_280 : f32 to vector<16xf32>
      %max3A_282 = arith.maximumf %add3A_279, %max3A_281 : vector<16xf32>
      %swap3A_283 = arith.index_cast %scan3A_256 : i32 to index
      %swap3A_284 = arith.constant 16 : index
      %swap3A_285 = tpu.vector_load %arg11[%swap3A_283, %swap3A_284] {strides = array<i32>} : memref<40x128xf32, #tpu.memory_space<vmem>>, vector<1x16xf32>,
      %swap3A_286 = vector.shape_cast %swap3A_285 : vector<1x16xf32> to vector<16xf32>
      %swap3A_287 = vector.shape_cast %max3A_282 : vector<16xf32> to vector<1x16xf32>
      tpu.vector_store %arg11[%swap3A_283, %swap3A_284], %swap3A_287 {strides = array<i32>} : memref<40x128xf32, #tpu.memory_space<vmem>>, vector<1x16xf32>,
      %get3A_288 = arith.index_cast %scan3A_256 : i32 to index
      %get3A_289 = arith.constant 32 : index
      %get3A_290 = tpu.vector_load %arg7[%get3A_288, %get3A_289] {strides = array<i32>} : memref<40x128xf32, #tpu.memory_space<vmem>>, vector<1x16xf32>,
      %get3A_291 = vector.shape_cast %get3A_290 : vector<1x16xf32> to vector<16xf32>
      %get3A_292 = arith.index_cast %scan3A_256 : i32 to index
      %get3A_293 = arith.constant 32 : index
      %get3A_294 = tpu.vector_load %arg9[%get3A_292, %get3A_293] {strides = array<i32>} : memref<40x128xf32, #tpu.memory_space<vmem>>, vector<1x16xf32>,
      %get3A_295 = vector.shape_cast %get3A_294 : vector<1x16xf32> to vector<16xf32>
      %add3A_296 = arith.addf %get3A_291, %get3A_295 : vector<16xf32>
      %max3A_297 = arith.constant 0.000000e+00 : f32
      %max3A_298 = vector.broadcast %max3A_297 : f32 to vector<16xf32>
      %max3A_299 = arith.maximumf %add3A_296, %max3A_298 : vector<16xf32>
      %swap3A_300 = arith.index_cast %scan3A_256 : i32 to index
      %swap3A_301 = arith.constant 32 : index
      %swap3A_302 = tpu.vector_load %arg11[%swap3A_300, %swap3A_301] {strides = array<i32>} : memref<40x128xf32, #tpu.memory_space<vmem>>, vector<1x16xf32>,
      %swap3A_303 = vector.shape_cast %swap3A_302 : vector<1x16xf32> to vector<16xf32>
      %swap3A_304 = vector.shape_cast %max3A_299 : vector<16xf32> to vector<1x16xf32>
      tpu.vector_store %arg11[%swap3A_300, %swap3A_301], %swap3A_304 {strides = array<i32>} : memref<40x128xf32, #tpu.memory_space<vmem>>, vector<1x16xf32>,
      %get3A_305 = arith.index_cast %scan3A_256 : i32 to index
      %get3A_306 = arith.constant 48 : index
      %get3A_307 = tpu.vector_load %arg7[%get3A_305, %get3A_306] {strides = array<i32>} : memref<40x128xf32, #tpu.memory_space<vmem>>, vector<1x16xf32>,
      %get3A_308 = vector.shape_cast %get3A_307 : vector<1x16xf32> to vector<16xf32>
      %get3A_309 = arith.index_cast %scan3A_256 : i32 to index
      %get3A_310 = arith.constant 48 : index
      %get3A_311 = tpu.vector_load %arg9[%get3A_309, %get3A_310] {strides = array<i32>} : memref<40x128xf32, #tpu.memory_space<vmem>>, vector<1x16xf32>,
      %get3A_312 = vector.shape_cast %get3A_311 : vector<1x16xf32> to vector<16xf32>
      %add3A_313 = arith.addf %get3A_308, %get3A_312 : vector<16xf32>
      %max3A_314 = arith.constant 0.000000e+00 : f32
      %max3A_315 = vector.broadcast %max3A_314 : f32 to vector<16xf32>
      %max3A_316 = arith.maximumf %add3A_313, %max3A_315 : vector<16xf32>
      %swap3A_317 = arith.index_cast %scan3A_256 : i32 to index
      %swap3A_318 = arith.constant 48 : index
      %swap3A_319 = tpu.vector_load %arg11[%swap3A_317, %swap3A_318] {strides = array<i32>} : memref<40x128xf32, #tpu.memory_space<vmem>>, vector<1x16xf32>,
      %swap3A_320 = vector.shape_cast %swap3A_319 : vector<1x16xf32> to vector<16xf32>
      %swap3A_321 = vector.shape_cast %max3A_316 : vector<16xf32> to vector<1x16xf32>
      tpu.vector_store %arg11[%swap3A_317, %swap3A_318], %swap3A_321 {strides = array<i32>} : memref<40x128xf32, #tpu.memory_space<vmem>>, vector<1x16xf32>,
      %get3A_322 = arith.index_cast %scan3A_256 : i32 to index
      %get3A_323 = arith.constant 64 : index
      %get3A_324 = tpu.vector_load %arg7[%get3A_322, %get3A_323] {strides = array<i32>} : memref<40x128xf32, #tpu.memory_space<vmem>>, vector<1x16xf32>,
      %get3A_325 = vector.shape_cast %get3A_324 : vector<1x16xf32> to vector<16xf32>
      %get3A_326 = arith.index_cast %scan3A_256 : i32 to index
      %get3A_327 = arith.constant 64 : index
      %get3A_328 = tpu.vector_load %arg9[%get3A_326, %get3A_327] {strides = array<i32>} : memref<40x128xf32, #tpu.memory_space<vmem>>, vector<1x16xf32>,
      %get3A_329 = vector.shape_cast %get3A_328 : vector<1x16xf32> to vector<16xf32>
      %add3A_330 = arith.addf %get3A_325, %get3A_329 : vector<16xf32>
      %max3A_331 = arith.constant 0.000000e+00 : f32
      %max3A_332 = vector.broadcast %max3A_331 : f32 to vector<16xf32>
      %max3A_333 = arith.maximumf %add3A_330, %max3A_332 : vector<16xf32>
      %swap3A_334 = arith.index_cast %scan3A_256 : i32 to index
      %swap3A_335 = arith.constant 64 : index
      %swap3A_336 = tpu.vector_load %arg11[%swap3A_334, %swap3A_335] {strides = array<i32>} : memref<40x128xf32, #tpu.memory_space<vmem>>, vector<1x16xf32>,
      %swap3A_337 = vector.shape_cast %swap3A_336 : vector<1x16xf32> to vector<16xf32>
      %swap3A_338 = vector.shape_cast %max3A_333 : vector<16xf32> to vector<1x16xf32>
      tpu.vector_store %arg11[%swap3A_334, %swap3A_335], %swap3A_338 {strides = array<i32>} : memref<40x128xf32, #tpu.memory_space<vmem>>, vector<1x16xf32>,
      %get3A_339 = arith.index_cast %scan3A_256 : i32 to index
      %get3A_340 = arith.constant 80 : index
      %get3A_341 = tpu.vector_load %arg7[%get3A_339, %get3A_340] {strides = array<i32>} : memref<40x128xf32, #tpu.memory_space<vmem>>, vector<1x16xf32>,
      %get3A_342 = vector.shape_cast %get3A_341 : vector<1x16xf32> to vector<16xf32>
      %get3A_343 = arith.index_cast %scan3A_256 : i32 to index
      %get3A_344 = arith.constant 80 : index
      %get3A_345 = tpu.vector_load %arg9[%get3A_343, %get3A_344] {strides = array<i32>} : memref<40x128xf32, #tpu.memory_space<vmem>>, vector<1x16xf32>,
      %get3A_346 = vector.shape_cast %get3A_345 : vector<1x16xf32> to vector<16xf32>
      %add3A_347 = arith.addf %get3A_342, %get3A_346 : vector<16xf32>
      %max3A_348 = arith.constant 0.000000e+00 : f32
      %max3A_349 = vector.broadcast %max3A_348 : f32 to vector<16xf32>
      %max3A_350 = arith.maximumf %add3A_347, %max3A_349 : vector<16xf32>
      %swap3A_351 = arith.index_cast %scan3A_256 : i32 to index
      %swap3A_352 = arith.constant 80 : index
      %swap3A_353 = tpu.vector_load %arg11[%swap3A_351, %swap3A_352] {strides = array<i32>} : memref<40x128xf32, #tpu.memory_space<vmem>>, vector<1x16xf32>,
      %swap3A_354 = vector.shape_cast %swap3A_353 : vector<1x16xf32> to vector<16xf32>
      %swap3A_355 = vector.shape_cast %max3A_350 : vector<16xf32> to vector<1x16xf32>
      tpu.vector_store %arg11[%swap3A_351, %swap3A_352], %swap3A_355 {strides = array<i32>} : memref<40x128xf32, #tpu.memory_space<vmem>>, vector<1x16xf32>,
      %get3A_356 = arith.index_cast %scan3A_256 : i32 to index
      %get3A_357 = arith.constant 96 : index
      %get3A_358 = tpu.vector_load %arg7[%get3A_356, %get3A_357] {strides = array<i32>} : memref<40x128xf32, #tpu.memory_space<vmem>>, vector<1x16xf32>,
      %get3A_359 = vector.shape_cast %get3A_358 : vector<1x16xf32> to vector<16xf32>
      %get3A_360 = arith.index_cast %scan3A_256 : i32 to index
      %get3A_361 = arith.constant 96 : index
      %get3A_362 = tpu.vector_load %arg9[%get3A_360, %get3A_361] {strides = array<i32>} : memref<40x128xf32, #tpu.memory_space<vmem>>, vector<1x16xf32>,
      %get3A_363 = vector.shape_cast %get3A_362 : vector<1x16xf32> to vector<16xf32>
      %add3A_364 = arith.addf %get3A_359, %get3A_363 : vector<16xf32>
      %max3A_365 = arith.constant 0.000000e+00 : f32
      %max3A_366 = vector.broadcast %max3A_365 : f32 to vector<16xf32>
      %max3A_367 = arith.maximumf %add3A_364, %max3A_366 : vector<16xf32>
      %swap3A_368 = arith.index_cast %scan3A_256 : i32 to index
      %swap3A_369 = arith.constant 96 : index
      %swap3A_370 = tpu.vector_load %arg11[%swap3A_368, %swap3A_369] {strides = array<i32>} : memref<40x128xf32, #tpu.memory_space<vmem>>, vector<1x16xf32>,
      %swap3A_371 = vector.shape_cast %swap3A_370 : vector<1x16xf32> to vector<16xf32>
      %swap3A_372 = vector.shape_cast %max3A_367 : vector<16xf32> to vector<1x16xf32>
      tpu.vector_store %arg11[%swap3A_368, %swap3A_369], %swap3A_372 {strides = array<i32>} : memref<40x128xf32, #tpu.memory_space<vmem>>, vector<1x16xf32>,
      %get3A_373 = arith.index_cast %scan3A_256 : i32 to index
      %get3A_374 = arith.constant 112 : index
      %get3A_375 = tpu.vector_load %arg7[%get3A_373, %get3A_374] {strides = array<i32>} : memref<40x128xf32, #tpu.memory_space<vmem>>, vector<1x16xf32>,
      %get3A_376 = vector.shape_cast %get3A_375 : vector<1x16xf32> to vector<16xf32>
      %get3A_377 = arith.index_cast %scan3A_256 : i32 to index
      %get3A_378 = arith.constant 112 : index
      %get3A_379 = tpu.vector_load %arg9[%get3A_377, %get3A_378] {strides = array<i32>} : memref<40x128xf32, #tpu.memory_space<vmem>>, vector<1x16xf32>,
      %get3A_380 = vector.shape_cast %get3A_379 : vector<1x16xf32> to vector<16xf32>
      %add3A_381 = arith.addf %get3A_376, %get3A_380 : vector<16xf32>
      %max3A_382 = arith.constant 0.000000e+00 : f32
      %max3A_383 = vector.broadcast %max3A_382 : f32 to vector<16xf32>
      %max3A_384 = arith.maximumf %add3A_381, %max3A_383 : vector<16xf32>
      %swap3A_385 = arith.index_cast %scan3A_256 : i32 to index
      %swap3A_386 = arith.constant 112 : index
      %swap3A_387 = tpu.vector_load %arg11[%swap3A_385, %swap3A_386] {strides = array<i32>} : memref<40x128xf32, #tpu.memory_space<vmem>>, vector<1x16xf32>,
      %swap3A_388 = vector.shape_cast %swap3A_387 : vector<1x16xf32> to vector<16xf32>
      %swap3A_389 = vector.shape_cast %max3A_384 : vector<16xf32> to vector<1x16xf32>
      tpu.vector_store %arg11[%swap3A_385, %swap3A_386], %swap3A_389 {strides = array<i32>} : memref<40x128xf32, #tpu.memory_space<vmem>>, vector<1x16xf32>,
    }
    %scan3A_206 = arith.constant 40 : i32
    %dma_wait3A_207 = arith.constant 0 : i32
    %dma_wait3A_208 = tpu.memref_slice %arg3[%dma_wait3A_207] : memref<320000xi32, #tpu.memory_space<hbm>> -> memref<40xi32, #tpu.memory_space<hbm>>
    %dma_wait3A_209 = arith.constant 0 : i32
    %dma_wait3A_210 = tpu.memref_slice %arg3[%dma_wait3A_209] : memref<320000xi32, #tpu.memory_space<hbm>> -> memref<40xi32, #tpu.memory_space<hbm>>
    tpu.wait_dma2 semaphore(%arg24 : memref<!tpu.dma_semaphore, #tpu.memory_space<semaphore_mem>>) src(%dma_wait3A_210 : memref<40xi32, #tpu.memory_space<hbm>>) dst(%arg15 : memref<40xi32, #tpu.memory_space<vmem>>)
    %dma_start3A_211 = arith.constant 0 : i32
    %dma_start3A_212 = arith.constant 0 : i32
    %dma_start3A_213 = tpu.memref_slice %arg17[%dma_start3A_211, %dma_start3A_212] : memref<10000x128xf32, #tpu.memory_space<vmem_shared>> -> memref<10000x128xf32, #tpu.memory_space<vmem_shared>>
    tpu.enqueue_indirect_dma source(%arg11 : memref<40x128xf32, #tpu.memory_space<vmem>>) target(%dma_start3A_213 : memref<10000x128xf32, #tpu.memory_space<vmem_shared>>) offsets(%arg15 : memref<40xi32, #tpu.memory_space<vmem>>) semaphore(%arg20 : memref<!tpu.dma_semaphore, #tpu.memory_space<semaphore_mem>>) {add = true}
    %dma_wait3A_214 = arith.constant 0 : i32
    %dma_wait3A_215 = arith.constant 0 : i32
    %dma_wait3A_216 = tpu.memref_slice %arg4[%dma_wait3A_214, %dma_wait3A_215] : memref<10000x128xf32, #tpu.memory_space<hbm>> -> memref<10000x128xf32, #tpu.memory_space<hbm>>
    tpu.wait_indirect_dma semaphore(%arg19 : memref<!tpu.dma_semaphore, #tpu.memory_space<semaphore_mem>>) src(%dma_wait3A_216 : memref<10000x128xf32, #tpu.memory_space<hbm>>) dst(%arg8 : memref<40x128xf32, #tpu.memory_space<vmem>>)
    %dma_wait3A_217 = arith.constant 0 : i32
    %dma_wait3A_218 = arith.constant 0 : i32
    %dma_wait3A_219 = tpu.memref_slice %arg5[%dma_wait3A_217, %dma_wait3A_218] : memref<166400x128xf32, #tpu.memory_space<hbm>> -> memref<40x128xf32, #tpu.memory_space<hbm>>
    %dma_wait3A_220 = arith.constant 0 : i32
    %dma_wait3A_221 = arith.constant 0 : i32
    %dma_wait3A_222 = tpu.memref_slice %arg5[%dma_wait3A_220, %dma_wait3A_221] : memref<166400x128xf32, #tpu.memory_space<hbm>> -> memref<40x128xf32, #tpu.memory_space<hbm>>
    tpu.wait_dma2 semaphore(%arg19 : memref<!tpu.dma_semaphore, #tpu.memory_space<semaphore_mem>>) src(%dma_wait3A_222 : memref<40x128xf32, #tpu.memory_space<hbm>>) dst(%arg10 : memref<40x128xf32, #tpu.memory_space<vmem>>)
    %dma_wait3A_223 = arith.constant 0 : i32
    %dma_wait3A_224 = arith.constant 0 : i32
    %dma_wait3A_225 = tpu.memref_slice %arg17[%dma_wait3A_223, %dma_wait3A_224] : memref<10000x128xf32, #tpu.memory_space<vmem_shared>> -> memref<10000x128xf32, #tpu.memory_space<vmem_shared>>
    tpu.wait_indirect_dma semaphore(%arg21 : memref<!tpu.dma_semaphore, #tpu.memory_space<semaphore_mem>>) src(%arg12 : memref<40x128xf32, #tpu.memory_space<vmem>>) dst(%dma_wait3A_225 : memref<10000x128xf32, #tpu.memory_space<vmem_shared>>)
    %add3A_226 = arith.constant 5160 : i32
    %add3A_227 = arith.addi %add3A_4, %add3A_226 : i32
    %dma_start3A_228 = tpu.memref_slice %arg3[%add3A_227] : memref<320000xi32, #tpu.memory_space<hbm>> -> memref<40xi32, #tpu.memory_space<hbm>>
    %dma_start3A_229 = tpu.memref_slice %arg3[%add3A_227] : memref<320000xi32, #tpu.memory_space<hbm>> -> memref<40xi32, #tpu.memory_space<hbm>>
    tpu.enqueue_dma source(%dma_start3A_229 : memref<40xi32, #tpu.memory_space<hbm>>) target(%arg16 : memref<40xi32, #tpu.memory_space<vmem>>) target_semaphore(%arg25 : memref<!tpu.dma_semaphore, #tpu.memory_space<semaphore_mem>>)
    %scan3A_230 = arith.constant 0 : i32
    %scan3A_231 = arith.constant 0 : i32
    %scan3A_232 = arith.constant 40 : i32
    %scan3A_233 = arith.addi %scan3A_231, %scan3A_232 : i32
    %scan3A_234 = arith.constant 1 : i32
    scf.for %scan3A_256 = %scan3A_231 to %scan3A_233 step %scan3A_234  : i32 {
      %get3A = arith.index_cast %scan3A_256 : i32 to index
      %get3A_257 = arith.constant 0 : index
      %get3A_258 = tpu.vector_load %arg8[%get3A, %get3A_257] {strides = array<i32>} : memref<40x128xf32, #tpu.memory_space<vmem>>, vector<1x16xf32>,
      %get3A_259 = vector.shape_cast %get3A_258 : vector<1x16xf32> to vector<16xf32>
      %get3A_260 = arith.index_cast %scan3A_256 : i32 to index
      %get3A_261 = arith.constant 0 : index
      %get3A_262 = tpu.vector_load %arg10[%get3A_260, %get3A_261] {strides = array<i32>} : memref<40x128xf32, #tpu.memory_space<vmem>>, vector<1x16xf32>,
      %get3A_263 = vector.shape_cast %get3A_262 : vector<1x16xf32> to vector<16xf32>
      %add3A_264 = arith.addf %get3A_259, %get3A_263 : vector<16xf32>
      %max3A = arith.constant 0.000000e+00 : f32
      %max3A_265 = vector.broadcast %max3A : f32 to vector<16xf32>
      %max3A_266 = arith.maximumf %add3A_264, %max3A_265 : vector<16xf32>
      %swap3A = arith.index_cast %scan3A_256 : i32 to index
      %swap3A_267 = arith.constant 0 : index
      %swap3A_268 = tpu.vector_load %arg12[%swap3A, %swap3A_267] {strides = array<i32>} : memref<40x128xf32, #tpu.memory_space<vmem>>, vector<1x16xf32>,
      %swap3A_269 = vector.shape_cast %swap3A_268 : vector<1x16xf32> to vector<16xf32>
      %swap3A_270 = vector.shape_cast %max3A_266 : vector<16xf32> to vector<1x16xf32>
      tpu.vector_store %arg12[%swap3A, %swap3A_267], %swap3A_270 {strides = array<i32>} : memref<40x128xf32, #tpu.memory_space<vmem>>, vector<1x16xf32>,
      %get3A_271 = arith.index_cast %scan3A_256 : i32 to index
      %get3A_272 = arith.constant 16 : index
      %get3A_273 = tpu.vector_load %arg8[%get3A_271, %get3A_272] {strides = array<i32>} : memref<40x128xf32, #tpu.memory_space<vmem>>, vector<1x16xf32>,
      %get3A_274 = vector.shape_cast %get3A_273 : vector<1x16xf32> to vector<16xf32>
      %get3A_275 = arith.index_cast %scan3A_256 : i32 to index
      %get3A_276 = arith.constant 16 : index
      %get3A_277 = tpu.vector_load %arg10[%get3A_275, %get3A_276] {strides = array<i32>} : memref<40x128xf32, #tpu.memory_space<vmem>>, vector<1x16xf32>,
      %get3A_278 = vector.shape_cast %get3A_277 : vector<1x16xf32> to vector<16xf32>
      %add3A_279 = arith.addf %get3A_274, %get3A_278 : vector<16xf32>
      %max3A_280 = arith.constant 0.000000e+00 : f32
      %max3A_281 = vector.broadcast %max3A_280 : f32 to vector<16xf32>
      %max3A_282 = arith.maximumf %add3A_279, %max3A_281 : vector<16xf32>
      %swap3A_283 = arith.index_cast %scan3A_256 : i32 to index
      %swap3A_284 = arith.constant 16 : index
      %swap3A_285 = tpu.vector_load %arg12[%swap3A_283, %swap3A_284] {strides = array<i32>} : memref<40x128xf32, #tpu.memory_space<vmem>>, vector<1x16xf32>,
      %swap3A_286 = vector.shape_cast %swap3A_285 : vector<1x16xf32> to vector<16xf32>
      %swap3A_287 = vector.shape_cast %max3A_282 : vector<16xf32> to vector<1x16xf32>
      tpu.vector_store %arg12[%swap3A_283, %swap3A_284], %swap3A_287 {strides = array<i32>} : memref<40x128xf32, #tpu.memory_space<vmem>>, vector<1x16xf32>,
      %get3A_288 = arith.index_cast %scan3A_256 : i32 to index
      %get3A_289 = arith.constant 32 : index
      %get3A_290 = tpu.vector_load %arg8[%get3A_288, %get3A_289] {strides = array<i32>} : memref<40x128xf32, #tpu.memory_space<vmem>>, vector<1x16xf32>,
      %get3A_291 = vector.shape_cast %get3A_290 : vector<1x16xf32> to vector<16xf32>
      %get3A_292 = arith.index_cast %scan3A_256 : i32 to index
      %get3A_293 = arith.constant 32 : index
      %get3A_294 = tpu.vector_load %arg10[%get3A_292, %get3A_293] {strides = array<i32>} : memref<40x128xf32, #tpu.memory_space<vmem>>, vector<1x16xf32>,
      %get3A_295 = vector.shape_cast %get3A_294 : vector<1x16xf32> to vector<16xf32>
      %add3A_296 = arith.addf %get3A_291, %get3A_295 : vector<16xf32>
      %max3A_297 = arith.constant 0.000000e+00 : f32
      %max3A_298 = vector.broadcast %max3A_297 : f32 to vector<16xf32>
      %max3A_299 = arith.maximumf %add3A_296, %max3A_298 : vector<16xf32>
      %swap3A_300 = arith.index_cast %scan3A_256 : i32 to index
      %swap3A_301 = arith.constant 32 : index
      %swap3A_302 = tpu.vector_load %arg12[%swap3A_300, %swap3A_301] {strides = array<i32>} : memref<40x128xf32, #tpu.memory_space<vmem>>, vector<1x16xf32>,
      %swap3A_303 = vector.shape_cast %swap3A_302 : vector<1x16xf32> to vector<16xf32>
      %swap3A_304 = vector.shape_cast %max3A_299 : vector<16xf32> to vector<1x16xf32>
      tpu.vector_store %arg12[%swap3A_300, %swap3A_301], %swap3A_304 {strides = array<i32>} : memref<40x128xf32, #tpu.memory_space<vmem>>, vector<1x16xf32>,
      %get3A_305 = arith.index_cast %scan3A_256 : i32 to index
      %get3A_306 = arith.constant 48 : index
      %get3A_307 = tpu.vector_load %arg8[%get3A_305, %get3A_306] {strides = array<i32>} : memref<40x128xf32, #tpu.memory_space<vmem>>, vector<1x16xf32>,
      %get3A_308 = vector.shape_cast %get3A_307 : vector<1x16xf32> to vector<16xf32>
      %get3A_309 = arith.index_cast %scan3A_256 : i32 to index
      %get3A_310 = arith.constant 48 : index
      %get3A_311 = tpu.vector_load %arg10[%get3A_309, %get3A_310] {strides = array<i32>} : memref<40x128xf32, #tpu.memory_space<vmem>>, vector<1x16xf32>,
      %get3A_312 = vector.shape_cast %get3A_311 : vector<1x16xf32> to vector<16xf32>
      %add3A_313 = arith.addf %get3A_308, %get3A_312 : vector<16xf32>
      %max3A_314 = arith.constant 0.000000e+00 : f32
      %max3A_315 = vector.broadcast %max3A_314 : f32 to vector<16xf32>
      %max3A_316 = arith.maximumf %add3A_313, %max3A_315 : vector<16xf32>
      %swap3A_317 = arith.index_cast %scan3A_256 : i32 to index
      %swap3A_318 = arith.constant 48 : index
      %swap3A_319 = tpu.vector_load %arg12[%swap3A_317, %swap3A_318] {strides = array<i32>} : memref<40x128xf32, #tpu.memory_space<vmem>>, vector<1x16xf32>,
      %swap3A_320 = vector.shape_cast %swap3A_319 : vector<1x16xf32> to vector<16xf32>
      %swap3A_321 = vector.shape_cast %max3A_316 : vector<16xf32> to vector<1x16xf32>
      tpu.vector_store %arg12[%swap3A_317, %swap3A_318], %swap3A_321 {strides = array<i32>} : memref<40x128xf32, #tpu.memory_space<vmem>>, vector<1x16xf32>,
      %get3A_322 = arith.index_cast %scan3A_256 : i32 to index
      %get3A_323 = arith.constant 64 : index
      %get3A_324 = tpu.vector_load %arg8[%get3A_322, %get3A_323] {strides = array<i32>} : memref<40x128xf32, #tpu.memory_space<vmem>>, vector<1x16xf32>,
      %get3A_325 = vector.shape_cast %get3A_324 : vector<1x16xf32> to vector<16xf32>
      %get3A_326 = arith.index_cast %scan3A_256 : i32 to index
      %get3A_327 = arith.constant 64 : index
      %get3A_328 = tpu.vector_load %arg10[%get3A_326, %get3A_327] {strides = array<i32>} : memref<40x128xf32, #tpu.memory_space<vmem>>, vector<1x16xf32>,
      %get3A_329 = vector.shape_cast %get3A_328 : vector<1x16xf32> to vector<16xf32>
      %add3A_330 = arith.addf %get3A_325, %get3A_329 : vector<16xf32>
      %max3A_331 = arith.constant 0.000000e+00 : f32
      %max3A_332 = vector.broadcast %max3A_331 : f32 to vector<16xf32>
      %max3A_333 = arith.maximumf %add3A_330, %max3A_332 : vector<16xf32>
      %swap3A_334 = arith.index_cast %scan3A_256 : i32 to index
      %swap3A_335 = arith.constant 64 : index
      %swap3A_336 = tpu.vector_load %arg12[%swap3A_334, %swap3A_335] {strides = array<i32>} : memref<40x128xf32, #tpu.memory_space<vmem>>, vector<1x16xf32>,
      %swap3A_337 = vector.shape_cast %swap3A_336 : vector<1x16xf32> to vector<16xf32>
      %swap3A_338 = vector.shape_cast %max3A_333 : vector<16xf32> to vector<1x16xf32>
      tpu.vector_store %arg12[%swap3A_334, %swap3A_335], %swap3A_338 {strides = array<i32>} : memref<40x128xf32, #tpu.memory_space<vmem>>, vector<1x16xf32>,
      %get3A_339 = arith.index_cast %scan3A_256 : i32 to index
      %get3A_340 = arith.constant 80 : index
      %get3A_341 = tpu.vector_load %arg8[%get3A_339, %get3A_340] {strides = array<i32>} : memref<40x128xf32, #tpu.memory_space<vmem>>, vector<1x16xf32>,
      %get3A_342 = vector.shape_cast %get3A_341 : vector<1x16xf32> to vector<16xf32>
      %get3A_343 = arith.index_cast %scan3A_256 : i32 to index
      %get3A_344 = arith.constant 80 : index
      %get3A_345 = tpu.vector_load %arg10[%get3A_343, %get3A_344] {strides = array<i32>} : memref<40x128xf32, #tpu.memory_space<vmem>>, vector<1x16xf32>,
      %get3A_346 = vector.shape_cast %get3A_345 : vector<1x16xf32> to vector<16xf32>
      %add3A_347 = arith.addf %get3A_342, %get3A_346 : vector<16xf32>
      %max3A_348 = arith.constant 0.000000e+00 : f32
      %max3A_349 = vector.broadcast %max3A_348 : f32 to vector<16xf32>
      %max3A_350 = arith.maximumf %add3A_347, %max3A_349 : vector<16xf32>
      %swap3A_351 = arith.index_cast %scan3A_256 : i32 to index
      %swap3A_352 = arith.constant 80 : index
      %swap3A_353 = tpu.vector_load %arg12[%swap3A_351, %swap3A_352] {strides = array<i32>} : memref<40x128xf32, #tpu.memory_space<vmem>>, vector<1x16xf32>,
      %swap3A_354 = vector.shape_cast %swap3A_353 : vector<1x16xf32> to vector<16xf32>
      %swap3A_355 = vector.shape_cast %max3A_350 : vector<16xf32> to vector<1x16xf32>
      tpu.vector_store %arg12[%swap3A_351, %swap3A_352], %swap3A_355 {strides = array<i32>} : memref<40x128xf32, #tpu.memory_space<vmem>>, vector<1x16xf32>,
      %get3A_356 = arith.index_cast %scan3A_256 : i32 to index
      %get3A_357 = arith.constant 96 : index
      %get3A_358 = tpu.vector_load %arg8[%get3A_356, %get3A_357] {strides = array<i32>} : memref<40x128xf32, #tpu.memory_space<vmem>>, vector<1x16xf32>,
      %get3A_359 = vector.shape_cast %get3A_358 : vector<1x16xf32> to vector<16xf32>
      %get3A_360 = arith.index_cast %scan3A_256 : i32 to index
      %get3A_361 = arith.constant 96 : index
      %get3A_362 = tpu.vector_load %arg10[%get3A_360, %get3A_361] {strides = array<i32>} : memref<40x128xf32, #tpu.memory_space<vmem>>, vector<1x16xf32>,
      %get3A_363 = vector.shape_cast %get3A_362 : vector<1x16xf32> to vector<16xf32>
      %add3A_364 = arith.addf %get3A_359, %get3A_363 : vector<16xf32>
      %max3A_365 = arith.constant 0.000000e+00 : f32
      %max3A_366 = vector.broadcast %max3A_365 : f32 to vector<16xf32>
      %max3A_367 = arith.maximumf %add3A_364, %max3A_366 : vector<16xf32>
      %swap3A_368 = arith.index_cast %scan3A_256 : i32 to index
      %swap3A_369 = arith.constant 96 : index
      %swap3A_370 = tpu.vector_load %arg12[%swap3A_368, %swap3A_369] {strides = array<i32>} : memref<40x128xf32, #tpu.memory_space<vmem>>, vector<1x16xf32>,
      %swap3A_371 = vector.shape_cast %swap3A_370 : vector<1x16xf32> to vector<16xf32>
      %swap3A_372 = vector.shape_cast %max3A_367 : vector<16xf32> to vector<1x16xf32>
      tpu.vector_store %arg12[%swap3A_368, %swap3A_369], %swap3A_372 {strides = array<i32>} : memref<40x128xf32, #tpu.memory_space<vmem>>, vector<1x16xf32>,
      %get3A_373 = arith.index_cast %scan3A_256 : i32 to index
      %get3A_374 = arith.constant 112 : index
      %get3A_375 = tpu.vector_load %arg8[%get3A_373, %get3A_374] {strides = array<i32>} : memref<40x128xf32, #tpu.memory_space<vmem>>, vector<1x16xf32>,
      %get3A_376 = vector.shape_cast %get3A_375 : vector<1x16xf32> to vector<16xf32>
      %get3A_377 = arith.index_cast %scan3A_256 : i32 to index
      %get3A_378 = arith.constant 112 : index
      %get3A_379 = tpu.vector_load %arg10[%get3A_377, %get3A_378] {strides = array<i32>} : memref<40x128xf32, #tpu.memory_space<vmem>>, vector<1x16xf32>,
      %get3A_380 = vector.shape_cast %get3A_379 : vector<1x16xf32> to vector<16xf32>
      %add3A_381 = arith.addf %get3A_376, %get3A_380 : vector<16xf32>
      %max3A_382 = arith.constant 0.000000e+00 : f32
      %max3A_383 = vector.broadcast %max3A_382 : f32 to vector<16xf32>
      %max3A_384 = arith.maximumf %add3A_381, %max3A_383 : vector<16xf32>
      %swap3A_385 = arith.index_cast %scan3A_256 : i32 to index
      %swap3A_386 = arith.constant 112 : index
      %swap3A_387 = tpu.vector_load %arg12[%swap3A_385, %swap3A_386] {strides = array<i32>} : memref<40x128xf32, #tpu.memory_space<vmem>>, vector<1x16xf32>,
      %swap3A_388 = vector.shape_cast %swap3A_387 : vector<1x16xf32> to vector<16xf32>
      %swap3A_389 = vector.shape_cast %max3A_384 : vector<16xf32> to vector<1x16xf32>
      tpu.vector_store %arg12[%swap3A_385, %swap3A_386], %swap3A_389 {strides = array<i32>} : memref<40x128xf32, #tpu.memory_space<vmem>>, vector<1x16xf32>,
    }
    %scan3A_235 = arith.constant 40 : i32
    %dma_wait3A_236 = arith.constant 0 : i32
    %dma_wait3A_237 = tpu.memref_slice %arg3[%dma_wait3A_236] : memref<320000xi32, #tpu.memory_space<hbm>> -> memref<40xi32, #tpu.memory_space<hbm>>
    %dma_wait3A_238 = arith.constant 0 : i32
    %dma_wait3A_239 = tpu.memref_slice %arg3[%dma_wait3A_238] : memref<320000xi32, #tpu.memory_space<hbm>> -> memref<40xi32, #tpu.memory_space<hbm>>
    tpu.wait_dma2 semaphore(%arg25 : memref<!tpu.dma_semaphore, #tpu.memory_space<semaphore_mem>>) src(%dma_wait3A_239 : memref<40xi32, #tpu.memory_space<hbm>>) dst(%arg16 : memref<40xi32, #tpu.memory_space<vmem>>)
    %dma_start3A_240 = arith.constant 0 : i32
    %dma_start3A_241 = arith.constant 0 : i32
    %dma_start3A_242 = tpu.memref_slice %arg17[%dma_start3A_240, %dma_start3A_241] : memref<10000x128xf32, #tpu.memory_space<vmem_shared>> -> memref<10000x128xf32, #tpu.memory_space<vmem_shared>>
    tpu.enqueue_indirect_dma source(%arg12 : memref<40x128xf32, #tpu.memory_space<vmem>>) target(%dma_start3A_242 : memref<10000x128xf32, #tpu.memory_space<vmem_shared>>) offsets(%arg16 : memref<40xi32, #tpu.memory_space<vmem>>) semaphore(%arg21 : memref<!tpu.dma_semaphore, #tpu.memory_space<semaphore_mem>>) {add = true}
    %dma_wait3A_243 = arith.constant 0 : i32
    %dma_wait3A_244 = arith.constant 0 : i32
    %dma_wait3A_245 = tpu.memref_slice %arg17[%dma_wait3A_243, %dma_wait3A_244] : memref<10000x128xf32, #tpu.memory_space<vmem_shared>> -> memref<10000x128xf32, #tpu.memory_space<vmem_shared>>
    tpu.wait_indirect_dma semaphore(%arg20 : memref<!tpu.dma_semaphore, #tpu.memory_space<semaphore_mem>>) src(%arg11 : memref<40x128xf32, #tpu.memory_space<vmem>>) dst(%dma_wait3A_245 : memref<10000x128xf32, #tpu.memory_space<vmem_shared>>)
    %dma_wait3A_246 = arith.constant 0 : i32
    %dma_wait3A_247 = arith.constant 0 : i32
    %dma_wait3A_248 = tpu.memref_slice %arg17[%dma_wait3A_246, %dma_wait3A_247] : memref<10000x128xf32, #tpu.memory_space<vmem_shared>> -> memref<10000x128xf32, #tpu.memory_space<vmem_shared>>
    tpu.wait_indirect_dma semaphore(%arg21 : memref<!tpu.dma_semaphore, #tpu.memory_space<semaphore_mem>>) src(%arg12 : memref<40x128xf32, #tpu.memory_space<vmem>>) dst(%dma_wait3A_248 : memref<10000x128xf32, #tpu.memory_space<vmem_shared>>)
    %barrier3A_249 = arith.constant 0 : index
    tpu.barrier barrier_id(%barrier3A_249)
    %mul3A_250 = arith.constant 624 : i32
    %mul3A_251 = arith.muli %arg1, %mul3A_250 : i32
    %mul3A_252 = arith.constant 624 : i32
    %mul3A_253 = arith.muli %arg1, %mul3A_252 : i32
    "tpu.region"() ({
      %run_scoped3A = tpu.sem_alloc : memref<!tpu.dma_semaphore, #tpu.memory_space<semaphore_mem>>
      %dma_start3A_256 = arith.constant 0 : i32
      %dma_start3A_257 = tpu.memref_slice %arg6[%arg0, %mul3A_253, %dma_start3A_256] : memref<2x10000x128xf32, #tpu.memory_space<hbm>> -> memref<1x624x128xf32, #tpu.memory_space<hbm>>
      %dma_start3A_258 = tpu.memref_squeeze %dma_start3A_257 : memref<1x624x128xf32, #tpu.memory_space<hbm>> -> memref<624x128xf32, #tpu.memory_space<hbm>>
      %dma_start3A_259 = arith.constant 0 : i32
      %dma_start3A_260 = tpu.memref_slice %arg17[%mul3A_251, %dma_start3A_259] : memref<10000x128xf32, #tpu.memory_space<vmem_shared>> -> memref<624x128xf32, #tpu.memory_space<vmem_shared>>
      tpu.enqueue_dma source(%dma_start3A_260 : memref<624x128xf32, #tpu.memory_space<vmem_shared>>) target(%dma_start3A_258 : memref<624x128xf32, #tpu.memory_space<hbm>>) target_semaphore(%run_scoped3A : memref<!tpu.dma_semaphore, #tpu.memory_space<semaphore_mem>>)
      %dma_wait3A_261 = arith.constant 0 : i32
      %dma_wait3A_262 = tpu.memref_slice %arg6[%arg0, %mul3A_253, %dma_wait3A_261] : memref<2x10000x128xf32, #tpu.memory_space<hbm>> -> memref<1x624x128xf32, #tpu.memory_space<hbm>>
      %dma_wait3A_263 = tpu.memref_squeeze %dma_wait3A_262 : memref<1x624x128xf32, #tpu.memory_space<hbm>> -> memref<624x128xf32, #tpu.memory_space<hbm>>
      %dma_wait3A_264 = arith.constant 0 : i32
      %dma_wait3A_265 = tpu.memref_slice %arg17[%mul3A_251, %dma_wait3A_264] : memref<10000x128xf32, #tpu.memory_space<vmem_shared>> -> memref<624x128xf32, #tpu.memory_space<vmem_shared>>
      tpu.wait_dma2 semaphore(%run_scoped3A : memref<!tpu.dma_semaphore, #tpu.memory_space<semaphore_mem>>) src(%dma_wait3A_265 : memref<624x128xf32, #tpu.memory_space<vmem_shared>>) dst(%dma_wait3A_263 : memref<624x128xf32, #tpu.memory_space<hbm>>)
      tpu.yield
    }) : () -> ()
    %eq3A = arith.constant 15 : i32
    %eq3A_254 = arith.cmpi eq, %arg1, %eq3A : i32
    %convert_element_type3A = arith.extui %eq3A_254 : i1 to i32
    %cond3A = arith.constant 0 : i32
    %cond3A_255 = arith.cmpi ne, %convert_element_type3A, %cond3A : i32
    scf.if %cond3A_255 {
      "tpu.region"() ({
        %run_scoped3A = tpu.sem_alloc : memref<!tpu.dma_semaphore, #tpu.memory_space<semaphore_mem>>
        %dma_start3A_256 = arith.constant 9984 : i32
        %dma_start3A_257 = arith.constant 0 : i32
        %dma_start3A_258 = tpu.memref_slice %arg6[%arg0, %dma_start3A_256, %dma_start3A_257] : memref<2x10000x128xf32, #tpu.memory_space<hbm>> -> memref<1x16x128xf32, #tpu.memory_space<hbm>>
        %dma_start3A_259 = tpu.memref_squeeze %dma_start3A_258 : memref<1x16x128xf32, #tpu.memory_space<hbm>> -> memref<16x128xf32, #tpu.memory_space<hbm>>
        %dma_start3A_260 = arith.constant 9984 : i32
        %dma_start3A_261 = arith.constant 0 : i32
        %dma_start3A_262 = tpu.memref_slice %arg17[%dma_start3A_260, %dma_start3A_261] : memref<10000x128xf32, #tpu.memory_space<vmem_shared>> -> memref<16x128xf32, #tpu.memory_space<vmem_shared>>
        tpu.enqueue_dma source(%dma_start3A_262 : memref<16x128xf32, #tpu.memory_space<vmem_shared>>) target(%dma_start3A_259 : memref<16x128xf32, #tpu.memory_space<hbm>>) target_semaphore(%run_scoped3A : memref<!tpu.dma_semaphore, #tpu.memory_space<semaphore_mem>>)
        %dma_wait3A_263 = arith.constant 9984 : i32
        %dma_wait3A_264 = arith.constant 0 : i32
        %dma_wait3A_265 = tpu.memref_slice %arg6[%arg0, %dma_wait3A_263, %dma_wait3A_264] : memref<2x10000x128xf32, #tpu.memory_space<hbm>> -> memref<1x16x128xf32, #tpu.memory_space<hbm>>
        %dma_wait3A_266 = tpu.memref_squeeze %dma_wait3A_265 : memref<1x16x128xf32, #tpu.memory_space<hbm>> -> memref<16x128xf32, #tpu.memory_space<hbm>>
        %dma_wait3A_267 = arith.constant 9984 : i32
        %dma_wait3A_268 = arith.constant 0 : i32
        %dma_wait3A_269 = tpu.memref_slice %arg17[%dma_wait3A_267, %dma_wait3A_268] : memref<10000x128xf32, #tpu.memory_space<vmem_shared>> -> memref<16x128xf32, #tpu.memory_space<vmem_shared>>
        tpu.wait_dma2 semaphore(%run_scoped3A : memref<!tpu.dma_semaphore, #tpu.memory_space<semaphore_mem>>) src(%dma_wait3A_269 : memref<16x128xf32, #tpu.memory_space<vmem_shared>>) dst(%dma_wait3A_266 : memref<16x128xf32, #tpu.memory_space<hbm>>)
        tpu.yield
      }) : () -> ()
    } else {
    }
    return
  }
}

#map = affine_map<(d0, d1) -> (0)>
#map1 = affine_map<(d0, d1) -> (0, 0)>
#map2 = affine_map<(d0, d1) -> (0, 0, 0)>
module attributes {stable_mosaic.version = 14 : i64} {
  func.func @_sc_body(%arg0: i32, %arg1: i32, %arg2: memref<320000xi32, #tpu.memory_space<hbm>>, %arg3: memref<320000xi32, #tpu.memory_space<hbm>>, %arg4: memref<10000x128xf32, #tpu.memory_space<hbm>>, %arg5: memref<153600x128xf32, #tpu.memory_space<hbm>>, %arg6: memref<2x10000x128xf32, #tpu.memory_space<hbm>>, %arg7: memref<40x128xf32, #tpu.memory_space<vmem>>, %arg8: memref<40x128xf32, #tpu.memory_space<vmem>>, %arg9: memref<40x128xf32, #tpu.memory_space<vmem>>, %arg10: memref<40x128xf32, #tpu.memory_space<vmem>>, %arg11: memref<40x128xf32, #tpu.memory_space<vmem>>, %arg12: memref<40x128xf32, #tpu.memory_space<vmem>>, %arg13: memref<40xi32, #tpu.memory_space<vmem>>, %arg14: memref<40xi32, #tpu.memory_space<vmem>>, %arg15: memref<40xi32, #tpu.memory_space<vmem>>, %arg16: memref<40xi32, #tpu.memory_space<vmem>>, %arg17: memref<10000x128xf32, #tpu.memory_space<vmem_shared>>, %arg18: memref<!tpu.dma_semaphore, #tpu.memory_space<semaphore_mem>>, %arg19: memref<!tpu.dma_semaphore, #tpu.memory_space<semaphore_mem>>, %arg20: memref<!tpu.dma_semaphore, #tpu.memory_space<semaphore_mem>>, %arg21: memref<!tpu.dma_semaphore, #tpu.memory_space<semaphore_mem>>, %arg22: memref<!tpu.dma_semaphore, #tpu.memory_space<semaphore_mem>>, %arg23: memref<!tpu.dma_semaphore, #tpu.memory_space<semaphore_mem>>, %arg24: memref<!tpu.dma_semaphore, #tpu.memory_space<semaphore_mem>>, %arg25: memref<!tpu.dma_semaphore, #tpu.memory_space<semaphore_mem>>) attributes {dimension_semantics = [#tpu.dimension_semantics<core_parallel>, #tpu.dimension_semantics<subcore_parallel>], iteration_bounds = array<i64: 2, 16>, scalar_prefetch = 0 : i64, scratch_operands = 19 : i64, tpu.core_type = #tpu.core_type<sc_vector_subcore>, window_params = [{transform_indices = #map}, {transform_indices = #map}, {transform_indices = #map1}, {transform_indices = #map1}, {transform_indices = #map2}]} {
    %mul3A = arith.constant 16 : i32
    %mul3A_0 = arith.muli %arg0, %mul3A : i32
    %add3A = arith.addi %mul3A_0, %arg1 : i32
    %mul3A_1 = arith.constant 4800 : i32
    %mul3A_2 = arith.muli %add3A, %mul3A_1 : i32
    %add3A_3 = arith.constant 0 : i32
    %add3A_4 = arith.addi %add3A_3, %mul3A_2 : i32
    %broadcast_in_dim3A = arith.constant 0.000000e+00 : f32
    %broadcast_in_dim3A_5 = vector.broadcast %broadcast_in_dim3A : f32 to vector<16xf32>
    %scan3A = arith.constant 0 : i32
    %scan3A_6 = arith.constant 0 : i32
    %scan3A_7 = arith.constant 40 : i32
    %scan3A_8 = arith.addi %scan3A_6, %scan3A_7 : i32
    %scan3A_9 = arith.constant 1 : i32
    scf.for %scan3A_256 = %scan3A_6 to %scan3A_8 step %scan3A_9  : i32 {
      %swap3A = arith.index_cast %scan3A_256 : i32 to index
      %swap3A_257 = arith.constant 0 : index
      %swap3A_258 = tpu.vector_load %arg11[%swap3A, %swap3A_257] {strides = array<i32>} : memref<40x128xf32, #tpu.memory_space<vmem>>, vector<1x16xf32>,
      %swap3A_259 = vector.shape_cast %swap3A_258 : vector<1x16xf32> to vector<16xf32>
      %swap3A_260 = vector.shape_cast %broadcast_in_dim3A_5 : vector<16xf32> to vector<1x16xf32>
      tpu.vector_store %arg11[%swap3A, %swap3A_257], %swap3A_260 {strides = array<i32>} : memref<40x128xf32, #tpu.memory_space<vmem>>, vector<1x16xf32>,
      %swap3A_261 = arith.index_cast %scan3A_256 : i32 to index
      %swap3A_262 = arith.constant 16 : index
      %swap3A_263 = tpu.vector_load %arg11[%swap3A_261, %swap3A_262] {strides = array<i32>} : memref<40x128xf32, #tpu.memory_space<vmem>>, vector<1x16xf32>,
      %swap3A_264 = vector.shape_cast %swap3A_263 : vector<1x16xf32> to vector<16xf32>
      %swap3A_265 = vector.shape_cast %broadcast_in_dim3A_5 : vector<16xf32> to vector<1x16xf32>
      tpu.vector_store %arg11[%swap3A_261, %swap3A_262], %swap3A_265 {strides = array<i32>} : memref<40x128xf32, #tpu.memory_space<vmem>>, vector<1x16xf32>,
      %swap3A_266 = arith.index_cast %scan3A_256 : i32 to index
      %swap3A_267 = arith.constant 32 : index
      %swap3A_268 = tpu.vector_load %arg11[%swap3A_266, %swap3A_267] {strides = array<i32>} : memref<40x128xf32, #tpu.memory_space<vmem>>, vector<1x16xf32>,
      %swap3A_269 = vector.shape_cast %swap3A_268 : vector<1x16xf32> to vector<16xf32>
      %swap3A_270 = vector.shape_cast %broadcast_in_dim3A_5 : vector<16xf32> to vector<1x16xf32>
      tpu.vector_store %arg11[%swap3A_266, %swap3A_267], %swap3A_270 {strides = array<i32>} : memref<40x128xf32, #tpu.memory_space<vmem>>, vector<1x16xf32>,
      %swap3A_271 = arith.index_cast %scan3A_256 : i32 to index
      %swap3A_272 = arith.constant 48 : index
      %swap3A_273 = tpu.vector_load %arg11[%swap3A_271, %swap3A_272] {strides = array<i32>} : memref<40x128xf32, #tpu.memory_space<vmem>>, vector<1x16xf32>,
      %swap3A_274 = vector.shape_cast %swap3A_273 : vector<1x16xf32> to vector<16xf32>
      %swap3A_275 = vector.shape_cast %broadcast_in_dim3A_5 : vector<16xf32> to vector<1x16xf32>
      tpu.vector_store %arg11[%swap3A_271, %swap3A_272], %swap3A_275 {strides = array<i32>} : memref<40x128xf32, #tpu.memory_space<vmem>>, vector<1x16xf32>,
      %swap3A_276 = arith.index_cast %scan3A_256 : i32 to index
      %swap3A_277 = arith.constant 64 : index
      %swap3A_278 = tpu.vector_load %arg11[%swap3A_276, %swap3A_277] {strides = array<i32>} : memref<40x128xf32, #tpu.memory_space<vmem>>, vector<1x16xf32>,
      %swap3A_279 = vector.shape_cast %swap3A_278 : vector<1x16xf32> to vector<16xf32>
      %swap3A_280 = vector.shape_cast %broadcast_in_dim3A_5 : vector<16xf32> to vector<1x16xf32>
      tpu.vector_store %arg11[%swap3A_276, %swap3A_277], %swap3A_280 {strides = array<i32>} : memref<40x128xf32, #tpu.memory_space<vmem>>, vector<1x16xf32>,
      %swap3A_281 = arith.index_cast %scan3A_256 : i32 to index
      %swap3A_282 = arith.constant 80 : index
      %swap3A_283 = tpu.vector_load %arg11[%swap3A_281, %swap3A_282] {strides = array<i32>} : memref<40x128xf32, #tpu.memory_space<vmem>>, vector<1x16xf32>,
      %swap3A_284 = vector.shape_cast %swap3A_283 : vector<1x16xf32> to vector<16xf32>
      %swap3A_285 = vector.shape_cast %broadcast_in_dim3A_5 : vector<16xf32> to vector<1x16xf32>
      tpu.vector_store %arg11[%swap3A_281, %swap3A_282], %swap3A_285 {strides = array<i32>} : memref<40x128xf32, #tpu.memory_space<vmem>>, vector<1x16xf32>,
      %swap3A_286 = arith.index_cast %scan3A_256 : i32 to index
      %swap3A_287 = arith.constant 96 : index
      %swap3A_288 = tpu.vector_load %arg11[%swap3A_286, %swap3A_287] {strides = array<i32>} : memref<40x128xf32, #tpu.memory_space<vmem>>, vector<1x16xf32>,
      %swap3A_289 = vector.shape_cast %swap3A_288 : vector<1x16xf32> to vector<16xf32>
      %swap3A_290 = vector.shape_cast %broadcast_in_dim3A_5 : vector<16xf32> to vector<1x16xf32>
      tpu.vector_store %arg11[%swap3A_286, %swap3A_287], %swap3A_290 {strides = array<i32>} : memref<40x128xf32, #tpu.memory_space<vmem>>, vector<1x16xf32>,
      %swap3A_291 = arith.index_cast %scan3A_256 : i32 to index
      %swap3A_292 = arith.constant 112 : index
      %swap3A_293 = tpu.vector_load %arg11[%swap3A_291, %swap3A_292] {strides = array<i32>} : memref<40x128xf32, #tpu.memory_space<vmem>>, vector<1x16xf32>,
      %swap3A_294 = vector.shape_cast %swap3A_293 : vector<1x16xf32> to vector<16xf32>
      %swap3A_295 = vector.shape_cast %broadcast_in_dim3A_5 : vector<16xf32> to vector<1x16xf32>
      tpu.vector_store %arg11[%swap3A_291, %swap3A_292], %swap3A_295 {strides = array<i32>} : memref<40x128xf32, #tpu.memory_space<vmem>>, vector<1x16xf32>,
    }
    %scan3A_10 = arith.constant 40 : i32
    %mul3A_11 = arith.constant 625 : i32
    %mul3A_12 = arith.muli %arg1, %mul3A_11 : i32
    %add3A_13 = arith.constant 0 : i32
    %add3A_14 = arith.addi %mul3A_12, %add3A_13 : i32
    "tpu.region"() ({
      %run_scoped3A = tpu.sem_alloc : memref<!tpu.dma_semaphore, #tpu.memory_space<semaphore_mem>>
      %dma_start3A_256 = arith.constant 0 : i32
      %dma_start3A_257 = tpu.memref_slice %arg17[%add3A_14, %dma_start3A_256] : memref<10000x128xf32, #tpu.memory_space<vmem_shared>> -> memref<40x128xf32, #tpu.memory_space<vmem_shared>>
      %dma_start3A_258 = arith.constant 0 : i32
      %dma_start3A_259 = tpu.memref_slice %arg17[%add3A_14, %dma_start3A_258] : memref<10000x128xf32, #tpu.memory_space<vmem_shared>> -> memref<40x128xf32, #tpu.memory_space<vmem_shared>>
      tpu.enqueue_dma source(%arg11 : memref<40x128xf32, #tpu.memory_space<vmem>>) target(%dma_start3A_259 : memref<40x128xf32, #tpu.memory_space<vmem_shared>>) target_semaphore(%run_scoped3A : memref<!tpu.dma_semaphore, #tpu.memory_space<semaphore_mem>>)
      %dma_wait3A_260 = arith.constant 0 : i32
      %dma_wait3A_261 = tpu.memref_slice %arg17[%add3A_14, %dma_wait3A_260] : memref<10000x128xf32, #tpu.memory_space<vmem_shared>> -> memref<40x128xf32, #tpu.memory_space<vmem_shared>>
      %dma_wait3A_262 = arith.constant 0 : i32
      %dma_wait3A_263 = tpu.memref_slice %arg17[%add3A_14, %dma_wait3A_262] : memref<10000x128xf32, #tpu.memory_space<vmem_shared>> -> memref<40x128xf32, #tpu.memory_space<vmem_shared>>
      tpu.wait_dma2 semaphore(%run_scoped3A : memref<!tpu.dma_semaphore, #tpu.memory_space<semaphore_mem>>) src(%arg11 : memref<40x128xf32, #tpu.memory_space<vmem>>) dst(%dma_wait3A_263 : memref<40x128xf32, #tpu.memory_space<vmem_shared>>)
      tpu.yield
    }) : () -> ()
    %mul3A_15 = arith.constant 625 : i32
    %mul3A_16 = arith.muli %arg1, %mul3A_15 : i32
    %add3A_17 = arith.constant 40 : i32
    %add3A_18 = arith.addi %mul3A_16, %add3A_17 : i32
    "tpu.region"() ({
      %run_scoped3A = tpu.sem_alloc : memref<!tpu.dma_semaphore, #tpu.memory_space<semaphore_mem>>
      %dma_start3A_256 = arith.constant 0 : i32
      %dma_start3A_257 = tpu.memref_slice %arg17[%add3A_18, %dma_start3A_256] : memref<10000x128xf32, #tpu.memory_space<vmem_shared>> -> memref<40x128xf32, #tpu.memory_space<vmem_shared>>
      %dma_start3A_258 = arith.constant 0 : i32
      %dma_start3A_259 = tpu.memref_slice %arg17[%add3A_18, %dma_start3A_258] : memref<10000x128xf32, #tpu.memory_space<vmem_shared>> -> memref<40x128xf32, #tpu.memory_space<vmem_shared>>
      tpu.enqueue_dma source(%arg11 : memref<40x128xf32, #tpu.memory_space<vmem>>) target(%dma_start3A_259 : memref<40x128xf32, #tpu.memory_space<vmem_shared>>) target_semaphore(%run_scoped3A : memref<!tpu.dma_semaphore, #tpu.memory_space<semaphore_mem>>)
      %dma_wait3A_260 = arith.constant 0 : i32
      %dma_wait3A_261 = tpu.memref_slice %arg17[%add3A_18, %dma_wait3A_260] : memref<10000x128xf32, #tpu.memory_space<vmem_shared>> -> memref<40x128xf32, #tpu.memory_space<vmem_shared>>
      %dma_wait3A_262 = arith.constant 0 : i32
      %dma_wait3A_263 = tpu.memref_slice %arg17[%add3A_18, %dma_wait3A_262] : memref<10000x128xf32, #tpu.memory_space<vmem_shared>> -> memref<40x128xf32, #tpu.memory_space<vmem_shared>>
      tpu.wait_dma2 semaphore(%run_scoped3A : memref<!tpu.dma_semaphore, #tpu.memory_space<semaphore_mem>>) src(%arg11 : memref<40x128xf32, #tpu.memory_space<vmem>>) dst(%dma_wait3A_263 : memref<40x128xf32, #tpu.memory_space<vmem_shared>>)
      tpu.yield
    }) : () -> ()
    %mul3A_19 = arith.constant 625 : i32
    %mul3A_20 = arith.muli %arg1, %mul3A_19 : i32
    %add3A_21 = arith.constant 80 : i32
    %add3A_22 = arith.addi %mul3A_20, %add3A_21 : i32
    "tpu.region"() ({
      %run_scoped3A = tpu.sem_alloc : memref<!tpu.dma_semaphore, #tpu.memory_space<semaphore_mem>>
      %dma_start3A_256 = arith.constant 0 : i32
      %dma_start3A_257 = tpu.memref_slice %arg17[%add3A_22, %dma_start3A_256] : memref<10000x128xf32, #tpu.memory_space<vmem_shared>> -> memref<40x128xf32, #tpu.memory_space<vmem_shared>>
      %dma_start3A_258 = arith.constant 0 : i32
      %dma_start3A_259 = tpu.memref_slice %arg17[%add3A_22, %dma_start3A_258] : memref<10000x128xf32, #tpu.memory_space<vmem_shared>> -> memref<40x128xf32, #tpu.memory_space<vmem_shared>>
      tpu.enqueue_dma source(%arg11 : memref<40x128xf32, #tpu.memory_space<vmem>>) target(%dma_start3A_259 : memref<40x128xf32, #tpu.memory_space<vmem_shared>>) target_semaphore(%run_scoped3A : memref<!tpu.dma_semaphore, #tpu.memory_space<semaphore_mem>>)
      %dma_wait3A_260 = arith.constant 0 : i32
      %dma_wait3A_261 = tpu.memref_slice %arg17[%add3A_22, %dma_wait3A_260] : memref<10000x128xf32, #tpu.memory_space<vmem_shared>> -> memref<40x128xf32, #tpu.memory_space<vmem_shared>>
      %dma_wait3A_262 = arith.constant 0 : i32
      %dma_wait3A_263 = tpu.memref_slice %arg17[%add3A_22, %dma_wait3A_262] : memref<10000x128xf32, #tpu.memory_space<vmem_shared>> -> memref<40x128xf32, #tpu.memory_space<vmem_shared>>
      tpu.wait_dma2 semaphore(%run_scoped3A : memref<!tpu.dma_semaphore, #tpu.memory_space<semaphore_mem>>) src(%arg11 : memref<40x128xf32, #tpu.memory_space<vmem>>) dst(%dma_wait3A_263 : memref<40x128xf32, #tpu.memory_space<vmem_shared>>)
      tpu.yield
    }) : () -> ()
    %mul3A_23 = arith.constant 625 : i32
    %mul3A_24 = arith.muli %arg1, %mul3A_23 : i32
    %add3A_25 = arith.constant 120 : i32
    %add3A_26 = arith.addi %mul3A_24, %add3A_25 : i32
    "tpu.region"() ({
      %run_scoped3A = tpu.sem_alloc : memref<!tpu.dma_semaphore, #tpu.memory_space<semaphore_mem>>
      %dma_start3A_256 = arith.constant 0 : i32
      %dma_start3A_257 = tpu.memref_slice %arg17[%add3A_26, %dma_start3A_256] : memref<10000x128xf32, #tpu.memory_space<vmem_shared>> -> memref<40x128xf32, #tpu.memory_space<vmem_shared>>
      %dma_start3A_258 = arith.constant 0 : i32
      %dma_start3A_259 = tpu.memref_slice %arg17[%add3A_26, %dma_start3A_258] : memref<10000x128xf32, #tpu.memory_space<vmem_shared>> -> memref<40x128xf32, #tpu.memory_space<vmem_shared>>
      tpu.enqueue_dma source(%arg11 : memref<40x128xf32, #tpu.memory_space<vmem>>) target(%dma_start3A_259 : memref<40x128xf32, #tpu.memory_space<vmem_shared>>) target_semaphore(%run_scoped3A : memref<!tpu.dma_semaphore, #tpu.memory_space<semaphore_mem>>)
      %dma_wait3A_260 = arith.constant 0 : i32
      %dma_wait3A_261 = tpu.memref_slice %arg17[%add3A_26, %dma_wait3A_260] : memref<10000x128xf32, #tpu.memory_space<vmem_shared>> -> memref<40x128xf32, #tpu.memory_space<vmem_shared>>
      %dma_wait3A_262 = arith.constant 0 : i32
      %dma_wait3A_263 = tpu.memref_slice %arg17[%add3A_26, %dma_wait3A_262] : memref<10000x128xf32, #tpu.memory_space<vmem_shared>> -> memref<40x128xf32, #tpu.memory_space<vmem_shared>>
      tpu.wait_dma2 semaphore(%run_scoped3A : memref<!tpu.dma_semaphore, #tpu.memory_space<semaphore_mem>>) src(%arg11 : memref<40x128xf32, #tpu.memory_space<vmem>>) dst(%dma_wait3A_263 : memref<40x128xf32, #tpu.memory_space<vmem_shared>>)
      tpu.yield
    }) : () -> ()
    %mul3A_27 = arith.constant 625 : i32
    %mul3A_28 = arith.muli %arg1, %mul3A_27 : i32
    %add3A_29 = arith.constant 160 : i32
    %add3A_30 = arith.addi %mul3A_28, %add3A_29 : i32
    "tpu.region"() ({
      %run_scoped3A = tpu.sem_alloc : memref<!tpu.dma_semaphore, #tpu.memory_space<semaphore_mem>>
      %dma_start3A_256 = arith.constant 0 : i32
      %dma_start3A_257 = tpu.memref_slice %arg17[%add3A_30, %dma_start3A_256] : memref<10000x128xf32, #tpu.memory_space<vmem_shared>> -> memref<40x128xf32, #tpu.memory_space<vmem_shared>>
      %dma_start3A_258 = arith.constant 0 : i32
      %dma_start3A_259 = tpu.memref_slice %arg17[%add3A_30, %dma_start3A_258] : memref<10000x128xf32, #tpu.memory_space<vmem_shared>> -> memref<40x128xf32, #tpu.memory_space<vmem_shared>>
      tpu.enqueue_dma source(%arg11 : memref<40x128xf32, #tpu.memory_space<vmem>>) target(%dma_start3A_259 : memref<40x128xf32, #tpu.memory_space<vmem_shared>>) target_semaphore(%run_scoped3A : memref<!tpu.dma_semaphore, #tpu.memory_space<semaphore_mem>>)
      %dma_wait3A_260 = arith.constant 0 : i32
      %dma_wait3A_261 = tpu.memref_slice %arg17[%add3A_30, %dma_wait3A_260] : memref<10000x128xf32, #tpu.memory_space<vmem_shared>> -> memref<40x128xf32, #tpu.memory_space<vmem_shared>>
      %dma_wait3A_262 = arith.constant 0 : i32
      %dma_wait3A_263 = tpu.memref_slice %arg17[%add3A_30, %dma_wait3A_262] : memref<10000x128xf32, #tpu.memory_space<vmem_shared>> -> memref<40x128xf32, #tpu.memory_space<vmem_shared>>
      tpu.wait_dma2 semaphore(%run_scoped3A : memref<!tpu.dma_semaphore, #tpu.memory_space<semaphore_mem>>) src(%arg11 : memref<40x128xf32, #tpu.memory_space<vmem>>) dst(%dma_wait3A_263 : memref<40x128xf32, #tpu.memory_space<vmem_shared>>)
      tpu.yield
    }) : () -> ()
    %mul3A_31 = arith.constant 625 : i32
    %mul3A_32 = arith.muli %arg1, %mul3A_31 : i32
    %add3A_33 = arith.constant 200 : i32
    %add3A_34 = arith.addi %mul3A_32, %add3A_33 : i32
    "tpu.region"() ({
      %run_scoped3A = tpu.sem_alloc : memref<!tpu.dma_semaphore, #tpu.memory_space<semaphore_mem>>
      %dma_start3A_256 = arith.constant 0 : i32
      %dma_start3A_257 = tpu.memref_slice %arg17[%add3A_34, %dma_start3A_256] : memref<10000x128xf32, #tpu.memory_space<vmem_shared>> -> memref<40x128xf32, #tpu.memory_space<vmem_shared>>
      %dma_start3A_258 = arith.constant 0 : i32
      %dma_start3A_259 = tpu.memref_slice %arg17[%add3A_34, %dma_start3A_258] : memref<10000x128xf32, #tpu.memory_space<vmem_shared>> -> memref<40x128xf32, #tpu.memory_space<vmem_shared>>
      tpu.enqueue_dma source(%arg11 : memref<40x128xf32, #tpu.memory_space<vmem>>) target(%dma_start3A_259 : memref<40x128xf32, #tpu.memory_space<vmem_shared>>) target_semaphore(%run_scoped3A : memref<!tpu.dma_semaphore, #tpu.memory_space<semaphore_mem>>)
      %dma_wait3A_260 = arith.constant 0 : i32
      %dma_wait3A_261 = tpu.memref_slice %arg17[%add3A_34, %dma_wait3A_260] : memref<10000x128xf32, #tpu.memory_space<vmem_shared>> -> memref<40x128xf32, #tpu.memory_space<vmem_shared>>
      %dma_wait3A_262 = arith.constant 0 : i32
      %dma_wait3A_263 = tpu.memref_slice %arg17[%add3A_34, %dma_wait3A_262] : memref<10000x128xf32, #tpu.memory_space<vmem_shared>> -> memref<40x128xf32, #tpu.memory_space<vmem_shared>>
      tpu.wait_dma2 semaphore(%run_scoped3A : memref<!tpu.dma_semaphore, #tpu.memory_space<semaphore_mem>>) src(%arg11 : memref<40x128xf32, #tpu.memory_space<vmem>>) dst(%dma_wait3A_263 : memref<40x128xf32, #tpu.memory_space<vmem_shared>>)
      tpu.yield
    }) : () -> ()
    %mul3A_35 = arith.constant 625 : i32
    %mul3A_36 = arith.muli %arg1, %mul3A_35 : i32
    %add3A_37 = arith.constant 240 : i32
    %add3A_38 = arith.addi %mul3A_36, %add3A_37 : i32
    "tpu.region"() ({
      %run_scoped3A = tpu.sem_alloc : memref<!tpu.dma_semaphore, #tpu.memory_space<semaphore_mem>>
      %dma_start3A_256 = arith.constant 0 : i32
      %dma_start3A_257 = tpu.memref_slice %arg17[%add3A_38, %dma_start3A_256] : memref<10000x128xf32, #tpu.memory_space<vmem_shared>> -> memref<40x128xf32, #tpu.memory_space<vmem_shared>>
      %dma_start3A_258 = arith.constant 0 : i32
      %dma_start3A_259 = tpu.memref_slice %arg17[%add3A_38, %dma_start3A_258] : memref<10000x128xf32, #tpu.memory_space<vmem_shared>> -> memref<40x128xf32, #tpu.memory_space<vmem_shared>>
      tpu.enqueue_dma source(%arg11 : memref<40x128xf32, #tpu.memory_space<vmem>>) target(%dma_start3A_259 : memref<40x128xf32, #tpu.memory_space<vmem_shared>>) target_semaphore(%run_scoped3A : memref<!tpu.dma_semaphore, #tpu.memory_space<semaphore_mem>>)
      %dma_wait3A_260 = arith.constant 0 : i32
      %dma_wait3A_261 = tpu.memref_slice %arg17[%add3A_38, %dma_wait3A_260] : memref<10000x128xf32, #tpu.memory_space<vmem_shared>> -> memref<40x128xf32, #tpu.memory_space<vmem_shared>>
      %dma_wait3A_262 = arith.constant 0 : i32
      %dma_wait3A_263 = tpu.memref_slice %arg17[%add3A_38, %dma_wait3A_262] : memref<10000x128xf32, #tpu.memory_space<vmem_shared>> -> memref<40x128xf32, #tpu.memory_space<vmem_shared>>
      tpu.wait_dma2 semaphore(%run_scoped3A : memref<!tpu.dma_semaphore, #tpu.memory_space<semaphore_mem>>) src(%arg11 : memref<40x128xf32, #tpu.memory_space<vmem>>) dst(%dma_wait3A_263 : memref<40x128xf32, #tpu.memory_space<vmem_shared>>)
      tpu.yield
    }) : () -> ()
    %mul3A_39 = arith.constant 625 : i32
    %mul3A_40 = arith.muli %arg1, %mul3A_39 : i32
    %add3A_41 = arith.constant 280 : i32
    %add3A_42 = arith.addi %mul3A_40, %add3A_41 : i32
    "tpu.region"() ({
      %run_scoped3A = tpu.sem_alloc : memref<!tpu.dma_semaphore, #tpu.memory_space<semaphore_mem>>
      %dma_start3A_256 = arith.constant 0 : i32
      %dma_start3A_257 = tpu.memref_slice %arg17[%add3A_42, %dma_start3A_256] : memref<10000x128xf32, #tpu.memory_space<vmem_shared>> -> memref<40x128xf32, #tpu.memory_space<vmem_shared>>
      %dma_start3A_258 = arith.constant 0 : i32
      %dma_start3A_259 = tpu.memref_slice %arg17[%add3A_42, %dma_start3A_258] : memref<10000x128xf32, #tpu.memory_space<vmem_shared>> -> memref<40x128xf32, #tpu.memory_space<vmem_shared>>
      tpu.enqueue_dma source(%arg11 : memref<40x128xf32, #tpu.memory_space<vmem>>) target(%dma_start3A_259 : memref<40x128xf32, #tpu.memory_space<vmem_shared>>) target_semaphore(%run_scoped3A : memref<!tpu.dma_semaphore, #tpu.memory_space<semaphore_mem>>)
      %dma_wait3A_260 = arith.constant 0 : i32
      %dma_wait3A_261 = tpu.memref_slice %arg17[%add3A_42, %dma_wait3A_260] : memref<10000x128xf32, #tpu.memory_space<vmem_shared>> -> memref<40x128xf32, #tpu.memory_space<vmem_shared>>
      %dma_wait3A_262 = arith.constant 0 : i32
      %dma_wait3A_263 = tpu.memref_slice %arg17[%add3A_42, %dma_wait3A_262] : memref<10000x128xf32, #tpu.memory_space<vmem_shared>> -> memref<40x128xf32, #tpu.memory_space<vmem_shared>>
      tpu.wait_dma2 semaphore(%run_scoped3A : memref<!tpu.dma_semaphore, #tpu.memory_space<semaphore_mem>>) src(%arg11 : memref<40x128xf32, #tpu.memory_space<vmem>>) dst(%dma_wait3A_263 : memref<40x128xf32, #tpu.memory_space<vmem_shared>>)
      tpu.yield
    }) : () -> ()
    %mul3A_43 = arith.constant 625 : i32
    %mul3A_44 = arith.muli %arg1, %mul3A_43 : i32
    %add3A_45 = arith.constant 320 : i32
    %add3A_46 = arith.addi %mul3A_44, %add3A_45 : i32
    "tpu.region"() ({
      %run_scoped3A = tpu.sem_alloc : memref<!tpu.dma_semaphore, #tpu.memory_space<semaphore_mem>>
      %dma_start3A_256 = arith.constant 0 : i32
      %dma_start3A_257 = tpu.memref_slice %arg17[%add3A_46, %dma_start3A_256] : memref<10000x128xf32, #tpu.memory_space<vmem_shared>> -> memref<40x128xf32, #tpu.memory_space<vmem_shared>>
      %dma_start3A_258 = arith.constant 0 : i32
      %dma_start3A_259 = tpu.memref_slice %arg17[%add3A_46, %dma_start3A_258] : memref<10000x128xf32, #tpu.memory_space<vmem_shared>> -> memref<40x128xf32, #tpu.memory_space<vmem_shared>>
      tpu.enqueue_dma source(%arg11 : memref<40x128xf32, #tpu.memory_space<vmem>>) target(%dma_start3A_259 : memref<40x128xf32, #tpu.memory_space<vmem_shared>>) target_semaphore(%run_scoped3A : memref<!tpu.dma_semaphore, #tpu.memory_space<semaphore_mem>>)
      %dma_wait3A_260 = arith.constant 0 : i32
      %dma_wait3A_261 = tpu.memref_slice %arg17[%add3A_46, %dma_wait3A_260] : memref<10000x128xf32, #tpu.memory_space<vmem_shared>> -> memref<40x128xf32, #tpu.memory_space<vmem_shared>>
      %dma_wait3A_262 = arith.constant 0 : i32
      %dma_wait3A_263 = tpu.memref_slice %arg17[%add3A_46, %dma_wait3A_262] : memref<10000x128xf32, #tpu.memory_space<vmem_shared>> -> memref<40x128xf32, #tpu.memory_space<vmem_shared>>
      tpu.wait_dma2 semaphore(%run_scoped3A : memref<!tpu.dma_semaphore, #tpu.memory_space<semaphore_mem>>) src(%arg11 : memref<40x128xf32, #tpu.memory_space<vmem>>) dst(%dma_wait3A_263 : memref<40x128xf32, #tpu.memory_space<vmem_shared>>)
      tpu.yield
    }) : () -> ()
    %mul3A_47 = arith.constant 625 : i32
    %mul3A_48 = arith.muli %arg1, %mul3A_47 : i32
    %add3A_49 = arith.constant 360 : i32
    %add3A_50 = arith.addi %mul3A_48, %add3A_49 : i32
    "tpu.region"() ({
      %run_scoped3A = tpu.sem_alloc : memref<!tpu.dma_semaphore, #tpu.memory_space<semaphore_mem>>
      %dma_start3A_256 = arith.constant 0 : i32
      %dma_start3A_257 = tpu.memref_slice %arg17[%add3A_50, %dma_start3A_256] : memref<10000x128xf32, #tpu.memory_space<vmem_shared>> -> memref<40x128xf32, #tpu.memory_space<vmem_shared>>
      %dma_start3A_258 = arith.constant 0 : i32
      %dma_start3A_259 = tpu.memref_slice %arg17[%add3A_50, %dma_start3A_258] : memref<10000x128xf32, #tpu.memory_space<vmem_shared>> -> memref<40x128xf32, #tpu.memory_space<vmem_shared>>
      tpu.enqueue_dma source(%arg11 : memref<40x128xf32, #tpu.memory_space<vmem>>) target(%dma_start3A_259 : memref<40x128xf32, #tpu.memory_space<vmem_shared>>) target_semaphore(%run_scoped3A : memref<!tpu.dma_semaphore, #tpu.memory_space<semaphore_mem>>)
      %dma_wait3A_260 = arith.constant 0 : i32
      %dma_wait3A_261 = tpu.memref_slice %arg17[%add3A_50, %dma_wait3A_260] : memref<10000x128xf32, #tpu.memory_space<vmem_shared>> -> memref<40x128xf32, #tpu.memory_space<vmem_shared>>
      %dma_wait3A_262 = arith.constant 0 : i32
      %dma_wait3A_263 = tpu.memref_slice %arg17[%add3A_50, %dma_wait3A_262] : memref<10000x128xf32, #tpu.memory_space<vmem_shared>> -> memref<40x128xf32, #tpu.memory_space<vmem_shared>>
      tpu.wait_dma2 semaphore(%run_scoped3A : memref<!tpu.dma_semaphore, #tpu.memory_space<semaphore_mem>>) src(%arg11 : memref<40x128xf32, #tpu.memory_space<vmem>>) dst(%dma_wait3A_263 : memref<40x128xf32, #tpu.memory_space<vmem_shared>>)
      tpu.yield
    }) : () -> ()
    %mul3A_51 = arith.constant 625 : i32
    %mul3A_52 = arith.muli %arg1, %mul3A_51 : i32
    %add3A_53 = arith.constant 400 : i32
    %add3A_54 = arith.addi %mul3A_52, %add3A_53 : i32
    "tpu.region"() ({
      %run_scoped3A = tpu.sem_alloc : memref<!tpu.dma_semaphore, #tpu.memory_space<semaphore_mem>>
      %dma_start3A_256 = arith.constant 0 : i32
      %dma_start3A_257 = tpu.memref_slice %arg17[%add3A_54, %dma_start3A_256] : memref<10000x128xf32, #tpu.memory_space<vmem_shared>> -> memref<40x128xf32, #tpu.memory_space<vmem_shared>>
      %dma_start3A_258 = arith.constant 0 : i32
      %dma_start3A_259 = tpu.memref_slice %arg17[%add3A_54, %dma_start3A_258] : memref<10000x128xf32, #tpu.memory_space<vmem_shared>> -> memref<40x128xf32, #tpu.memory_space<vmem_shared>>
      tpu.enqueue_dma source(%arg11 : memref<40x128xf32, #tpu.memory_space<vmem>>) target(%dma_start3A_259 : memref<40x128xf32, #tpu.memory_space<vmem_shared>>) target_semaphore(%run_scoped3A : memref<!tpu.dma_semaphore, #tpu.memory_space<semaphore_mem>>)
      %dma_wait3A_260 = arith.constant 0 : i32
      %dma_wait3A_261 = tpu.memref_slice %arg17[%add3A_54, %dma_wait3A_260] : memref<10000x128xf32, #tpu.memory_space<vmem_shared>> -> memref<40x128xf32, #tpu.memory_space<vmem_shared>>
      %dma_wait3A_262 = arith.constant 0 : i32
      %dma_wait3A_263 = tpu.memref_slice %arg17[%add3A_54, %dma_wait3A_262] : memref<10000x128xf32, #tpu.memory_space<vmem_shared>> -> memref<40x128xf32, #tpu.memory_space<vmem_shared>>
      tpu.wait_dma2 semaphore(%run_scoped3A : memref<!tpu.dma_semaphore, #tpu.memory_space<semaphore_mem>>) src(%arg11 : memref<40x128xf32, #tpu.memory_space<vmem>>) dst(%dma_wait3A_263 : memref<40x128xf32, #tpu.memory_space<vmem_shared>>)
      tpu.yield
    }) : () -> ()
    %mul3A_55 = arith.constant 625 : i32
    %mul3A_56 = arith.muli %arg1, %mul3A_55 : i32
    %add3A_57 = arith.constant 440 : i32
    %add3A_58 = arith.addi %mul3A_56, %add3A_57 : i32
    "tpu.region"() ({
      %run_scoped3A = tpu.sem_alloc : memref<!tpu.dma_semaphore, #tpu.memory_space<semaphore_mem>>
      %dma_start3A_256 = arith.constant 0 : i32
      %dma_start3A_257 = tpu.memref_slice %arg17[%add3A_58, %dma_start3A_256] : memref<10000x128xf32, #tpu.memory_space<vmem_shared>> -> memref<40x128xf32, #tpu.memory_space<vmem_shared>>
      %dma_start3A_258 = arith.constant 0 : i32
      %dma_start3A_259 = tpu.memref_slice %arg17[%add3A_58, %dma_start3A_258] : memref<10000x128xf32, #tpu.memory_space<vmem_shared>> -> memref<40x128xf32, #tpu.memory_space<vmem_shared>>
      tpu.enqueue_dma source(%arg11 : memref<40x128xf32, #tpu.memory_space<vmem>>) target(%dma_start3A_259 : memref<40x128xf32, #tpu.memory_space<vmem_shared>>) target_semaphore(%run_scoped3A : memref<!tpu.dma_semaphore, #tpu.memory_space<semaphore_mem>>)
      %dma_wait3A_260 = arith.constant 0 : i32
      %dma_wait3A_261 = tpu.memref_slice %arg17[%add3A_58, %dma_wait3A_260] : memref<10000x128xf32, #tpu.memory_space<vmem_shared>> -> memref<40x128xf32, #tpu.memory_space<vmem_shared>>
      %dma_wait3A_262 = arith.constant 0 : i32
      %dma_wait3A_263 = tpu.memref_slice %arg17[%add3A_58, %dma_wait3A_262] : memref<10000x128xf32, #tpu.memory_space<vmem_shared>> -> memref<40x128xf32, #tpu.memory_space<vmem_shared>>
      tpu.wait_dma2 semaphore(%run_scoped3A : memref<!tpu.dma_semaphore, #tpu.memory_space<semaphore_mem>>) src(%arg11 : memref<40x128xf32, #tpu.memory_space<vmem>>) dst(%dma_wait3A_263 : memref<40x128xf32, #tpu.memory_space<vmem_shared>>)
      tpu.yield
    }) : () -> ()
    %mul3A_59 = arith.constant 625 : i32
    %mul3A_60 = arith.muli %arg1, %mul3A_59 : i32
    %add3A_61 = arith.constant 480 : i32
    %add3A_62 = arith.addi %mul3A_60, %add3A_61 : i32
    "tpu.region"() ({
      %run_scoped3A = tpu.sem_alloc : memref<!tpu.dma_semaphore, #tpu.memory_space<semaphore_mem>>
      %dma_start3A_256 = arith.constant 0 : i32
      %dma_start3A_257 = tpu.memref_slice %arg17[%add3A_62, %dma_start3A_256] : memref<10000x128xf32, #tpu.memory_space<vmem_shared>> -> memref<40x128xf32, #tpu.memory_space<vmem_shared>>
      %dma_start3A_258 = arith.constant 0 : i32
      %dma_start3A_259 = tpu.memref_slice %arg17[%add3A_62, %dma_start3A_258] : memref<10000x128xf32, #tpu.memory_space<vmem_shared>> -> memref<40x128xf32, #tpu.memory_space<vmem_shared>>
      tpu.enqueue_dma source(%arg11 : memref<40x128xf32, #tpu.memory_space<vmem>>) target(%dma_start3A_259 : memref<40x128xf32, #tpu.memory_space<vmem_shared>>) target_semaphore(%run_scoped3A : memref<!tpu.dma_semaphore, #tpu.memory_space<semaphore_mem>>)
      %dma_wait3A_260 = arith.constant 0 : i32
      %dma_wait3A_261 = tpu.memref_slice %arg17[%add3A_62, %dma_wait3A_260] : memref<10000x128xf32, #tpu.memory_space<vmem_shared>> -> memref<40x128xf32, #tpu.memory_space<vmem_shared>>
      %dma_wait3A_262 = arith.constant 0 : i32
      %dma_wait3A_263 = tpu.memref_slice %arg17[%add3A_62, %dma_wait3A_262] : memref<10000x128xf32, #tpu.memory_space<vmem_shared>> -> memref<40x128xf32, #tpu.memory_space<vmem_shared>>
      tpu.wait_dma2 semaphore(%run_scoped3A : memref<!tpu.dma_semaphore, #tpu.memory_space<semaphore_mem>>) src(%arg11 : memref<40x128xf32, #tpu.memory_space<vmem>>) dst(%dma_wait3A_263 : memref<40x128xf32, #tpu.memory_space<vmem_shared>>)
      tpu.yield
    }) : () -> ()
    %mul3A_63 = arith.constant 625 : i32
    %mul3A_64 = arith.muli %arg1, %mul3A_63 : i32
    %add3A_65 = arith.constant 520 : i32
    %add3A_66 = arith.addi %mul3A_64, %add3A_65 : i32
    "tpu.region"() ({
      %run_scoped3A = tpu.sem_alloc : memref<!tpu.dma_semaphore, #tpu.memory_space<semaphore_mem>>
      %dma_start3A_256 = arith.constant 0 : i32
      %dma_start3A_257 = tpu.memref_slice %arg17[%add3A_66, %dma_start3A_256] : memref<10000x128xf32, #tpu.memory_space<vmem_shared>> -> memref<40x128xf32, #tpu.memory_space<vmem_shared>>
      %dma_start3A_258 = arith.constant 0 : i32
      %dma_start3A_259 = tpu.memref_slice %arg17[%add3A_66, %dma_start3A_258] : memref<10000x128xf32, #tpu.memory_space<vmem_shared>> -> memref<40x128xf32, #tpu.memory_space<vmem_shared>>
      tpu.enqueue_dma source(%arg11 : memref<40x128xf32, #tpu.memory_space<vmem>>) target(%dma_start3A_259 : memref<40x128xf32, #tpu.memory_space<vmem_shared>>) target_semaphore(%run_scoped3A : memref<!tpu.dma_semaphore, #tpu.memory_space<semaphore_mem>>)
      %dma_wait3A_260 = arith.constant 0 : i32
      %dma_wait3A_261 = tpu.memref_slice %arg17[%add3A_66, %dma_wait3A_260] : memref<10000x128xf32, #tpu.memory_space<vmem_shared>> -> memref<40x128xf32, #tpu.memory_space<vmem_shared>>
      %dma_wait3A_262 = arith.constant 0 : i32
      %dma_wait3A_263 = tpu.memref_slice %arg17[%add3A_66, %dma_wait3A_262] : memref<10000x128xf32, #tpu.memory_space<vmem_shared>> -> memref<40x128xf32, #tpu.memory_space<vmem_shared>>
      tpu.wait_dma2 semaphore(%run_scoped3A : memref<!tpu.dma_semaphore, #tpu.memory_space<semaphore_mem>>) src(%arg11 : memref<40x128xf32, #tpu.memory_space<vmem>>) dst(%dma_wait3A_263 : memref<40x128xf32, #tpu.memory_space<vmem_shared>>)
      tpu.yield
    }) : () -> ()
    %mul3A_67 = arith.constant 625 : i32
    %mul3A_68 = arith.muli %arg1, %mul3A_67 : i32
    %add3A_69 = arith.constant 560 : i32
    %add3A_70 = arith.addi %mul3A_68, %add3A_69 : i32
    "tpu.region"() ({
      %run_scoped3A = tpu.sem_alloc : memref<!tpu.dma_semaphore, #tpu.memory_space<semaphore_mem>>
      %dma_start3A_256 = arith.constant 0 : i32
      %dma_start3A_257 = tpu.memref_slice %arg17[%add3A_70, %dma_start3A_256] : memref<10000x128xf32, #tpu.memory_space<vmem_shared>> -> memref<40x128xf32, #tpu.memory_space<vmem_shared>>
      %dma_start3A_258 = arith.constant 0 : i32
      %dma_start3A_259 = tpu.memref_slice %arg17[%add3A_70, %dma_start3A_258] : memref<10000x128xf32, #tpu.memory_space<vmem_shared>> -> memref<40x128xf32, #tpu.memory_space<vmem_shared>>
      tpu.enqueue_dma source(%arg11 : memref<40x128xf32, #tpu.memory_space<vmem>>) target(%dma_start3A_259 : memref<40x128xf32, #tpu.memory_space<vmem_shared>>) target_semaphore(%run_scoped3A : memref<!tpu.dma_semaphore, #tpu.memory_space<semaphore_mem>>)
      %dma_wait3A_260 = arith.constant 0 : i32
      %dma_wait3A_261 = tpu.memref_slice %arg17[%add3A_70, %dma_wait3A_260] : memref<10000x128xf32, #tpu.memory_space<vmem_shared>> -> memref<40x128xf32, #tpu.memory_space<vmem_shared>>
      %dma_wait3A_262 = arith.constant 0 : i32
      %dma_wait3A_263 = tpu.memref_slice %arg17[%add3A_70, %dma_wait3A_262] : memref<10000x128xf32, #tpu.memory_space<vmem_shared>> -> memref<40x128xf32, #tpu.memory_space<vmem_shared>>
      tpu.wait_dma2 semaphore(%run_scoped3A : memref<!tpu.dma_semaphore, #tpu.memory_space<semaphore_mem>>) src(%arg11 : memref<40x128xf32, #tpu.memory_space<vmem>>) dst(%dma_wait3A_263 : memref<40x128xf32, #tpu.memory_space<vmem_shared>>)
      tpu.yield
    }) : () -> ()
    %mul3A_71 = arith.constant 625 : i32
    %mul3A_72 = arith.muli %arg1, %mul3A_71 : i32
    %add3A_73 = arith.constant 600 : i32
    %add3A_74 = arith.addi %mul3A_72, %add3A_73 : i32
    "tpu.region"() ({
      %run_scoped3A = tpu.sem_alloc : memref<!tpu.dma_semaphore, #tpu.memory_space<semaphore_mem>>
      %dma_start3A_256 = arith.constant 0 : i32
      %dma_start3A_257 = arith.constant 0 : i32
      %dma_start3A_258 = tpu.memref_slice %arg11[%dma_start3A_256, %dma_start3A_257] : memref<40x128xf32, #tpu.memory_space<vmem>> -> memref<25x128xf32, #tpu.memory_space<vmem>>
      %dma_start3A_259 = arith.constant 0 : i32
      %dma_start3A_260 = tpu.memref_slice %arg17[%add3A_74, %dma_start3A_259] : memref<10000x128xf32, #tpu.memory_space<vmem_shared>> -> memref<25x128xf32, #tpu.memory_space<vmem_shared>>
      %dma_start3A_261 = arith.constant 0 : i32
      %dma_start3A_262 = tpu.memref_slice %arg17[%add3A_74, %dma_start3A_261] : memref<10000x128xf32, #tpu.memory_space<vmem_shared>> -> memref<25x128xf32, #tpu.memory_space<vmem_shared>>
      %dma_start3A_263 = arith.constant 0 : i32
      %dma_start3A_264 = arith.constant 0 : i32
      %dma_start3A_265 = tpu.memref_slice %arg11[%dma_start3A_263, %dma_start3A_264] : memref<40x128xf32, #tpu.memory_space<vmem>> -> memref<25x128xf32, #tpu.memory_space<vmem>>
      tpu.enqueue_dma source(%dma_start3A_265 : memref<25x128xf32, #tpu.memory_space<vmem>>) target(%dma_start3A_262 : memref<25x128xf32, #tpu.memory_space<vmem_shared>>) target_semaphore(%run_scoped3A : memref<!tpu.dma_semaphore, #tpu.memory_space<semaphore_mem>>)
      %dma_wait3A_266 = arith.constant 0 : i32
      %dma_wait3A_267 = arith.constant 0 : i32
      %dma_wait3A_268 = tpu.memref_slice %arg11[%dma_wait3A_266, %dma_wait3A_267] : memref<40x128xf32, #tpu.memory_space<vmem>> -> memref<25x128xf32, #tpu.memory_space<vmem>>
      %dma_wait3A_269 = arith.constant 0 : i32
      %dma_wait3A_270 = tpu.memref_slice %arg17[%add3A_74, %dma_wait3A_269] : memref<10000x128xf32, #tpu.memory_space<vmem_shared>> -> memref<25x128xf32, #tpu.memory_space<vmem_shared>>
      %dma_wait3A_271 = arith.constant 0 : i32
      %dma_wait3A_272 = tpu.memref_slice %arg17[%add3A_74, %dma_wait3A_271] : memref<10000x128xf32, #tpu.memory_space<vmem_shared>> -> memref<25x128xf32, #tpu.memory_space<vmem_shared>>
      %dma_wait3A_273 = arith.constant 0 : i32
      %dma_wait3A_274 = arith.constant 0 : i32
      %dma_wait3A_275 = tpu.memref_slice %arg11[%dma_wait3A_273, %dma_wait3A_274] : memref<40x128xf32, #tpu.memory_space<vmem>> -> memref<25x128xf32, #tpu.memory_space<vmem>>
      tpu.wait_dma2 semaphore(%run_scoped3A : memref<!tpu.dma_semaphore, #tpu.memory_space<semaphore_mem>>) src(%dma_wait3A_275 : memref<25x128xf32, #tpu.memory_space<vmem>>) dst(%dma_wait3A_272 : memref<25x128xf32, #tpu.memory_space<vmem_shared>>)
      tpu.yield
    }) : () -> ()
    %barrier3A = arith.constant 0 : index
    tpu.barrier barrier_id(%barrier3A)
    "tpu.region"() ({
      %run_scoped3A = tpu.sem_alloc : memref<!tpu.dma_semaphore, #tpu.memory_space<semaphore_mem>>
      %dma_start3A_256 = tpu.memref_slice %arg2[%add3A_4] : memref<320000xi32, #tpu.memory_space<hbm>> -> memref<40xi32, #tpu.memory_space<hbm>>
      %dma_start3A_257 = tpu.memref_slice %arg2[%add3A_4] : memref<320000xi32, #tpu.memory_space<hbm>> -> memref<40xi32, #tpu.memory_space<hbm>>
      tpu.enqueue_dma source(%dma_start3A_257 : memref<40xi32, #tpu.memory_space<hbm>>) target(%arg13 : memref<40xi32, #tpu.memory_space<vmem>>) target_semaphore(%run_scoped3A : memref<!tpu.dma_semaphore, #tpu.memory_space<semaphore_mem>>)
      %dma_wait3A_258 = tpu.memref_slice %arg2[%add3A_4] : memref<320000xi32, #tpu.memory_space<hbm>> -> memref<40xi32, #tpu.memory_space<hbm>>
      %dma_wait3A_259 = tpu.memref_slice %arg2[%add3A_4] : memref<320000xi32, #tpu.memory_space<hbm>> -> memref<40xi32, #tpu.memory_space<hbm>>
      tpu.wait_dma2 semaphore(%run_scoped3A : memref<!tpu.dma_semaphore, #tpu.memory_space<semaphore_mem>>) src(%dma_wait3A_259 : memref<40xi32, #tpu.memory_space<hbm>>) dst(%arg13 : memref<40xi32, #tpu.memory_space<vmem>>)
      tpu.yield
    }) : () -> ()
    %add3A_75 = arith.constant 40 : i32
    %add3A_76 = arith.addi %add3A_4, %add3A_75 : i32
    "tpu.region"() ({
      %run_scoped3A = tpu.sem_alloc : memref<!tpu.dma_semaphore, #tpu.memory_space<semaphore_mem>>
      %dma_start3A_256 = tpu.memref_slice %arg2[%add3A_76] : memref<320000xi32, #tpu.memory_space<hbm>> -> memref<40xi32, #tpu.memory_space<hbm>>
      %dma_start3A_257 = tpu.memref_slice %arg2[%add3A_76] : memref<320000xi32, #tpu.memory_space<hbm>> -> memref<40xi32, #tpu.memory_space<hbm>>
      tpu.enqueue_dma source(%dma_start3A_257 : memref<40xi32, #tpu.memory_space<hbm>>) target(%arg14 : memref<40xi32, #tpu.memory_space<vmem>>) target_semaphore(%run_scoped3A : memref<!tpu.dma_semaphore, #tpu.memory_space<semaphore_mem>>)
      %dma_wait3A_258 = tpu.memref_slice %arg2[%add3A_76] : memref<320000xi32, #tpu.memory_space<hbm>> -> memref<40xi32, #tpu.memory_space<hbm>>
      %dma_wait3A_259 = tpu.memref_slice %arg2[%add3A_76] : memref<320000xi32, #tpu.memory_space<hbm>> -> memref<40xi32, #tpu.memory_space<hbm>>
      tpu.wait_dma2 semaphore(%run_scoped3A : memref<!tpu.dma_semaphore, #tpu.memory_space<semaphore_mem>>) src(%dma_wait3A_259 : memref<40xi32, #tpu.memory_space<hbm>>) dst(%arg14 : memref<40xi32, #tpu.memory_space<vmem>>)
      tpu.yield
    }) : () -> ()
    %dma_start3A = arith.constant 0 : i32
    %dma_start3A_77 = arith.constant 0 : i32
    %dma_start3A_78 = tpu.memref_slice %arg4[%dma_start3A, %dma_start3A_77] : memref<10000x128xf32, #tpu.memory_space<hbm>> -> memref<10000x128xf32, #tpu.memory_space<hbm>>
    tpu.enqueue_indirect_dma source(%dma_start3A_78 : memref<10000x128xf32, #tpu.memory_space<hbm>>) target(%arg7 : memref<40x128xf32, #tpu.memory_space<vmem>>) offsets(%arg13 : memref<40xi32, #tpu.memory_space<vmem>>) semaphore(%arg18 : memref<!tpu.dma_semaphore, #tpu.memory_space<semaphore_mem>>)
    %add3A_79 = arith.constant 0 : i32
    %add3A_80 = arith.addi %mul3A_2, %add3A_79 : i32
    %dma_start3A_81 = arith.constant 0 : i32
    %dma_start3A_82 = tpu.memref_slice %arg5[%add3A_80, %dma_start3A_81] : memref<153600x128xf32, #tpu.memory_space<hbm>> -> memref<40x128xf32, #tpu.memory_space<hbm>>
    %dma_start3A_83 = arith.constant 0 : i32
    %dma_start3A_84 = tpu.memref_slice %arg5[%add3A_80, %dma_start3A_83] : memref<153600x128xf32, #tpu.memory_space<hbm>> -> memref<40x128xf32, #tpu.memory_space<hbm>>
    tpu.enqueue_dma source(%dma_start3A_84 : memref<40x128xf32, #tpu.memory_space<hbm>>) target(%arg9 : memref<40x128xf32, #tpu.memory_space<vmem>>) target_semaphore(%arg18 : memref<!tpu.dma_semaphore, #tpu.memory_space<semaphore_mem>>)
    %dma_start3A_85 = arith.constant 0 : i32
    %dma_start3A_86 = arith.constant 0 : i32
    %dma_start3A_87 = tpu.memref_slice %arg4[%dma_start3A_85, %dma_start3A_86] : memref<10000x128xf32, #tpu.memory_space<hbm>> -> memref<10000x128xf32, #tpu.memory_space<hbm>>
    tpu.enqueue_indirect_dma source(%dma_start3A_87 : memref<10000x128xf32, #tpu.memory_space<hbm>>) target(%arg8 : memref<40x128xf32, #tpu.memory_space<vmem>>) offsets(%arg14 : memref<40xi32, #tpu.memory_space<vmem>>) semaphore(%arg19 : memref<!tpu.dma_semaphore, #tpu.memory_space<semaphore_mem>>)
    %add3A_88 = arith.constant 40 : i32
    %add3A_89 = arith.addi %mul3A_2, %add3A_88 : i32
    %dma_start3A_90 = arith.constant 0 : i32
    %dma_start3A_91 = tpu.memref_slice %arg5[%add3A_89, %dma_start3A_90] : memref<153600x128xf32, #tpu.memory_space<hbm>> -> memref<40x128xf32, #tpu.memory_space<hbm>>
    %dma_start3A_92 = arith.constant 0 : i32
    %dma_start3A_93 = tpu.memref_slice %arg5[%add3A_89, %dma_start3A_92] : memref<153600x128xf32, #tpu.memory_space<hbm>> -> memref<40x128xf32, #tpu.memory_space<hbm>>
    tpu.enqueue_dma source(%dma_start3A_93 : memref<40x128xf32, #tpu.memory_space<hbm>>) target(%arg10 : memref<40x128xf32, #tpu.memory_space<vmem>>) target_semaphore(%arg19 : memref<!tpu.dma_semaphore, #tpu.memory_space<semaphore_mem>>)
    %dma_wait3A = arith.constant 0 : i32
    %dma_wait3A_94 = arith.constant 0 : i32
    %dma_wait3A_95 = tpu.memref_slice %arg4[%dma_wait3A, %dma_wait3A_94] : memref<10000x128xf32, #tpu.memory_space<hbm>> -> memref<10000x128xf32, #tpu.memory_space<hbm>>
    tpu.wait_indirect_dma semaphore(%arg18 : memref<!tpu.dma_semaphore, #tpu.memory_space<semaphore_mem>>) src(%dma_wait3A_95 : memref<10000x128xf32, #tpu.memory_space<hbm>>) dst(%arg7 : memref<40x128xf32, #tpu.memory_space<vmem>>)
    %dma_wait3A_96 = arith.constant 0 : i32
    %dma_wait3A_97 = arith.constant 0 : i32
    %dma_wait3A_98 = tpu.memref_slice %arg5[%dma_wait3A_96, %dma_wait3A_97] : memref<153600x128xf32, #tpu.memory_space<hbm>> -> memref<40x128xf32, #tpu.memory_space<hbm>>
    %dma_wait3A_99 = arith.constant 0 : i32
    %dma_wait3A_100 = arith.constant 0 : i32
    %dma_wait3A_101 = tpu.memref_slice %arg5[%dma_wait3A_99, %dma_wait3A_100] : memref<153600x128xf32, #tpu.memory_space<hbm>> -> memref<40x128xf32, #tpu.memory_space<hbm>>
    tpu.wait_dma2 semaphore(%arg18 : memref<!tpu.dma_semaphore, #tpu.memory_space<semaphore_mem>>) src(%dma_wait3A_101 : memref<40x128xf32, #tpu.memory_space<hbm>>) dst(%arg9 : memref<40x128xf32, #tpu.memory_space<vmem>>)
    %add3A_102 = arith.constant 80 : i32
    %add3A_103 = arith.addi %add3A_4, %add3A_102 : i32
    %dma_start3A_104 = tpu.memref_slice %arg2[%add3A_103] : memref<320000xi32, #tpu.memory_space<hbm>> -> memref<40xi32, #tpu.memory_space<hbm>>
    %dma_start3A_105 = tpu.memref_slice %arg2[%add3A_103] : memref<320000xi32, #tpu.memory_space<hbm>> -> memref<40xi32, #tpu.memory_space<hbm>>
    tpu.enqueue_dma source(%dma_start3A_105 : memref<40xi32, #tpu.memory_space<hbm>>) target(%arg13 : memref<40xi32, #tpu.memory_space<vmem>>) target_semaphore(%arg22 : memref<!tpu.dma_semaphore, #tpu.memory_space<semaphore_mem>>)
    %add3A_106 = arith.constant 0 : i32
    %add3A_107 = arith.addi %add3A_4, %add3A_106 : i32
    %dma_start3A_108 = tpu.memref_slice %arg3[%add3A_107] : memref<320000xi32, #tpu.memory_space<hbm>> -> memref<40xi32, #tpu.memory_space<hbm>>
    %dma_start3A_109 = tpu.memref_slice %arg3[%add3A_107] : memref<320000xi32, #tpu.memory_space<hbm>> -> memref<40xi32, #tpu.memory_space<hbm>>
    tpu.enqueue_dma source(%dma_start3A_109 : memref<40xi32, #tpu.memory_space<hbm>>) target(%arg15 : memref<40xi32, #tpu.memory_space<vmem>>) target_semaphore(%arg24 : memref<!tpu.dma_semaphore, #tpu.memory_space<semaphore_mem>>)
    %scan3A_110 = arith.constant 0 : i32
    %scan3A_111 = arith.constant 0 : i32
    %scan3A_112 = arith.constant 40 : i32
    %scan3A_113 = arith.addi %scan3A_111, %scan3A_112 : i32
    %scan3A_114 = arith.constant 1 : i32
    scf.for %scan3A_256 = %scan3A_111 to %scan3A_113 step %scan3A_114  : i32 {
      %get3A = arith.index_cast %scan3A_256 : i32 to index
      %get3A_257 = arith.constant 0 : index
      %get3A_258 = tpu.vector_load %arg7[%get3A, %get3A_257] {strides = array<i32>} : memref<40x128xf32, #tpu.memory_space<vmem>>, vector<1x16xf32>,
      %get3A_259 = vector.shape_cast %get3A_258 : vector<1x16xf32> to vector<16xf32>
      %get3A_260 = arith.index_cast %scan3A_256 : i32 to index
      %get3A_261 = arith.constant 0 : index
      %get3A_262 = tpu.vector_load %arg9[%get3A_260, %get3A_261] {strides = array<i32>} : memref<40x128xf32, #tpu.memory_space<vmem>>, vector<1x16xf32>,
      %get3A_263 = vector.shape_cast %get3A_262 : vector<1x16xf32> to vector<16xf32>
      %add3A_264 = arith.addf %get3A_259, %get3A_263 : vector<16xf32>
      %max3A = arith.constant 0.000000e+00 : f32
      %max3A_265 = vector.broadcast %max3A : f32 to vector<16xf32>
      %max3A_266 = arith.maximumf %add3A_264, %max3A_265 : vector<16xf32>
      %swap3A = arith.index_cast %scan3A_256 : i32 to index
      %swap3A_267 = arith.constant 0 : index
      %swap3A_268 = tpu.vector_load %arg11[%swap3A, %swap3A_267] {strides = array<i32>} : memref<40x128xf32, #tpu.memory_space<vmem>>, vector<1x16xf32>,
      %swap3A_269 = vector.shape_cast %swap3A_268 : vector<1x16xf32> to vector<16xf32>
      %swap3A_270 = vector.shape_cast %max3A_266 : vector<16xf32> to vector<1x16xf32>
      tpu.vector_store %arg11[%swap3A, %swap3A_267], %swap3A_270 {strides = array<i32>} : memref<40x128xf32, #tpu.memory_space<vmem>>, vector<1x16xf32>,
      %get3A_271 = arith.index_cast %scan3A_256 : i32 to index
      %get3A_272 = arith.constant 16 : index
      %get3A_273 = tpu.vector_load %arg7[%get3A_271, %get3A_272] {strides = array<i32>} : memref<40x128xf32, #tpu.memory_space<vmem>>, vector<1x16xf32>,
      %get3A_274 = vector.shape_cast %get3A_273 : vector<1x16xf32> to vector<16xf32>
      %get3A_275 = arith.index_cast %scan3A_256 : i32 to index
      %get3A_276 = arith.constant 16 : index
      %get3A_277 = tpu.vector_load %arg9[%get3A_275, %get3A_276] {strides = array<i32>} : memref<40x128xf32, #tpu.memory_space<vmem>>, vector<1x16xf32>,
      %get3A_278 = vector.shape_cast %get3A_277 : vector<1x16xf32> to vector<16xf32>
      %add3A_279 = arith.addf %get3A_274, %get3A_278 : vector<16xf32>
      %max3A_280 = arith.constant 0.000000e+00 : f32
      %max3A_281 = vector.broadcast %max3A_280 : f32 to vector<16xf32>
      %max3A_282 = arith.maximumf %add3A_279, %max3A_281 : vector<16xf32>
      %swap3A_283 = arith.index_cast %scan3A_256 : i32 to index
      %swap3A_284 = arith.constant 16 : index
      %swap3A_285 = tpu.vector_load %arg11[%swap3A_283, %swap3A_284] {strides = array<i32>} : memref<40x128xf32, #tpu.memory_space<vmem>>, vector<1x16xf32>,
      %swap3A_286 = vector.shape_cast %swap3A_285 : vector<1x16xf32> to vector<16xf32>
      %swap3A_287 = vector.shape_cast %max3A_282 : vector<16xf32> to vector<1x16xf32>
      tpu.vector_store %arg11[%swap3A_283, %swap3A_284], %swap3A_287 {strides = array<i32>} : memref<40x128xf32, #tpu.memory_space<vmem>>, vector<1x16xf32>,
      %get3A_288 = arith.index_cast %scan3A_256 : i32 to index
      %get3A_289 = arith.constant 32 : index
      %get3A_290 = tpu.vector_load %arg7[%get3A_288, %get3A_289] {strides = array<i32>} : memref<40x128xf32, #tpu.memory_space<vmem>>, vector<1x16xf32>,
      %get3A_291 = vector.shape_cast %get3A_290 : vector<1x16xf32> to vector<16xf32>
      %get3A_292 = arith.index_cast %scan3A_256 : i32 to index
      %get3A_293 = arith.constant 32 : index
      %get3A_294 = tpu.vector_load %arg9[%get3A_292, %get3A_293] {strides = array<i32>} : memref<40x128xf32, #tpu.memory_space<vmem>>, vector<1x16xf32>,
      %get3A_295 = vector.shape_cast %get3A_294 : vector<1x16xf32> to vector<16xf32>
      %add3A_296 = arith.addf %get3A_291, %get3A_295 : vector<16xf32>
      %max3A_297 = arith.constant 0.000000e+00 : f32
      %max3A_298 = vector.broadcast %max3A_297 : f32 to vector<16xf32>
      %max3A_299 = arith.maximumf %add3A_296, %max3A_298 : vector<16xf32>
      %swap3A_300 = arith.index_cast %scan3A_256 : i32 to index
      %swap3A_301 = arith.constant 32 : index
      %swap3A_302 = tpu.vector_load %arg11[%swap3A_300, %swap3A_301] {strides = array<i32>} : memref<40x128xf32, #tpu.memory_space<vmem>>, vector<1x16xf32>,
      %swap3A_303 = vector.shape_cast %swap3A_302 : vector<1x16xf32> to vector<16xf32>
      %swap3A_304 = vector.shape_cast %max3A_299 : vector<16xf32> to vector<1x16xf32>
      tpu.vector_store %arg11[%swap3A_300, %swap3A_301], %swap3A_304 {strides = array<i32>} : memref<40x128xf32, #tpu.memory_space<vmem>>, vector<1x16xf32>,
      %get3A_305 = arith.index_cast %scan3A_256 : i32 to index
      %get3A_306 = arith.constant 48 : index
      %get3A_307 = tpu.vector_load %arg7[%get3A_305, %get3A_306] {strides = array<i32>} : memref<40x128xf32, #tpu.memory_space<vmem>>, vector<1x16xf32>,
      %get3A_308 = vector.shape_cast %get3A_307 : vector<1x16xf32> to vector<16xf32>
      %get3A_309 = arith.index_cast %scan3A_256 : i32 to index
      %get3A_310 = arith.constant 48 : index
      %get3A_311 = tpu.vector_load %arg9[%get3A_309, %get3A_310] {strides = array<i32>} : memref<40x128xf32, #tpu.memory_space<vmem>>, vector<1x16xf32>,
      %get3A_312 = vector.shape_cast %get3A_311 : vector<1x16xf32> to vector<16xf32>
      %add3A_313 = arith.addf %get3A_308, %get3A_312 : vector<16xf32>
      %max3A_314 = arith.constant 0.000000e+00 : f32
      %max3A_315 = vector.broadcast %max3A_314 : f32 to vector<16xf32>
      %max3A_316 = arith.maximumf %add3A_313, %max3A_315 : vector<16xf32>
      %swap3A_317 = arith.index_cast %scan3A_256 : i32 to index
      %swap3A_318 = arith.constant 48 : index
      %swap3A_319 = tpu.vector_load %arg11[%swap3A_317, %swap3A_318] {strides = array<i32>} : memref<40x128xf32, #tpu.memory_space<vmem>>, vector<1x16xf32>,
      %swap3A_320 = vector.shape_cast %swap3A_319 : vector<1x16xf32> to vector<16xf32>
      %swap3A_321 = vector.shape_cast %max3A_316 : vector<16xf32> to vector<1x16xf32>
      tpu.vector_store %arg11[%swap3A_317, %swap3A_318], %swap3A_321 {strides = array<i32>} : memref<40x128xf32, #tpu.memory_space<vmem>>, vector<1x16xf32>,
      %get3A_322 = arith.index_cast %scan3A_256 : i32 to index
      %get3A_323 = arith.constant 64 : index
      %get3A_324 = tpu.vector_load %arg7[%get3A_322, %get3A_323] {strides = array<i32>} : memref<40x128xf32, #tpu.memory_space<vmem>>, vector<1x16xf32>,
      %get3A_325 = vector.shape_cast %get3A_324 : vector<1x16xf32> to vector<16xf32>
      %get3A_326 = arith.index_cast %scan3A_256 : i32 to index
      %get3A_327 = arith.constant 64 : index
      %get3A_328 = tpu.vector_load %arg9[%get3A_326, %get3A_327] {strides = array<i32>} : memref<40x128xf32, #tpu.memory_space<vmem>>, vector<1x16xf32>,
      %get3A_329 = vector.shape_cast %get3A_328 : vector<1x16xf32> to vector<16xf32>
      %add3A_330 = arith.addf %get3A_325, %get3A_329 : vector<16xf32>
      %max3A_331 = arith.constant 0.000000e+00 : f32
      %max3A_332 = vector.broadcast %max3A_331 : f32 to vector<16xf32>
      %max3A_333 = arith.maximumf %add3A_330, %max3A_332 : vector<16xf32>
      %swap3A_334 = arith.index_cast %scan3A_256 : i32 to index
      %swap3A_335 = arith.constant 64 : index
      %swap3A_336 = tpu.vector_load %arg11[%swap3A_334, %swap3A_335] {strides = array<i32>} : memref<40x128xf32, #tpu.memory_space<vmem>>, vector<1x16xf32>,
      %swap3A_337 = vector.shape_cast %swap3A_336 : vector<1x16xf32> to vector<16xf32>
      %swap3A_338 = vector.shape_cast %max3A_333 : vector<16xf32> to vector<1x16xf32>
      tpu.vector_store %arg11[%swap3A_334, %swap3A_335], %swap3A_338 {strides = array<i32>} : memref<40x128xf32, #tpu.memory_space<vmem>>, vector<1x16xf32>,
      %get3A_339 = arith.index_cast %scan3A_256 : i32 to index
      %get3A_340 = arith.constant 80 : index
      %get3A_341 = tpu.vector_load %arg7[%get3A_339, %get3A_340] {strides = array<i32>} : memref<40x128xf32, #tpu.memory_space<vmem>>, vector<1x16xf32>,
      %get3A_342 = vector.shape_cast %get3A_341 : vector<1x16xf32> to vector<16xf32>
      %get3A_343 = arith.index_cast %scan3A_256 : i32 to index
      %get3A_344 = arith.constant 80 : index
      %get3A_345 = tpu.vector_load %arg9[%get3A_343, %get3A_344] {strides = array<i32>} : memref<40x128xf32, #tpu.memory_space<vmem>>, vector<1x16xf32>,
      %get3A_346 = vector.shape_cast %get3A_345 : vector<1x16xf32> to vector<16xf32>
      %add3A_347 = arith.addf %get3A_342, %get3A_346 : vector<16xf32>
      %max3A_348 = arith.constant 0.000000e+00 : f32
      %max3A_349 = vector.broadcast %max3A_348 : f32 to vector<16xf32>
      %max3A_350 = arith.maximumf %add3A_347, %max3A_349 : vector<16xf32>
      %swap3A_351 = arith.index_cast %scan3A_256 : i32 to index
      %swap3A_352 = arith.constant 80 : index
      %swap3A_353 = tpu.vector_load %arg11[%swap3A_351, %swap3A_352] {strides = array<i32>} : memref<40x128xf32, #tpu.memory_space<vmem>>, vector<1x16xf32>,
      %swap3A_354 = vector.shape_cast %swap3A_353 : vector<1x16xf32> to vector<16xf32>
      %swap3A_355 = vector.shape_cast %max3A_350 : vector<16xf32> to vector<1x16xf32>
      tpu.vector_store %arg11[%swap3A_351, %swap3A_352], %swap3A_355 {strides = array<i32>} : memref<40x128xf32, #tpu.memory_space<vmem>>, vector<1x16xf32>,
      %get3A_356 = arith.index_cast %scan3A_256 : i32 to index
      %get3A_357 = arith.constant 96 : index
      %get3A_358 = tpu.vector_load %arg7[%get3A_356, %get3A_357] {strides = array<i32>} : memref<40x128xf32, #tpu.memory_space<vmem>>, vector<1x16xf32>,
      %get3A_359 = vector.shape_cast %get3A_358 : vector<1x16xf32> to vector<16xf32>
      %get3A_360 = arith.index_cast %scan3A_256 : i32 to index
      %get3A_361 = arith.constant 96 : index
      %get3A_362 = tpu.vector_load %arg9[%get3A_360, %get3A_361] {strides = array<i32>} : memref<40x128xf32, #tpu.memory_space<vmem>>, vector<1x16xf32>,
      %get3A_363 = vector.shape_cast %get3A_362 : vector<1x16xf32> to vector<16xf32>
      %add3A_364 = arith.addf %get3A_359, %get3A_363 : vector<16xf32>
      %max3A_365 = arith.constant 0.000000e+00 : f32
      %max3A_366 = vector.broadcast %max3A_365 : f32 to vector<16xf32>
      %max3A_367 = arith.maximumf %add3A_364, %max3A_366 : vector<16xf32>
      %swap3A_368 = arith.index_cast %scan3A_256 : i32 to index
      %swap3A_369 = arith.constant 96 : index
      %swap3A_370 = tpu.vector_load %arg11[%swap3A_368, %swap3A_369] {strides = array<i32>} : memref<40x128xf32, #tpu.memory_space<vmem>>, vector<1x16xf32>,
      %swap3A_371 = vector.shape_cast %swap3A_370 : vector<1x16xf32> to vector<16xf32>
      %swap3A_372 = vector.shape_cast %max3A_367 : vector<16xf32> to vector<1x16xf32>
      tpu.vector_store %arg11[%swap3A_368, %swap3A_369], %swap3A_372 {strides = array<i32>} : memref<40x128xf32, #tpu.memory_space<vmem>>, vector<1x16xf32>,
      %get3A_373 = arith.index_cast %scan3A_256 : i32 to index
      %get3A_374 = arith.constant 112 : index
      %get3A_375 = tpu.vector_load %arg7[%get3A_373, %get3A_374] {strides = array<i32>} : memref<40x128xf32, #tpu.memory_space<vmem>>, vector<1x16xf32>,
      %get3A_376 = vector.shape_cast %get3A_375 : vector<1x16xf32> to vector<16xf32>
      %get3A_377 = arith.index_cast %scan3A_256 : i32 to index
      %get3A_378 = arith.constant 112 : index
      %get3A_379 = tpu.vector_load %arg9[%get3A_377, %get3A_378] {strides = array<i32>} : memref<40x128xf32, #tpu.memory_space<vmem>>, vector<1x16xf32>,
      %get3A_380 = vector.shape_cast %get3A_379 : vector<1x16xf32> to vector<16xf32>
      %add3A_381 = arith.addf %get3A_376, %get3A_380 : vector<16xf32>
      %max3A_382 = arith.constant 0.000000e+00 : f32
      %max3A_383 = vector.broadcast %max3A_382 : f32 to vector<16xf32>
      %max3A_384 = arith.maximumf %add3A_381, %max3A_383 : vector<16xf32>
      %swap3A_385 = arith.index_cast %scan3A_256 : i32 to index
      %swap3A_386 = arith.constant 112 : index
      %swap3A_387 = tpu.vector_load %arg11[%swap3A_385, %swap3A_386] {strides = array<i32>} : memref<40x128xf32, #tpu.memory_space<vmem>>, vector<1x16xf32>,
      %swap3A_388 = vector.shape_cast %swap3A_387 : vector<1x16xf32> to vector<16xf32>
      %swap3A_389 = vector.shape_cast %max3A_384 : vector<16xf32> to vector<1x16xf32>
      tpu.vector_store %arg11[%swap3A_385, %swap3A_386], %swap3A_389 {strides = array<i32>} : memref<40x128xf32, #tpu.memory_space<vmem>>, vector<1x16xf32>,
    }
    %scan3A_115 = arith.constant 40 : i32
    %dma_wait3A_116 = arith.constant 0 : i32
    %dma_wait3A_117 = tpu.memref_slice %arg3[%dma_wait3A_116] : memref<320000xi32, #tpu.memory_space<hbm>> -> memref<40xi32, #tpu.memory_space<hbm>>
    %dma_wait3A_118 = arith.constant 0 : i32
    %dma_wait3A_119 = tpu.memref_slice %arg3[%dma_wait3A_118] : memref<320000xi32, #tpu.memory_space<hbm>> -> memref<40xi32, #tpu.memory_space<hbm>>
    tpu.wait_dma2 semaphore(%arg24 : memref<!tpu.dma_semaphore, #tpu.memory_space<semaphore_mem>>) src(%dma_wait3A_119 : memref<40xi32, #tpu.memory_space<hbm>>) dst(%arg15 : memref<40xi32, #tpu.memory_space<vmem>>)
    %dma_start3A_120 = arith.constant 0 : i32
    %dma_start3A_121 = arith.constant 0 : i32
    %dma_start3A_122 = tpu.memref_slice %arg17[%dma_start3A_120, %dma_start3A_121] : memref<10000x128xf32, #tpu.memory_space<vmem_shared>> -> memref<10000x128xf32, #tpu.memory_space<vmem_shared>>
    tpu.enqueue_indirect_dma source(%arg11 : memref<40x128xf32, #tpu.memory_space<vmem>>) target(%dma_start3A_122 : memref<10000x128xf32, #tpu.memory_space<vmem_shared>>) offsets(%arg15 : memref<40xi32, #tpu.memory_space<vmem>>) semaphore(%arg20 : memref<!tpu.dma_semaphore, #tpu.memory_space<semaphore_mem>>) {add = true}
    %dma_wait3A_123 = arith.constant 0 : i32
    %dma_wait3A_124 = tpu.memref_slice %arg2[%dma_wait3A_123] : memref<320000xi32, #tpu.memory_space<hbm>> -> memref<40xi32, #tpu.memory_space<hbm>>
    %dma_wait3A_125 = arith.constant 0 : i32
    %dma_wait3A_126 = tpu.memref_slice %arg2[%dma_wait3A_125] : memref<320000xi32, #tpu.memory_space<hbm>> -> memref<40xi32, #tpu.memory_space<hbm>>
    tpu.wait_dma2 semaphore(%arg22 : memref<!tpu.dma_semaphore, #tpu.memory_space<semaphore_mem>>) src(%dma_wait3A_126 : memref<40xi32, #tpu.memory_space<hbm>>) dst(%arg13 : memref<40xi32, #tpu.memory_space<vmem>>)
    %dma_start3A_127 = arith.constant 0 : i32
    %dma_start3A_128 = arith.constant 0 : i32
    %dma_start3A_129 = tpu.memref_slice %arg4[%dma_start3A_127, %dma_start3A_128] : memref<10000x128xf32, #tpu.memory_space<hbm>> -> memref<10000x128xf32, #tpu.memory_space<hbm>>
    tpu.enqueue_indirect_dma source(%dma_start3A_129 : memref<10000x128xf32, #tpu.memory_space<hbm>>) target(%arg7 : memref<40x128xf32, #tpu.memory_space<vmem>>) offsets(%arg13 : memref<40xi32, #tpu.memory_space<vmem>>) semaphore(%arg18 : memref<!tpu.dma_semaphore, #tpu.memory_space<semaphore_mem>>)
    %add3A_130 = arith.constant 80 : i32
    %add3A_131 = arith.addi %mul3A_2, %add3A_130 : i32
    %dma_start3A_132 = arith.constant 0 : i32
    %dma_start3A_133 = tpu.memref_slice %arg5[%add3A_131, %dma_start3A_132] : memref<153600x128xf32, #tpu.memory_space<hbm>> -> memref<40x128xf32, #tpu.memory_space<hbm>>
    %dma_start3A_134 = arith.constant 0 : i32
    %dma_start3A_135 = tpu.memref_slice %arg5[%add3A_131, %dma_start3A_134] : memref<153600x128xf32, #tpu.memory_space<hbm>> -> memref<40x128xf32, #tpu.memory_space<hbm>>
    tpu.enqueue_dma source(%dma_start3A_135 : memref<40x128xf32, #tpu.memory_space<hbm>>) target(%arg9 : memref<40x128xf32, #tpu.memory_space<vmem>>) target_semaphore(%arg18 : memref<!tpu.dma_semaphore, #tpu.memory_space<semaphore_mem>>)
    %dma_wait3A_136 = arith.constant 0 : i32
    %dma_wait3A_137 = arith.constant 0 : i32
    %dma_wait3A_138 = tpu.memref_slice %arg4[%dma_wait3A_136, %dma_wait3A_137] : memref<10000x128xf32, #tpu.memory_space<hbm>> -> memref<10000x128xf32, #tpu.memory_space<hbm>>
    tpu.wait_indirect_dma semaphore(%arg19 : memref<!tpu.dma_semaphore, #tpu.memory_space<semaphore_mem>>) src(%dma_wait3A_138 : memref<10000x128xf32, #tpu.memory_space<hbm>>) dst(%arg8 : memref<40x128xf32, #tpu.memory_space<vmem>>)
    %dma_wait3A_139 = arith.constant 0 : i32
    %dma_wait3A_140 = arith.constant 0 : i32
    %dma_wait3A_141 = tpu.memref_slice %arg5[%dma_wait3A_139, %dma_wait3A_140] : memref<153600x128xf32, #tpu.memory_space<hbm>> -> memref<40x128xf32, #tpu.memory_space<hbm>>
    %dma_wait3A_142 = arith.constant 0 : i32
    %dma_wait3A_143 = arith.constant 0 : i32
    %dma_wait3A_144 = tpu.memref_slice %arg5[%dma_wait3A_142, %dma_wait3A_143] : memref<153600x128xf32, #tpu.memory_space<hbm>> -> memref<40x128xf32, #tpu.memory_space<hbm>>
    tpu.wait_dma2 semaphore(%arg19 : memref<!tpu.dma_semaphore, #tpu.memory_space<semaphore_mem>>) src(%dma_wait3A_144 : memref<40x128xf32, #tpu.memory_space<hbm>>) dst(%arg10 : memref<40x128xf32, #tpu.memory_space<vmem>>)
    %add3A_145 = arith.constant 120 : i32
    %add3A_146 = arith.addi %add3A_4, %add3A_145 : i32
    %dma_start3A_147 = tpu.memref_slice %arg2[%add3A_146] : memref<320000xi32, #tpu.memory_space<hbm>> -> memref<40xi32, #tpu.memory_space<hbm>>
    %dma_start3A_148 = tpu.memref_slice %arg2[%add3A_146] : memref<320000xi32, #tpu.memory_space<hbm>> -> memref<40xi32, #tpu.memory_space<hbm>>
    tpu.enqueue_dma source(%dma_start3A_148 : memref<40xi32, #tpu.memory_space<hbm>>) target(%arg14 : memref<40xi32, #tpu.memory_space<vmem>>) target_semaphore(%arg23 : memref<!tpu.dma_semaphore, #tpu.memory_space<semaphore_mem>>)
    %add3A_149 = arith.constant 40 : i32
    %add3A_150 = arith.addi %add3A_4, %add3A_149 : i32
    %dma_start3A_151 = tpu.memref_slice %arg3[%add3A_150] : memref<320000xi32, #tpu.memory_space<hbm>> -> memref<40xi32, #tpu.memory_space<hbm>>
    %dma_start3A_152 = tpu.memref_slice %arg3[%add3A_150] : memref<320000xi32, #tpu.memory_space<hbm>> -> memref<40xi32, #tpu.memory_space<hbm>>
    tpu.enqueue_dma source(%dma_start3A_152 : memref<40xi32, #tpu.memory_space<hbm>>) target(%arg16 : memref<40xi32, #tpu.memory_space<vmem>>) target_semaphore(%arg25 : memref<!tpu.dma_semaphore, #tpu.memory_space<semaphore_mem>>)
    %scan3A_153 = arith.constant 0 : i32
    %scan3A_154 = arith.constant 0 : i32
    %scan3A_155 = arith.constant 40 : i32
    %scan3A_156 = arith.addi %scan3A_154, %scan3A_155 : i32
    %scan3A_157 = arith.constant 1 : i32
    scf.for %scan3A_256 = %scan3A_154 to %scan3A_156 step %scan3A_157  : i32 {
      %get3A = arith.index_cast %scan3A_256 : i32 to index
      %get3A_257 = arith.constant 0 : index
      %get3A_258 = tpu.vector_load %arg8[%get3A, %get3A_257] {strides = array<i32>} : memref<40x128xf32, #tpu.memory_space<vmem>>, vector<1x16xf32>,
      %get3A_259 = vector.shape_cast %get3A_258 : vector<1x16xf32> to vector<16xf32>
      %get3A_260 = arith.index_cast %scan3A_256 : i32 to index
      %get3A_261 = arith.constant 0 : index
      %get3A_262 = tpu.vector_load %arg10[%get3A_260, %get3A_261] {strides = array<i32>} : memref<40x128xf32, #tpu.memory_space<vmem>>, vector<1x16xf32>,
      %get3A_263 = vector.shape_cast %get3A_262 : vector<1x16xf32> to vector<16xf32>
      %add3A_264 = arith.addf %get3A_259, %get3A_263 : vector<16xf32>
      %max3A = arith.constant 0.000000e+00 : f32
      %max3A_265 = vector.broadcast %max3A : f32 to vector<16xf32>
      %max3A_266 = arith.maximumf %add3A_264, %max3A_265 : vector<16xf32>
      %swap3A = arith.index_cast %scan3A_256 : i32 to index
      %swap3A_267 = arith.constant 0 : index
      %swap3A_268 = tpu.vector_load %arg12[%swap3A, %swap3A_267] {strides = array<i32>} : memref<40x128xf32, #tpu.memory_space<vmem>>, vector<1x16xf32>,
      %swap3A_269 = vector.shape_cast %swap3A_268 : vector<1x16xf32> to vector<16xf32>
      %swap3A_270 = vector.shape_cast %max3A_266 : vector<16xf32> to vector<1x16xf32>
      tpu.vector_store %arg12[%swap3A, %swap3A_267], %swap3A_270 {strides = array<i32>} : memref<40x128xf32, #tpu.memory_space<vmem>>, vector<1x16xf32>,
      %get3A_271 = arith.index_cast %scan3A_256 : i32 to index
      %get3A_272 = arith.constant 16 : index
      %get3A_273 = tpu.vector_load %arg8[%get3A_271, %get3A_272] {strides = array<i32>} : memref<40x128xf32, #tpu.memory_space<vmem>>, vector<1x16xf32>,
      %get3A_274 = vector.shape_cast %get3A_273 : vector<1x16xf32> to vector<16xf32>
      %get3A_275 = arith.index_cast %scan3A_256 : i32 to index
      %get3A_276 = arith.constant 16 : index
      %get3A_277 = tpu.vector_load %arg10[%get3A_275, %get3A_276] {strides = array<i32>} : memref<40x128xf32, #tpu.memory_space<vmem>>, vector<1x16xf32>,
      %get3A_278 = vector.shape_cast %get3A_277 : vector<1x16xf32> to vector<16xf32>
      %add3A_279 = arith.addf %get3A_274, %get3A_278 : vector<16xf32>
      %max3A_280 = arith.constant 0.000000e+00 : f32
      %max3A_281 = vector.broadcast %max3A_280 : f32 to vector<16xf32>
      %max3A_282 = arith.maximumf %add3A_279, %max3A_281 : vector<16xf32>
      %swap3A_283 = arith.index_cast %scan3A_256 : i32 to index
      %swap3A_284 = arith.constant 16 : index
      %swap3A_285 = tpu.vector_load %arg12[%swap3A_283, %swap3A_284] {strides = array<i32>} : memref<40x128xf32, #tpu.memory_space<vmem>>, vector<1x16xf32>,
      %swap3A_286 = vector.shape_cast %swap3A_285 : vector<1x16xf32> to vector<16xf32>
      %swap3A_287 = vector.shape_cast %max3A_282 : vector<16xf32> to vector<1x16xf32>
      tpu.vector_store %arg12[%swap3A_283, %swap3A_284], %swap3A_287 {strides = array<i32>} : memref<40x128xf32, #tpu.memory_space<vmem>>, vector<1x16xf32>,
      %get3A_288 = arith.index_cast %scan3A_256 : i32 to index
      %get3A_289 = arith.constant 32 : index
      %get3A_290 = tpu.vector_load %arg8[%get3A_288, %get3A_289] {strides = array<i32>} : memref<40x128xf32, #tpu.memory_space<vmem>>, vector<1x16xf32>,
      %get3A_291 = vector.shape_cast %get3A_290 : vector<1x16xf32> to vector<16xf32>
      %get3A_292 = arith.index_cast %scan3A_256 : i32 to index
      %get3A_293 = arith.constant 32 : index
      %get3A_294 = tpu.vector_load %arg10[%get3A_292, %get3A_293] {strides = array<i32>} : memref<40x128xf32, #tpu.memory_space<vmem>>, vector<1x16xf32>,
      %get3A_295 = vector.shape_cast %get3A_294 : vector<1x16xf32> to vector<16xf32>
      %add3A_296 = arith.addf %get3A_291, %get3A_295 : vector<16xf32>
      %max3A_297 = arith.constant 0.000000e+00 : f32
      %max3A_298 = vector.broadcast %max3A_297 : f32 to vector<16xf32>
      %max3A_299 = arith.maximumf %add3A_296, %max3A_298 : vector<16xf32>
      %swap3A_300 = arith.index_cast %scan3A_256 : i32 to index
      %swap3A_301 = arith.constant 32 : index
      %swap3A_302 = tpu.vector_load %arg12[%swap3A_300, %swap3A_301] {strides = array<i32>} : memref<40x128xf32, #tpu.memory_space<vmem>>, vector<1x16xf32>,
      %swap3A_303 = vector.shape_cast %swap3A_302 : vector<1x16xf32> to vector<16xf32>
      %swap3A_304 = vector.shape_cast %max3A_299 : vector<16xf32> to vector<1x16xf32>
      tpu.vector_store %arg12[%swap3A_300, %swap3A_301], %swap3A_304 {strides = array<i32>} : memref<40x128xf32, #tpu.memory_space<vmem>>, vector<1x16xf32>,
      %get3A_305 = arith.index_cast %scan3A_256 : i32 to index
      %get3A_306 = arith.constant 48 : index
      %get3A_307 = tpu.vector_load %arg8[%get3A_305, %get3A_306] {strides = array<i32>} : memref<40x128xf32, #tpu.memory_space<vmem>>, vector<1x16xf32>,
      %get3A_308 = vector.shape_cast %get3A_307 : vector<1x16xf32> to vector<16xf32>
      %get3A_309 = arith.index_cast %scan3A_256 : i32 to index
      %get3A_310 = arith.constant 48 : index
      %get3A_311 = tpu.vector_load %arg10[%get3A_309, %get3A_310] {strides = array<i32>} : memref<40x128xf32, #tpu.memory_space<vmem>>, vector<1x16xf32>,
      %get3A_312 = vector.shape_cast %get3A_311 : vector<1x16xf32> to vector<16xf32>
      %add3A_313 = arith.addf %get3A_308, %get3A_312 : vector<16xf32>
      %max3A_314 = arith.constant 0.000000e+00 : f32
      %max3A_315 = vector.broadcast %max3A_314 : f32 to vector<16xf32>
      %max3A_316 = arith.maximumf %add3A_313, %max3A_315 : vector<16xf32>
      %swap3A_317 = arith.index_cast %scan3A_256 : i32 to index
      %swap3A_318 = arith.constant 48 : index
      %swap3A_319 = tpu.vector_load %arg12[%swap3A_317, %swap3A_318] {strides = array<i32>} : memref<40x128xf32, #tpu.memory_space<vmem>>, vector<1x16xf32>,
      %swap3A_320 = vector.shape_cast %swap3A_319 : vector<1x16xf32> to vector<16xf32>
      %swap3A_321 = vector.shape_cast %max3A_316 : vector<16xf32> to vector<1x16xf32>
      tpu.vector_store %arg12[%swap3A_317, %swap3A_318], %swap3A_321 {strides = array<i32>} : memref<40x128xf32, #tpu.memory_space<vmem>>, vector<1x16xf32>,
      %get3A_322 = arith.index_cast %scan3A_256 : i32 to index
      %get3A_323 = arith.constant 64 : index
      %get3A_324 = tpu.vector_load %arg8[%get3A_322, %get3A_323] {strides = array<i32>} : memref<40x128xf32, #tpu.memory_space<vmem>>, vector<1x16xf32>,
      %get3A_325 = vector.shape_cast %get3A_324 : vector<1x16xf32> to vector<16xf32>
      %get3A_326 = arith.index_cast %scan3A_256 : i32 to index
      %get3A_327 = arith.constant 64 : index
      %get3A_328 = tpu.vector_load %arg10[%get3A_326, %get3A_327] {strides = array<i32>} : memref<40x128xf32, #tpu.memory_space<vmem>>, vector<1x16xf32>,
      %get3A_329 = vector.shape_cast %get3A_328 : vector<1x16xf32> to vector<16xf32>
      %add3A_330 = arith.addf %get3A_325, %get3A_329 : vector<16xf32>
      %max3A_331 = arith.constant 0.000000e+00 : f32
      %max3A_332 = vector.broadcast %max3A_331 : f32 to vector<16xf32>
      %max3A_333 = arith.maximumf %add3A_330, %max3A_332 : vector<16xf32>
      %swap3A_334 = arith.index_cast %scan3A_256 : i32 to index
      %swap3A_335 = arith.constant 64 : index
      %swap3A_336 = tpu.vector_load %arg12[%swap3A_334, %swap3A_335] {strides = array<i32>} : memref<40x128xf32, #tpu.memory_space<vmem>>, vector<1x16xf32>,
      %swap3A_337 = vector.shape_cast %swap3A_336 : vector<1x16xf32> to vector<16xf32>
      %swap3A_338 = vector.shape_cast %max3A_333 : vector<16xf32> to vector<1x16xf32>
      tpu.vector_store %arg12[%swap3A_334, %swap3A_335], %swap3A_338 {strides = array<i32>} : memref<40x128xf32, #tpu.memory_space<vmem>>, vector<1x16xf32>,
      %get3A_339 = arith.index_cast %scan3A_256 : i32 to index
      %get3A_340 = arith.constant 80 : index
      %get3A_341 = tpu.vector_load %arg8[%get3A_339, %get3A_340] {strides = array<i32>} : memref<40x128xf32, #tpu.memory_space<vmem>>, vector<1x16xf32>,
      %get3A_342 = vector.shape_cast %get3A_341 : vector<1x16xf32> to vector<16xf32>
      %get3A_343 = arith.index_cast %scan3A_256 : i32 to index
      %get3A_344 = arith.constant 80 : index
      %get3A_345 = tpu.vector_load %arg10[%get3A_343, %get3A_344] {strides = array<i32>} : memref<40x128xf32, #tpu.memory_space<vmem>>, vector<1x16xf32>,
      %get3A_346 = vector.shape_cast %get3A_345 : vector<1x16xf32> to vector<16xf32>
      %add3A_347 = arith.addf %get3A_342, %get3A_346 : vector<16xf32>
      %max3A_348 = arith.constant 0.000000e+00 : f32
      %max3A_349 = vector.broadcast %max3A_348 : f32 to vector<16xf32>
      %max3A_350 = arith.maximumf %add3A_347, %max3A_349 : vector<16xf32>
      %swap3A_351 = arith.index_cast %scan3A_256 : i32 to index
      %swap3A_352 = arith.constant 80 : index
      %swap3A_353 = tpu.vector_load %arg12[%swap3A_351, %swap3A_352] {strides = array<i32>} : memref<40x128xf32, #tpu.memory_space<vmem>>, vector<1x16xf32>,
      %swap3A_354 = vector.shape_cast %swap3A_353 : vector<1x16xf32> to vector<16xf32>
      %swap3A_355 = vector.shape_cast %max3A_350 : vector<16xf32> to vector<1x16xf32>
      tpu.vector_store %arg12[%swap3A_351, %swap3A_352], %swap3A_355 {strides = array<i32>} : memref<40x128xf32, #tpu.memory_space<vmem>>, vector<1x16xf32>,
      %get3A_356 = arith.index_cast %scan3A_256 : i32 to index
      %get3A_357 = arith.constant 96 : index
      %get3A_358 = tpu.vector_load %arg8[%get3A_356, %get3A_357] {strides = array<i32>} : memref<40x128xf32, #tpu.memory_space<vmem>>, vector<1x16xf32>,
      %get3A_359 = vector.shape_cast %get3A_358 : vector<1x16xf32> to vector<16xf32>
      %get3A_360 = arith.index_cast %scan3A_256 : i32 to index
      %get3A_361 = arith.constant 96 : index
      %get3A_362 = tpu.vector_load %arg10[%get3A_360, %get3A_361] {strides = array<i32>} : memref<40x128xf32, #tpu.memory_space<vmem>>, vector<1x16xf32>,
      %get3A_363 = vector.shape_cast %get3A_362 : vector<1x16xf32> to vector<16xf32>
      %add3A_364 = arith.addf %get3A_359, %get3A_363 : vector<16xf32>
      %max3A_365 = arith.constant 0.000000e+00 : f32
      %max3A_366 = vector.broadcast %max3A_365 : f32 to vector<16xf32>
      %max3A_367 = arith.maximumf %add3A_364, %max3A_366 : vector<16xf32>
      %swap3A_368 = arith.index_cast %scan3A_256 : i32 to index
      %swap3A_369 = arith.constant 96 : index
      %swap3A_370 = tpu.vector_load %arg12[%swap3A_368, %swap3A_369] {strides = array<i32>} : memref<40x128xf32, #tpu.memory_space<vmem>>, vector<1x16xf32>,
      %swap3A_371 = vector.shape_cast %swap3A_370 : vector<1x16xf32> to vector<16xf32>
      %swap3A_372 = vector.shape_cast %max3A_367 : vector<16xf32> to vector<1x16xf32>
      tpu.vector_store %arg12[%swap3A_368, %swap3A_369], %swap3A_372 {strides = array<i32>} : memref<40x128xf32, #tpu.memory_space<vmem>>, vector<1x16xf32>,
      %get3A_373 = arith.index_cast %scan3A_256 : i32 to index
      %get3A_374 = arith.constant 112 : index
      %get3A_375 = tpu.vector_load %arg8[%get3A_373, %get3A_374] {strides = array<i32>} : memref<40x128xf32, #tpu.memory_space<vmem>>, vector<1x16xf32>,
      %get3A_376 = vector.shape_cast %get3A_375 : vector<1x16xf32> to vector<16xf32>
      %get3A_377 = arith.index_cast %scan3A_256 : i32 to index
      %get3A_378 = arith.constant 112 : index
      %get3A_379 = tpu.vector_load %arg10[%get3A_377, %get3A_378] {strides = array<i32>} : memref<40x128xf32, #tpu.memory_space<vmem>>, vector<1x16xf32>,
      %get3A_380 = vector.shape_cast %get3A_379 : vector<1x16xf32> to vector<16xf32>
      %add3A_381 = arith.addf %get3A_376, %get3A_380 : vector<16xf32>
      %max3A_382 = arith.constant 0.000000e+00 : f32
      %max3A_383 = vector.broadcast %max3A_382 : f32 to vector<16xf32>
      %max3A_384 = arith.maximumf %add3A_381, %max3A_383 : vector<16xf32>
      %swap3A_385 = arith.index_cast %scan3A_256 : i32 to index
      %swap3A_386 = arith.constant 112 : index
      %swap3A_387 = tpu.vector_load %arg12[%swap3A_385, %swap3A_386] {strides = array<i32>} : memref<40x128xf32, #tpu.memory_space<vmem>>, vector<1x16xf32>,
      %swap3A_388 = vector.shape_cast %swap3A_387 : vector<1x16xf32> to vector<16xf32>
      %swap3A_389 = vector.shape_cast %max3A_384 : vector<16xf32> to vector<1x16xf32>
      tpu.vector_store %arg12[%swap3A_385, %swap3A_386], %swap3A_389 {strides = array<i32>} : memref<40x128xf32, #tpu.memory_space<vmem>>, vector<1x16xf32>,
    }
    %scan3A_158 = arith.constant 40 : i32
    %dma_wait3A_159 = arith.constant 0 : i32
    %dma_wait3A_160 = tpu.memref_slice %arg3[%dma_wait3A_159] : memref<320000xi32, #tpu.memory_space<hbm>> -> memref<40xi32, #tpu.memory_space<hbm>>
    %dma_wait3A_161 = arith.constant 0 : i32
    %dma_wait3A_162 = tpu.memref_slice %arg3[%dma_wait3A_161] : memref<320000xi32, #tpu.memory_space<hbm>> -> memref<40xi32, #tpu.memory_space<hbm>>
    tpu.wait_dma2 semaphore(%arg25 : memref<!tpu.dma_semaphore, #tpu.memory_space<semaphore_mem>>) src(%dma_wait3A_162 : memref<40xi32, #tpu.memory_space<hbm>>) dst(%arg16 : memref<40xi32, #tpu.memory_space<vmem>>)
    %dma_start3A_163 = arith.constant 0 : i32
    %dma_start3A_164 = arith.constant 0 : i32
    %dma_start3A_165 = tpu.memref_slice %arg17[%dma_start3A_163, %dma_start3A_164] : memref<10000x128xf32, #tpu.memory_space<vmem_shared>> -> memref<10000x128xf32, #tpu.memory_space<vmem_shared>>
    tpu.enqueue_indirect_dma source(%arg12 : memref<40x128xf32, #tpu.memory_space<vmem>>) target(%dma_start3A_165 : memref<10000x128xf32, #tpu.memory_space<vmem_shared>>) offsets(%arg16 : memref<40xi32, #tpu.memory_space<vmem>>) semaphore(%arg21 : memref<!tpu.dma_semaphore, #tpu.memory_space<semaphore_mem>>) {add = true}
    %dma_wait3A_166 = arith.constant 0 : i32
    %dma_wait3A_167 = tpu.memref_slice %arg2[%dma_wait3A_166] : memref<320000xi32, #tpu.memory_space<hbm>> -> memref<40xi32, #tpu.memory_space<hbm>>
    %dma_wait3A_168 = arith.constant 0 : i32
    %dma_wait3A_169 = tpu.memref_slice %arg2[%dma_wait3A_168] : memref<320000xi32, #tpu.memory_space<hbm>> -> memref<40xi32, #tpu.memory_space<hbm>>
    tpu.wait_dma2 semaphore(%arg23 : memref<!tpu.dma_semaphore, #tpu.memory_space<semaphore_mem>>) src(%dma_wait3A_169 : memref<40xi32, #tpu.memory_space<hbm>>) dst(%arg14 : memref<40xi32, #tpu.memory_space<vmem>>)
    %dma_start3A_170 = arith.constant 0 : i32
    %dma_start3A_171 = arith.constant 0 : i32
    %dma_start3A_172 = tpu.memref_slice %arg4[%dma_start3A_170, %dma_start3A_171] : memref<10000x128xf32, #tpu.memory_space<hbm>> -> memref<10000x128xf32, #tpu.memory_space<hbm>>
    tpu.enqueue_indirect_dma source(%dma_start3A_172 : memref<10000x128xf32, #tpu.memory_space<hbm>>) target(%arg8 : memref<40x128xf32, #tpu.memory_space<vmem>>) offsets(%arg14 : memref<40xi32, #tpu.memory_space<vmem>>) semaphore(%arg19 : memref<!tpu.dma_semaphore, #tpu.memory_space<semaphore_mem>>)
    %add3A_173 = arith.constant 120 : i32
    %add3A_174 = arith.addi %mul3A_2, %add3A_173 : i32
    %dma_start3A_175 = arith.constant 0 : i32
    %dma_start3A_176 = tpu.memref_slice %arg5[%add3A_174, %dma_start3A_175] : memref<153600x128xf32, #tpu.memory_space<hbm>> -> memref<40x128xf32, #tpu.memory_space<hbm>>
    %dma_start3A_177 = arith.constant 0 : i32
    %dma_start3A_178 = tpu.memref_slice %arg5[%add3A_174, %dma_start3A_177] : memref<153600x128xf32, #tpu.memory_space<hbm>> -> memref<40x128xf32, #tpu.memory_space<hbm>>
    tpu.enqueue_dma source(%dma_start3A_178 : memref<40x128xf32, #tpu.memory_space<hbm>>) target(%arg10 : memref<40x128xf32, #tpu.memory_space<vmem>>) target_semaphore(%arg19 : memref<!tpu.dma_semaphore, #tpu.memory_space<semaphore_mem>>)
    %scan3A_179 = arith.constant 0 : i32
    %scan3A_180 = arith.constant 1 : i32
    %scan3A_181 = arith.constant 58 : i32
    %scan3A_182 = arith.addi %scan3A_180, %scan3A_181 : i32
    %scan3A_183 = arith.constant 1 : i32
    scf.for %scan3A_256 = %scan3A_180 to %scan3A_182 step %scan3A_183  : i32 {
      %mul3A_257 = arith.constant 2 : i32
      %mul3A_258 = arith.muli %mul3A_257, %scan3A_256 : i32
      %mul3A_259 = arith.constant 2 : i32
      %mul3A_260 = arith.muli %mul3A_259, %scan3A_256 : i32
      %add3A_261 = arith.constant 2 : i32
      %add3A_262 = arith.addi %mul3A_260, %add3A_261 : i32
      %dma_wait3A_263 = arith.constant 0 : i32
      %dma_wait3A_264 = arith.constant 0 : i32
      %dma_wait3A_265 = tpu.memref_slice %arg4[%dma_wait3A_263, %dma_wait3A_264] : memref<10000x128xf32, #tpu.memory_space<hbm>> -> memref<10000x128xf32, #tpu.memory_space<hbm>>
      tpu.wait_indirect_dma semaphore(%arg18 : memref<!tpu.dma_semaphore, #tpu.memory_space<semaphore_mem>>) src(%dma_wait3A_265 : memref<10000x128xf32, #tpu.memory_space<hbm>>) dst(%arg7 : memref<40x128xf32, #tpu.memory_space<vmem>>)
      %dma_wait3A_266 = arith.constant 0 : i32
      %dma_wait3A_267 = arith.constant 0 : i32
      %dma_wait3A_268 = tpu.memref_slice %arg5[%dma_wait3A_266, %dma_wait3A_267] : memref<153600x128xf32, #tpu.memory_space<hbm>> -> memref<40x128xf32, #tpu.memory_space<hbm>>
      %dma_wait3A_269 = arith.constant 0 : i32
      %dma_wait3A_270 = arith.constant 0 : i32
      %dma_wait3A_271 = tpu.memref_slice %arg5[%dma_wait3A_269, %dma_wait3A_270] : memref<153600x128xf32, #tpu.memory_space<hbm>> -> memref<40x128xf32, #tpu.memory_space<hbm>>
      tpu.wait_dma2 semaphore(%arg18 : memref<!tpu.dma_semaphore, #tpu.memory_space<semaphore_mem>>) src(%dma_wait3A_271 : memref<40x128xf32, #tpu.memory_space<hbm>>) dst(%arg9 : memref<40x128xf32, #tpu.memory_space<vmem>>)
      %mul3A_272 = arith.constant 40 : i32
      %mul3A_273 = arith.muli %add3A_262, %mul3A_272 : i32
      %add3A_274 = arith.addi %add3A_4, %mul3A_273 : i32
      %dma_start3A_275 = tpu.memref_slice %arg2[%add3A_274] : memref<320000xi32, #tpu.memory_space<hbm>> -> memref<40xi32, #tpu.memory_space<hbm>>
      %dma_start3A_276 = tpu.memref_slice %arg2[%add3A_274] : memref<320000xi32, #tpu.memory_space<hbm>> -> memref<40xi32, #tpu.memory_space<hbm>>
      tpu.enqueue_dma source(%dma_start3A_276 : memref<40xi32, #tpu.memory_space<hbm>>) target(%arg13 : memref<40xi32, #tpu.memory_space<vmem>>) target_semaphore(%arg22 : memref<!tpu.dma_semaphore, #tpu.memory_space<semaphore_mem>>)
      %dma_wait3A_277 = arith.constant 0 : i32
      %dma_wait3A_278 = arith.constant 0 : i32
      %dma_wait3A_279 = tpu.memref_slice %arg17[%dma_wait3A_277, %dma_wait3A_278] : memref<10000x128xf32, #tpu.memory_space<vmem_shared>> -> memref<10000x128xf32, #tpu.memory_space<vmem_shared>>
      tpu.wait_indirect_dma semaphore(%arg20 : memref<!tpu.dma_semaphore, #tpu.memory_space<semaphore_mem>>) src(%arg11 : memref<40x128xf32, #tpu.memory_space<vmem>>) dst(%dma_wait3A_279 : memref<10000x128xf32, #tpu.memory_space<vmem_shared>>)
      %mul3A_280 = arith.constant 40 : i32
      %mul3A_281 = arith.muli %mul3A_258, %mul3A_280 : i32
      %add3A_282 = arith.addi %add3A_4, %mul3A_281 : i32
      %dma_start3A_283 = tpu.memref_slice %arg3[%add3A_282] : memref<320000xi32, #tpu.memory_space<hbm>> -> memref<40xi32, #tpu.memory_space<hbm>>
      %dma_start3A_284 = tpu.memref_slice %arg3[%add3A_282] : memref<320000xi32, #tpu.memory_space<hbm>> -> memref<40xi32, #tpu.memory_space<hbm>>
      tpu.enqueue_dma source(%dma_start3A_284 : memref<40xi32, #tpu.memory_space<hbm>>) target(%arg15 : memref<40xi32, #tpu.memory_space<vmem>>) target_semaphore(%arg24 : memref<!tpu.dma_semaphore, #tpu.memory_space<semaphore_mem>>)
      %scan3A_285 = arith.constant 0 : i32
      %scan3A_286 = arith.constant 0 : i32
      %scan3A_287 = arith.constant 40 : i32
      %scan3A_288 = arith.addi %scan3A_286, %scan3A_287 : i32
      %scan3A_289 = arith.constant 1 : i32
      scf.for %scan3A_369 = %scan3A_286 to %scan3A_288 step %scan3A_289  : i32 {
        %get3A = arith.index_cast %scan3A_369 : i32 to index
        %get3A_370 = arith.constant 0 : index
        %get3A_371 = tpu.vector_load %arg7[%get3A, %get3A_370] {strides = array<i32>} : memref<40x128xf32, #tpu.memory_space<vmem>>, vector<1x16xf32>,
        %get3A_372 = vector.shape_cast %get3A_371 : vector<1x16xf32> to vector<16xf32>
        %get3A_373 = arith.index_cast %scan3A_369 : i32 to index
        %get3A_374 = arith.constant 0 : index
        %get3A_375 = tpu.vector_load %arg9[%get3A_373, %get3A_374] {strides = array<i32>} : memref<40x128xf32, #tpu.memory_space<vmem>>, vector<1x16xf32>,
        %get3A_376 = vector.shape_cast %get3A_375 : vector<1x16xf32> to vector<16xf32>
        %add3A_377 = arith.addf %get3A_372, %get3A_376 : vector<16xf32>
        %max3A = arith.constant 0.000000e+00 : f32
        %max3A_378 = vector.broadcast %max3A : f32 to vector<16xf32>
        %max3A_379 = arith.maximumf %add3A_377, %max3A_378 : vector<16xf32>
        %swap3A = arith.index_cast %scan3A_369 : i32 to index
        %swap3A_380 = arith.constant 0 : index
        %swap3A_381 = tpu.vector_load %arg11[%swap3A, %swap3A_380] {strides = array<i32>} : memref<40x128xf32, #tpu.memory_space<vmem>>, vector<1x16xf32>,
        %swap3A_382 = vector.shape_cast %swap3A_381 : vector<1x16xf32> to vector<16xf32>
        %swap3A_383 = vector.shape_cast %max3A_379 : vector<16xf32> to vector<1x16xf32>
        tpu.vector_store %arg11[%swap3A, %swap3A_380], %swap3A_383 {strides = array<i32>} : memref<40x128xf32, #tpu.memory_space<vmem>>, vector<1x16xf32>,
        %get3A_384 = arith.index_cast %scan3A_369 : i32 to index
        %get3A_385 = arith.constant 16 : index
        %get3A_386 = tpu.vector_load %arg7[%get3A_384, %get3A_385] {strides = array<i32>} : memref<40x128xf32, #tpu.memory_space<vmem>>, vector<1x16xf32>,
        %get3A_387 = vector.shape_cast %get3A_386 : vector<1x16xf32> to vector<16xf32>
        %get3A_388 = arith.index_cast %scan3A_369 : i32 to index
        %get3A_389 = arith.constant 16 : index
        %get3A_390 = tpu.vector_load %arg9[%get3A_388, %get3A_389] {strides = array<i32>} : memref<40x128xf32, #tpu.memory_space<vmem>>, vector<1x16xf32>,
        %get3A_391 = vector.shape_cast %get3A_390 : vector<1x16xf32> to vector<16xf32>
        %add3A_392 = arith.addf %get3A_387, %get3A_391 : vector<16xf32>
        %max3A_393 = arith.constant 0.000000e+00 : f32
        %max3A_394 = vector.broadcast %max3A_393 : f32 to vector<16xf32>
        %max3A_395 = arith.maximumf %add3A_392, %max3A_394 : vector<16xf32>
        %swap3A_396 = arith.index_cast %scan3A_369 : i32 to index
        %swap3A_397 = arith.constant 16 : index
        %swap3A_398 = tpu.vector_load %arg11[%swap3A_396, %swap3A_397] {strides = array<i32>} : memref<40x128xf32, #tpu.memory_space<vmem>>, vector<1x16xf32>,
        %swap3A_399 = vector.shape_cast %swap3A_398 : vector<1x16xf32> to vector<16xf32>
        %swap3A_400 = vector.shape_cast %max3A_395 : vector<16xf32> to vector<1x16xf32>
        tpu.vector_store %arg11[%swap3A_396, %swap3A_397], %swap3A_400 {strides = array<i32>} : memref<40x128xf32, #tpu.memory_space<vmem>>, vector<1x16xf32>,
        %get3A_401 = arith.index_cast %scan3A_369 : i32 to index
        %get3A_402 = arith.constant 32 : index
        %get3A_403 = tpu.vector_load %arg7[%get3A_401, %get3A_402] {strides = array<i32>} : memref<40x128xf32, #tpu.memory_space<vmem>>, vector<1x16xf32>,
        %get3A_404 = vector.shape_cast %get3A_403 : vector<1x16xf32> to vector<16xf32>
        %get3A_405 = arith.index_cast %scan3A_369 : i32 to index
        %get3A_406 = arith.constant 32 : index
        %get3A_407 = tpu.vector_load %arg9[%get3A_405, %get3A_406] {strides = array<i32>} : memref<40x128xf32, #tpu.memory_space<vmem>>, vector<1x16xf32>,
        %get3A_408 = vector.shape_cast %get3A_407 : vector<1x16xf32> to vector<16xf32>
        %add3A_409 = arith.addf %get3A_404, %get3A_408 : vector<16xf32>
        %max3A_410 = arith.constant 0.000000e+00 : f32
        %max3A_411 = vector.broadcast %max3A_410 : f32 to vector<16xf32>
        %max3A_412 = arith.maximumf %add3A_409, %max3A_411 : vector<16xf32>
        %swap3A_413 = arith.index_cast %scan3A_369 : i32 to index
        %swap3A_414 = arith.constant 32 : index
        %swap3A_415 = tpu.vector_load %arg11[%swap3A_413, %swap3A_414] {strides = array<i32>} : memref<40x128xf32, #tpu.memory_space<vmem>>, vector<1x16xf32>,
        %swap3A_416 = vector.shape_cast %swap3A_415 : vector<1x16xf32> to vector<16xf32>
        %swap3A_417 = vector.shape_cast %max3A_412 : vector<16xf32> to vector<1x16xf32>
        tpu.vector_store %arg11[%swap3A_413, %swap3A_414], %swap3A_417 {strides = array<i32>} : memref<40x128xf32, #tpu.memory_space<vmem>>, vector<1x16xf32>,
        %get3A_418 = arith.index_cast %scan3A_369 : i32 to index
        %get3A_419 = arith.constant 48 : index
        %get3A_420 = tpu.vector_load %arg7[%get3A_418, %get3A_419] {strides = array<i32>} : memref<40x128xf32, #tpu.memory_space<vmem>>, vector<1x16xf32>,
        %get3A_421 = vector.shape_cast %get3A_420 : vector<1x16xf32> to vector<16xf32>
        %get3A_422 = arith.index_cast %scan3A_369 : i32 to index
        %get3A_423 = arith.constant 48 : index
        %get3A_424 = tpu.vector_load %arg9[%get3A_422, %get3A_423] {strides = array<i32>} : memref<40x128xf32, #tpu.memory_space<vmem>>, vector<1x16xf32>,
        %get3A_425 = vector.shape_cast %get3A_424 : vector<1x16xf32> to vector<16xf32>
        %add3A_426 = arith.addf %get3A_421, %get3A_425 : vector<16xf32>
        %max3A_427 = arith.constant 0.000000e+00 : f32
        %max3A_428 = vector.broadcast %max3A_427 : f32 to vector<16xf32>
        %max3A_429 = arith.maximumf %add3A_426, %max3A_428 : vector<16xf32>
        %swap3A_430 = arith.index_cast %scan3A_369 : i32 to index
        %swap3A_431 = arith.constant 48 : index
        %swap3A_432 = tpu.vector_load %arg11[%swap3A_430, %swap3A_431] {strides = array<i32>} : memref<40x128xf32, #tpu.memory_space<vmem>>, vector<1x16xf32>,
        %swap3A_433 = vector.shape_cast %swap3A_432 : vector<1x16xf32> to vector<16xf32>
        %swap3A_434 = vector.shape_cast %max3A_429 : vector<16xf32> to vector<1x16xf32>
        tpu.vector_store %arg11[%swap3A_430, %swap3A_431], %swap3A_434 {strides = array<i32>} : memref<40x128xf32, #tpu.memory_space<vmem>>, vector<1x16xf32>,
        %get3A_435 = arith.index_cast %scan3A_369 : i32 to index
        %get3A_436 = arith.constant 64 : index
        %get3A_437 = tpu.vector_load %arg7[%get3A_435, %get3A_436] {strides = array<i32>} : memref<40x128xf32, #tpu.memory_space<vmem>>, vector<1x16xf32>,
        %get3A_438 = vector.shape_cast %get3A_437 : vector<1x16xf32> to vector<16xf32>
        %get3A_439 = arith.index_cast %scan3A_369 : i32 to index
        %get3A_440 = arith.constant 64 : index
        %get3A_441 = tpu.vector_load %arg9[%get3A_439, %get3A_440] {strides = array<i32>} : memref<40x128xf32, #tpu.memory_space<vmem>>, vector<1x16xf32>,
        %get3A_442 = vector.shape_cast %get3A_441 : vector<1x16xf32> to vector<16xf32>
        %add3A_443 = arith.addf %get3A_438, %get3A_442 : vector<16xf32>
        %max3A_444 = arith.constant 0.000000e+00 : f32
        %max3A_445 = vector.broadcast %max3A_444 : f32 to vector<16xf32>
        %max3A_446 = arith.maximumf %add3A_443, %max3A_445 : vector<16xf32>
        %swap3A_447 = arith.index_cast %scan3A_369 : i32 to index
        %swap3A_448 = arith.constant 64 : index
        %swap3A_449 = tpu.vector_load %arg11[%swap3A_447, %swap3A_448] {strides = array<i32>} : memref<40x128xf32, #tpu.memory_space<vmem>>, vector<1x16xf32>,
        %swap3A_450 = vector.shape_cast %swap3A_449 : vector<1x16xf32> to vector<16xf32>
        %swap3A_451 = vector.shape_cast %max3A_446 : vector<16xf32> to vector<1x16xf32>
        tpu.vector_store %arg11[%swap3A_447, %swap3A_448], %swap3A_451 {strides = array<i32>} : memref<40x128xf32, #tpu.memory_space<vmem>>, vector<1x16xf32>,
        %get3A_452 = arith.index_cast %scan3A_369 : i32 to index
        %get3A_453 = arith.constant 80 : index
        %get3A_454 = tpu.vector_load %arg7[%get3A_452, %get3A_453] {strides = array<i32>} : memref<40x128xf32, #tpu.memory_space<vmem>>, vector<1x16xf32>,
        %get3A_455 = vector.shape_cast %get3A_454 : vector<1x16xf32> to vector<16xf32>
        %get3A_456 = arith.index_cast %scan3A_369 : i32 to index
        %get3A_457 = arith.constant 80 : index
        %get3A_458 = tpu.vector_load %arg9[%get3A_456, %get3A_457] {strides = array<i32>} : memref<40x128xf32, #tpu.memory_space<vmem>>, vector<1x16xf32>,
        %get3A_459 = vector.shape_cast %get3A_458 : vector<1x16xf32> to vector<16xf32>
        %add3A_460 = arith.addf %get3A_455, %get3A_459 : vector<16xf32>
        %max3A_461 = arith.constant 0.000000e+00 : f32
        %max3A_462 = vector.broadcast %max3A_461 : f32 to vector<16xf32>
        %max3A_463 = arith.maximumf %add3A_460, %max3A_462 : vector<16xf32>
        %swap3A_464 = arith.index_cast %scan3A_369 : i32 to index
        %swap3A_465 = arith.constant 80 : index
        %swap3A_466 = tpu.vector_load %arg11[%swap3A_464, %swap3A_465] {strides = array<i32>} : memref<40x128xf32, #tpu.memory_space<vmem>>, vector<1x16xf32>,
        %swap3A_467 = vector.shape_cast %swap3A_466 : vector<1x16xf32> to vector<16xf32>
        %swap3A_468 = vector.shape_cast %max3A_463 : vector<16xf32> to vector<1x16xf32>
        tpu.vector_store %arg11[%swap3A_464, %swap3A_465], %swap3A_468 {strides = array<i32>} : memref<40x128xf32, #tpu.memory_space<vmem>>, vector<1x16xf32>,
        %get3A_469 = arith.index_cast %scan3A_369 : i32 to index
        %get3A_470 = arith.constant 96 : index
        %get3A_471 = tpu.vector_load %arg7[%get3A_469, %get3A_470] {strides = array<i32>} : memref<40x128xf32, #tpu.memory_space<vmem>>, vector<1x16xf32>,
        %get3A_472 = vector.shape_cast %get3A_471 : vector<1x16xf32> to vector<16xf32>
        %get3A_473 = arith.index_cast %scan3A_369 : i32 to index
        %get3A_474 = arith.constant 96 : index
        %get3A_475 = tpu.vector_load %arg9[%get3A_473, %get3A_474] {strides = array<i32>} : memref<40x128xf32, #tpu.memory_space<vmem>>, vector<1x16xf32>,
        %get3A_476 = vector.shape_cast %get3A_475 : vector<1x16xf32> to vector<16xf32>
        %add3A_477 = arith.addf %get3A_472, %get3A_476 : vector<16xf32>
        %max3A_478 = arith.constant 0.000000e+00 : f32
        %max3A_479 = vector.broadcast %max3A_478 : f32 to vector<16xf32>
        %max3A_480 = arith.maximumf %add3A_477, %max3A_479 : vector<16xf32>
        %swap3A_481 = arith.index_cast %scan3A_369 : i32 to index
        %swap3A_482 = arith.constant 96 : index
        %swap3A_483 = tpu.vector_load %arg11[%swap3A_481, %swap3A_482] {strides = array<i32>} : memref<40x128xf32, #tpu.memory_space<vmem>>, vector<1x16xf32>,
        %swap3A_484 = vector.shape_cast %swap3A_483 : vector<1x16xf32> to vector<16xf32>
        %swap3A_485 = vector.shape_cast %max3A_480 : vector<16xf32> to vector<1x16xf32>
        tpu.vector_store %arg11[%swap3A_481, %swap3A_482], %swap3A_485 {strides = array<i32>} : memref<40x128xf32, #tpu.memory_space<vmem>>, vector<1x16xf32>,
        %get3A_486 = arith.index_cast %scan3A_369 : i32 to index
        %get3A_487 = arith.constant 112 : index
        %get3A_488 = tpu.vector_load %arg7[%get3A_486, %get3A_487] {strides = array<i32>} : memref<40x128xf32, #tpu.memory_space<vmem>>, vector<1x16xf32>,
        %get3A_489 = vector.shape_cast %get3A_488 : vector<1x16xf32> to vector<16xf32>
        %get3A_490 = arith.index_cast %scan3A_369 : i32 to index
        %get3A_491 = arith.constant 112 : index
        %get3A_492 = tpu.vector_load %arg9[%get3A_490, %get3A_491] {strides = array<i32>} : memref<40x128xf32, #tpu.memory_space<vmem>>, vector<1x16xf32>,
        %get3A_493 = vector.shape_cast %get3A_492 : vector<1x16xf32> to vector<16xf32>
        %add3A_494 = arith.addf %get3A_489, %get3A_493 : vector<16xf32>
        %max3A_495 = arith.constant 0.000000e+00 : f32
        %max3A_496 = vector.broadcast %max3A_495 : f32 to vector<16xf32>
        %max3A_497 = arith.maximumf %add3A_494, %max3A_496 : vector<16xf32>
        %swap3A_498 = arith.index_cast %scan3A_369 : i32 to index
        %swap3A_499 = arith.constant 112 : index
        %swap3A_500 = tpu.vector_load %arg11[%swap3A_498, %swap3A_499] {strides = array<i32>} : memref<40x128xf32, #tpu.memory_space<vmem>>, vector<1x16xf32>,
        %swap3A_501 = vector.shape_cast %swap3A_500 : vector<1x16xf32> to vector<16xf32>
        %swap3A_502 = vector.shape_cast %max3A_497 : vector<16xf32> to vector<1x16xf32>
        tpu.vector_store %arg11[%swap3A_498, %swap3A_499], %swap3A_502 {strides = array<i32>} : memref<40x128xf32, #tpu.memory_space<vmem>>, vector<1x16xf32>,
      }
      %scan3A_290 = arith.constant 40 : i32
      %dma_wait3A_291 = arith.constant 0 : i32
      %dma_wait3A_292 = tpu.memref_slice %arg3[%dma_wait3A_291] : memref<320000xi32, #tpu.memory_space<hbm>> -> memref<40xi32, #tpu.memory_space<hbm>>
      %dma_wait3A_293 = arith.constant 0 : i32
      %dma_wait3A_294 = tpu.memref_slice %arg3[%dma_wait3A_293] : memref<320000xi32, #tpu.memory_space<hbm>> -> memref<40xi32, #tpu.memory_space<hbm>>
      tpu.wait_dma2 semaphore(%arg24 : memref<!tpu.dma_semaphore, #tpu.memory_space<semaphore_mem>>) src(%dma_wait3A_294 : memref<40xi32, #tpu.memory_space<hbm>>) dst(%arg15 : memref<40xi32, #tpu.memory_space<vmem>>)
      %dma_start3A_295 = arith.constant 0 : i32
      %dma_start3A_296 = arith.constant 0 : i32
      %dma_start3A_297 = tpu.memref_slice %arg17[%dma_start3A_295, %dma_start3A_296] : memref<10000x128xf32, #tpu.memory_space<vmem_shared>> -> memref<10000x128xf32, #tpu.memory_space<vmem_shared>>
      tpu.enqueue_indirect_dma source(%arg11 : memref<40x128xf32, #tpu.memory_space<vmem>>) target(%dma_start3A_297 : memref<10000x128xf32, #tpu.memory_space<vmem_shared>>) offsets(%arg15 : memref<40xi32, #tpu.memory_space<vmem>>) semaphore(%arg20 : memref<!tpu.dma_semaphore, #tpu.memory_space<semaphore_mem>>) {add = true}
      %dma_wait3A_298 = arith.constant 0 : i32
      %dma_wait3A_299 = tpu.memref_slice %arg2[%dma_wait3A_298] : memref<320000xi32, #tpu.memory_space<hbm>> -> memref<40xi32, #tpu.memory_space<hbm>>
      %dma_wait3A_300 = arith.constant 0 : i32
      %dma_wait3A_301 = tpu.memref_slice %arg2[%dma_wait3A_300] : memref<320000xi32, #tpu.memory_space<hbm>> -> memref<40xi32, #tpu.memory_space<hbm>>
      tpu.wait_dma2 semaphore(%arg22 : memref<!tpu.dma_semaphore, #tpu.memory_space<semaphore_mem>>) src(%dma_wait3A_301 : memref<40xi32, #tpu.memory_space<hbm>>) dst(%arg13 : memref<40xi32, #tpu.memory_space<vmem>>)
      %dma_start3A_302 = arith.constant 0 : i32
      %dma_start3A_303 = arith.constant 0 : i32
      %dma_start3A_304 = tpu.memref_slice %arg4[%dma_start3A_302, %dma_start3A_303] : memref<10000x128xf32, #tpu.memory_space<hbm>> -> memref<10000x128xf32, #tpu.memory_space<hbm>>
      tpu.enqueue_indirect_dma source(%dma_start3A_304 : memref<10000x128xf32, #tpu.memory_space<hbm>>) target(%arg7 : memref<40x128xf32, #tpu.memory_space<vmem>>) offsets(%arg13 : memref<40xi32, #tpu.memory_space<vmem>>) semaphore(%arg18 : memref<!tpu.dma_semaphore, #tpu.memory_space<semaphore_mem>>)
      %mul3A_305 = arith.constant 40 : i32
      %mul3A_306 = arith.muli %add3A_262, %mul3A_305 : i32
      %add3A_307 = arith.addi %mul3A_2, %mul3A_306 : i32
      %dma_start3A_308 = arith.constant 0 : i32
      %dma_start3A_309 = tpu.memref_slice %arg5[%add3A_307, %dma_start3A_308] : memref<153600x128xf32, #tpu.memory_space<hbm>> -> memref<40x128xf32, #tpu.memory_space<hbm>>
      %dma_start3A_310 = arith.constant 0 : i32
      %dma_start3A_311 = tpu.memref_slice %arg5[%add3A_307, %dma_start3A_310] : memref<153600x128xf32, #tpu.memory_space<hbm>> -> memref<40x128xf32, #tpu.memory_space<hbm>>
      tpu.enqueue_dma source(%dma_start3A_311 : memref<40x128xf32, #tpu.memory_space<hbm>>) target(%arg9 : memref<40x128xf32, #tpu.memory_space<vmem>>) target_semaphore(%arg18 : memref<!tpu.dma_semaphore, #tpu.memory_space<semaphore_mem>>)
      %mul3A_312 = arith.constant 2 : i32
      %mul3A_313 = arith.muli %mul3A_312, %scan3A_256 : i32
      %add3A_314 = arith.constant 1 : i32
      %add3A_315 = arith.addi %mul3A_313, %add3A_314 : i32
      %mul3A_316 = arith.constant 2 : i32
      %mul3A_317 = arith.muli %mul3A_316, %scan3A_256 : i32
      %add3A_318 = arith.constant 3 : i32
      %add3A_319 = arith.addi %mul3A_317, %add3A_318 : i32
      %dma_wait3A_320 = arith.constant 0 : i32
      %dma_wait3A_321 = arith.constant 0 : i32
      %dma_wait3A_322 = tpu.memref_slice %arg4[%dma_wait3A_320, %dma_wait3A_321] : memref<10000x128xf32, #tpu.memory_space<hbm>> -> memref<10000x128xf32, #tpu.memory_space<hbm>>
      tpu.wait_indirect_dma semaphore(%arg19 : memref<!tpu.dma_semaphore, #tpu.memory_space<semaphore_mem>>) src(%dma_wait3A_322 : memref<10000x128xf32, #tpu.memory_space<hbm>>) dst(%arg8 : memref<40x128xf32, #tpu.memory_space<vmem>>)
      %dma_wait3A_323 = arith.constant 0 : i32
      %dma_wait3A_324 = arith.constant 0 : i32
      %dma_wait3A_325 = tpu.memref_slice %arg5[%dma_wait3A_323, %dma_wait3A_324] : memref<153600x128xf32, #tpu.memory_space<hbm>> -> memref<40x128xf32, #tpu.memory_space<hbm>>
      %dma_wait3A_326 = arith.constant 0 : i32
      %dma_wait3A_327 = arith.constant 0 : i32
      %dma_wait3A_328 = tpu.memref_slice %arg5[%dma_wait3A_326, %dma_wait3A_327] : memref<153600x128xf32, #tpu.memory_space<hbm>> -> memref<40x128xf32, #tpu.memory_space<hbm>>
      tpu.wait_dma2 semaphore(%arg19 : memref<!tpu.dma_semaphore, #tpu.memory_space<semaphore_mem>>) src(%dma_wait3A_328 : memref<40x128xf32, #tpu.memory_space<hbm>>) dst(%arg10 : memref<40x128xf32, #tpu.memory_space<vmem>>)
      %mul3A_329 = arith.constant 40 : i32
      %mul3A_330 = arith.muli %add3A_319, %mul3A_329 : i32
      %add3A_331 = arith.addi %add3A_4, %mul3A_330 : i32
      %dma_start3A_332 = tpu.memref_slice %arg2[%add3A_331] : memref<320000xi32, #tpu.memory_space<hbm>> -> memref<40xi32, #tpu.memory_space<hbm>>
      %dma_start3A_333 = tpu.memref_slice %arg2[%add3A_331] : memref<320000xi32, #tpu.memory_space<hbm>> -> memref<40xi32, #tpu.memory_space<hbm>>
      tpu.enqueue_dma source(%dma_start3A_333 : memref<40xi32, #tpu.memory_space<hbm>>) target(%arg14 : memref<40xi32, #tpu.memory_space<vmem>>) target_semaphore(%arg23 : memref<!tpu.dma_semaphore, #tpu.memory_space<semaphore_mem>>)
      %dma_wait3A_334 = arith.constant 0 : i32
      %dma_wait3A_335 = arith.constant 0 : i32
      %dma_wait3A_336 = tpu.memref_slice %arg17[%dma_wait3A_334, %dma_wait3A_335] : memref<10000x128xf32, #tpu.memory_space<vmem_shared>> -> memref<10000x128xf32, #tpu.memory_space<vmem_shared>>
      tpu.wait_indirect_dma semaphore(%arg21 : memref<!tpu.dma_semaphore, #tpu.memory_space<semaphore_mem>>) src(%arg12 : memref<40x128xf32, #tpu.memory_space<vmem>>) dst(%dma_wait3A_336 : memref<10000x128xf32, #tpu.memory_space<vmem_shared>>)
      %mul3A_337 = arith.constant 40 : i32
      %mul3A_338 = arith.muli %add3A_315, %mul3A_337 : i32
      %add3A_339 = arith.addi %add3A_4, %mul3A_338 : i32
      %dma_start3A_340 = tpu.memref_slice %arg3[%add3A_339] : memref<320000xi32, #tpu.memory_space<hbm>> -> memref<40xi32, #tpu.memory_space<hbm>>
      %dma_start3A_341 = tpu.memref_slice %arg3[%add3A_339] : memref<320000xi32, #tpu.memory_space<hbm>> -> memref<40xi32, #tpu.memory_space<hbm>>
      tpu.enqueue_dma source(%dma_start3A_341 : memref<40xi32, #tpu.memory_space<hbm>>) target(%arg16 : memref<40xi32, #tpu.memory_space<vmem>>) target_semaphore(%arg25 : memref<!tpu.dma_semaphore, #tpu.memory_space<semaphore_mem>>)
      %scan3A_342 = arith.constant 0 : i32
      %scan3A_343 = arith.constant 0 : i32
      %scan3A_344 = arith.constant 40 : i32
      %scan3A_345 = arith.addi %scan3A_343, %scan3A_344 : i32
      %scan3A_346 = arith.constant 1 : i32
      scf.for %scan3A_369 = %scan3A_343 to %scan3A_345 step %scan3A_346  : i32 {
        %get3A = arith.index_cast %scan3A_369 : i32 to index
        %get3A_370 = arith.constant 0 : index
        %get3A_371 = tpu.vector_load %arg8[%get3A, %get3A_370] {strides = array<i32>} : memref<40x128xf32, #tpu.memory_space<vmem>>, vector<1x16xf32>,
        %get3A_372 = vector.shape_cast %get3A_371 : vector<1x16xf32> to vector<16xf32>
        %get3A_373 = arith.index_cast %scan3A_369 : i32 to index
        %get3A_374 = arith.constant 0 : index
        %get3A_375 = tpu.vector_load %arg10[%get3A_373, %get3A_374] {strides = array<i32>} : memref<40x128xf32, #tpu.memory_space<vmem>>, vector<1x16xf32>,
        %get3A_376 = vector.shape_cast %get3A_375 : vector<1x16xf32> to vector<16xf32>
        %add3A_377 = arith.addf %get3A_372, %get3A_376 : vector<16xf32>
        %max3A = arith.constant 0.000000e+00 : f32
        %max3A_378 = vector.broadcast %max3A : f32 to vector<16xf32>
        %max3A_379 = arith.maximumf %add3A_377, %max3A_378 : vector<16xf32>
        %swap3A = arith.index_cast %scan3A_369 : i32 to index
        %swap3A_380 = arith.constant 0 : index
        %swap3A_381 = tpu.vector_load %arg12[%swap3A, %swap3A_380] {strides = array<i32>} : memref<40x128xf32, #tpu.memory_space<vmem>>, vector<1x16xf32>,
        %swap3A_382 = vector.shape_cast %swap3A_381 : vector<1x16xf32> to vector<16xf32>
        %swap3A_383 = vector.shape_cast %max3A_379 : vector<16xf32> to vector<1x16xf32>
        tpu.vector_store %arg12[%swap3A, %swap3A_380], %swap3A_383 {strides = array<i32>} : memref<40x128xf32, #tpu.memory_space<vmem>>, vector<1x16xf32>,
        %get3A_384 = arith.index_cast %scan3A_369 : i32 to index
        %get3A_385 = arith.constant 16 : index
        %get3A_386 = tpu.vector_load %arg8[%get3A_384, %get3A_385] {strides = array<i32>} : memref<40x128xf32, #tpu.memory_space<vmem>>, vector<1x16xf32>,
        %get3A_387 = vector.shape_cast %get3A_386 : vector<1x16xf32> to vector<16xf32>
        %get3A_388 = arith.index_cast %scan3A_369 : i32 to index
        %get3A_389 = arith.constant 16 : index
        %get3A_390 = tpu.vector_load %arg10[%get3A_388, %get3A_389] {strides = array<i32>} : memref<40x128xf32, #tpu.memory_space<vmem>>, vector<1x16xf32>,
        %get3A_391 = vector.shape_cast %get3A_390 : vector<1x16xf32> to vector<16xf32>
        %add3A_392 = arith.addf %get3A_387, %get3A_391 : vector<16xf32>
        %max3A_393 = arith.constant 0.000000e+00 : f32
        %max3A_394 = vector.broadcast %max3A_393 : f32 to vector<16xf32>
        %max3A_395 = arith.maximumf %add3A_392, %max3A_394 : vector<16xf32>
        %swap3A_396 = arith.index_cast %scan3A_369 : i32 to index
        %swap3A_397 = arith.constant 16 : index
        %swap3A_398 = tpu.vector_load %arg12[%swap3A_396, %swap3A_397] {strides = array<i32>} : memref<40x128xf32, #tpu.memory_space<vmem>>, vector<1x16xf32>,
        %swap3A_399 = vector.shape_cast %swap3A_398 : vector<1x16xf32> to vector<16xf32>
        %swap3A_400 = vector.shape_cast %max3A_395 : vector<16xf32> to vector<1x16xf32>
        tpu.vector_store %arg12[%swap3A_396, %swap3A_397], %swap3A_400 {strides = array<i32>} : memref<40x128xf32, #tpu.memory_space<vmem>>, vector<1x16xf32>,
        %get3A_401 = arith.index_cast %scan3A_369 : i32 to index
        %get3A_402 = arith.constant 32 : index
        %get3A_403 = tpu.vector_load %arg8[%get3A_401, %get3A_402] {strides = array<i32>} : memref<40x128xf32, #tpu.memory_space<vmem>>, vector<1x16xf32>,
        %get3A_404 = vector.shape_cast %get3A_403 : vector<1x16xf32> to vector<16xf32>
        %get3A_405 = arith.index_cast %scan3A_369 : i32 to index
        %get3A_406 = arith.constant 32 : index
        %get3A_407 = tpu.vector_load %arg10[%get3A_405, %get3A_406] {strides = array<i32>} : memref<40x128xf32, #tpu.memory_space<vmem>>, vector<1x16xf32>,
        %get3A_408 = vector.shape_cast %get3A_407 : vector<1x16xf32> to vector<16xf32>
        %add3A_409 = arith.addf %get3A_404, %get3A_408 : vector<16xf32>
        %max3A_410 = arith.constant 0.000000e+00 : f32
        %max3A_411 = vector.broadcast %max3A_410 : f32 to vector<16xf32>
        %max3A_412 = arith.maximumf %add3A_409, %max3A_411 : vector<16xf32>
        %swap3A_413 = arith.index_cast %scan3A_369 : i32 to index
        %swap3A_414 = arith.constant 32 : index
        %swap3A_415 = tpu.vector_load %arg12[%swap3A_413, %swap3A_414] {strides = array<i32>} : memref<40x128xf32, #tpu.memory_space<vmem>>, vector<1x16xf32>,
        %swap3A_416 = vector.shape_cast %swap3A_415 : vector<1x16xf32> to vector<16xf32>
        %swap3A_417 = vector.shape_cast %max3A_412 : vector<16xf32> to vector<1x16xf32>
        tpu.vector_store %arg12[%swap3A_413, %swap3A_414], %swap3A_417 {strides = array<i32>} : memref<40x128xf32, #tpu.memory_space<vmem>>, vector<1x16xf32>,
        %get3A_418 = arith.index_cast %scan3A_369 : i32 to index
        %get3A_419 = arith.constant 48 : index
        %get3A_420 = tpu.vector_load %arg8[%get3A_418, %get3A_419] {strides = array<i32>} : memref<40x128xf32, #tpu.memory_space<vmem>>, vector<1x16xf32>,
        %get3A_421 = vector.shape_cast %get3A_420 : vector<1x16xf32> to vector<16xf32>
        %get3A_422 = arith.index_cast %scan3A_369 : i32 to index
        %get3A_423 = arith.constant 48 : index
        %get3A_424 = tpu.vector_load %arg10[%get3A_422, %get3A_423] {strides = array<i32>} : memref<40x128xf32, #tpu.memory_space<vmem>>, vector<1x16xf32>,
        %get3A_425 = vector.shape_cast %get3A_424 : vector<1x16xf32> to vector<16xf32>
        %add3A_426 = arith.addf %get3A_421, %get3A_425 : vector<16xf32>
        %max3A_427 = arith.constant 0.000000e+00 : f32
        %max3A_428 = vector.broadcast %max3A_427 : f32 to vector<16xf32>
        %max3A_429 = arith.maximumf %add3A_426, %max3A_428 : vector<16xf32>
        %swap3A_430 = arith.index_cast %scan3A_369 : i32 to index
        %swap3A_431 = arith.constant 48 : index
        %swap3A_432 = tpu.vector_load %arg12[%swap3A_430, %swap3A_431] {strides = array<i32>} : memref<40x128xf32, #tpu.memory_space<vmem>>, vector<1x16xf32>,
        %swap3A_433 = vector.shape_cast %swap3A_432 : vector<1x16xf32> to vector<16xf32>
        %swap3A_434 = vector.shape_cast %max3A_429 : vector<16xf32> to vector<1x16xf32>
        tpu.vector_store %arg12[%swap3A_430, %swap3A_431], %swap3A_434 {strides = array<i32>} : memref<40x128xf32, #tpu.memory_space<vmem>>, vector<1x16xf32>,
        %get3A_435 = arith.index_cast %scan3A_369 : i32 to index
        %get3A_436 = arith.constant 64 : index
        %get3A_437 = tpu.vector_load %arg8[%get3A_435, %get3A_436] {strides = array<i32>} : memref<40x128xf32, #tpu.memory_space<vmem>>, vector<1x16xf32>,
        %get3A_438 = vector.shape_cast %get3A_437 : vector<1x16xf32> to vector<16xf32>
        %get3A_439 = arith.index_cast %scan3A_369 : i32 to index
        %get3A_440 = arith.constant 64 : index
        %get3A_441 = tpu.vector_load %arg10[%get3A_439, %get3A_440] {strides = array<i32>} : memref<40x128xf32, #tpu.memory_space<vmem>>, vector<1x16xf32>,
        %get3A_442 = vector.shape_cast %get3A_441 : vector<1x16xf32> to vector<16xf32>
        %add3A_443 = arith.addf %get3A_438, %get3A_442 : vector<16xf32>
        %max3A_444 = arith.constant 0.000000e+00 : f32
        %max3A_445 = vector.broadcast %max3A_444 : f32 to vector<16xf32>
        %max3A_446 = arith.maximumf %add3A_443, %max3A_445 : vector<16xf32>
        %swap3A_447 = arith.index_cast %scan3A_369 : i32 to index
        %swap3A_448 = arith.constant 64 : index
        %swap3A_449 = tpu.vector_load %arg12[%swap3A_447, %swap3A_448] {strides = array<i32>} : memref<40x128xf32, #tpu.memory_space<vmem>>, vector<1x16xf32>,
        %swap3A_450 = vector.shape_cast %swap3A_449 : vector<1x16xf32> to vector<16xf32>
        %swap3A_451 = vector.shape_cast %max3A_446 : vector<16xf32> to vector<1x16xf32>
        tpu.vector_store %arg12[%swap3A_447, %swap3A_448], %swap3A_451 {strides = array<i32>} : memref<40x128xf32, #tpu.memory_space<vmem>>, vector<1x16xf32>,
        %get3A_452 = arith.index_cast %scan3A_369 : i32 to index
        %get3A_453 = arith.constant 80 : index
        %get3A_454 = tpu.vector_load %arg8[%get3A_452, %get3A_453] {strides = array<i32>} : memref<40x128xf32, #tpu.memory_space<vmem>>, vector<1x16xf32>,
        %get3A_455 = vector.shape_cast %get3A_454 : vector<1x16xf32> to vector<16xf32>
        %get3A_456 = arith.index_cast %scan3A_369 : i32 to index
        %get3A_457 = arith.constant 80 : index
        %get3A_458 = tpu.vector_load %arg10[%get3A_456, %get3A_457] {strides = array<i32>} : memref<40x128xf32, #tpu.memory_space<vmem>>, vector<1x16xf32>,
        %get3A_459 = vector.shape_cast %get3A_458 : vector<1x16xf32> to vector<16xf32>
        %add3A_460 = arith.addf %get3A_455, %get3A_459 : vector<16xf32>
        %max3A_461 = arith.constant 0.000000e+00 : f32
        %max3A_462 = vector.broadcast %max3A_461 : f32 to vector<16xf32>
        %max3A_463 = arith.maximumf %add3A_460, %max3A_462 : vector<16xf32>
        %swap3A_464 = arith.index_cast %scan3A_369 : i32 to index
        %swap3A_465 = arith.constant 80 : index
        %swap3A_466 = tpu.vector_load %arg12[%swap3A_464, %swap3A_465] {strides = array<i32>} : memref<40x128xf32, #tpu.memory_space<vmem>>, vector<1x16xf32>,
        %swap3A_467 = vector.shape_cast %swap3A_466 : vector<1x16xf32> to vector<16xf32>
        %swap3A_468 = vector.shape_cast %max3A_463 : vector<16xf32> to vector<1x16xf32>
        tpu.vector_store %arg12[%swap3A_464, %swap3A_465], %swap3A_468 {strides = array<i32>} : memref<40x128xf32, #tpu.memory_space<vmem>>, vector<1x16xf32>,
        %get3A_469 = arith.index_cast %scan3A_369 : i32 to index
        %get3A_470 = arith.constant 96 : index
        %get3A_471 = tpu.vector_load %arg8[%get3A_469, %get3A_470] {strides = array<i32>} : memref<40x128xf32, #tpu.memory_space<vmem>>, vector<1x16xf32>,
        %get3A_472 = vector.shape_cast %get3A_471 : vector<1x16xf32> to vector<16xf32>
        %get3A_473 = arith.index_cast %scan3A_369 : i32 to index
        %get3A_474 = arith.constant 96 : index
        %get3A_475 = tpu.vector_load %arg10[%get3A_473, %get3A_474] {strides = array<i32>} : memref<40x128xf32, #tpu.memory_space<vmem>>, vector<1x16xf32>,
        %get3A_476 = vector.shape_cast %get3A_475 : vector<1x16xf32> to vector<16xf32>
        %add3A_477 = arith.addf %get3A_472, %get3A_476 : vector<16xf32>
        %max3A_478 = arith.constant 0.000000e+00 : f32
        %max3A_479 = vector.broadcast %max3A_478 : f32 to vector<16xf32>
        %max3A_480 = arith.maximumf %add3A_477, %max3A_479 : vector<16xf32>
        %swap3A_481 = arith.index_cast %scan3A_369 : i32 to index
        %swap3A_482 = arith.constant 96 : index
        %swap3A_483 = tpu.vector_load %arg12[%swap3A_481, %swap3A_482] {strides = array<i32>} : memref<40x128xf32, #tpu.memory_space<vmem>>, vector<1x16xf32>,
        %swap3A_484 = vector.shape_cast %swap3A_483 : vector<1x16xf32> to vector<16xf32>
        %swap3A_485 = vector.shape_cast %max3A_480 : vector<16xf32> to vector<1x16xf32>
        tpu.vector_store %arg12[%swap3A_481, %swap3A_482], %swap3A_485 {strides = array<i32>} : memref<40x128xf32, #tpu.memory_space<vmem>>, vector<1x16xf32>,
        %get3A_486 = arith.index_cast %scan3A_369 : i32 to index
        %get3A_487 = arith.constant 112 : index
        %get3A_488 = tpu.vector_load %arg8[%get3A_486, %get3A_487] {strides = array<i32>} : memref<40x128xf32, #tpu.memory_space<vmem>>, vector<1x16xf32>,
        %get3A_489 = vector.shape_cast %get3A_488 : vector<1x16xf32> to vector<16xf32>
        %get3A_490 = arith.index_cast %scan3A_369 : i32 to index
        %get3A_491 = arith.constant 112 : index
        %get3A_492 = tpu.vector_load %arg10[%get3A_490, %get3A_491] {strides = array<i32>} : memref<40x128xf32, #tpu.memory_space<vmem>>, vector<1x16xf32>,
        %get3A_493 = vector.shape_cast %get3A_492 : vector<1x16xf32> to vector<16xf32>
        %add3A_494 = arith.addf %get3A_489, %get3A_493 : vector<16xf32>
        %max3A_495 = arith.constant 0.000000e+00 : f32
        %max3A_496 = vector.broadcast %max3A_495 : f32 to vector<16xf32>
        %max3A_497 = arith.maximumf %add3A_494, %max3A_496 : vector<16xf32>
        %swap3A_498 = arith.index_cast %scan3A_369 : i32 to index
        %swap3A_499 = arith.constant 112 : index
        %swap3A_500 = tpu.vector_load %arg12[%swap3A_498, %swap3A_499] {strides = array<i32>} : memref<40x128xf32, #tpu.memory_space<vmem>>, vector<1x16xf32>,
        %swap3A_501 = vector.shape_cast %swap3A_500 : vector<1x16xf32> to vector<16xf32>
        %swap3A_502 = vector.shape_cast %max3A_497 : vector<16xf32> to vector<1x16xf32>
        tpu.vector_store %arg12[%swap3A_498, %swap3A_499], %swap3A_502 {strides = array<i32>} : memref<40x128xf32, #tpu.memory_space<vmem>>, vector<1x16xf32>,
      }
      %scan3A_347 = arith.constant 40 : i32
      %dma_wait3A_348 = arith.constant 0 : i32
      %dma_wait3A_349 = tpu.memref_slice %arg3[%dma_wait3A_348] : memref<320000xi32, #tpu.memory_space<hbm>> -> memref<40xi32, #tpu.memory_space<hbm>>
      %dma_wait3A_350 = arith.constant 0 : i32
      %dma_wait3A_351 = tpu.memref_slice %arg3[%dma_wait3A_350] : memref<320000xi32, #tpu.memory_space<hbm>> -> memref<40xi32, #tpu.memory_space<hbm>>
      tpu.wait_dma2 semaphore(%arg25 : memref<!tpu.dma_semaphore, #tpu.memory_space<semaphore_mem>>) src(%dma_wait3A_351 : memref<40xi32, #tpu.memory_space<hbm>>) dst(%arg16 : memref<40xi32, #tpu.memory_space<vmem>>)
      %dma_start3A_352 = arith.constant 0 : i32
      %dma_start3A_353 = arith.constant 0 : i32
      %dma_start3A_354 = tpu.memref_slice %arg17[%dma_start3A_352, %dma_start3A_353] : memref<10000x128xf32, #tpu.memory_space<vmem_shared>> -> memref<10000x128xf32, #tpu.memory_space<vmem_shared>>
      tpu.enqueue_indirect_dma source(%arg12 : memref<40x128xf32, #tpu.memory_space<vmem>>) target(%dma_start3A_354 : memref<10000x128xf32, #tpu.memory_space<vmem_shared>>) offsets(%arg16 : memref<40xi32, #tpu.memory_space<vmem>>) semaphore(%arg21 : memref<!tpu.dma_semaphore, #tpu.memory_space<semaphore_mem>>) {add = true}
      %dma_wait3A_355 = arith.constant 0 : i32
      %dma_wait3A_356 = tpu.memref_slice %arg2[%dma_wait3A_355] : memref<320000xi32, #tpu.memory_space<hbm>> -> memref<40xi32, #tpu.memory_space<hbm>>
      %dma_wait3A_357 = arith.constant 0 : i32
      %dma_wait3A_358 = tpu.memref_slice %arg2[%dma_wait3A_357] : memref<320000xi32, #tpu.memory_space<hbm>> -> memref<40xi32, #tpu.memory_space<hbm>>
      tpu.wait_dma2 semaphore(%arg23 : memref<!tpu.dma_semaphore, #tpu.memory_space<semaphore_mem>>) src(%dma_wait3A_358 : memref<40xi32, #tpu.memory_space<hbm>>) dst(%arg14 : memref<40xi32, #tpu.memory_space<vmem>>)
      %dma_start3A_359 = arith.constant 0 : i32
      %dma_start3A_360 = arith.constant 0 : i32
      %dma_start3A_361 = tpu.memref_slice %arg4[%dma_start3A_359, %dma_start3A_360] : memref<10000x128xf32, #tpu.memory_space<hbm>> -> memref<10000x128xf32, #tpu.memory_space<hbm>>
      tpu.enqueue_indirect_dma source(%dma_start3A_361 : memref<10000x128xf32, #tpu.memory_space<hbm>>) target(%arg8 : memref<40x128xf32, #tpu.memory_space<vmem>>) offsets(%arg14 : memref<40xi32, #tpu.memory_space<vmem>>) semaphore(%arg19 : memref<!tpu.dma_semaphore, #tpu.memory_space<semaphore_mem>>)
      %mul3A_362 = arith.constant 40 : i32
      %mul3A_363 = arith.muli %add3A_319, %mul3A_362 : i32
      %add3A_364 = arith.addi %mul3A_2, %mul3A_363 : i32
      %dma_start3A_365 = arith.constant 0 : i32
      %dma_start3A_366 = tpu.memref_slice %arg5[%add3A_364, %dma_start3A_365] : memref<153600x128xf32, #tpu.memory_space<hbm>> -> memref<40x128xf32, #tpu.memory_space<hbm>>
      %dma_start3A_367 = arith.constant 0 : i32
      %dma_start3A_368 = tpu.memref_slice %arg5[%add3A_364, %dma_start3A_367] : memref<153600x128xf32, #tpu.memory_space<hbm>> -> memref<40x128xf32, #tpu.memory_space<hbm>>
      tpu.enqueue_dma source(%dma_start3A_368 : memref<40x128xf32, #tpu.memory_space<hbm>>) target(%arg10 : memref<40x128xf32, #tpu.memory_space<vmem>>) target_semaphore(%arg19 : memref<!tpu.dma_semaphore, #tpu.memory_space<semaphore_mem>>)
    }
    %scan3A_184 = arith.constant 58 : i32
    %dma_wait3A_185 = arith.constant 0 : i32
    %dma_wait3A_186 = arith.constant 0 : i32
    %dma_wait3A_187 = tpu.memref_slice %arg4[%dma_wait3A_185, %dma_wait3A_186] : memref<10000x128xf32, #tpu.memory_space<hbm>> -> memref<10000x128xf32, #tpu.memory_space<hbm>>
    tpu.wait_indirect_dma semaphore(%arg18 : memref<!tpu.dma_semaphore, #tpu.memory_space<semaphore_mem>>) src(%dma_wait3A_187 : memref<10000x128xf32, #tpu.memory_space<hbm>>) dst(%arg7 : memref<40x128xf32, #tpu.memory_space<vmem>>)
    %dma_wait3A_188 = arith.constant 0 : i32
    %dma_wait3A_189 = arith.constant 0 : i32
    %dma_wait3A_190 = tpu.memref_slice %arg5[%dma_wait3A_188, %dma_wait3A_189] : memref<153600x128xf32, #tpu.memory_space<hbm>> -> memref<40x128xf32, #tpu.memory_space<hbm>>
    %dma_wait3A_191 = arith.constant 0 : i32
    %dma_wait3A_192 = arith.constant 0 : i32
    %dma_wait3A_193 = tpu.memref_slice %arg5[%dma_wait3A_191, %dma_wait3A_192] : memref<153600x128xf32, #tpu.memory_space<hbm>> -> memref<40x128xf32, #tpu.memory_space<hbm>>
    tpu.wait_dma2 semaphore(%arg18 : memref<!tpu.dma_semaphore, #tpu.memory_space<semaphore_mem>>) src(%dma_wait3A_193 : memref<40x128xf32, #tpu.memory_space<hbm>>) dst(%arg9 : memref<40x128xf32, #tpu.memory_space<vmem>>)
    %dma_wait3A_194 = arith.constant 0 : i32
    %dma_wait3A_195 = arith.constant 0 : i32
    %dma_wait3A_196 = tpu.memref_slice %arg17[%dma_wait3A_194, %dma_wait3A_195] : memref<10000x128xf32, #tpu.memory_space<vmem_shared>> -> memref<10000x128xf32, #tpu.memory_space<vmem_shared>>
    tpu.wait_indirect_dma semaphore(%arg20 : memref<!tpu.dma_semaphore, #tpu.memory_space<semaphore_mem>>) src(%arg11 : memref<40x128xf32, #tpu.memory_space<vmem>>) dst(%dma_wait3A_196 : memref<10000x128xf32, #tpu.memory_space<vmem_shared>>)
    %add3A_197 = arith.constant 4720 : i32
    %add3A_198 = arith.addi %add3A_4, %add3A_197 : i32
    %dma_start3A_199 = tpu.memref_slice %arg3[%add3A_198] : memref<320000xi32, #tpu.memory_space<hbm>> -> memref<40xi32, #tpu.memory_space<hbm>>
    %dma_start3A_200 = tpu.memref_slice %arg3[%add3A_198] : memref<320000xi32, #tpu.memory_space<hbm>> -> memref<40xi32, #tpu.memory_space<hbm>>
    tpu.enqueue_dma source(%dma_start3A_200 : memref<40xi32, #tpu.memory_space<hbm>>) target(%arg15 : memref<40xi32, #tpu.memory_space<vmem>>) target_semaphore(%arg24 : memref<!tpu.dma_semaphore, #tpu.memory_space<semaphore_mem>>)
    %scan3A_201 = arith.constant 0 : i32
    %scan3A_202 = arith.constant 0 : i32
    %scan3A_203 = arith.constant 40 : i32
    %scan3A_204 = arith.addi %scan3A_202, %scan3A_203 : i32
    %scan3A_205 = arith.constant 1 : i32
    scf.for %scan3A_256 = %scan3A_202 to %scan3A_204 step %scan3A_205  : i32 {
      %get3A = arith.index_cast %scan3A_256 : i32 to index
      %get3A_257 = arith.constant 0 : index
      %get3A_258 = tpu.vector_load %arg7[%get3A, %get3A_257] {strides = array<i32>} : memref<40x128xf32, #tpu.memory_space<vmem>>, vector<1x16xf32>,
      %get3A_259 = vector.shape_cast %get3A_258 : vector<1x16xf32> to vector<16xf32>
      %get3A_260 = arith.index_cast %scan3A_256 : i32 to index
      %get3A_261 = arith.constant 0 : index
      %get3A_262 = tpu.vector_load %arg9[%get3A_260, %get3A_261] {strides = array<i32>} : memref<40x128xf32, #tpu.memory_space<vmem>>, vector<1x16xf32>,
      %get3A_263 = vector.shape_cast %get3A_262 : vector<1x16xf32> to vector<16xf32>
      %add3A_264 = arith.addf %get3A_259, %get3A_263 : vector<16xf32>
      %max3A = arith.constant 0.000000e+00 : f32
      %max3A_265 = vector.broadcast %max3A : f32 to vector<16xf32>
      %max3A_266 = arith.maximumf %add3A_264, %max3A_265 : vector<16xf32>
      %swap3A = arith.index_cast %scan3A_256 : i32 to index
      %swap3A_267 = arith.constant 0 : index
      %swap3A_268 = tpu.vector_load %arg11[%swap3A, %swap3A_267] {strides = array<i32>} : memref<40x128xf32, #tpu.memory_space<vmem>>, vector<1x16xf32>,
      %swap3A_269 = vector.shape_cast %swap3A_268 : vector<1x16xf32> to vector<16xf32>
      %swap3A_270 = vector.shape_cast %max3A_266 : vector<16xf32> to vector<1x16xf32>
      tpu.vector_store %arg11[%swap3A, %swap3A_267], %swap3A_270 {strides = array<i32>} : memref<40x128xf32, #tpu.memory_space<vmem>>, vector<1x16xf32>,
      %get3A_271 = arith.index_cast %scan3A_256 : i32 to index
      %get3A_272 = arith.constant 16 : index
      %get3A_273 = tpu.vector_load %arg7[%get3A_271, %get3A_272] {strides = array<i32>} : memref<40x128xf32, #tpu.memory_space<vmem>>, vector<1x16xf32>,
      %get3A_274 = vector.shape_cast %get3A_273 : vector<1x16xf32> to vector<16xf32>
      %get3A_275 = arith.index_cast %scan3A_256 : i32 to index
      %get3A_276 = arith.constant 16 : index
      %get3A_277 = tpu.vector_load %arg9[%get3A_275, %get3A_276] {strides = array<i32>} : memref<40x128xf32, #tpu.memory_space<vmem>>, vector<1x16xf32>,
      %get3A_278 = vector.shape_cast %get3A_277 : vector<1x16xf32> to vector<16xf32>
      %add3A_279 = arith.addf %get3A_274, %get3A_278 : vector<16xf32>
      %max3A_280 = arith.constant 0.000000e+00 : f32
      %max3A_281 = vector.broadcast %max3A_280 : f32 to vector<16xf32>
      %max3A_282 = arith.maximumf %add3A_279, %max3A_281 : vector<16xf32>
      %swap3A_283 = arith.index_cast %scan3A_256 : i32 to index
      %swap3A_284 = arith.constant 16 : index
      %swap3A_285 = tpu.vector_load %arg11[%swap3A_283, %swap3A_284] {strides = array<i32>} : memref<40x128xf32, #tpu.memory_space<vmem>>, vector<1x16xf32>,
      %swap3A_286 = vector.shape_cast %swap3A_285 : vector<1x16xf32> to vector<16xf32>
      %swap3A_287 = vector.shape_cast %max3A_282 : vector<16xf32> to vector<1x16xf32>
      tpu.vector_store %arg11[%swap3A_283, %swap3A_284], %swap3A_287 {strides = array<i32>} : memref<40x128xf32, #tpu.memory_space<vmem>>, vector<1x16xf32>,
      %get3A_288 = arith.index_cast %scan3A_256 : i32 to index
      %get3A_289 = arith.constant 32 : index
      %get3A_290 = tpu.vector_load %arg7[%get3A_288, %get3A_289] {strides = array<i32>} : memref<40x128xf32, #tpu.memory_space<vmem>>, vector<1x16xf32>,
      %get3A_291 = vector.shape_cast %get3A_290 : vector<1x16xf32> to vector<16xf32>
      %get3A_292 = arith.index_cast %scan3A_256 : i32 to index
      %get3A_293 = arith.constant 32 : index
      %get3A_294 = tpu.vector_load %arg9[%get3A_292, %get3A_293] {strides = array<i32>} : memref<40x128xf32, #tpu.memory_space<vmem>>, vector<1x16xf32>,
      %get3A_295 = vector.shape_cast %get3A_294 : vector<1x16xf32> to vector<16xf32>
      %add3A_296 = arith.addf %get3A_291, %get3A_295 : vector<16xf32>
      %max3A_297 = arith.constant 0.000000e+00 : f32
      %max3A_298 = vector.broadcast %max3A_297 : f32 to vector<16xf32>
      %max3A_299 = arith.maximumf %add3A_296, %max3A_298 : vector<16xf32>
      %swap3A_300 = arith.index_cast %scan3A_256 : i32 to index
      %swap3A_301 = arith.constant 32 : index
      %swap3A_302 = tpu.vector_load %arg11[%swap3A_300, %swap3A_301] {strides = array<i32>} : memref<40x128xf32, #tpu.memory_space<vmem>>, vector<1x16xf32>,
      %swap3A_303 = vector.shape_cast %swap3A_302 : vector<1x16xf32> to vector<16xf32>
      %swap3A_304 = vector.shape_cast %max3A_299 : vector<16xf32> to vector<1x16xf32>
      tpu.vector_store %arg11[%swap3A_300, %swap3A_301], %swap3A_304 {strides = array<i32>} : memref<40x128xf32, #tpu.memory_space<vmem>>, vector<1x16xf32>,
      %get3A_305 = arith.index_cast %scan3A_256 : i32 to index
      %get3A_306 = arith.constant 48 : index
      %get3A_307 = tpu.vector_load %arg7[%get3A_305, %get3A_306] {strides = array<i32>} : memref<40x128xf32, #tpu.memory_space<vmem>>, vector<1x16xf32>,
      %get3A_308 = vector.shape_cast %get3A_307 : vector<1x16xf32> to vector<16xf32>
      %get3A_309 = arith.index_cast %scan3A_256 : i32 to index
      %get3A_310 = arith.constant 48 : index
      %get3A_311 = tpu.vector_load %arg9[%get3A_309, %get3A_310] {strides = array<i32>} : memref<40x128xf32, #tpu.memory_space<vmem>>, vector<1x16xf32>,
      %get3A_312 = vector.shape_cast %get3A_311 : vector<1x16xf32> to vector<16xf32>
      %add3A_313 = arith.addf %get3A_308, %get3A_312 : vector<16xf32>
      %max3A_314 = arith.constant 0.000000e+00 : f32
      %max3A_315 = vector.broadcast %max3A_314 : f32 to vector<16xf32>
      %max3A_316 = arith.maximumf %add3A_313, %max3A_315 : vector<16xf32>
      %swap3A_317 = arith.index_cast %scan3A_256 : i32 to index
      %swap3A_318 = arith.constant 48 : index
      %swap3A_319 = tpu.vector_load %arg11[%swap3A_317, %swap3A_318] {strides = array<i32>} : memref<40x128xf32, #tpu.memory_space<vmem>>, vector<1x16xf32>,
      %swap3A_320 = vector.shape_cast %swap3A_319 : vector<1x16xf32> to vector<16xf32>
      %swap3A_321 = vector.shape_cast %max3A_316 : vector<16xf32> to vector<1x16xf32>
      tpu.vector_store %arg11[%swap3A_317, %swap3A_318], %swap3A_321 {strides = array<i32>} : memref<40x128xf32, #tpu.memory_space<vmem>>, vector<1x16xf32>,
      %get3A_322 = arith.index_cast %scan3A_256 : i32 to index
      %get3A_323 = arith.constant 64 : index
      %get3A_324 = tpu.vector_load %arg7[%get3A_322, %get3A_323] {strides = array<i32>} : memref<40x128xf32, #tpu.memory_space<vmem>>, vector<1x16xf32>,
      %get3A_325 = vector.shape_cast %get3A_324 : vector<1x16xf32> to vector<16xf32>
      %get3A_326 = arith.index_cast %scan3A_256 : i32 to index
      %get3A_327 = arith.constant 64 : index
      %get3A_328 = tpu.vector_load %arg9[%get3A_326, %get3A_327] {strides = array<i32>} : memref<40x128xf32, #tpu.memory_space<vmem>>, vector<1x16xf32>,
      %get3A_329 = vector.shape_cast %get3A_328 : vector<1x16xf32> to vector<16xf32>
      %add3A_330 = arith.addf %get3A_325, %get3A_329 : vector<16xf32>
      %max3A_331 = arith.constant 0.000000e+00 : f32
      %max3A_332 = vector.broadcast %max3A_331 : f32 to vector<16xf32>
      %max3A_333 = arith.maximumf %add3A_330, %max3A_332 : vector<16xf32>
      %swap3A_334 = arith.index_cast %scan3A_256 : i32 to index
      %swap3A_335 = arith.constant 64 : index
      %swap3A_336 = tpu.vector_load %arg11[%swap3A_334, %swap3A_335] {strides = array<i32>} : memref<40x128xf32, #tpu.memory_space<vmem>>, vector<1x16xf32>,
      %swap3A_337 = vector.shape_cast %swap3A_336 : vector<1x16xf32> to vector<16xf32>
      %swap3A_338 = vector.shape_cast %max3A_333 : vector<16xf32> to vector<1x16xf32>
      tpu.vector_store %arg11[%swap3A_334, %swap3A_335], %swap3A_338 {strides = array<i32>} : memref<40x128xf32, #tpu.memory_space<vmem>>, vector<1x16xf32>,
      %get3A_339 = arith.index_cast %scan3A_256 : i32 to index
      %get3A_340 = arith.constant 80 : index
      %get3A_341 = tpu.vector_load %arg7[%get3A_339, %get3A_340] {strides = array<i32>} : memref<40x128xf32, #tpu.memory_space<vmem>>, vector<1x16xf32>,
      %get3A_342 = vector.shape_cast %get3A_341 : vector<1x16xf32> to vector<16xf32>
      %get3A_343 = arith.index_cast %scan3A_256 : i32 to index
      %get3A_344 = arith.constant 80 : index
      %get3A_345 = tpu.vector_load %arg9[%get3A_343, %get3A_344] {strides = array<i32>} : memref<40x128xf32, #tpu.memory_space<vmem>>, vector<1x16xf32>,
      %get3A_346 = vector.shape_cast %get3A_345 : vector<1x16xf32> to vector<16xf32>
      %add3A_347 = arith.addf %get3A_342, %get3A_346 : vector<16xf32>
      %max3A_348 = arith.constant 0.000000e+00 : f32
      %max3A_349 = vector.broadcast %max3A_348 : f32 to vector<16xf32>
      %max3A_350 = arith.maximumf %add3A_347, %max3A_349 : vector<16xf32>
      %swap3A_351 = arith.index_cast %scan3A_256 : i32 to index
      %swap3A_352 = arith.constant 80 : index
      %swap3A_353 = tpu.vector_load %arg11[%swap3A_351, %swap3A_352] {strides = array<i32>} : memref<40x128xf32, #tpu.memory_space<vmem>>, vector<1x16xf32>,
      %swap3A_354 = vector.shape_cast %swap3A_353 : vector<1x16xf32> to vector<16xf32>
      %swap3A_355 = vector.shape_cast %max3A_350 : vector<16xf32> to vector<1x16xf32>
      tpu.vector_store %arg11[%swap3A_351, %swap3A_352], %swap3A_355 {strides = array<i32>} : memref<40x128xf32, #tpu.memory_space<vmem>>, vector<1x16xf32>,
      %get3A_356 = arith.index_cast %scan3A_256 : i32 to index
      %get3A_357 = arith.constant 96 : index
      %get3A_358 = tpu.vector_load %arg7[%get3A_356, %get3A_357] {strides = array<i32>} : memref<40x128xf32, #tpu.memory_space<vmem>>, vector<1x16xf32>,
      %get3A_359 = vector.shape_cast %get3A_358 : vector<1x16xf32> to vector<16xf32>
      %get3A_360 = arith.index_cast %scan3A_256 : i32 to index
      %get3A_361 = arith.constant 96 : index
      %get3A_362 = tpu.vector_load %arg9[%get3A_360, %get3A_361] {strides = array<i32>} : memref<40x128xf32, #tpu.memory_space<vmem>>, vector<1x16xf32>,
      %get3A_363 = vector.shape_cast %get3A_362 : vector<1x16xf32> to vector<16xf32>
      %add3A_364 = arith.addf %get3A_359, %get3A_363 : vector<16xf32>
      %max3A_365 = arith.constant 0.000000e+00 : f32
      %max3A_366 = vector.broadcast %max3A_365 : f32 to vector<16xf32>
      %max3A_367 = arith.maximumf %add3A_364, %max3A_366 : vector<16xf32>
      %swap3A_368 = arith.index_cast %scan3A_256 : i32 to index
      %swap3A_369 = arith.constant 96 : index
      %swap3A_370 = tpu.vector_load %arg11[%swap3A_368, %swap3A_369] {strides = array<i32>} : memref<40x128xf32, #tpu.memory_space<vmem>>, vector<1x16xf32>,
      %swap3A_371 = vector.shape_cast %swap3A_370 : vector<1x16xf32> to vector<16xf32>
      %swap3A_372 = vector.shape_cast %max3A_367 : vector<16xf32> to vector<1x16xf32>
      tpu.vector_store %arg11[%swap3A_368, %swap3A_369], %swap3A_372 {strides = array<i32>} : memref<40x128xf32, #tpu.memory_space<vmem>>, vector<1x16xf32>,
      %get3A_373 = arith.index_cast %scan3A_256 : i32 to index
      %get3A_374 = arith.constant 112 : index
      %get3A_375 = tpu.vector_load %arg7[%get3A_373, %get3A_374] {strides = array<i32>} : memref<40x128xf32, #tpu.memory_space<vmem>>, vector<1x16xf32>,
      %get3A_376 = vector.shape_cast %get3A_375 : vector<1x16xf32> to vector<16xf32>
      %get3A_377 = arith.index_cast %scan3A_256 : i32 to index
      %get3A_378 = arith.constant 112 : index
      %get3A_379 = tpu.vector_load %arg9[%get3A_377, %get3A_378] {strides = array<i32>} : memref<40x128xf32, #tpu.memory_space<vmem>>, vector<1x16xf32>,
      %get3A_380 = vector.shape_cast %get3A_379 : vector<1x16xf32> to vector<16xf32>
      %add3A_381 = arith.addf %get3A_376, %get3A_380 : vector<16xf32>
      %max3A_382 = arith.constant 0.000000e+00 : f32
      %max3A_383 = vector.broadcast %max3A_382 : f32 to vector<16xf32>
      %max3A_384 = arith.maximumf %add3A_381, %max3A_383 : vector<16xf32>
      %swap3A_385 = arith.index_cast %scan3A_256 : i32 to index
      %swap3A_386 = arith.constant 112 : index
      %swap3A_387 = tpu.vector_load %arg11[%swap3A_385, %swap3A_386] {strides = array<i32>} : memref<40x128xf32, #tpu.memory_space<vmem>>, vector<1x16xf32>,
      %swap3A_388 = vector.shape_cast %swap3A_387 : vector<1x16xf32> to vector<16xf32>
      %swap3A_389 = vector.shape_cast %max3A_384 : vector<16xf32> to vector<1x16xf32>
      tpu.vector_store %arg11[%swap3A_385, %swap3A_386], %swap3A_389 {strides = array<i32>} : memref<40x128xf32, #tpu.memory_space<vmem>>, vector<1x16xf32>,
    }
    %scan3A_206 = arith.constant 40 : i32
    %dma_wait3A_207 = arith.constant 0 : i32
    %dma_wait3A_208 = tpu.memref_slice %arg3[%dma_wait3A_207] : memref<320000xi32, #tpu.memory_space<hbm>> -> memref<40xi32, #tpu.memory_space<hbm>>
    %dma_wait3A_209 = arith.constant 0 : i32
    %dma_wait3A_210 = tpu.memref_slice %arg3[%dma_wait3A_209] : memref<320000xi32, #tpu.memory_space<hbm>> -> memref<40xi32, #tpu.memory_space<hbm>>
    tpu.wait_dma2 semaphore(%arg24 : memref<!tpu.dma_semaphore, #tpu.memory_space<semaphore_mem>>) src(%dma_wait3A_210 : memref<40xi32, #tpu.memory_space<hbm>>) dst(%arg15 : memref<40xi32, #tpu.memory_space<vmem>>)
    %dma_start3A_211 = arith.constant 0 : i32
    %dma_start3A_212 = arith.constant 0 : i32
    %dma_start3A_213 = tpu.memref_slice %arg17[%dma_start3A_211, %dma_start3A_212] : memref<10000x128xf32, #tpu.memory_space<vmem_shared>> -> memref<10000x128xf32, #tpu.memory_space<vmem_shared>>
    tpu.enqueue_indirect_dma source(%arg11 : memref<40x128xf32, #tpu.memory_space<vmem>>) target(%dma_start3A_213 : memref<10000x128xf32, #tpu.memory_space<vmem_shared>>) offsets(%arg15 : memref<40xi32, #tpu.memory_space<vmem>>) semaphore(%arg20 : memref<!tpu.dma_semaphore, #tpu.memory_space<semaphore_mem>>) {add = true}
    %dma_wait3A_214 = arith.constant 0 : i32
    %dma_wait3A_215 = arith.constant 0 : i32
    %dma_wait3A_216 = tpu.memref_slice %arg4[%dma_wait3A_214, %dma_wait3A_215] : memref<10000x128xf32, #tpu.memory_space<hbm>> -> memref<10000x128xf32, #tpu.memory_space<hbm>>
    tpu.wait_indirect_dma semaphore(%arg19 : memref<!tpu.dma_semaphore, #tpu.memory_space<semaphore_mem>>) src(%dma_wait3A_216 : memref<10000x128xf32, #tpu.memory_space<hbm>>) dst(%arg8 : memref<40x128xf32, #tpu.memory_space<vmem>>)
    %dma_wait3A_217 = arith.constant 0 : i32
    %dma_wait3A_218 = arith.constant 0 : i32
    %dma_wait3A_219 = tpu.memref_slice %arg5[%dma_wait3A_217, %dma_wait3A_218] : memref<153600x128xf32, #tpu.memory_space<hbm>> -> memref<40x128xf32, #tpu.memory_space<hbm>>
    %dma_wait3A_220 = arith.constant 0 : i32
    %dma_wait3A_221 = arith.constant 0 : i32
    %dma_wait3A_222 = tpu.memref_slice %arg5[%dma_wait3A_220, %dma_wait3A_221] : memref<153600x128xf32, #tpu.memory_space<hbm>> -> memref<40x128xf32, #tpu.memory_space<hbm>>
    tpu.wait_dma2 semaphore(%arg19 : memref<!tpu.dma_semaphore, #tpu.memory_space<semaphore_mem>>) src(%dma_wait3A_222 : memref<40x128xf32, #tpu.memory_space<hbm>>) dst(%arg10 : memref<40x128xf32, #tpu.memory_space<vmem>>)
    %dma_wait3A_223 = arith.constant 0 : i32
    %dma_wait3A_224 = arith.constant 0 : i32
    %dma_wait3A_225 = tpu.memref_slice %arg17[%dma_wait3A_223, %dma_wait3A_224] : memref<10000x128xf32, #tpu.memory_space<vmem_shared>> -> memref<10000x128xf32, #tpu.memory_space<vmem_shared>>
    tpu.wait_indirect_dma semaphore(%arg21 : memref<!tpu.dma_semaphore, #tpu.memory_space<semaphore_mem>>) src(%arg12 : memref<40x128xf32, #tpu.memory_space<vmem>>) dst(%dma_wait3A_225 : memref<10000x128xf32, #tpu.memory_space<vmem_shared>>)
    %add3A_226 = arith.constant 4760 : i32
    %add3A_227 = arith.addi %add3A_4, %add3A_226 : i32
    %dma_start3A_228 = tpu.memref_slice %arg3[%add3A_227] : memref<320000xi32, #tpu.memory_space<hbm>> -> memref<40xi32, #tpu.memory_space<hbm>>
    %dma_start3A_229 = tpu.memref_slice %arg3[%add3A_227] : memref<320000xi32, #tpu.memory_space<hbm>> -> memref<40xi32, #tpu.memory_space<hbm>>
    tpu.enqueue_dma source(%dma_start3A_229 : memref<40xi32, #tpu.memory_space<hbm>>) target(%arg16 : memref<40xi32, #tpu.memory_space<vmem>>) target_semaphore(%arg25 : memref<!tpu.dma_semaphore, #tpu.memory_space<semaphore_mem>>)
    %scan3A_230 = arith.constant 0 : i32
    %scan3A_231 = arith.constant 0 : i32
    %scan3A_232 = arith.constant 40 : i32
    %scan3A_233 = arith.addi %scan3A_231, %scan3A_232 : i32
    %scan3A_234 = arith.constant 1 : i32
    scf.for %scan3A_256 = %scan3A_231 to %scan3A_233 step %scan3A_234  : i32 {
      %get3A = arith.index_cast %scan3A_256 : i32 to index
      %get3A_257 = arith.constant 0 : index
      %get3A_258 = tpu.vector_load %arg8[%get3A, %get3A_257] {strides = array<i32>} : memref<40x128xf32, #tpu.memory_space<vmem>>, vector<1x16xf32>,
      %get3A_259 = vector.shape_cast %get3A_258 : vector<1x16xf32> to vector<16xf32>
      %get3A_260 = arith.index_cast %scan3A_256 : i32 to index
      %get3A_261 = arith.constant 0 : index
      %get3A_262 = tpu.vector_load %arg10[%get3A_260, %get3A_261] {strides = array<i32>} : memref<40x128xf32, #tpu.memory_space<vmem>>, vector<1x16xf32>,
      %get3A_263 = vector.shape_cast %get3A_262 : vector<1x16xf32> to vector<16xf32>
      %add3A_264 = arith.addf %get3A_259, %get3A_263 : vector<16xf32>
      %max3A = arith.constant 0.000000e+00 : f32
      %max3A_265 = vector.broadcast %max3A : f32 to vector<16xf32>
      %max3A_266 = arith.maximumf %add3A_264, %max3A_265 : vector<16xf32>
      %swap3A = arith.index_cast %scan3A_256 : i32 to index
      %swap3A_267 = arith.constant 0 : index
      %swap3A_268 = tpu.vector_load %arg12[%swap3A, %swap3A_267] {strides = array<i32>} : memref<40x128xf32, #tpu.memory_space<vmem>>, vector<1x16xf32>,
      %swap3A_269 = vector.shape_cast %swap3A_268 : vector<1x16xf32> to vector<16xf32>
      %swap3A_270 = vector.shape_cast %max3A_266 : vector<16xf32> to vector<1x16xf32>
      tpu.vector_store %arg12[%swap3A, %swap3A_267], %swap3A_270 {strides = array<i32>} : memref<40x128xf32, #tpu.memory_space<vmem>>, vector<1x16xf32>,
      %get3A_271 = arith.index_cast %scan3A_256 : i32 to index
      %get3A_272 = arith.constant 16 : index
      %get3A_273 = tpu.vector_load %arg8[%get3A_271, %get3A_272] {strides = array<i32>} : memref<40x128xf32, #tpu.memory_space<vmem>>, vector<1x16xf32>,
      %get3A_274 = vector.shape_cast %get3A_273 : vector<1x16xf32> to vector<16xf32>
      %get3A_275 = arith.index_cast %scan3A_256 : i32 to index
      %get3A_276 = arith.constant 16 : index
      %get3A_277 = tpu.vector_load %arg10[%get3A_275, %get3A_276] {strides = array<i32>} : memref<40x128xf32, #tpu.memory_space<vmem>>, vector<1x16xf32>,
      %get3A_278 = vector.shape_cast %get3A_277 : vector<1x16xf32> to vector<16xf32>
      %add3A_279 = arith.addf %get3A_274, %get3A_278 : vector<16xf32>
      %max3A_280 = arith.constant 0.000000e+00 : f32
      %max3A_281 = vector.broadcast %max3A_280 : f32 to vector<16xf32>
      %max3A_282 = arith.maximumf %add3A_279, %max3A_281 : vector<16xf32>
      %swap3A_283 = arith.index_cast %scan3A_256 : i32 to index
      %swap3A_284 = arith.constant 16 : index
      %swap3A_285 = tpu.vector_load %arg12[%swap3A_283, %swap3A_284] {strides = array<i32>} : memref<40x128xf32, #tpu.memory_space<vmem>>, vector<1x16xf32>,
      %swap3A_286 = vector.shape_cast %swap3A_285 : vector<1x16xf32> to vector<16xf32>
      %swap3A_287 = vector.shape_cast %max3A_282 : vector<16xf32> to vector<1x16xf32>
      tpu.vector_store %arg12[%swap3A_283, %swap3A_284], %swap3A_287 {strides = array<i32>} : memref<40x128xf32, #tpu.memory_space<vmem>>, vector<1x16xf32>,
      %get3A_288 = arith.index_cast %scan3A_256 : i32 to index
      %get3A_289 = arith.constant 32 : index
      %get3A_290 = tpu.vector_load %arg8[%get3A_288, %get3A_289] {strides = array<i32>} : memref<40x128xf32, #tpu.memory_space<vmem>>, vector<1x16xf32>,
      %get3A_291 = vector.shape_cast %get3A_290 : vector<1x16xf32> to vector<16xf32>
      %get3A_292 = arith.index_cast %scan3A_256 : i32 to index
      %get3A_293 = arith.constant 32 : index
      %get3A_294 = tpu.vector_load %arg10[%get3A_292, %get3A_293] {strides = array<i32>} : memref<40x128xf32, #tpu.memory_space<vmem>>, vector<1x16xf32>,
      %get3A_295 = vector.shape_cast %get3A_294 : vector<1x16xf32> to vector<16xf32>
      %add3A_296 = arith.addf %get3A_291, %get3A_295 : vector<16xf32>
      %max3A_297 = arith.constant 0.000000e+00 : f32
      %max3A_298 = vector.broadcast %max3A_297 : f32 to vector<16xf32>
      %max3A_299 = arith.maximumf %add3A_296, %max3A_298 : vector<16xf32>
      %swap3A_300 = arith.index_cast %scan3A_256 : i32 to index
      %swap3A_301 = arith.constant 32 : index
      %swap3A_302 = tpu.vector_load %arg12[%swap3A_300, %swap3A_301] {strides = array<i32>} : memref<40x128xf32, #tpu.memory_space<vmem>>, vector<1x16xf32>,
      %swap3A_303 = vector.shape_cast %swap3A_302 : vector<1x16xf32> to vector<16xf32>
      %swap3A_304 = vector.shape_cast %max3A_299 : vector<16xf32> to vector<1x16xf32>
      tpu.vector_store %arg12[%swap3A_300, %swap3A_301], %swap3A_304 {strides = array<i32>} : memref<40x128xf32, #tpu.memory_space<vmem>>, vector<1x16xf32>,
      %get3A_305 = arith.index_cast %scan3A_256 : i32 to index
      %get3A_306 = arith.constant 48 : index
      %get3A_307 = tpu.vector_load %arg8[%get3A_305, %get3A_306] {strides = array<i32>} : memref<40x128xf32, #tpu.memory_space<vmem>>, vector<1x16xf32>,
      %get3A_308 = vector.shape_cast %get3A_307 : vector<1x16xf32> to vector<16xf32>
      %get3A_309 = arith.index_cast %scan3A_256 : i32 to index
      %get3A_310 = arith.constant 48 : index
      %get3A_311 = tpu.vector_load %arg10[%get3A_309, %get3A_310] {strides = array<i32>} : memref<40x128xf32, #tpu.memory_space<vmem>>, vector<1x16xf32>,
      %get3A_312 = vector.shape_cast %get3A_311 : vector<1x16xf32> to vector<16xf32>
      %add3A_313 = arith.addf %get3A_308, %get3A_312 : vector<16xf32>
      %max3A_314 = arith.constant 0.000000e+00 : f32
      %max3A_315 = vector.broadcast %max3A_314 : f32 to vector<16xf32>
      %max3A_316 = arith.maximumf %add3A_313, %max3A_315 : vector<16xf32>
      %swap3A_317 = arith.index_cast %scan3A_256 : i32 to index
      %swap3A_318 = arith.constant 48 : index
      %swap3A_319 = tpu.vector_load %arg12[%swap3A_317, %swap3A_318] {strides = array<i32>} : memref<40x128xf32, #tpu.memory_space<vmem>>, vector<1x16xf32>,
      %swap3A_320 = vector.shape_cast %swap3A_319 : vector<1x16xf32> to vector<16xf32>
      %swap3A_321 = vector.shape_cast %max3A_316 : vector<16xf32> to vector<1x16xf32>
      tpu.vector_store %arg12[%swap3A_317, %swap3A_318], %swap3A_321 {strides = array<i32>} : memref<40x128xf32, #tpu.memory_space<vmem>>, vector<1x16xf32>,
      %get3A_322 = arith.index_cast %scan3A_256 : i32 to index
      %get3A_323 = arith.constant 64 : index
      %get3A_324 = tpu.vector_load %arg8[%get3A_322, %get3A_323] {strides = array<i32>} : memref<40x128xf32, #tpu.memory_space<vmem>>, vector<1x16xf32>,
      %get3A_325 = vector.shape_cast %get3A_324 : vector<1x16xf32> to vector<16xf32>
      %get3A_326 = arith.index_cast %scan3A_256 : i32 to index
      %get3A_327 = arith.constant 64 : index
      %get3A_328 = tpu.vector_load %arg10[%get3A_326, %get3A_327] {strides = array<i32>} : memref<40x128xf32, #tpu.memory_space<vmem>>, vector<1x16xf32>,
      %get3A_329 = vector.shape_cast %get3A_328 : vector<1x16xf32> to vector<16xf32>
      %add3A_330 = arith.addf %get3A_325, %get3A_329 : vector<16xf32>
      %max3A_331 = arith.constant 0.000000e+00 : f32
      %max3A_332 = vector.broadcast %max3A_331 : f32 to vector<16xf32>
      %max3A_333 = arith.maximumf %add3A_330, %max3A_332 : vector<16xf32>
      %swap3A_334 = arith.index_cast %scan3A_256 : i32 to index
      %swap3A_335 = arith.constant 64 : index
      %swap3A_336 = tpu.vector_load %arg12[%swap3A_334, %swap3A_335] {strides = array<i32>} : memref<40x128xf32, #tpu.memory_space<vmem>>, vector<1x16xf32>,
      %swap3A_337 = vector.shape_cast %swap3A_336 : vector<1x16xf32> to vector<16xf32>
      %swap3A_338 = vector.shape_cast %max3A_333 : vector<16xf32> to vector<1x16xf32>
      tpu.vector_store %arg12[%swap3A_334, %swap3A_335], %swap3A_338 {strides = array<i32>} : memref<40x128xf32, #tpu.memory_space<vmem>>, vector<1x16xf32>,
      %get3A_339 = arith.index_cast %scan3A_256 : i32 to index
      %get3A_340 = arith.constant 80 : index
      %get3A_341 = tpu.vector_load %arg8[%get3A_339, %get3A_340] {strides = array<i32>} : memref<40x128xf32, #tpu.memory_space<vmem>>, vector<1x16xf32>,
      %get3A_342 = vector.shape_cast %get3A_341 : vector<1x16xf32> to vector<16xf32>
      %get3A_343 = arith.index_cast %scan3A_256 : i32 to index
      %get3A_344 = arith.constant 80 : index
      %get3A_345 = tpu.vector_load %arg10[%get3A_343, %get3A_344] {strides = array<i32>} : memref<40x128xf32, #tpu.memory_space<vmem>>, vector<1x16xf32>,
      %get3A_346 = vector.shape_cast %get3A_345 : vector<1x16xf32> to vector<16xf32>
      %add3A_347 = arith.addf %get3A_342, %get3A_346 : vector<16xf32>
      %max3A_348 = arith.constant 0.000000e+00 : f32
      %max3A_349 = vector.broadcast %max3A_348 : f32 to vector<16xf32>
      %max3A_350 = arith.maximumf %add3A_347, %max3A_349 : vector<16xf32>
      %swap3A_351 = arith.index_cast %scan3A_256 : i32 to index
      %swap3A_352 = arith.constant 80 : index
      %swap3A_353 = tpu.vector_load %arg12[%swap3A_351, %swap3A_352] {strides = array<i32>} : memref<40x128xf32, #tpu.memory_space<vmem>>, vector<1x16xf32>,
      %swap3A_354 = vector.shape_cast %swap3A_353 : vector<1x16xf32> to vector<16xf32>
      %swap3A_355 = vector.shape_cast %max3A_350 : vector<16xf32> to vector<1x16xf32>
      tpu.vector_store %arg12[%swap3A_351, %swap3A_352], %swap3A_355 {strides = array<i32>} : memref<40x128xf32, #tpu.memory_space<vmem>>, vector<1x16xf32>,
      %get3A_356 = arith.index_cast %scan3A_256 : i32 to index
      %get3A_357 = arith.constant 96 : index
      %get3A_358 = tpu.vector_load %arg8[%get3A_356, %get3A_357] {strides = array<i32>} : memref<40x128xf32, #tpu.memory_space<vmem>>, vector<1x16xf32>,
      %get3A_359 = vector.shape_cast %get3A_358 : vector<1x16xf32> to vector<16xf32>
      %get3A_360 = arith.index_cast %scan3A_256 : i32 to index
      %get3A_361 = arith.constant 96 : index
      %get3A_362 = tpu.vector_load %arg10[%get3A_360, %get3A_361] {strides = array<i32>} : memref<40x128xf32, #tpu.memory_space<vmem>>, vector<1x16xf32>,
      %get3A_363 = vector.shape_cast %get3A_362 : vector<1x16xf32> to vector<16xf32>
      %add3A_364 = arith.addf %get3A_359, %get3A_363 : vector<16xf32>
      %max3A_365 = arith.constant 0.000000e+00 : f32
      %max3A_366 = vector.broadcast %max3A_365 : f32 to vector<16xf32>
      %max3A_367 = arith.maximumf %add3A_364, %max3A_366 : vector<16xf32>
      %swap3A_368 = arith.index_cast %scan3A_256 : i32 to index
      %swap3A_369 = arith.constant 96 : index
      %swap3A_370 = tpu.vector_load %arg12[%swap3A_368, %swap3A_369] {strides = array<i32>} : memref<40x128xf32, #tpu.memory_space<vmem>>, vector<1x16xf32>,
      %swap3A_371 = vector.shape_cast %swap3A_370 : vector<1x16xf32> to vector<16xf32>
      %swap3A_372 = vector.shape_cast %max3A_367 : vector<16xf32> to vector<1x16xf32>
      tpu.vector_store %arg12[%swap3A_368, %swap3A_369], %swap3A_372 {strides = array<i32>} : memref<40x128xf32, #tpu.memory_space<vmem>>, vector<1x16xf32>,
      %get3A_373 = arith.index_cast %scan3A_256 : i32 to index
      %get3A_374 = arith.constant 112 : index
      %get3A_375 = tpu.vector_load %arg8[%get3A_373, %get3A_374] {strides = array<i32>} : memref<40x128xf32, #tpu.memory_space<vmem>>, vector<1x16xf32>,
      %get3A_376 = vector.shape_cast %get3A_375 : vector<1x16xf32> to vector<16xf32>
      %get3A_377 = arith.index_cast %scan3A_256 : i32 to index
      %get3A_378 = arith.constant 112 : index
      %get3A_379 = tpu.vector_load %arg10[%get3A_377, %get3A_378] {strides = array<i32>} : memref<40x128xf32, #tpu.memory_space<vmem>>, vector<1x16xf32>,
      %get3A_380 = vector.shape_cast %get3A_379 : vector<1x16xf32> to vector<16xf32>
      %add3A_381 = arith.addf %get3A_376, %get3A_380 : vector<16xf32>
      %max3A_382 = arith.constant 0.000000e+00 : f32
      %max3A_383 = vector.broadcast %max3A_382 : f32 to vector<16xf32>
      %max3A_384 = arith.maximumf %add3A_381, %max3A_383 : vector<16xf32>
      %swap3A_385 = arith.index_cast %scan3A_256 : i32 to index
      %swap3A_386 = arith.constant 112 : index
      %swap3A_387 = tpu.vector_load %arg12[%swap3A_385, %swap3A_386] {strides = array<i32>} : memref<40x128xf32, #tpu.memory_space<vmem>>, vector<1x16xf32>,
      %swap3A_388 = vector.shape_cast %swap3A_387 : vector<1x16xf32> to vector<16xf32>
      %swap3A_389 = vector.shape_cast %max3A_384 : vector<16xf32> to vector<1x16xf32>
      tpu.vector_store %arg12[%swap3A_385, %swap3A_386], %swap3A_389 {strides = array<i32>} : memref<40x128xf32, #tpu.memory_space<vmem>>, vector<1x16xf32>,
    }
    %scan3A_235 = arith.constant 40 : i32
    %dma_wait3A_236 = arith.constant 0 : i32
    %dma_wait3A_237 = tpu.memref_slice %arg3[%dma_wait3A_236] : memref<320000xi32, #tpu.memory_space<hbm>> -> memref<40xi32, #tpu.memory_space<hbm>>
    %dma_wait3A_238 = arith.constant 0 : i32
    %dma_wait3A_239 = tpu.memref_slice %arg3[%dma_wait3A_238] : memref<320000xi32, #tpu.memory_space<hbm>> -> memref<40xi32, #tpu.memory_space<hbm>>
    tpu.wait_dma2 semaphore(%arg25 : memref<!tpu.dma_semaphore, #tpu.memory_space<semaphore_mem>>) src(%dma_wait3A_239 : memref<40xi32, #tpu.memory_space<hbm>>) dst(%arg16 : memref<40xi32, #tpu.memory_space<vmem>>)
    %dma_start3A_240 = arith.constant 0 : i32
    %dma_start3A_241 = arith.constant 0 : i32
    %dma_start3A_242 = tpu.memref_slice %arg17[%dma_start3A_240, %dma_start3A_241] : memref<10000x128xf32, #tpu.memory_space<vmem_shared>> -> memref<10000x128xf32, #tpu.memory_space<vmem_shared>>
    tpu.enqueue_indirect_dma source(%arg12 : memref<40x128xf32, #tpu.memory_space<vmem>>) target(%dma_start3A_242 : memref<10000x128xf32, #tpu.memory_space<vmem_shared>>) offsets(%arg16 : memref<40xi32, #tpu.memory_space<vmem>>) semaphore(%arg21 : memref<!tpu.dma_semaphore, #tpu.memory_space<semaphore_mem>>) {add = true}
    %dma_wait3A_243 = arith.constant 0 : i32
    %dma_wait3A_244 = arith.constant 0 : i32
    %dma_wait3A_245 = tpu.memref_slice %arg17[%dma_wait3A_243, %dma_wait3A_244] : memref<10000x128xf32, #tpu.memory_space<vmem_shared>> -> memref<10000x128xf32, #tpu.memory_space<vmem_shared>>
    tpu.wait_indirect_dma semaphore(%arg20 : memref<!tpu.dma_semaphore, #tpu.memory_space<semaphore_mem>>) src(%arg11 : memref<40x128xf32, #tpu.memory_space<vmem>>) dst(%dma_wait3A_245 : memref<10000x128xf32, #tpu.memory_space<vmem_shared>>)
    %dma_wait3A_246 = arith.constant 0 : i32
    %dma_wait3A_247 = arith.constant 0 : i32
    %dma_wait3A_248 = tpu.memref_slice %arg17[%dma_wait3A_246, %dma_wait3A_247] : memref<10000x128xf32, #tpu.memory_space<vmem_shared>> -> memref<10000x128xf32, #tpu.memory_space<vmem_shared>>
    tpu.wait_indirect_dma semaphore(%arg21 : memref<!tpu.dma_semaphore, #tpu.memory_space<semaphore_mem>>) src(%arg12 : memref<40x128xf32, #tpu.memory_space<vmem>>) dst(%dma_wait3A_248 : memref<10000x128xf32, #tpu.memory_space<vmem_shared>>)
    %barrier3A_249 = arith.constant 0 : index
    tpu.barrier barrier_id(%barrier3A_249)
    %mul3A_250 = arith.constant 624 : i32
    %mul3A_251 = arith.muli %arg1, %mul3A_250 : i32
    %mul3A_252 = arith.constant 624 : i32
    %mul3A_253 = arith.muli %arg1, %mul3A_252 : i32
    "tpu.region"() ({
      %run_scoped3A = tpu.sem_alloc : memref<!tpu.dma_semaphore, #tpu.memory_space<semaphore_mem>>
      %dma_start3A_256 = arith.constant 0 : i32
      %dma_start3A_257 = tpu.memref_slice %arg6[%arg0, %mul3A_253, %dma_start3A_256] : memref<2x10000x128xf32, #tpu.memory_space<hbm>> -> memref<1x624x128xf32, #tpu.memory_space<hbm>>
      %dma_start3A_258 = tpu.memref_squeeze %dma_start3A_257 : memref<1x624x128xf32, #tpu.memory_space<hbm>> -> memref<624x128xf32, #tpu.memory_space<hbm>>
      %dma_start3A_259 = arith.constant 0 : i32
      %dma_start3A_260 = tpu.memref_slice %arg17[%mul3A_251, %dma_start3A_259] : memref<10000x128xf32, #tpu.memory_space<vmem_shared>> -> memref<624x128xf32, #tpu.memory_space<vmem_shared>>
      tpu.enqueue_dma source(%dma_start3A_260 : memref<624x128xf32, #tpu.memory_space<vmem_shared>>) target(%dma_start3A_258 : memref<624x128xf32, #tpu.memory_space<hbm>>) target_semaphore(%run_scoped3A : memref<!tpu.dma_semaphore, #tpu.memory_space<semaphore_mem>>)
      %dma_wait3A_261 = arith.constant 0 : i32
      %dma_wait3A_262 = tpu.memref_slice %arg6[%arg0, %mul3A_253, %dma_wait3A_261] : memref<2x10000x128xf32, #tpu.memory_space<hbm>> -> memref<1x624x128xf32, #tpu.memory_space<hbm>>
      %dma_wait3A_263 = tpu.memref_squeeze %dma_wait3A_262 : memref<1x624x128xf32, #tpu.memory_space<hbm>> -> memref<624x128xf32, #tpu.memory_space<hbm>>
      %dma_wait3A_264 = arith.constant 0 : i32
      %dma_wait3A_265 = tpu.memref_slice %arg17[%mul3A_251, %dma_wait3A_264] : memref<10000x128xf32, #tpu.memory_space<vmem_shared>> -> memref<624x128xf32, #tpu.memory_space<vmem_shared>>
      tpu.wait_dma2 semaphore(%run_scoped3A : memref<!tpu.dma_semaphore, #tpu.memory_space<semaphore_mem>>) src(%dma_wait3A_265 : memref<624x128xf32, #tpu.memory_space<vmem_shared>>) dst(%dma_wait3A_263 : memref<624x128xf32, #tpu.memory_space<hbm>>)
      tpu.yield
    }) : () -> ()
    %eq3A = arith.constant 15 : i32
    %eq3A_254 = arith.cmpi eq, %arg1, %eq3A : i32
    %convert_element_type3A = arith.extui %eq3A_254 : i1 to i32
    %cond3A = arith.constant 0 : i32
    %cond3A_255 = arith.cmpi ne, %convert_element_type3A, %cond3A : i32
    scf.if %cond3A_255 {
      "tpu.region"() ({
        %run_scoped3A = tpu.sem_alloc : memref<!tpu.dma_semaphore, #tpu.memory_space<semaphore_mem>>
        %dma_start3A_256 = arith.constant 9984 : i32
        %dma_start3A_257 = arith.constant 0 : i32
        %dma_start3A_258 = tpu.memref_slice %arg6[%arg0, %dma_start3A_256, %dma_start3A_257] : memref<2x10000x128xf32, #tpu.memory_space<hbm>> -> memref<1x16x128xf32, #tpu.memory_space<hbm>>
        %dma_start3A_259 = tpu.memref_squeeze %dma_start3A_258 : memref<1x16x128xf32, #tpu.memory_space<hbm>> -> memref<16x128xf32, #tpu.memory_space<hbm>>
        %dma_start3A_260 = arith.constant 9984 : i32
        %dma_start3A_261 = arith.constant 0 : i32
        %dma_start3A_262 = tpu.memref_slice %arg17[%dma_start3A_260, %dma_start3A_261] : memref<10000x128xf32, #tpu.memory_space<vmem_shared>> -> memref<16x128xf32, #tpu.memory_space<vmem_shared>>
        tpu.enqueue_dma source(%dma_start3A_262 : memref<16x128xf32, #tpu.memory_space<vmem_shared>>) target(%dma_start3A_259 : memref<16x128xf32, #tpu.memory_space<hbm>>) target_semaphore(%run_scoped3A : memref<!tpu.dma_semaphore, #tpu.memory_space<semaphore_mem>>)
        %dma_wait3A_263 = arith.constant 9984 : i32
        %dma_wait3A_264 = arith.constant 0 : i32
        %dma_wait3A_265 = tpu.memref_slice %arg6[%arg0, %dma_wait3A_263, %dma_wait3A_264] : memref<2x10000x128xf32, #tpu.memory_space<hbm>> -> memref<1x16x128xf32, #tpu.memory_space<hbm>>
        %dma_wait3A_266 = tpu.memref_squeeze %dma_wait3A_265 : memref<1x16x128xf32, #tpu.memory_space<hbm>> -> memref<16x128xf32, #tpu.memory_space<hbm>>
        %dma_wait3A_267 = arith.constant 9984 : i32
        %dma_wait3A_268 = arith.constant 0 : i32
        %dma_wait3A_269 = tpu.memref_slice %arg17[%dma_wait3A_267, %dma_wait3A_268] : memref<10000x128xf32, #tpu.memory_space<vmem_shared>> -> memref<16x128xf32, #tpu.memory_space<vmem_shared>>
        tpu.wait_dma2 semaphore(%run_scoped3A : memref<!tpu.dma_semaphore, #tpu.memory_space<semaphore_mem>>) src(%dma_wait3A_269 : memref<16x128xf32, #tpu.memory_space<vmem_shared>>) dst(%dma_wait3A_266 : memref<16x128xf32, #tpu.memory_space<hbm>>)
        tpu.yield
      }) : () -> ()
    } else {
    }
    return
  }
}

module attributes {stable_mosaic.version = 14 : i64} {
  func.func @_ea_body(%arg0: i32, %arg1: memref<16x6400xf32, #tpu.memory_space<vmem>>, %arg2: memref<16x128xf32, #tpu.memory_space<vmem>>, %arg3: memref<6400x128xf32, #tpu.memory_space<vmem>>) attributes {dimension_semantics = [#tpu.dimension_semantics<arbitrary>], iteration_bounds = array<i64: 26>, scalar_prefetch = 0 : i64, scratch_operands = 0 : i64, tpu.core_type = #tpu.core_type<tc>, window_params = [{transform_indices = @transform_0, window_bounds = array<i64: 16, 6400>}, {pipeline_mode = #tpu.pipeline_mode<synchronous>, transform_indices = @transform_1, window_bounds = array<i64: 16, 128>}, {transform_indices = @transform_2, window_bounds = array<i64: 6400, 128>}]} {
    %get3A = arith.constant 0 : index
    %get3A_0 = arith.constant 0 : index
    %get3A_1 = vector.load %arg1[%get3A, %get3A_0] : memref<16x6400xf32, #tpu.memory_space<vmem>>, vector<16x6400xf32>
    %get3A_2 = arith.constant 0 : index
    %get3A_3 = arith.constant 0 : index
    %get3A_4 = vector.load %arg2[%get3A_2, %get3A_3] : memref<16x128xf32, #tpu.memory_space<vmem>>, vector<16x128xf32>
    %dot_general3A = arith.constant dense<0.000000e+00> : vector<6400x128xf32>
    %dot_general3A_5 = tpu.matmul %get3A_1, %get3A_4, %dot_general3A {dimension_numbers = #tpu.dot_dimension_numbers<[0], [0], [1], [1], [0, 1, 1, 1], [], []>, transpose_lhs_hint = false} : vector<16x6400xf32>, vector<16x128xf32>, vector<6400x128xf32> -> vector<6400x128xf32>
    %swap3A = arith.constant 0 : index
    %swap3A_6 = arith.constant 0 : index
    %swap3A_7 = vector.load %arg3[%swap3A, %swap3A_6] : memref<6400x128xf32, #tpu.memory_space<vmem>>, vector<6400x128xf32>
    tpu.vector_store %arg3[%swap3A, %swap3A_6], %dot_general3A_5 {strides = array<i32>} : memref<6400x128xf32, #tpu.memory_space<vmem>>, vector<6400x128xf32>,
    return
  }
  func.func @transform_0(%arg0: i32) -> (i32, i32) {
    %add3A = arith.constant 24 : i32
    %add3A_0 = arith.addi %add3A, %arg0 : i32
    %c0_i32 = arith.constant 0 : i32
    %c0_i32_1 = arith.constant 0 : i32
    return %c0_i32, %add3A_0 : i32, i32
  }
  func.func @transform_1(%arg0: i32) -> (i32, i32) {
    %c0_i32 = arith.constant 0 : i32
    %c0_i32_0 = arith.constant 0 : i32
    %c0_i32_1 = arith.constant 0 : i32
    return %c0_i32, %c0_i32_0 : i32, i32
  }
  func.func @transform_2(%arg0: i32) -> (i32, i32) {
    %c0_i32 = arith.constant 0 : i32
    %c0_i32_0 = arith.constant 0 : i32
    return %arg0, %c0_i32 : i32, i32
  }
}

module attributes {stable_mosaic.version = 14 : i64} {
  func.func @_xm_body(%arg0: memref<10000x128xf32, #tpu.memory_space<vmem>>, %arg1: memref<128x128xf32, #tpu.memory_space<vmem>>, %arg2: memref<1x128xf32, #tpu.memory_space<vmem>>, %arg3: memref<10000x128xf32, #tpu.memory_space<vmem>>) attributes {dimension_semantics = [], scalar_prefetch = 0 : i64, scratch_operands = 0 : i64, tpu.core_type = #tpu.core_type<tc>} {
    %get3A = arith.constant 0 : index
    %get3A_0 = arith.constant 0 : index
    %get3A_1 = vector.load %arg0[%get3A, %get3A_0] : memref<10000x128xf32, #tpu.memory_space<vmem>>, vector<10000x128xf32>
    %get3A_2 = arith.constant 0 : index
    %get3A_3 = arith.constant 0 : index
    %get3A_4 = vector.load %arg1[%get3A_2, %get3A_3] : memref<128x128xf32, #tpu.memory_space<vmem>>, vector<128x128xf32>
    %dot_general3A = arith.constant dense<0.000000e+00> : vector<10000x128xf32>
    %dot_general3A_5 = tpu.matmul %get3A_1, %get3A_4, %dot_general3A {dimension_numbers = #tpu.dot_dimension_numbers<[1], [0], [0], [1], [0, 0, 1, 1], [], []>, transpose_lhs_hint = false} : vector<10000x128xf32>, vector<128x128xf32>, vector<10000x128xf32> -> vector<10000x128xf32>
    %get3A_6 = arith.constant 0 : index
    %get3A_7 = arith.constant 0 : index
    %get3A_8 = vector.load %arg2[%get3A_6, %get3A_7] : memref<1x128xf32, #tpu.memory_space<vmem>>, vector<1x128xf32>
    %add3A = vector.broadcast %get3A_8 : vector<1x128xf32> to vector<10000x128xf32>
    %add3A_9 = arith.addf %dot_general3A_5, %add3A : vector<10000x128xf32>
    %swap3A = arith.constant 0 : index
    %swap3A_10 = arith.constant 0 : index
    %swap3A_11 = vector.load %arg3[%swap3A, %swap3A_10] : memref<10000x128xf32, #tpu.memory_space<vmem>>, vector<10000x128xf32>
    tpu.vector_store %arg3[%swap3A, %swap3A_10], %add3A_9 {strides = array<i32>} : memref<10000x128xf32, #tpu.memory_space<vmem>>, vector<10000x128xf32>,
    return
  }
}

module attributes {stable_mosaic.version = 14 : i64} {
  func.func @_ea_body_after_xm(%arg0: i32, %arg1: memref<16x6400xf32, #tpu.memory_space<vmem>>, %arg2: memref<16x128xf32, #tpu.memory_space<vmem>>, %arg3: memref<8x128xf32, #tpu.memory_space<vmem>>, %arg4: memref<6400x128xf32, #tpu.memory_space<vmem>>) attributes {dimension_semantics = [#tpu.dimension_semantics<arbitrary>], iteration_bounds = array<i64: 24>, scalar_prefetch = 0 : i64, scratch_operands = 0 : i64, tpu.core_type = #tpu.core_type<tc>, window_params = [{transform_indices = @transform_0, window_bounds = array<i64: 16, 6400>}, {pipeline_mode = #tpu.pipeline_mode<synchronous>, transform_indices = @transform_1, window_bounds = array<i64: 16, 128>}, {transform_indices = @transform_2, window_bounds = array<i64: 8, 128>}, {transform_indices = @transform_3, window_bounds = array<i64: 6400, 128>}]} {
    %get3A = arith.constant 0 : index
    %get3A_0 = arith.constant 0 : index
    %get3A_1 = vector.load %arg1[%get3A, %get3A_0] : memref<16x6400xf32, #tpu.memory_space<vmem>>, vector<16x6400xf32>
    %get3A_2 = arith.constant 0 : index
    %get3A_3 = arith.constant 0 : index
    %get3A_4 = vector.load %arg2[%get3A_2, %get3A_3] : memref<16x128xf32, #tpu.memory_space<vmem>>, vector<16x128xf32>
    %dot_general3A = arith.constant dense<0.000000e+00> : vector<6400x128xf32>
    %dot_general3A_5 = tpu.matmul %get3A_1, %get3A_4, %dot_general3A {dimension_numbers = #tpu.dot_dimension_numbers<[0], [0], [1], [1], [0, 1, 1, 1], [], []>, transpose_lhs_hint = false} : vector<16x6400xf32>, vector<16x128xf32>, vector<6400x128xf32> -> vector<6400x128xf32>
    %get3A_6 = arith.constant 0 : index
    %get3A_7 = arith.constant 0 : index
    %get3A_8 = vector.load %arg3[%get3A_6, %get3A_7] : memref<8x128xf32, #tpu.memory_space<vmem>>, vector<1x1xf32>
    %get3A_9 = vector.extract %get3A_8[0, 0] : f32 from vector<1x1xf32>
    %mul3A = arith.constant 0.000000e+00 : f32
    %mul3A_10 = arith.mulf %mul3A, %get3A_9 : f32
    %add3A = vector.broadcast %mul3A_10 : f32 to vector<6400x128xf32>
    %add3A_11 = arith.addf %dot_general3A_5, %add3A : vector<6400x128xf32>
    %swap3A = arith.constant 0 : index
    %swap3A_12 = arith.constant 0 : index
    %swap3A_13 = vector.load %arg4[%swap3A, %swap3A_12] : memref<6400x128xf32, #tpu.memory_space<vmem>>, vector<6400x128xf32>
    tpu.vector_store %arg4[%swap3A, %swap3A_12], %add3A_11 {strides = array<i32>} : memref<6400x128xf32, #tpu.memory_space<vmem>>, vector<6400x128xf32>,
    return
  }
  func.func @transform_0(%arg0: i32) -> (i32, i32) {
    %c0_i32 = arith.constant 0 : i32
    %c0_i32_0 = arith.constant 0 : i32
    return %c0_i32, %arg0 : i32, i32
  }
  func.func @transform_1(%arg0: i32) -> (i32, i32) {
    %c0_i32 = arith.constant 0 : i32
    %c0_i32_0 = arith.constant 0 : i32
    %c0_i32_1 = arith.constant 0 : i32
    return %c0_i32, %c0_i32_0 : i32, i32
  }
  func.func @transform_2(%arg0: i32) -> (i32, i32) {
    %c0_i32 = arith.constant 0 : i32
    %c0_i32_0 = arith.constant 0 : i32
    %c0_i32_1 = arith.constant 0 : i32
    return %c0_i32, %c0_i32_0 : i32, i32
  }
  func.func @transform_3(%arg0: i32) -> (i32, i32) {
    %c0_i32 = arith.constant 0 : i32
    %c0_i32_0 = arith.constant 0 : i32
    return %arg0, %c0_i32 : i32, i32
  }
}

module attributes {stable_mosaic.version = 14 : i64} {
  func.func @_fin_body(%arg0: memref<2x10000x128xf32, #tpu.memory_space<vmem>>, %arg1: memref<2x10000x128xf32, #tpu.memory_space<vmem>>, %arg2: memref<10000x128xf32, #tpu.memory_space<vmem>>, %arg3: memref<128x128xf32, #tpu.memory_space<vmem>>, %arg4: memref<128x128xf32, #tpu.memory_space<vmem>>, %arg5: memref<256xi32, #tpu.memory_space<smem>>, %arg6: memref<1xi32, #tpu.memory_space<smem>>, %arg7: memref<10000x128xf32, #tpu.memory_space<vmem>>, %arg8: memref<9000xf32, #tpu.memory_space<vmem>>) attributes {dimension_semantics = [], scalar_prefetch = 0 : i64, scratch_operands = 0 : i64, tpu.core_type = #tpu.core_type<tc>} {
    %get3A = arith.constant 0 : index
    %get3A_0 = arith.constant 0 : index
    %get3A_1 = arith.constant 0 : index
    %get3A_2 = vector.load %arg0[%get3A, %get3A_0, %get3A_1] : memref<2x10000x128xf32, #tpu.memory_space<vmem>>, vector<1x10000x128xf32>
    %get3A_3 = vector.shape_cast %get3A_2 : vector<1x10000x128xf32> to vector<10000x128xf32>
    %get3A_4 = arith.constant 1 : index
    %get3A_5 = arith.constant 0 : index
    %get3A_6 = arith.constant 0 : index
    %get3A_7 = vector.load %arg0[%get3A_4, %get3A_5, %get3A_6] : memref<2x10000x128xf32, #tpu.memory_space<vmem>>, vector<1x10000x128xf32>
    %get3A_8 = vector.shape_cast %get3A_7 : vector<1x10000x128xf32> to vector<10000x128xf32>
    %add3A = arith.addf %get3A_3, %get3A_8 : vector<10000x128xf32>
    %get3A_9 = arith.constant 0 : index
    %get3A_10 = arith.constant 0 : index
    %get3A_11 = arith.constant 0 : index
    %get3A_12 = vector.load %arg1[%get3A_9, %get3A_10, %get3A_11] : memref<2x10000x128xf32, #tpu.memory_space<vmem>>, vector<1x10000x128xf32>
    %get3A_13 = vector.shape_cast %get3A_12 : vector<1x10000x128xf32> to vector<10000x128xf32>
    %get3A_14 = arith.constant 1 : index
    %get3A_15 = arith.constant 0 : index
    %get3A_16 = arith.constant 0 : index
    %get3A_17 = vector.load %arg1[%get3A_14, %get3A_15, %get3A_16] : memref<2x10000x128xf32, #tpu.memory_space<vmem>>, vector<1x10000x128xf32>
    %get3A_18 = vector.shape_cast %get3A_17 : vector<1x10000x128xf32> to vector<10000x128xf32>
    %add3A_19 = arith.addf %get3A_13, %get3A_18 : vector<10000x128xf32>
    %add3A_20 = arith.addf %add3A, %add3A_19 : vector<10000x128xf32>
    %get3A_21 = arith.constant 0 : index
    %get3A_22 = arith.constant 0 : index
    %get3A_23 = vector.load %arg3[%get3A_21, %get3A_22] : memref<128x128xf32, #tpu.memory_space<vmem>>, vector<128x128xf32>
    %dot_general3A = arith.constant dense<0.000000e+00> : vector<10000x128xf32>
    %dot_general3A_24 = tpu.matmul %add3A_20, %get3A_23, %dot_general3A {dimension_numbers = #tpu.dot_dimension_numbers<[1], [0], [0], [1], [0, 0, 1, 1], [], []>, transpose_lhs_hint = false} : vector<10000x128xf32>, vector<128x128xf32>, vector<10000x128xf32> -> vector<10000x128xf32>
    %get3A_25 = arith.constant 0 : index
    %get3A_26 = arith.constant 0 : index
    %get3A_27 = vector.load %arg2[%get3A_25, %get3A_26] : memref<10000x128xf32, #tpu.memory_space<vmem>>, vector<10000x128xf32>
    %get3A_28 = arith.constant 0 : index
    %get3A_29 = arith.constant 0 : index
    %get3A_30 = vector.load %arg4[%get3A_28, %get3A_29] : memref<128x128xf32, #tpu.memory_space<vmem>>, vector<128x128xf32>
    %dot_general3A_31 = arith.constant dense<0.000000e+00> : vector<10000x128xf32>
    %dot_general3A_32 = tpu.matmul %get3A_27, %get3A_30, %dot_general3A_31 {dimension_numbers = #tpu.dot_dimension_numbers<[1], [0], [0], [1], [0, 0, 1, 1], [], []>, transpose_lhs_hint = false} : vector<10000x128xf32>, vector<128x128xf32>, vector<10000x128xf32> -> vector<10000x128xf32>
    %add3A_33 = arith.addf %dot_general3A_24, %dot_general3A_32 : vector<10000x128xf32>
    %max3A = arith.constant 0.000000e+00 : f32
    %max3A_34 = vector.broadcast %max3A : f32 to vector<10000x128xf32>
    %max3A_35 = arith.maximumf %add3A_33, %max3A_34 : vector<10000x128xf32>
    %swap3A = arith.constant 0 : index
    %swap3A_36 = arith.constant 0 : index
    %swap3A_37 = vector.load %arg7[%swap3A, %swap3A_36] : memref<10000x128xf32, #tpu.memory_space<vmem>>, vector<10000x128xf32>
    tpu.vector_store %arg7[%swap3A, %swap3A_36], %max3A_35 {strides = array<i32>} : memref<10000x128xf32, #tpu.memory_space<vmem>>, vector<10000x128xf32>,
    %get3A_38 = arith.constant 0 : index
    %get3A_39 = memref.load %arg6[%get3A_38] : memref<1xi32, #tpu.memory_space<smem>>
    %broadcast_in_dim3A = arith.constant 0.000000e+00 : f32
    %broadcast_in_dim3A_40 = vector.broadcast %broadcast_in_dim3A : f32 to vector<1x128xf32>
    %scan3A = arith.constant 0 : i32
    %scan3A_41 = arith.constant 256 : i32
    %scan3A_42 = arith.addi %scan3A, %scan3A_41 : i32
    %scan3A_43 = arith.constant 1 : i32
    %scan3A_44 = scf.for %scan3A_55 = %scan3A to %scan3A_42 step %scan3A_43 iter_args(%scan3A_56 = %broadcast_in_dim3A_40) -> (vector<1x128xf32>)  : i32 {
      %get3A_57 = arith.index_cast %scan3A_55 : i32 to index
      %get3A_58 = memref.load %arg5[%get3A_57] : memref<256xi32, #tpu.memory_space<smem>>
      %add3A_59 = arith.addi %get3A_58, %get3A_39 : i32
      %get3A_60 = arith.index_cast %add3A_59 : i32 to index
      %get3A_61 = arith.constant 0 : index
      %get3A_62 = vector.load %arg7[%get3A_60, %get3A_61] : memref<10000x128xf32, #tpu.memory_space<vmem>>, vector<1x128xf32>
      %add3A_63 = arith.addf %scan3A_56, %get3A_62 : vector<1x128xf32>
      scf.yield %add3A_63 : vector<1x128xf32>
    }
    %scan3A_45 = arith.constant 256 : i32
    %mul3A = arith.constant 3.906250e-03 : f32
    %mul3A_46 = vector.broadcast %mul3A : f32 to vector<1x128xf32>
    %mul3A_47 = arith.mulf %scan3A_44, %mul3A_46 : vector<1x128xf32>
    %get3A_48 = arith.index_cast %get3A_39 : i32 to index
    %get3A_49 = arith.constant 0 : index
    %get3A_50 = vector.load %arg7[%get3A_48, %get3A_49] : memref<10000x128xf32, #tpu.memory_space<vmem>>, vector<9000x128xf32>
    %dot_general3A_51 = arith.constant dense<0.000000e+00> : vector<9000x1xf32>
    %dot_general3A_52 = tpu.matmul %get3A_50, %mul3A_47, %dot_general3A_51 {dimension_numbers = #tpu.dot_dimension_numbers<[1], [1], [0], [0], [0, 0, 1, 0], [], []>, transpose_lhs_hint = false} : vector<9000x128xf32>, vector<1x128xf32>, vector<9000x1xf32> -> vector<9000x1xf32>
    %squeeze3A = vector.shape_cast %dot_general3A_52 : vector<9000x1xf32> to vector<9000xf32>
    %swap3A_53 = arith.constant 0 : index
    %swap3A_54 = vector.load %arg8[%swap3A_53] : memref<9000xf32, #tpu.memory_space<vmem>>, vector<9000xf32>
    tpu.vector_store %arg8[%swap3A_53], %squeeze3A {strides = array<i32>} : memref<9000xf32, #tpu.memory_space<vmem>>, vector<9000xf32>,
    return
  }
}

</mosaic_0001>

<sc_bundles>
// kernel: kernel.11.cloned.1.call-start
scs
__scs_entry_jumppad:
0x0: {  	(pc) =	sbr.rel $0x88, $3  }
0x1: {  	(tag) =	ssettag $0x0;
	lr =	simm.s32 $0x1  }
0x2: {  	[smem:$0x3F97] =	sst lr;
	_ =	strace $0xD0000000  }
0x3: {  	_ = 	snop  }
0x4: {  	_ = 	snop  }
0x5: {  	_ = 	snop  }
0x6: {  	_ = 	snop  }
0x7: {  	_ = 	snop  }
__scs_overlays_trampoline_lowered:
0x8: {  	[smem:$0x3FA6] =	sst s0  }
0x9: {  	[smem:$0x3FA7] =	sst s1  }
0xa: {  	[smem:$0x3FA8] =	sst s2  }
0xb: {  	[smem:$0x3FA9] =	sst s3  }
0xc: {  	[smem:$0x3FAA] =	sst s4  }
0xd: {  	[smem:$0x3FAB] =	sst s5  }
0xe: {  	[smem:$0x3FAC] =	sst s6  }
0xf: {  	[smem:$0x3FAD] =	sst s7  }
0x10: {  	[smem:$0x3FAE] =	sst s8  }
0x11: {  	[smem:$0x3FAF] =	sst s9;
	s0 =	simm.s32 @!p0 $0x0  }
0x12: {  	s1 =	sld [smem:$0x3F95];
	s0 =	simm.s32 @p0 $0x1  }
0x13: {  	[smem:$0x3FB0] =	sst s0;
	s0 =	simm.s32 @!p1 $0x0  }
0x14: {  	s2 =	sld [smem:$0x3F94];
	s0 =	simm.s32 @p1 $0x1  }
0x15: {  	[smem:$0x3FB1] =	sst s0;
	s0 =	simm.s32 @!p2 $0x0  }
0x16: {  	s3 =	sld [smem:$0x3FDB];
	s0 =	simm.s32 @p2 $0x1  }
0x17: {  	s4 =	simm.s32 $0x1BF5;
	[smem:$0x3FB3] =	sst s0  }
0x18: {  	s0 =	sld [smem:$0x3F96];
	_ =	swait.ge [sflag:s4], $0x0  }
0x19: {  	s7 =	sld [smem:$0x3F97]  }
0x1a: {  	s8 =	sadd.s32 $0xFFFFE003, lr  }
0x1b: {  	s9 =	sadd.s32 $0xFFFFFEF7, lr;
	s5 =	simm.s32 $0xFFFFFFFF;
	p2 =	slt.u32 s8, $0xFFFFF086  }
0x1c: {  	p1 =	slt.u32 s9, $0xF7A;
	s5 =	simm.s32 @!p2 $0x0  }
0x1d: {  	s5 =	simm.s32 @p1 $0x1;
	p0 =	seq.s32 s7, s2  }
0x1e: {  	s7 =	smul.u32 @!p0 $0xF7A, s2;
	p2 =	seq.s32 @!p0 s5, $0x0  }
0x1f: {  	s9 =	smul.u32 $0xF7A, s1;
	s8 =	simm.s32 @!p0 $0x1BF5;
	p2 =	por !p2, p0  }
0x20: {  	[sflag:s8] =	ssyncset.s32 @!p0 $0xFFFFF086;
	s6 =	sadd.s32 @!p0 s3, s7;
	s7 =	simm.s32 @!p0 $0x108  }
0x21: {  	s3 =	sadd.s32 s3, s9;
	s6 =	sadd.s32 @!p0 $0x88, s6;
	s7 =	simm.s32 @p2 $0x1082  }
0x22: {  	[simem:s7], [sflag:s8] =	dma.local @!p0 [hbm:s6], $0xF7A  }
0x23: {  	s9 =	sor.u32 $0xD0000000, s2;
	s6 =	simm.s32 $0x108;
	_ =	swait.ge @!p0 [sflag:s8], $0x0  }
0x24: {  	s3 =	sadd.s32 $0x88, s3;
	s6 =	simm.s32 @!p1 $0x1082;
	[sflag:s4] =	ssyncset.s32 $0xFFFFF086  }
0x25: {  	[simem:s6], [sflag:s4] =	dma.local [hbm:s3], $0xF7A  }
0x26: {  	[smem:$0x3F97] =	sst s1;
	(tag) =	ssettag s2;
	_ =	strace s9  }
0x27: {  	s1 =	sld [smem:$0x3FA7]  }
0x28: {  	s2 =	sld [smem:$0x3FA8]  }
0x29: {  	s4 =	sld [smem:$0x3FAA]  }
0x2a: {  	p0 =	seq.s32 s5, $0x0;
	s5 =	sld [smem:$0x3FAB]  }
0x2b: {  	s6 =	sld [smem:$0x3FAC]  }
0x2c: {  	s7 =	sld [smem:$0x3FAD]  }
0x2d: {  	s3 =	simm.s32 $0x108;
	s8 =	sld [smem:$0x3FAE]  }
0x2e: {  	s3 =	simm.s32 @!p0 $0x1082;
	s9 =	sld [smem:$0x3FAF]  }
0x2f: {  	lr =	sadd.s32 s0, s3;
	s0 =	sld [smem:$0x3FA6]  }
0x30: {  	s3 =	sld [smem:$0x3FA9]  }
0x31: {  	[smem:$0x3FB2] =	sst s10  }
0x32: {  	s10 =	sld [smem:$0x3FB0];
	_ =	sdelay $0x3  }
0x33: {  	p0 =	seq.s32 s10, $0x1;
	s10 =	sld [smem:$0x3FB2];
	_ =	sdelay $0x3  }
0x34: {  	[smem:$0x3FB2] =	sst s10  }
0x35: {  	s10 =	sld [smem:$0x3FB1];
	_ =	sdelay $0x3  }
0x36: {  	p1 =	seq.s32 s10, $0x1;
	s10 =	sld [smem:$0x3FB2];
	_ =	sdelay $0x3  }
0x37: {  	[smem:$0x3FB2] =	sst s10  }
0x38: {  	s10 =	sld [smem:$0x3FB3]  }
0x39: {  	_ = 	snop;
	(pc) =	sbr.ind lr, $3  }
0x3a: {  	_ = 	snop  }
0x3b: {  	_ = 	snop  }
0x3c: {  	p2 =	seq.s32 s10, $0x1;
	s10 =	sld [smem:$0x3FB2]  }
0x3d: {  	_ =	shalt  }
0x3e: {  	_ =	shalt  }
0x3f: {  	_ =	shalt  }
0x40: {  	_ =	shalt  }
0x41: {  	_ =	shalt  }
0x42: {  	_ =	shalt  }
0x43: {  	_ =	shalt  }
0x44: {  	_ =	shalt  }
0x45: {  	_ =	shalt  }
0x46: {  	_ =	shalt  }
0x47: {  	_ =	shalt  }
0x48: {  	_ =	shalt  }
0x49: {  	_ =	shalt  }
0x4a: {  	_ =	shalt  }
0x4b: {  	_ =	shalt  }
0x4c: {  	_ =	shalt  }
0x4d: {  	_ =	shalt  }
0x4e: {  	_ =	shalt  }
0x4f: {  	_ =	shalt  }
0x50: {  	_ =	shalt  }
0x51: {  	_ =	shalt  }
0x52: {  	_ =	shalt  }
0x53: {  	_ =	shalt  }
0x54: {  	_ =	shalt  }
0x55: {  	_ =	shalt  }
0x56: {  	_ =	shalt  }
0x57: {  	_ =	shalt  }
0x58: {  	_ =	shalt  }
0x59: {  	_ =	shalt  }
0x5a: {  	_ =	shalt  }
0x5b: {  	_ =	shalt  }
0x5c: {  	_ =	shalt  }
0x5d: {  	_ =	shalt  }
0x5e: {  	_ =	shalt  }
0x5f: {  	_ =	shalt  }
0x60: {  	_ =	shalt  }
0x61: {  	_ =	shalt  }
0x62: {  	_ =	shalt  }
0x63: {  	_ =	shalt  }
0x64: {  	_ =	shalt  }
0x65: {  	_ =	shalt  }
0x66: {  	_ =	shalt  }
0x67: {  	_ =	shalt  }
0x68: {  	_ =	shalt  }
0x69: {  	_ =	shalt  }
0x6a: {  	_ =	shalt  }
0x6b: {  	_ =	shalt  }
0x6c: {  	_ =	shalt  }
0x6d: {  	_ =	shalt  }
0x6e: {  	_ =	shalt  }
0x6f: {  	_ =	shalt  }
0x70: {  	_ =	shalt  }
0x71: {  	_ =	shalt  }
0x72: {  	_ =	shalt  }
0x73: {  	_ =	shalt  }
0x74: {  	_ =	shalt  }
0x75: {  	_ =	shalt  }
0x76: {  	_ =	shalt  }
0x77: {  	_ =	shalt  }
0x78: {  	_ =	shalt  }
0x79: {  	_ =	shalt  }
0x7a: {  	_ =	shalt  }
0x7b: {  	_ =	shalt  }
0x7c: {  	_ =	shalt  }
0x7d: {  	_ =	shalt  }
0x7e: {  	_ =	shalt  }
0x7f: {  	_ =	shalt  }
0x80: {  	_ =	shalt  }
0x81: {  	_ =	shalt  }
0x82: {  	_ =	shalt  }
0x83: {  	_ =	shalt  }
0x84: {  	_ =	shalt  }
0x85: {  	_ =	shalt  }
0x86: {  	_ =	shalt  }
0x87: {  	_ =	shalt  }
.Lfunc_end0:
.L_simem_size_0:
called_computation.1_lowered:
.L_overlay_start_0:
0x88: {  	s2 =	sld [smem:$0x3FD9]  }
0x89: {  	s3 =	sld [smem:$0x3FFE];
	_ =	sdelay $0x1  }
0x8a: {  	s1 =	srdreg.scid  }
0x8b: {  	s0 =	sand.u32 $0x1, s1  }
0x8c: {  	s15 =	sshll.u32 s0, $0xA;
	s2 =	sadd.s32 s3, s2  }
0x8d: {  	s2 =	sadd.s32 s2, s15  }
0x8e: {  	[smem:$0x3FBE] =	sst s2  }
0x8f: {  	_ = 	snop  }
0x90: {  	s2 =	sld [smem:$0x3FD0];
	_ =	sdelay $0x2  }
0x91: {  	s16 =	simm.s32 $0xB;
	s4 =	simm.s32 $0x10  }
0x92: {  	[smem:s4], [sflag:s16] =	dma.local [hbm:s2], $0x1  }
0x93: {  	_ =	swait.eq [sflag:s16], $0x1  }
0x94: {  	[sflag:s16] =	ssyncset.done $0x0  }
0x95: {  	[sflag:s16] =	ssyncadd.s32 $0xFFFFFFFF  }
0x96: {  	s17 =	sld [smem:$0x11];
	(tm) =	ssettm $0x1  }
0x97: {  	s18 =	sld [smem:$0x3FFB];
	_ =	sdelay $0x3  }
0x98: {  	_ =	strace s18  }
0x99: {  	s2 =	sld [smem:$0x3FFC];
	_ =	sdelay $0x3  }
0x9a: {  	_ =	strace s2  }
0x9b: {  	s2 =	sld [smem:$0x3FFD];
	_ =	sdelay $0x3  }
0x9c: {  	_ =	strace s2  }
0x9d: {  	_ =	strace $0x8FFFFFFF  }
0x9e: {  	s19 =	sld [smem:$0x3FDB];
	_ =	sdelay $0x1  }
0x9f: {  	s20 =	simm.s32 $_scs_section_size  }
0xa0: {  	s5 =	simm.s32 $_size__tile_overlayer_lowered;
	s6 =	simm.s32 $_tile_overlayer_lowered  }
0xa1: {  	s7 =	simm.s32 $0x1BFF;
	s21 =	sshll.u32 s6, $0x1;
	s4 =	sadd.s32 s20, s19  }
0xa2: {  	s22 =	simm.s32 $0x0;
	s5 =	sshll.u32 s5, $0x1;
	s6 =	sadd.s32 s21, s4  }
0xa3: {  	[timem:s22], [sflag:s7] =	dma.local [hbm:s6], s5  }
0xa4: {  	_ =	swait.ge [sflag:s7], s5  }
0xa5: {  	s5 =	ssub.s32 $0x0, s5;
	[sflag:s7] =	ssyncset.done $0x0  }
0xa6: {  	[sflag:s7] =	ssyncadd.s32 s5;
	_ =	sdelay $0x1  }
0xa7: {  	s23 =	simm.s32 $0x1B8B  }
0xa8: {  	_ =	swait.ge [sflag:s23], $0x1  }
0xa9: {  	[sflag:s23] =	ssyncset.done $0x0  }
0xaa: {  	[sflag:s23] =	ssyncadd.s32 $0xFFFFFFFF  }
0xab: {  	s5 =	sld [smem:$0x0]  }
0xac: {  	s6 =	sand.u32 $0xFFFFFFFE, s1  }
0xad: {  	p0 =	sne.s32 s1, s6  }
0xae: {  	s6 =	sshll.u32 @p0 s6, $0xE  }
0xaf: {  	s6 =	sadd.s32 @p0 $0x11B8D, s6;
	s7 =	sshll.u32 @p0 s5, $0x11  }
0xb0: {  	s6 =	sor.u32 @p0 s7, s6  }
0xb1: {  	[sflag:s6] =	ssyncadd.remote.s32 @p0 $0x1;
	_ =	sdelay $0x1  }
0xb2: {  	s6 =	simm.s32 @p0 $0x1B8D  }
0xb3: {  	_ =	swait.eq @p0 [sflag:s6], $0x1  }
0xb4: {  	[sflag:s6] =	ssyncadd.s32 @p0 $0xFFFFFFFF  }
0xb5: {  	s7 =	sshll.u32 @!p0 s1, $0xE  }
0xb6: {  	s7 =	sor.u32 @!p0 $0x4000, s7;
	s6 =	simm.s32 @!p0 $0x1B8D  }
0xb7: {  	s5 =	sshll.u32 @!p0 s5, $0x11;
	s7 =	sadd.s32 @!p0 $0x11B8D, s7;
	_ =	swait.eq @!p0 [sflag:s6], $0x1  }
0xb8: {  	s5 =	sor.u32 @!p0 s5, s7;
	[sflag:s6] =	ssyncadd.s32 @!p0 $0xFFFFFFFF  }
0xb9: {  	s25 =	simm.s32 $0x1B8E;
	s24 =	sld [smem:$0x3FFE];
	[sflag:s5] =	ssyncadd.remote.s32 @!p0 $0x1  }
0xba: {  	s26 =	simm.s32 $execute0_lowered;
	[smem:$0x3FD2] =	sst s25  }
0xbb: {  	s6 =	sshll.u32 s26, $0x1;
	_ =	strace $0x80000049;
	[dreg:$0x1] =	wrdreg $0xFFFFFFFF  }
0xbc: {  	s28 =	simm.s32 $_size_execute0_lowered;
	s4 =	sadd.s32 s4, s6;
	[dreg:$0x0] =	wrdreg $0x0  }
0xbd: {  	s6 =	sshll.u32 s28, $0x1;
	[dreg:$0x2] =	wrdreg s4  }
0xbe: {  	[dreg:$0x3] =	wrdreg s6  }
0xbf: {  	[dreg:$0x4] =	wrdreg $0xC0  }
0xc0: {  	_ =	task [dreg:s22], $0x5FFFF  }
0xc1: {  	[dreg:$0x1] =	wrdreg $0xFFFFFFFF  }
0xc2: {  	[dreg:$0x0] =	wrdreg $0x60  }
0xc3: {  	[dreg:$0x2] =	wrdreg s24  }
0xc4: {  	[dreg:$0x3] =	wrdreg s17  }
0xc5: {  	[dreg:$0x4] =	wrdreg $0x7A000  }
0xc6: {  	[dreg:$0x5] =	wrdreg $0xA  }
0xc7: {  	_ =	task.clear_ibuf [dreg:s22], $0x6FFFF;
	_ =	strace $0x90000049  }
0xc8: {  	s29 =	simm.s32 $0xA;
	_ =	strace $0x8000004B  }
0xc9: {  	_ =	swait.ge [sflag:s29], $0x1  }
0xca: {  	[sflag:s29] =	ssyncadd.s32 $0xFFFFFFFF  }
0xcb: {  	_ =	strace $0x9000004B  }
0xcc: {  	_ =	sfence  }
0xcd: {  	s30 =	sld [smem:$0x0];
	_ =	sdelay $0x2  }
0xce: {  	s31 =	sshll.u32 s1, $0xD;
	s1 =	sshrl.u32 s1, $0x2  }
0xcf: {  	s4 =	sand.u32 $0x4000, s31;
	s1 =	sadd.s32 s1, s30  }
0xd0: {  	s0 =	sor.u32 s4, s0;
	s1 =	sshll.u32 s1, $0x11  }
0xd1: {  	s0 =	sor.u32 s1, s0  }
0xd2: {  	s0 =	sadd.s32 $0x8F2B, s0  }
0xd3: {  	[sflag:s0] =	ssyncadd.remote.s32 $0x1  }
0xd4: {  	_ =	sfence.sel $0xFFFF  }
0xd5: {  	[dreg:$0x0] =	wrdreg $0xFFFFFFFF;
	(pc) =	sbr.abs _section_cstart, $3  }
0xd6: {  	[dreg:$0x1] =	wrdreg $0xFFFFFFFF  }
0xd7: {  	_ =	task.clear_ibuf [dreg:s22], $0x2FFFF;
	_ =	strace $0x9FFFFFFF  }
0xd8: {  	(tm) =	ssettm $0x7FFFFFFF  }
0xd9: {  	_ =	shalt  }
tec
execute0_lowered:
.L_overlay_start_1:
0x0: {  	(tag) =	ssettag $0x1  }
0x1: {  	s0 =	rddreg [dreg:$0x0]  }
0x2: {  	s1 =	rddreg [dreg:$0x1]  }
0x3: {  	s2 =	rddreg [dreg:$0x2];
	s3 =	srdreg.scid;
	s5 =	simm.s32 $0x0  }
0x4: {  	s17 =	stileid.u32;
	s28 =	simm.s32 $0x28;
	s31 =	simm.s32 $0x3C00  }
0x5: {  	s3 =	sand.u32 $0x1, s3;
	[smem:$0x7FF] =	sst s5;
	s5 =	sadd.s32 $0xCE00, s0  }
0x6: {  	s7 =	sadd.s32 $0x3000, s0;
	s10 =	smul.u32 $0x4E200, s17;
	s8 =	sadd.s32 $0x2BCE00, s0  }
0x7: {  	s0 =	sadd.s32 $0x546E00, s0;
	s16 =	smul.u32 $0x13800, s17;
	s4 =	sshll.u32 s3, $0x4  }
0x8: {  	s9 =	ssub.s32 $0x2, s3;
	s3 =	smul.u32 $0x138800, s3;
	s4 =	sor.u32 s17, s4  }
0x9: {  	_ =	strace $0x8000004A;
	s11 =	sshrl.u32 s9, $0x1;
	s6 =	smul.u32 $0x1450, s4  }
0xa: {  	s10 =	sshrl.u32 s10, $0x2;
	s12 =	ssub.s32 s9, s11;
	s26 =	smul.u32 $0x14500, s4  }
0xb: {  	s18 =	sadd.s32 s10, s2;
	s4 =	smul.u32 $0xA2800, s4;
	s21 =	sadd.s32 s16, s3  }
0xc: {  	s16 =	sadd.s32 $0x5000, s18;
	[dreg:$0x4] =	wrdreg s18;
	s9 =	sadd.s32 $0x25800, s6  }
0xd: {  	s11 =	sadd.s32 $0x25828, s6;
	s4 =	sshrl.u32 s4, $0x3;
	s30 =	sshrl.u32 s6, $0x3  }
0xe: {  	s10 =	sadd.s32 s8, s26;
	[dreg:$0x19] =	wrdreg s16;
	s13 =	sshrl.u32 s9, $0x3  }
0xf: {  	s14 =	sshrl.u32 s11, $0x3;
	[dreg:$0x7] =	wrdreg s10;
	s15 =	sadd.s32 s5, s13  }
0x10: {  	s4 =	sadd.s32 s8, s4;
	s29 =	sadd.s32 s5, s14;
	[dreg:$0x5] =	wrdreg s15  }
0x11: {  	s20 =	sadd.s32 s5, s30;
	s19 =	sadd.s32 $0x280, s4;
	[dreg:$0x6] =	wrdreg s29  }
0x12: {  	p0 =	sne.s32 s17, $0xF;
	s10 =	sadd.s32 $0x4B0A, s20;
	[dreg:$0x8] =	wrdreg s19  }
0x13: {  	s3 =	sshrl.u32 s3, $0x3;
	s13 =	sadd.s32 s7, s13;
	[dreg:$0x9] =	wrdreg s10  }
0x14: {  	s22 =	sadd.s32 $0x25878, s6;
	s23 =	sadd.s32 $0x500, s4;
	[dreg:$0xa] =	wrdreg s13  }
0x15: {  	s26 =	sadd.s32 $0x26C28, s6;
	s25 =	sadd.s32 s7, s14;
	[dreg:$0xc] =	wrdreg s23  }
0x16: {  	s16 =	simm.s32 $0x8;
	s4 =	sadd.s32 $0x780, s4;
	[dreg:$0xe] =	wrdreg s25  }
0x17: {  	s30 =	sadd.s32 s7, s30;
	s14 =	sadd.s32 $0x2800, s18;
	[dreg:$0xf] =	wrdreg s4  }
0x18: {  	s20 =	sadd.s32 $0x8C00, s18;
	s10 =	sshrl.u32 s21, $0x3;
	[dreg:$0x17] =	wrdreg s14  }
0x19: {  	s13 =	sshrl.u32 s22, $0x3;
	s4 =	sadd.s32 $0x4D80, s30;
	[dreg:$0x1c] =	wrdreg s20  }
0x1a: {  	s29 =	smul.u32 $0x4E000, s17;
	s15 =	sadd.s32 $0x3C00, s18;
	[dreg:$0x10] =	wrdreg s4  }
0x1b: {  	s17 =	sadd.s32 $0x6400, s18;
	s19 =	sadd.s32 $0x7800, s18;
	[dreg:$0x18] =	wrdreg s15  }
0x1c: {  	s21 =	sadd.s32 $0xA000, s18;
	s22 =	sadd.s32 $0xB400, s18;
	[dreg:$0x1a] =	wrdreg s17  }
0x1d: {  	s23 =	sadd.s32 $0xC800, s18;
	s25 =	sadd.s32 $0xF000, s18;
	[dreg:$0x1b] =	wrdreg s19  }
0x1e: {  	s30 =	sadd.s32 $0x12C00, s18;
	s14 =	simm.s32 $0x2;
	[dreg:$0x1d] =	wrdreg s21  }
0x1f: {  	s20 =	simm.s32 $0x4;
	s10 =	sadd.s32 s0, s10;
	[dreg:$0x1e] =	wrdreg s22  }
0x20: {  	s0 =	sadd.s32 s0, s3;
	s24 =	sadd.s32 s5, s13;
	[dreg:$0x1f] =	wrdreg s23  }
0x21: {  	s3 =	sshrl.u32 s26, $0x3;
	s13 =	sadd.s32 $0x1400, s18;
	[smem:$0x7FA] =	sst s25  }
0x22: {  	s26 =	sadd.s32 $0x10400, s18;
	[smem:$0x7FD] =	sst s30;
	s23 =	simm.s32 $0x5000  }
0x23: {  	s25 =	simm.s32 $0x7800;
	s15 =	simm.s32 $0x7980;
	[dreg:$0xb] =	wrdreg s10  }
0x24: {  	s17 =	simm.s32 $0x6400;
	s19 =	simm.s32 $0x3;
	[dreg:$0xd] =	wrdreg s24  }
0x25: {  	s21 =	simm.s32 $0x0;
	s3 =	sadd.s32 s7, s3;
	[dreg:$0x16] =	wrdreg s13  }
0x26: {  	s4 =	sshrl.u32 s29, $0x2;
	s0 =	sadd.s32 $0x27000, s0;
	[smem:$0x7FB] =	sst s26  }
0x27: {  	s10 =	smax.u32 s12, $0x1;
	s24 =	sadd.s32 $0xDC00, s18;
	[dreg:$0x11] =	wrdreg s3  }
0x28: {  	s29 =	sadd.s32 $0x11800, s18;
	s26 =	simm.s32 $0x7880;
	[dreg:$0x12] =	wrdreg s0  }
0x29: {  	s13 =	simm.s32 $0x5;
	s18 =	simm.s32 $0x6;
	[dreg:$0x13] =	wrdreg s10  }
0x2a: {  	s3 =	sadd.s32 s4, s2;
	s0 =	sadd.s32 $0x138000, s2;
	[smem:$0x7F9] =	sst s24  }
0x2b: {  	[smem:$0x7FC] =	sst s29;
	s24 =	simm.s32 $0x9;
	s12 =	sshrl.u32 s3, $0x3  }
0x2c: {  	s0 =	sshrl.u32 @!p0 s0, $0x3;
	s3 =	simm.s32 $0x7900;
	[dreg:$0x14] =	wrdreg s12  }
0x2d: {  	v0 =	vimm.f32 $0.0e+00;
	[dreg:$0x15] =	wrdreg s0;
	s0 =	simm.s32 $0x1;
	s12 =	simm.s32 $0x7  }
.LBB2_1:
0x2e: {  	[smem:$0x7F8] =	sst s21;
	s4 =	simm.s32 $0x0;
	s10 =	simm.s32 $0x200  }
.LBB2_2:
0x2f: {  	p1 =	sne.s32 s10, $0x4E00;
	[tilespmem:s4+$0x5070] =	vst v0  }
0x30: {  	[tilespmem:s4+$0x5000] =	vst v0  }
0x31: {  	[tilespmem:s4+$0x5010] =	vst v0  }
.Ltmp0:
0x32: {  	[tilespmem:s4+$0x5020] =	vst v0;
	(pc) =	sbr.rel @p1 .LBB2_2-.Ltmp0, $4  }
0x33: {  	[tilespmem:s4+$0x5030] =	vst v0  }
0x34: {  	[tilespmem:s4+$0x5040] =	vst v0  }
0x35: {  	[tilespmem:s4+$0x5050] =	vst v0  }
0x36: {  	[tilespmem:s4+$0x5060] =	vst v0;
	s4 =	sshra.s32 s10, $0x2;
	s10 =	sadd.s32 $0x200, s10  }
0x37: {  	[tilespmem:s4+$0x5070] =	vst v0  }
0x38: {  	[tilespmem:s4+$0x5000] =	vst v0  }
0x39: {  	[tilespmem:s4+$0x5010] =	vst v0  }
0x3a: {  	[tilespmem:s4+$0x5020] =	vst v0  }
0x3b: {  	[tilespmem:s4+$0x5030] =	vst v0  }
0x3c: {  	[tilespmem:s4+$0x5040] =	vst v0  }
0x3d: {  	[tilespmem:s4+$0x5050] =	vst v0  }
0x3e: {  	[tilespmem:s4+$0x5060] =	vst v0;
	s22 =	rddreg [dreg:$0x4]  }
0x3f: {  	[spmem:s22] =	stream.linear.scatter [tilespmem:s23], [sflag:$0x9], $0x1400, $0x38;
	[tilespmem:$0x1B280] =	vst v63  }
0x40: {  	_ =	swait.ge [sflag:s24], $0x1400  }
0x41: {  	[sflag:s24] =	ssyncset.done $0x0  }
0x42: {  	s29 =	rddreg [dreg:$0x16];
	[sflag:s24] =	ssyncadd.s32 $0xFFFFEC00  }
0x43: {  	[spmem:s29] =	stream.linear.scatter [tilespmem:s23], [sflag:$0x9], $0x1400, $0x38;
	[tilespmem:$0x1B280] =	vst v63  }
0x44: {  	_ =	swait.ge [sflag:s24], $0x1400  }
0x45: {  	[sflag:s24] =	ssyncset.done $0x0  }
0x46: {  	s30 =	rddreg [dreg:$0x17];
	[sflag:s24] =	ssyncadd.s32 $0xFFFFEC00  }
0x47: {  	[spmem:s30] =	stream.linear.scatter [tilespmem:s23], [sflag:$0x9], $0x1400, $0x38;
	[tilespmem:$0x1B280] =	vst v63  }
0x48: {  	_ =	swait.ge [sflag:s24], $0x1400  }
0x49: {  	[sflag:s24] =	ssyncset.done $0x0  }
0x4a: {  	s10 =	rddreg [dreg:$0x18];
	[sflag:s24] =	ssyncadd.s32 $0xFFFFEC00  }
0x4b: {  	[spmem:s10] =	stream.linear.scatter [tilespmem:s23], [sflag:$0x9], $0x1400, $0x38;
	[tilespmem:$0x1B280] =	vst v63  }
0x4c: {  	_ =	swait.ge [sflag:s24], $0x1400  }
0x4d: {  	[sflag:s24] =	ssyncset.done $0x0  }
0x4e: {  	s21 =	rddreg [dreg:$0x19];
	[sflag:s24] =	ssyncadd.s32 $0xFFFFEC00  }
0x4f: {  	[spmem:s21] =	stream.linear.scatter [tilespmem:s23], [sflag:$0x9], $0x1400, $0x38;
	[tilespmem:$0x1B280] =	vst v63  }
0x50: {  	_ =	swait.ge [sflag:s24], $0x1400  }
0x51: {  	[sflag:s24] =	ssyncset.done $0x0  }
0x52: {  	s22 =	rddreg [dreg:$0x1a];
	[sflag:s24] =	ssyncadd.s32 $0xFFFFEC00  }
0x53: {  	[spmem:s22] =	stream.linear.scatter [tilespmem:s23], [sflag:$0x9], $0x1400, $0x38;
	[tilespmem:$0x1B280] =	vst v63  }
0x54: {  	_ =	swait.ge [sflag:s24], $0x1400  }
0x55: {  	[sflag:s24] =	ssyncset.done $0x0  }
0x56: {  	s29 =	rddreg [dreg:$0x1b];
	[sflag:s24] =	ssyncadd.s32 $0xFFFFEC00  }
0x57: {  	[spmem:s29] =	stream.linear.scatter [tilespmem:s23], [sflag:$0x9], $0x1400, $0x38;
	[tilespmem:$0x1B280] =	vst v63  }
0x58: {  	_ =	swait.ge [sflag:s24], $0x1400  }
0x59: {  	[sflag:s24] =	ssyncset.done $0x0  }
0x5a: {  	s30 =	rddreg [dreg:$0x1c];
	[sflag:s24] =	ssyncadd.s32 $0xFFFFEC00  }
0x5b: {  	[spmem:s30] =	stream.linear.scatter [tilespmem:s23], [sflag:$0x9], $0x1400, $0x38;
	[tilespmem:$0x1B280] =	vst v63  }
0x5c: {  	_ =	swait.ge [sflag:s24], $0x1400  }
0x5d: {  	[sflag:s24] =	ssyncset.done $0x0  }
0x5e: {  	s10 =	rddreg [dreg:$0x1d];
	[sflag:s24] =	ssyncadd.s32 $0xFFFFEC00  }
0x5f: {  	[spmem:s10] =	stream.linear.scatter [tilespmem:s23], [sflag:$0x9], $0x1400, $0x38;
	[tilespmem:$0x1B280] =	vst v63  }
0x60: {  	_ =	swait.ge [sflag:s24], $0x1400  }
0x61: {  	[sflag:s24] =	ssyncset.done $0x0  }
0x62: {  	s21 =	rddreg [dreg:$0x1e];
	[sflag:s24] =	ssyncadd.s32 $0xFFFFEC00  }
0x63: {  	[spmem:s21] =	stream.linear.scatter [tilespmem:s23], [sflag:$0x9], $0x1400, $0x38;
	[tilespmem:$0x1B280] =	vst v63  }
0x64: {  	_ =	swait.ge [sflag:s24], $0x1400  }
0x65: {  	[sflag:s24] =	ssyncset.done $0x0  }
0x66: {  	s22 =	rddreg [dreg:$0x1f];
	[sflag:s24] =	ssyncadd.s32 $0xFFFFEC00  }
0x67: {  	[spmem:s22] =	stream.linear.scatter [tilespmem:s23], [sflag:$0x9], $0x1400, $0x38;
	[tilespmem:$0x1B280] =	vst v63  }
0x68: {  	_ =	swait.ge [sflag:s24], $0x1400  }
0x69: {  	s29 =	sld [smem:$0x7F9]  }
0x6a: {  	[sflag:s24] =	ssyncset.done $0x0  }
0x6b: {  	[sflag:s24] =	ssyncadd.s32 $0xFFFFEC00  }
0x6c: {  	[spmem:s29] =	stream.linear.scatter [tilespmem:s23], [sflag:$0x9], $0x1400, $0x38;
	[tilespmem:$0x1B280] =	vst v63  }
0x6d: {  	_ =	swait.ge [sflag:s24], $0x1400  }
0x6e: {  	s30 =	sld [smem:$0x7FA]  }
0x6f: {  	[sflag:s24] =	ssyncset.done $0x0  }
0x70: {  	[sflag:s24] =	ssyncadd.s32 $0xFFFFEC00  }
0x71: {  	[spmem:s30] =	stream.linear.scatter [tilespmem:s23], [sflag:$0x9], $0x1400, $0x38;
	[tilespmem:$0x1B280] =	vst v63  }
0x72: {  	_ =	swait.ge [sflag:s24], $0x1400  }
0x73: {  	s10 =	sld [smem:$0x7FB]  }
0x74: {  	[sflag:s24] =	ssyncset.done $0x0  }
0x75: {  	[sflag:s24] =	ssyncadd.s32 $0xFFFFEC00  }
0x76: {  	[spmem:s10] =	stream.linear.scatter [tilespmem:s23], [sflag:$0x9], $0x1400, $0x38;
	[tilespmem:$0x1B280] =	vst v63  }
0x77: {  	_ =	swait.ge [sflag:s24], $0x1400  }
0x78: {  	s21 =	sld [smem:$0x7FC]  }
0x79: {  	[sflag:s24] =	ssyncset.done $0x0  }
0x7a: {  	[sflag:s24] =	ssyncadd.s32 $0xFFFFEC00  }
0x7b: {  	[spmem:s21] =	stream.linear.scatter [tilespmem:s23], [sflag:$0x9], $0x1400, $0x38;
	[tilespmem:$0x1B280] =	vst v63  }
0x7c: {  	_ =	swait.ge [sflag:s24], $0x1400  }
0x7d: {  	s22 =	sld [smem:$0x7FD]  }
0x7e: {  	[sflag:s24] =	ssyncset.done $0x0  }
0x7f: {  	[sflag:s24] =	ssyncadd.s32 $0xFFFFEC00  }
0x80: {  	[spmem:s22] =	stream.linear.scatter [tilespmem:s23], [sflag:$0x9], $0xC80, $0x38;
	[tilespmem:$0x1B280] =	vst v63  }
0x81: {  	_ =	swait.ge [sflag:s24], $0xC80  }
0x82: {  	[sflag:s24] =	ssyncset.done $0x0  }
0x83: {  	[sflag:s24] =	ssyncadd.s32 $0xFFFFF380  }
0x84: {  	[bflag:$0x0] =	sbarrier.arrive $0xFFFF  }
0x85: {  	s4 =	simm.s32 $0x0;
	s10 =	rddreg [dreg:$0x5]  }
0x86: {  	[tilespmem:s25], [sflag:$0x9] =	stream.linear.gather [hbm4b:s10+s4], $0x28, $0x38;
	[tilespmem:$0x1B280] =	vst v63  }
0x87: {  	_ =	swait.ge [sflag:s24], $0x28  }
0x88: {  	[sflag:s24] =	ssyncset.done $0x0  }
0x89: {  	s29 =	rddreg [dreg:$0x6];
	[sflag:s24] =	ssyncadd.s32 $0xFFFFFFD8  }
0x8a: {  	[tilespmem:s26], [sflag:$0x9] =	stream.linear.gather [hbm4b:s29+s4], $0x28, $0x38;
	[tilespmem:$0x1B280] =	vst v63  }
0x8b: {  	_ =	swait.ge [sflag:s24], $0x28  }
0x8c: {  	[sflag:s24] =	ssyncset.done $0x0  }
0x8d: {  	[sflag:s24] =	ssyncadd.s32 $0xFFFFFFD8  }
0x8e: {  	[tilespmem:s4], [sflag:$0x1] =	stream.indirect.gather [hbm4b:s1+s28], $0x80, s25, s28, $0xb8;
	[tilespmem:$0x1B280] =	vst v63  }
0x8f: {  	s21 =	simm.s32 $0x2800;
	s30 =	rddreg [dreg:$0x7]  }
0x90: {  	[tilespmem:s21], [sflag:$0x1] =	stream.linear.gather [hbm4b:s30+s4], $0x1400, $0x38;
	[tilespmem:$0x1B280] =	vst v63  }
0x91: {  	s21 =	simm.s32 $0x1400  }
0x92: {  	[tilespmem:s21], [sflag:$0x2] =	stream.indirect.gather [hbm4b:s1+s28], $0x80, s26, s28, $0xb8;
	[tilespmem:$0x1B280] =	vst v63  }
0x93: {  	s22 =	rddreg [dreg:$0x8]  }
0x94: {  	[tilespmem:s31], [sflag:$0x2] =	stream.linear.gather [hbm4b:s22+s4], $0x1400, $0x38;
	[tilespmem:$0x1B280] =	vst v63  }
0x95: {  	_ =	swait.ge [sflag:s0], $0x1400  }
0x96: {  	[sflag:s0] =	ssyncset.done $0x0  }
0x97: {  	[sflag:s0] =	ssyncadd.s32 $0xFFFFEC00  }
0x98: {  	_ =	swait.ge [sflag:s0], $0x1400  }
0x99: {  	[sflag:s0] =	ssyncset.done $0x0  }
0x9a: {  	s29 =	rddreg [dreg:$0x9];
	[sflag:s0] =	ssyncadd.s32 $0xFFFFEC00  }
0x9b: {  	[tilespmem:s25], [sflag:$0x5] =	stream.linear.gather [hbm4b:s29+s4], $0x28, $0x38;
	[tilespmem:$0x1B280] =	vst v63  }
0x9c: {  	s10 =	simm.s32 $0x0;
	s30 =	rddreg [dreg:$0xa]  }
0x9d: {  	[tilespmem:s3], [sflag:$0x7] =	stream.linear.gather [hbm4b:s30+s4], $0x28, $0x38;
	[tilespmem:$0x1B280] =	vst v63  }
0x9e: {  	v1 =	vld [tilespmem:s10+$0x70]  }
0x9f: {  	v2 =	vld [tilespmem:s10+$0x2870]  }
0xa0: {  	v3 =	vld [tilespmem:s10+$0x0]  }
0xa1: {  	v4 =	vld [tilespmem:s10+$0x2800]  }
0xa2: {  	v5 =	vld [tilespmem:s10+$0x10]  }
0xa3: {  	v6 =	vld [tilespmem:s10+$0x2810]  }
0xa4: {  	v7 =	vld [tilespmem:s10+$0x20]  }
0xa5: {  	v1 =	vadd.f32 v2, v1;
	v2 =	vld [tilespmem:s10+$0x2820]  }
0xa6: {  	v8 =	vld [tilespmem:s10+$0x30]  }
0xa7: {  	v9 =	vld [tilespmem:s10+$0x2830];
	v3 =	vadd.f32 v4, v3  }
0xa8: {  	v10 =	vld [tilespmem:s10+$0x40];
	v1 =	vmax.f32 v1, $0.0e+00  }
0xa9: {  	[tilespmem:s10+$0x5070] =	vst v1;
	v1 =	vmax.f32 v3, $0.0e+00;
	v3 =	vadd.f32 v6, v5;
	v6 =	vld [tilespmem:s10+$0x2840]  }
0xaa: {  	v4 =	vld [tilespmem:s10+$0x2850];
	v2 =	vadd.f32 v2, v7  }
0xab: {  	[tilespmem:s10+$0x5000] =	vst v1;
	v1 =	vld [tilespmem:s10+$0x50];
	v3 =	vmax.f32 v3, $0.0e+00  }
0xac: {  	v5 =	vld [tilespmem:s10+$0x2860];
	v7 =	vadd.f32 v9, v8;
	[tilespmem:s10+$0x5010] =	vst v3;
	v3 =	vmax.f32 v2, $0.0e+00  }
0xad: {  	s4 =	simm.s32 $0x80;
	v2 =	vld [tilespmem:s10+$0x60];
	[tilespmem:s10+$0x5020] =	vst v3  }
0xae: {  	s21 =	simm.s32 $0x400;
	v7 =	vmax.f32 v7, $0.0e+00;
	v6 =	vadd.f32 v6, v10;
	v3 =	vld [tilespmem:s4+$0x70]  }
.LBB2_4:
0xaf: {  	p1 =	sne.s32 s21, $0x4E00;
	v8 =	vld [tilespmem:s4+$0x2870];
	[tilespmem:s10+$0x5030] =	vst v7  }
0xb0: {  	v7 =	vld [tilespmem:s4+$0x0];
	v6 =	vmax.f32 v6, $0.0e+00;
	v1 =	vadd.f32 v4, v1  }
0xb1: {  	v4 =	vld [tilespmem:s4+$0x2800];
	[tilespmem:s10+$0x5040] =	vst v6  }
0xb2: {  	v6 =	vld [tilespmem:s4+$0x10];
	v1 =	vmax.f32 v1, $0.0e+00;
	v2 =	vadd.f32 v5, v2  }
0xb3: {  	v5 =	vld [tilespmem:s4+$0x2810];
	[tilespmem:s10+$0x5050] =	vst v1  }
0xb4: {  	v1 =	vld [tilespmem:s4+$0x20];
	v3 =	vadd.f32 v8, v3;
	v2 =	vmax.f32 v2, $0.0e+00  }
0xb5: {  	v8 =	vld [tilespmem:s4+$0x2820];
	[tilespmem:s10+$0x5060] =	vst v2;
	s10 =	smov.u32 s4  }
0xb6: {  	v2 =	vadd.f32 v4, v7;
	v7 =	vld [tilespmem:s10+$0x30];
	v3 =	vmax.f32 v3, $0.0e+00  }
0xb7: {  	v9 =	vld [tilespmem:s10+$0x2830];
	[tilespmem:s10+$0x5070] =	vst v3  }
0xb8: {  	v2 =	vmax.f32 v2, $0.0e+00;
	v3 =	vadd.f32 v5, v6;
	v6 =	vld [tilespmem:s10+$0x40]  }
0xb9: {  	[tilespmem:s10+$0x5000] =	vst v2;
	v10 =	vld [tilespmem:s10+$0x2840]  }
.Ltmp1:
0xba: {  	v2 =	vmax.f32 v3, $0.0e+00;
	v3 =	vadd.f32 v8, v1;
	v1 =	vld [tilespmem:s10+$0x50];
	(pc) =	sbr.rel @p1 .LBB2_4-.Ltmp1, $4  }
0xbb: {  	[tilespmem:s10+$0x5010] =	vst v2;
	v4 =	vld [tilespmem:s10+$0x2850]  }
0xbc: {  	v3 =	vmax.f32 v3, $0.0e+00;
	v7 =	vadd.f32 v9, v7;
	v2 =	vld [tilespmem:s10+$0x60]  }
0xbd: {  	s4 =	sshra.s32 s21, $0x2;
	[tilespmem:s10+$0x5020] =	vst v3;
	v5 =	vld [tilespmem:s10+$0x2860]  }
0xbe: {  	s21 =	sadd.s32 $0x200, s21;
	v3 =	vld [tilespmem:s4+$0x70];
	v7 =	vmax.f32 v7, $0.0e+00;
	v6 =	vadd.f32 v10, v6  }
0xbf: {  	v8 =	vld [tilespmem:s4+$0x2870];
	[tilespmem:s10+$0x5030] =	vst v7  }
0xc0: {  	v7 =	vld [tilespmem:s4+$0x0];
	v6 =	vmax.f32 v6, $0.0e+00;
	v1 =	vadd.f32 v4, v1  }
0xc1: {  	v9 =	vld [tilespmem:s4+$0x2800];
	[tilespmem:s10+$0x5040] =	vst v6  }
0xc2: {  	v4 =	vld [tilespmem:s4+$0x10];
	v1 =	vmax.f32 v1, $0.0e+00;
	v2 =	vadd.f32 v5, v2  }
0xc3: {  	v6 =	vld [tilespmem:s4+$0x2810];
	[tilespmem:s10+$0x5050] =	vst v1  }
0xc4: {  	v1 =	vld [tilespmem:s4+$0x20];
	v2 =	vmax.f32 v2, $0.0e+00  }
0xc5: {  	v5 =	vld [tilespmem:s4+$0x2820];
	v3 =	vadd.f32 v8, v3;
	[tilespmem:s10+$0x5060] =	vst v2  }
0xc6: {  	v7 =	vadd.f32 v9, v7;
	v2 =	vld [tilespmem:s4+$0x30]  }
0xc7: {  	v3 =	vmax.f32 v3, $0.0e+00;
	v8 =	vld [tilespmem:s4+$0x2830]  }
0xc8: {  	[tilespmem:s4+$0x5070] =	vst v3;
	v3 =	vmax.f32 v7, $0.0e+00;
	v7 =	vld [tilespmem:s4+$0x40]  }
0xc9: {  	v4 =	vadd.f32 v6, v4;
	v6 =	vld [tilespmem:s4+$0x50]  }
0xca: {  	[tilespmem:s4+$0x5000] =	vst v3;
	v3 =	vld [tilespmem:s4+$0x2840];
	v1 =	vadd.f32 v5, v1  }
0xcb: {  	v4 =	vmax.f32 v4, $0.0e+00;
	v5 =	vld [tilespmem:s4+$0x60]  }
0xcc: {  	[tilespmem:s4+$0x5010] =	vst v4;
	v4 =	vld [tilespmem:s4+$0x2850];
	v1 =	vmax.f32 v1, $0.0e+00  }
0xcd: {  	[tilespmem:s4+$0x5020] =	vst v1;
	v1 =	vld [tilespmem:s4+$0x2860];
	_ =	sdelay $0x1  }
0xce: {  	v2 =	vadd.f32 v8, v2  }
0xcf: {  	v3 =	vadd.f32 v3, v7  }
0xd0: {  	v2 =	vmax.f32 v2, $0.0e+00;
	v4 =	vadd.f32 v4, v6  }
0xd1: {  	[tilespmem:s4+$0x5030] =	vst v2;
	v2 =	vmax.f32 v3, $0.0e+00;
	v1 =	vadd.f32 v1, v5  }
0xd2: {  	[tilespmem:s4+$0x5040] =	vst v2;
	v2 =	vmax.f32 v4, $0.0e+00  }
0xd3: {  	[tilespmem:s4+$0x5050] =	vst v2;
	v1 =	vmax.f32 v1, $0.0e+00  }
0xd4: {  	[tilespmem:s4+$0x5060] =	vst v1  }
0xd5: {  	_ =	swait.ge [sflag:s12], $0x28  }
0xd6: {  	[sflag:s12] =	ssyncset.done $0x0  }
0xd7: {  	[sflag:s12] =	ssyncadd.s32 $0xFFFFFFD8  }
0xd8: {  	[spmem:s2] =	stream.indirect.scatter.add.f32 [tilespmem:s23], [sflag:$0x3], $0x80, s3, s28, $0xb8;
	[tilespmem:$0x1B280] =	vst v63  }
0xd9: {  	_ =	swait.ge [sflag:s13], $0x28  }
0xda: {  	[sflag:s13] =	ssyncset.done $0x0  }
0xdb: {  	s4 =	simm.s32 $0x0;
	[sflag:s13] =	ssyncadd.s32 $0xFFFFFFD8  }
0xdc: {  	[tilespmem:s4], [sflag:$0x1] =	stream.indirect.gather [hbm4b:s1+s28], $0x80, s25, s28, $0xb8;
	[tilespmem:$0x1B280] =	vst v63  }
0xdd: {  	s21 =	simm.s32 $0x2800;
	s22 =	rddreg [dreg:$0xc]  }
0xde: {  	[tilespmem:s21], [sflag:$0x1] =	stream.linear.gather [hbm4b:s22+s4], $0x1400, $0x38;
	[tilespmem:$0x1B280] =	vst v63  }
0xdf: {  	_ =	swait.ge [sflag:s14], $0x1400  }
0xe0: {  	[sflag:s14] =	ssyncset.done $0x0  }
0xe1: {  	[sflag:s14] =	ssyncadd.s32 $0xFFFFEC00  }
0xe2: {  	_ =	swait.ge [sflag:s14], $0x1400  }
0xe3: {  	[sflag:s14] =	ssyncset.done $0x0  }
0xe4: {  	s29 =	rddreg [dreg:$0xd];
	[sflag:s14] =	ssyncadd.s32 $0xFFFFEC00  }
0xe5: {  	[tilespmem:s26], [sflag:$0x6] =	stream.linear.gather [hbm4b:s29+s4], $0x28, $0x38;
	[tilespmem:$0x1B280] =	vst v63  }
0xe6: {  	s10 =	simm.s32 $0x0;
	s30 =	rddreg [dreg:$0xe]  }
0xe7: {  	[tilespmem:s15], [sflag:$0x8] =	stream.linear.gather [hbm4b:s30+s4], $0x28, $0x38;
	[tilespmem:$0x1B280] =	vst v63  }
0xe8: {  	v1 =	vld [tilespmem:s10+$0x1470]  }
0xe9: {  	v2 =	vld [tilespmem:s10+$0x3C70]  }
0xea: {  	v3 =	vld [tilespmem:s10+$0x1400]  }
0xeb: {  	v4 =	vld [tilespmem:s10+$0x3C00]  }
0xec: {  	v5 =	vld [tilespmem:s10+$0x1410]  }
0xed: {  	v6 =	vld [tilespmem:s10+$0x3C10]  }
0xee: {  	v7 =	vld [tilespmem:s10+$0x1420]  }
0xef: {  	v1 =	vadd.f32 v2, v1;
	v2 =	vld [tilespmem:s10+$0x3C20]  }
0xf0: {  	v8 =	vld [tilespmem:s10+$0x1430]  }
0xf1: {  	v63 =	vld [tilespmem:s10+$0x3C30];
	v3 =	vadd.f32 v4, v3  }
0xf2: {  	v10 =	vld [tilespmem:s10+$0x1440];
	v1 =	vmax.f32 v1, $0.0e+00  }
0xf3: {  	[tilespmem:s10+$0x6470] =	vst v1;
	v1 =	vmax.f32 v3, $0.0e+00;
	v3 =	vadd.f32 v6, v5;
	v6 =	vld [tilespmem:s10+$0x3C40]  }
0xf4: {  	v4 =	vld [tilespmem:s10+$0x3C50];
	v2 =	vadd.f32 v2, v7  }
0xf5: {  	[tilespmem:s10+$0x6400] =	vst v1;
	v1 =	vld [tilespmem:s10+$0x1450];
	v3 =	vmax.f32 v3, $0.0e+00  }
0xf6: {  	v5 =	vld [tilespmem:s10+$0x3C60];
	v7 =	vadd.f32 v63, v8;
	[tilespmem:s10+$0x6410] =	vst v3;
	v3 =	vmax.f32 v2, $0.0e+00  }
0xf7: {  	s4 =	simm.s32 $0x80;
	v2 =	vld [tilespmem:s10+$0x1460];
	[tilespmem:s10+$0x6420] =	vst v3  }
0xf8: {  	s21 =	simm.s32 $0x400;
	v7 =	vmax.f32 v7, $0.0e+00;
	v6 =	vadd.f32 v6, v10;
	v3 =	vld [tilespmem:s4+$0x1470]  }
.LBB2_6:
0xf9: {  	p1 =	sne.s32 s21, $0x4E00;
	v8 =	vld [tilespmem:s4+$0x3C70];
	[tilespmem:s10+$0x6430] =	vst v7  }
0xfa: {  	v7 =	vld [tilespmem:s4+$0x1400];
	v6 =	vmax.f32 v6, $0.0e+00;
	v1 =	vadd.f32 v4, v1  }
0xfb: {  	v4 =	vld [tilespmem:s4+$0x3C00];
	[tilespmem:s10+$0x6440] =	vst v6  }
0xfc: {  	v6 =	vld [tilespmem:s4+$0x1410];
	v1 =	vmax.f32 v1, $0.0e+00;
	v2 =	vadd.f32 v5, v2  }
0xfd: {  	v5 =	vld [tilespmem:s4+$0x3C10];
	[tilespmem:s10+$0x6450] =	vst v1  }
0xfe: {  	v1 =	vld [tilespmem:s4+$0x1420];
	v3 =	vadd.f32 v8, v3;
	v2 =	vmax.f32 v2, $0.0e+00  }
0xff: {  	v8 =	vld [tilespmem:s4+$0x3C20];
	[tilespmem:s10+$0x6460] =	vst v2;
	s10 =	smov.u32 s4  }
0x100: {  	v2 =	vadd.f32 v4, v7;
	v7 =	vld [tilespmem:s10+$0x1430];
	v3 =	vmax.f32 v3, $0.0e+00  }
0x101: {  	v9 =	vld [tilespmem:s10+$0x3C30];
	[tilespmem:s10+$0x6470] =	vst v3  }
0x102: {  	v2 =	vmax.f32 v2, $0.0e+00;
	v3 =	vadd.f32 v5, v6;
	v6 =	vld [tilespmem:s10+$0x1440]  }
0x103: {  	[tilespmem:s10+$0x6400] =	vst v2;
	v10 =	vld [tilespmem:s10+$0x3C40]  }
.Ltmp2:
0x104: {  	v2 =	vmax.f32 v3, $0.0e+00;
	v3 =	vadd.f32 v8, v1;
	v1 =	vld [tilespmem:s10+$0x1450];
	(pc) =	sbr.rel @p1 .LBB2_6-.Ltmp2, $4  }
0x105: {  	[tilespmem:s10+$0x6410] =	vst v2;
	v4 =	vld [tilespmem:s10+$0x3C50]  }
0x106: {  	v3 =	vmax.f32 v3, $0.0e+00;
	v7 =	vadd.f32 v9, v7;
	v2 =	vld [tilespmem:s10+$0x1460]  }
0x107: {  	s4 =	sshra.s32 s21, $0x2;
	[tilespmem:s10+$0x6420] =	vst v3;
	v5 =	vld [tilespmem:s10+$0x3C60]  }
0x108: {  	s21 =	sadd.s32 $0x200, s21;
	v3 =	vld [tilespmem:s4+$0x1470];
	v7 =	vmax.f32 v7, $0.0e+00;
	v6 =	vadd.f32 v10, v6  }
0x109: {  	v8 =	vld [tilespmem:s4+$0x3C70];
	[tilespmem:s10+$0x6430] =	vst v7  }
0x10a: {  	v7 =	vld [tilespmem:s4+$0x1400];
	v6 =	vmax.f32 v6, $0.0e+00;
	v1 =	vadd.f32 v4, v1  }
0x10b: {  	v9 =	vld [tilespmem:s4+$0x3C00];
	[tilespmem:s10+$0x6440] =	vst v6  }
0x10c: {  	v57 =	vld [tilespmem:s4+$0x1410];
	v1 =	vmax.f32 v1, $0.0e+00;
	v2 =	vadd.f32 v5, v2  }
0x10d: {  	v6 =	vld [tilespmem:s4+$0x3C10];
	[tilespmem:s10+$0x6450] =	vst v1  }
0x10e: {  	v1 =	vld [tilespmem:s4+$0x1420];
	v2 =	vmax.f32 v2, $0.0e+00  }
0x10f: {  	v58 =	vld [tilespmem:s4+$0x3C20];
	[tilespmem:s10+$0x6460] =	vst v2  }
0x110: {  	v2 =	vld [tilespmem:s4+$0x1430]  }
0x111: {  	v3 =	vadd.f32 v8, v3;
	v59 =	vld [tilespmem:s4+$0x3C30]  }
0x112: {  	v7 =	vadd.f32 v9, v7;
	v60 =	vld [tilespmem:s4+$0x1440]  }
0x113: {  	v3 =	vmax.f32 v3, $0.0e+00;
	v61 =	vld [tilespmem:s4+$0x1450]  }
0x114: {  	v62 =	vld [tilespmem:s4+$0x3C50];
	[tilespmem:s4+$0x6470] =	vst v3;
	v3 =	vmax.f32 v7, $0.0e+00;
	v1 =	vadd.f32 v58, v1  }
0x115: {  	[tilespmem:s4+$0x6400] =	vst v3;
	v3 =	vld [tilespmem:s4+$0x3C40]  }
0x116: {  	v63 =	vld [tilespmem:s4+$0x1460];
	v1 =	vmax.f32 v1, $0.0e+00  }
0x117: {  	[tilespmem:s4+$0x6420] =	vst v1;
	v1 =	vld [tilespmem:s4+$0x3C60]  }
0x118: {  	v4 =	vadd.f32 v6, v57  }
0x119: {  	v2 =	vadd.f32 v59, v2  }
0x11a: {  	v4 =	vmax.f32 v4, $0.0e+00;
	v3 =	vadd.f32 v3, v60  }
0x11b: {  	[tilespmem:s4+$0x6410] =	vst v4;
	v4 =	vadd.f32 v62, v61;
	v2 =	vmax.f32 v2, $0.0e+00  }
0x11c: {  	[tilespmem:s4+$0x6430] =	vst v2;
	v2 =	vmax.f32 v3, $0.0e+00;
	v1 =	vadd.f32 v1, v63  }
0x11d: {  	[tilespmem:s4+$0x6440] =	vst v2;
	v2 =	vmax.f32 v4, $0.0e+00  }
0x11e: {  	[tilespmem:s4+$0x6450] =	vst v2;
	v1 =	vmax.f32 v1, $0.0e+00  }
0x11f: {  	[tilespmem:s4+$0x6460] =	vst v1  }
0x120: {  	_ =	swait.ge [sflag:s16], $0x28  }
0x121: {  	[sflag:s16] =	ssyncset.done $0x0  }
0x122: {  	[sflag:s16] =	ssyncadd.s32 $0xFFFFFFD8  }
0x123: {  	[spmem:s2] =	stream.indirect.scatter.add.f32 [tilespmem:s17], [sflag:$0x4], $0x80, s15, s28, $0xb8;
	[tilespmem:$0x1B280] =	vst v63  }
0x124: {  	_ =	swait.ge [sflag:s18], $0x28  }
0x125: {  	[sflag:s18] =	ssyncset.done $0x0  }
0x126: {  	s22 =	simm.s32 $0x1400;
	[sflag:s18] =	ssyncadd.s32 $0xFFFFFFD8  }
0x127: {  	[tilespmem:s22], [sflag:$0x2] =	stream.indirect.gather [hbm4b:s1+s28], $0x80, s26, s28, $0xb8;
	[tilespmem:$0x1B280] =	vst v63  }
0x128: {  	s29 =	simm.s32 $0x0;
	s30 =	rddreg [dreg:$0xf];
	s22 =	simm.s32 $0x1  }
0x129: {  	[tilespmem:s31], [sflag:$0x2] =	stream.linear.gather [hbm4b:s30+s29], $0x1400, $0x38;
	[tilespmem:$0x1B280] =	vst v63  }
.LBB2_8:
0x12a: {  	_ =	swait.ge [sflag:s0], $0x1400;
	s10 =	smul.u32 $0x50, s22  }
0x12b: {  	[sflag:s0] =	ssyncset.done $0x0  }
0x12c: {  	[sflag:s0] =	ssyncadd.s32 $0xFFFFEC00;
	s21 =	sadd.s32 $0x50, s10  }
0x12d: {  	_ =	swait.ge [sflag:s0], $0x1400;
	s4 =	sadd.s32 s9, s21  }
0x12e: {  	[sflag:s0] =	ssyncset.done $0x0;
	s4 =	sshrl.u32 s4, $0x3  }
0x12f: {  	s29 =	simm.s32 $0x0;
	[sflag:s0] =	ssyncadd.s32 $0xFFFFEC00;
	s4 =	sadd.s32 s5, s4  }
0x130: {  	[tilespmem:s25], [sflag:$0x5] =	stream.linear.gather [hbm4b:s4+s29], $0x28, $0x38;
	[tilespmem:$0x1B280] =	vst v63  }
0x131: {  	s4 =	sadd.s32 s9, s10;
	_ =	swait.ge [sflag:s19], $0x1400  }
0x132: {  	s4 =	sshrl.u32 s4, $0x3;
	[sflag:s19] =	ssyncset.done $0x0  }
0x133: {  	s4 =	sadd.s32 s7, s4;
	[sflag:s19] =	ssyncadd.s32 $0xFFFFEC00  }
0x134: {  	[tilespmem:s3], [sflag:$0x7] =	stream.linear.gather [hbm4b:s4+s29], $0x28, $0x38;
	[tilespmem:$0x1B280] =	vst v63  }
0x135: {  	s4 =	simm.s32 $0x0  }
0x136: {  	v1 =	vld [tilespmem:s4+$0x70]  }
0x137: {  	v2 =	vld [tilespmem:s4+$0x2870]  }
0x138: {  	v3 =	vld [tilespmem:s4+$0x0]  }
0x139: {  	v4 =	vld [tilespmem:s4+$0x2800]  }
0x13a: {  	v5 =	vld [tilespmem:s4+$0x10]  }
0x13b: {  	v6 =	vld [tilespmem:s4+$0x2810]  }
0x13c: {  	v7 =	vld [tilespmem:s4+$0x20]  }
0x13d: {  	v1 =	vadd.f32 v2, v1;
	v2 =	vld [tilespmem:s4+$0x2820]  }
0x13e: {  	v8 =	vld [tilespmem:s4+$0x30]  }
0x13f: {  	v9 =	vld [tilespmem:s4+$0x2830];
	v3 =	vadd.f32 v4, v3  }
0x140: {  	v10 =	vld [tilespmem:s4+$0x40];
	v1 =	vmax.f32 v1, $0.0e+00  }
0x141: {  	[tilespmem:s4+$0x5070] =	vst v1;
	v1 =	vmax.f32 v3, $0.0e+00;
	v3 =	vadd.f32 v6, v5;
	v6 =	vld [tilespmem:s4+$0x2840]  }
0x142: {  	v4 =	vld [tilespmem:s4+$0x2850];
	v2 =	vadd.f32 v2, v7  }
0x143: {  	[tilespmem:s4+$0x5000] =	vst v1;
	v1 =	vld [tilespmem:s4+$0x50];
	v3 =	vmax.f32 v3, $0.0e+00  }
0x144: {  	v5 =	vld [tilespmem:s4+$0x2860];
	v7 =	vadd.f32 v9, v8;
	[tilespmem:s4+$0x5010] =	vst v3;
	v3 =	vmax.f32 v2, $0.0e+00  }
0x145: {  	s29 =	simm.s32 $0x80;
	v2 =	vld [tilespmem:s4+$0x60];
	[tilespmem:s4+$0x5020] =	vst v3  }
0x146: {  	s30 =	simm.s32 $0x400;
	v7 =	vmax.f32 v7, $0.0e+00;
	v6 =	vadd.f32 v6, v10;
	v3 =	vld [tilespmem:s29+$0x70]  }
.LBB2_9:
0x147: {  	p1 =	sne.s32 s30, $0x4E00;
	v8 =	vld [tilespmem:s29+$0x2870];
	[tilespmem:s4+$0x5030] =	vst v7  }
0x148: {  	v7 =	vld [tilespmem:s29+$0x0];
	v6 =	vmax.f32 v6, $0.0e+00;
	v1 =	vadd.f32 v4, v1  }
0x149: {  	v4 =	vld [tilespmem:s29+$0x2800];
	[tilespmem:s4+$0x5040] =	vst v6  }
0x14a: {  	v6 =	vld [tilespmem:s29+$0x10];
	v1 =	vmax.f32 v1, $0.0e+00;
	v2 =	vadd.f32 v5, v2  }
0x14b: {  	v5 =	vld [tilespmem:s29+$0x2810];
	[tilespmem:s4+$0x5050] =	vst v1  }
0x14c: {  	v1 =	vld [tilespmem:s29+$0x20];
	v3 =	vadd.f32 v8, v3;
	v2 =	vmax.f32 v2, $0.0e+00  }
0x14d: {  	v8 =	vld [tilespmem:s29+$0x2820];
	[tilespmem:s4+$0x5060] =	vst v2;
	s4 =	smov.u32 s29  }
0x14e: {  	v2 =	vadd.f32 v4, v7;
	v7 =	vld [tilespmem:s4+$0x30];
	v3 =	vmax.f32 v3, $0.0e+00  }
0x14f: {  	v9 =	vld [tilespmem:s4+$0x2830];
	[tilespmem:s4+$0x5070] =	vst v3  }
0x150: {  	v2 =	vmax.f32 v2, $0.0e+00;
	v3 =	vadd.f32 v5, v6;
	v6 =	vld [tilespmem:s4+$0x40]  }
0x151: {  	[tilespmem:s4+$0x5000] =	vst v2;
	v10 =	vld [tilespmem:s4+$0x2840]  }
.Ltmp3:
0x152: {  	v2 =	vmax.f32 v3, $0.0e+00;
	v3 =	vadd.f32 v8, v1;
	v1 =	vld [tilespmem:s4+$0x50];
	(pc) =	sbr.rel @p1 .LBB2_9-.Ltmp3, $4  }
0x153: {  	[tilespmem:s4+$0x5010] =	vst v2;
	v4 =	vld [tilespmem:s4+$0x2850]  }
0x154: {  	v3 =	vmax.f32 v3, $0.0e+00;
	v7 =	vadd.f32 v9, v7;
	v2 =	vld [tilespmem:s4+$0x60]  }
0x155: {  	s29 =	sshra.s32 s30, $0x2;
	[tilespmem:s4+$0x5020] =	vst v3;
	v5 =	vld [tilespmem:s4+$0x2860]  }
0x156: {  	s30 =	sadd.s32 $0x200, s30;
	v3 =	vld [tilespmem:s29+$0x70];
	v7 =	vmax.f32 v7, $0.0e+00;
	v6 =	vadd.f32 v10, v6  }
0x157: {  	v8 =	vld [tilespmem:s29+$0x2870];
	[tilespmem:s4+$0x5030] =	vst v7  }
0x158: {  	v7 =	vld [tilespmem:s29+$0x0];
	v6 =	vmax.f32 v6, $0.0e+00;
	v1 =	vadd.f32 v4, v1  }
0x159: {  	v9 =	vld [tilespmem:s29+$0x2800];
	[tilespmem:s4+$0x5040] =	vst v6  }
0x15a: {  	v4 =	vld [tilespmem:s29+$0x10];
	v1 =	vmax.f32 v1, $0.0e+00;
	v2 =	vadd.f32 v5, v2  }
0x15b: {  	v6 =	vld [tilespmem:s29+$0x2810];
	[tilespmem:s4+$0x5050] =	vst v1  }
0x15c: {  	v1 =	vld [tilespmem:s29+$0x20];
	v2 =	vmax.f32 v2, $0.0e+00  }
0x15d: {  	v5 =	vld [tilespmem:s29+$0x2820];
	v3 =	vadd.f32 v8, v3;
	[tilespmem:s4+$0x5060] =	vst v2  }
0x15e: {  	v7 =	vadd.f32 v9, v7;
	v2 =	vld [tilespmem:s29+$0x30]  }
0x15f: {  	v3 =	vmax.f32 v3, $0.0e+00;
	v8 =	vld [tilespmem:s29+$0x2830]  }
0x160: {  	[tilespmem:s29+$0x5070] =	vst v3;
	v3 =	vmax.f32 v7, $0.0e+00;
	v7 =	vld [tilespmem:s29+$0x40]  }
0x161: {  	v4 =	vadd.f32 v6, v4;
	v6 =	vld [tilespmem:s29+$0x50]  }
0x162: {  	[tilespmem:s29+$0x5000] =	vst v3;
	v3 =	vld [tilespmem:s29+$0x2840];
	v1 =	vadd.f32 v5, v1  }
0x163: {  	v4 =	vmax.f32 v4, $0.0e+00;
	v5 =	vld [tilespmem:s29+$0x60]  }
0x164: {  	[tilespmem:s29+$0x5010] =	vst v4;
	v4 =	vld [tilespmem:s29+$0x2850];
	v1 =	vmax.f32 v1, $0.0e+00  }
0x165: {  	[tilespmem:s29+$0x5020] =	vst v1;
	v1 =	vld [tilespmem:s29+$0x2860];
	_ =	sdelay $0x1  }
0x166: {  	v2 =	vadd.f32 v8, v2  }
0x167: {  	v3 =	vadd.f32 v3, v7  }
0x168: {  	v2 =	vmax.f32 v2, $0.0e+00;
	v4 =	vadd.f32 v4, v6  }
0x169: {  	[tilespmem:s29+$0x5030] =	vst v2;
	v2 =	vmax.f32 v3, $0.0e+00;
	v1 =	vadd.f32 v1, v5  }
0x16a: {  	[tilespmem:s29+$0x5040] =	vst v2;
	v2 =	vmax.f32 v4, $0.0e+00  }
0x16b: {  	[tilespmem:s29+$0x5050] =	vst v2;
	v1 =	vmax.f32 v1, $0.0e+00  }
0x16c: {  	[tilespmem:s29+$0x5060] =	vst v1  }
0x16d: {  	_ =	swait.ge [sflag:s12], $0x28  }
0x16e: {  	[sflag:s12] =	ssyncset.done $0x0  }
0x16f: {  	[sflag:s12] =	ssyncadd.s32 $0xFFFFFFD8  }
0x170: {  	[spmem:s2] =	stream.indirect.scatter.add.f32 [tilespmem:s23], [sflag:$0x3], $0x80, s3, s28, $0xb8;
	[tilespmem:$0x1B280] =	vst v63  }
0x171: {  	_ =	swait.ge [sflag:s13], $0x28  }
0x172: {  	s21 =	sadd.s32 s6, s21;
	[sflag:s13] =	ssyncset.done $0x0  }
0x173: {  	s21 =	sshll.u32 s21, $0x4;
	s4 =	simm.s32 $0x0;
	[sflag:s13] =	ssyncadd.s32 $0xFFFFFFD8  }
0x174: {  	[tilespmem:s4], [sflag:$0x1] =	stream.indirect.gather [hbm4b:s1+s28], $0x80, s25, s28, $0xb8;
	[tilespmem:$0x1B280] =	vst v63  }
0x175: {  	s21 =	sadd.s32 s8, s21;
	s29 =	simm.s32 $0x2800  }
0x176: {  	[tilespmem:s29], [sflag:$0x1] =	stream.linear.gather [hbm4b:s21+s4], $0x1400, $0x38;
	[tilespmem:$0x1B280] =	vst v63  }
0x177: {  	_ =	swait.ge [sflag:s14], $0x1400  }
0x178: {  	[sflag:s14] =	ssyncset.done $0x0  }
0x179: {  	s21 =	sadd.s32 $0x78, s10;
	[sflag:s14] =	ssyncadd.s32 $0xFFFFEC00  }
0x17a: {  	s29 =	sadd.s32 s9, s21;
	_ =	swait.ge [sflag:s14], $0x1400  }
0x17b: {  	s29 =	sshrl.u32 s29, $0x3;
	[sflag:s14] =	ssyncset.done $0x0  }
0x17c: {  	s29 =	sadd.s32 s5, s29;
	[sflag:s14] =	ssyncadd.s32 $0xFFFFEC00  }
0x17d: {  	[tilespmem:s26], [sflag:$0x6] =	stream.linear.gather [hbm4b:s29+s4], $0x28, $0x38;
	[tilespmem:$0x1B280] =	vst v63  }
0x17e: {  	s30 =	sadd.s32 s10, s11;
	_ =	swait.ge [sflag:s20], $0x1400  }
0x17f: {  	s10 =	sshrl.u32 s30, $0x3;
	[sflag:s20] =	ssyncset.done $0x0  }
0x180: {  	s10 =	sadd.s32 s7, s10;
	[sflag:s20] =	ssyncadd.s32 $0xFFFFEC00  }
0x181: {  	[tilespmem:s15], [sflag:$0x8] =	stream.linear.gather [hbm4b:s10+s4], $0x28, $0x38;
	[tilespmem:$0x1B280] =	vst v63  }
0x182: {  	s4 =	simm.s32 $0x0  }
0x183: {  	v1 =	vld [tilespmem:s4+$0x1470]  }
0x184: {  	v2 =	vld [tilespmem:s4+$0x3C70]  }
0x185: {  	v3 =	vld [tilespmem:s4+$0x1400]  }
0x186: {  	v4 =	vld [tilespmem:s4+$0x3C00]  }
0x187: {  	v5 =	vld [tilespmem:s4+$0x1410]  }
0x188: {  	v6 =	vld [tilespmem:s4+$0x3C10]  }
0x189: {  	v7 =	vld [tilespmem:s4+$0x1420]  }
0x18a: {  	v1 =	vadd.f32 v2, v1;
	v2 =	vld [tilespmem:s4+$0x3C20]  }
0x18b: {  	v8 =	vld [tilespmem:s4+$0x1430]  }
0x18c: {  	v63 =	vld [tilespmem:s4+$0x3C30];
	v3 =	vadd.f32 v4, v3  }
0x18d: {  	v10 =	vld [tilespmem:s4+$0x1440];
	v1 =	vmax.f32 v1, $0.0e+00  }
0x18e: {  	[tilespmem:s4+$0x6470] =	vst v1;
	v1 =	vmax.f32 v3, $0.0e+00;
	v3 =	vadd.f32 v6, v5;
	v6 =	vld [tilespmem:s4+$0x3C40]  }
0x18f: {  	v4 =	vld [tilespmem:s4+$0x3C50];
	v2 =	vadd.f32 v2, v7  }
0x190: {  	[tilespmem:s4+$0x6400] =	vst v1;
	v1 =	vld [tilespmem:s4+$0x1450];
	v3 =	vmax.f32 v3, $0.0e+00  }
0x191: {  	v5 =	vld [tilespmem:s4+$0x3C60];
	v7 =	vadd.f32 v63, v8;
	[tilespmem:s4+$0x6410] =	vst v3;
	v3 =	vmax.f32 v2, $0.0e+00  }
0x192: {  	s10 =	simm.s32 $0x80;
	v2 =	vld [tilespmem:s4+$0x1460];
	[tilespmem:s4+$0x6420] =	vst v3  }
0x193: {  	s29 =	simm.s32 $0x400;
	v7 =	vmax.f32 v7, $0.0e+00;
	v6 =	vadd.f32 v6, v10;
	v3 =	vld [tilespmem:s10+$0x1470]  }
.LBB2_11:
0x194: {  	p1 =	sne.s32 s29, $0x4E00;
	v8 =	vld [tilespmem:s10+$0x3C70];
	[tilespmem:s4+$0x6430] =	vst v7  }
0x195: {  	v7 =	vld [tilespmem:s10+$0x1400];
	v6 =	vmax.f32 v6, $0.0e+00;
	v1 =	vadd.f32 v4, v1  }
0x196: {  	v4 =	vld [tilespmem:s10+$0x3C00];
	[tilespmem:s4+$0x6440] =	vst v6  }
0x197: {  	v6 =	vld [tilespmem:s10+$0x1410];
	v1 =	vmax.f32 v1, $0.0e+00;
	v2 =	vadd.f32 v5, v2  }
0x198: {  	v5 =	vld [tilespmem:s10+$0x3C10];
	[tilespmem:s4+$0x6450] =	vst v1  }
0x199: {  	v1 =	vld [tilespmem:s10+$0x1420];
	v3 =	vadd.f32 v8, v3;
	v2 =	vmax.f32 v2, $0.0e+00  }
0x19a: {  	v8 =	vld [tilespmem:s10+$0x3C20];
	[tilespmem:s4+$0x6460] =	vst v2;
	s4 =	smov.u32 s10  }
0x19b: {  	v2 =	vadd.f32 v4, v7;
	v7 =	vld [tilespmem:s4+$0x1430];
	v3 =	vmax.f32 v3, $0.0e+00  }
0x19c: {  	v9 =	vld [tilespmem:s4+$0x3C30];
	[tilespmem:s4+$0x6470] =	vst v3  }
0x19d: {  	v2 =	vmax.f32 v2, $0.0e+00;
	v3 =	vadd.f32 v5, v6;
	v6 =	vld [tilespmem:s4+$0x1440]  }
0x19e: {  	[tilespmem:s4+$0x6400] =	vst v2;
	v10 =	vld [tilespmem:s4+$0x3C40]  }
.Ltmp4:
0x19f: {  	v2 =	vmax.f32 v3, $0.0e+00;
	v3 =	vadd.f32 v8, v1;
	v1 =	vld [tilespmem:s4+$0x1450];
	(pc) =	sbr.rel @p1 .LBB2_11-.Ltmp4, $4  }
0x1a0: {  	[tilespmem:s4+$0x6410] =	vst v2;
	v4 =	vld [tilespmem:s4+$0x3C50]  }
0x1a1: {  	v3 =	vmax.f32 v3, $0.0e+00;
	v7 =	vadd.f32 v9, v7;
	v2 =	vld [tilespmem:s4+$0x1460]  }
0x1a2: {  	s10 =	sshra.s32 s29, $0x2;
	[tilespmem:s4+$0x6420] =	vst v3;
	v5 =	vld [tilespmem:s4+$0x3C60]  }
0x1a3: {  	s29 =	sadd.s32 $0x200, s29;
	v3 =	vld [tilespmem:s10+$0x1470];
	v7 =	vmax.f32 v7, $0.0e+00;
	v6 =	vadd.f32 v10, v6  }
0x1a4: {  	v8 =	vld [tilespmem:s10+$0x3C70];
	[tilespmem:s4+$0x6430] =	vst v7  }
0x1a5: {  	v7 =	vld [tilespmem:s10+$0x1400];
	v6 =	vmax.f32 v6, $0.0e+00;
	v1 =	vadd.f32 v4, v1  }
0x1a6: {  	v9 =	vld [tilespmem:s10+$0x3C00];
	[tilespmem:s4+$0x6440] =	vst v6  }
0x1a7: {  	v57 =	vld [tilespmem:s10+$0x1410];
	v1 =	vmax.f32 v1, $0.0e+00;
	v2 =	vadd.f32 v5, v2  }
0x1a8: {  	v6 =	vld [tilespmem:s10+$0x3C10];
	[tilespmem:s4+$0x6450] =	vst v1  }
0x1a9: {  	v1 =	vld [tilespmem:s10+$0x1420];
	v2 =	vmax.f32 v2, $0.0e+00  }
0x1aa: {  	v58 =	vld [tilespmem:s10+$0x3C20];
	[tilespmem:s4+$0x6460] =	vst v2  }
0x1ab: {  	v2 =	vld [tilespmem:s10+$0x1430]  }
0x1ac: {  	v3 =	vadd.f32 v8, v3;
	v59 =	vld [tilespmem:s10+$0x3C30]  }
0x1ad: {  	v7 =	vadd.f32 v9, v7;
	v60 =	vld [tilespmem:s10+$0x1440]  }
0x1ae: {  	v3 =	vmax.f32 v3, $0.0e+00;
	v61 =	vld [tilespmem:s10+$0x1450]  }
0x1af: {  	v62 =	vld [tilespmem:s10+$0x3C50];
	[tilespmem:s10+$0x6470] =	vst v3;
	v3 =	vmax.f32 v7, $0.0e+00;
	v1 =	vadd.f32 v58, v1  }
0x1b0: {  	[tilespmem:s10+$0x6400] =	vst v3;
	v3 =	vld [tilespmem:s10+$0x3C40]  }
0x1b1: {  	v63 =	vld [tilespmem:s10+$0x1460];
	v1 =	vmax.f32 v1, $0.0e+00  }
0x1b2: {  	[tilespmem:s10+$0x6420] =	vst v1;
	v1 =	vld [tilespmem:s10+$0x3C60]  }
0x1b3: {  	v4 =	vadd.f32 v6, v57  }
0x1b4: {  	v2 =	vadd.f32 v59, v2  }
0x1b5: {  	v4 =	vmax.f32 v4, $0.0e+00;
	v3 =	vadd.f32 v3, v60  }
0x1b6: {  	[tilespmem:s10+$0x6410] =	vst v4;
	v4 =	vadd.f32 v62, v61;
	v2 =	vmax.f32 v2, $0.0e+00  }
0x1b7: {  	[tilespmem:s10+$0x6430] =	vst v2;
	v2 =	vmax.f32 v3, $0.0e+00;
	v1 =	vadd.f32 v1, v63  }
0x1b8: {  	[tilespmem:s10+$0x6440] =	vst v2;
	v2 =	vmax.f32 v4, $0.0e+00  }
0x1b9: {  	[tilespmem:s10+$0x6450] =	vst v2;
	v1 =	vmax.f32 v1, $0.0e+00  }
0x1ba: {  	[tilespmem:s10+$0x6460] =	vst v1  }
0x1bb: {  	_ =	swait.ge [sflag:s16], $0x28  }
0x1bc: {  	[sflag:s16] =	ssyncset.done $0x0  }
0x1bd: {  	s22 =	sadd.s32 $0x1, s22;
	[sflag:s16] =	ssyncadd.s32 $0xFFFFFFD8  }
0x1be: {  	[spmem:s2] =	stream.indirect.scatter.add.f32 [tilespmem:s17], [sflag:$0x4], $0x80, s15, s28, $0xb8;
	[tilespmem:$0x1B280] =	vst v63  }
0x1bf: {  	p1 =	sne.s32 s22, $0x40;
	_ =	swait.ge [sflag:s18], $0x28  }
.Ltmp5:
0x1c0: {  	s29 =	sadd.s32 s6, s21;
	[sflag:s18] =	ssyncset.done $0x0;
	(pc) =	sbr.rel @p1 .LBB2_8-.Ltmp5, $4  }
0x1c1: {  	s4 =	sshll.u32 s29, $0x4;
	s10 =	simm.s32 $0x1400;
	[sflag:s18] =	ssyncadd.s32 $0xFFFFFFD8  }
0x1c2: {  	[tilespmem:s10], [sflag:$0x2] =	stream.indirect.gather [hbm4b:s1+s28], $0x80, s26, s28, $0xb8;
	[tilespmem:$0x1B280] =	vst v63  }
0x1c3: {  	s30 =	simm.s32 $0x0;
	s4 =	sadd.s32 s8, s4  }
0x1c4: {  	[tilespmem:s31], [sflag:$0x2] =	stream.linear.gather [hbm4b:s4+s30], $0x1400, $0x38;
	[tilespmem:$0x1B280] =	vst v63  }
0x1c5: {  	_ =	swait.ge [sflag:s0], $0x1400  }
0x1c6: {  	[sflag:s0] =	ssyncset.done $0x0  }
0x1c7: {  	[sflag:s0] =	ssyncadd.s32 $0xFFFFEC00  }
0x1c8: {  	_ =	swait.ge [sflag:s0], $0x1400  }
0x1c9: {  	[sflag:s0] =	ssyncset.done $0x0  }
0x1ca: {  	[sflag:s0] =	ssyncadd.s32 $0xFFFFEC00  }
0x1cb: {  	_ =	swait.ge [sflag:s19], $0x1400  }
0x1cc: {  	[sflag:s19] =	ssyncset.done $0x0  }
0x1cd: {  	s4 =	simm.s32 $0x0;
	s10 =	rddreg [dreg:$0x10];
	[sflag:s19] =	ssyncadd.s32 $0xFFFFEC00  }
0x1ce: {  	[tilespmem:s3], [sflag:$0x7] =	stream.linear.gather [hbm4b:s10+s4], $0x28, $0x38;
	[tilespmem:$0x1B280] =	vst v63  }
0x1cf: {  	s4 =	simm.s32 $0x0  }
0x1d0: {  	v1 =	vld [tilespmem:s4+$0x70]  }
0x1d1: {  	v2 =	vld [tilespmem:s4+$0x2870]  }
0x1d2: {  	v3 =	vld [tilespmem:s4+$0x0]  }
0x1d3: {  	v4 =	vld [tilespmem:s4+$0x2800]  }
0x1d4: {  	v5 =	vld [tilespmem:s4+$0x10]  }
0x1d5: {  	v6 =	vld [tilespmem:s4+$0x2810]  }
0x1d6: {  	v7 =	vld [tilespmem:s4+$0x20]  }
0x1d7: {  	v1 =	vadd.f32 v2, v1;
	v2 =	vld [tilespmem:s4+$0x2820]  }
0x1d8: {  	v8 =	vld [tilespmem:s4+$0x30]  }
0x1d9: {  	v9 =	vld [tilespmem:s4+$0x2830];
	v3 =	vadd.f32 v4, v3  }
0x1da: {  	v10 =	vld [tilespmem:s4+$0x40];
	v1 =	vmax.f32 v1, $0.0e+00  }
0x1db: {  	[tilespmem:s4+$0x5070] =	vst v1;
	v1 =	vmax.f32 v3, $0.0e+00;
	v3 =	vadd.f32 v6, v5;
	v6 =	vld [tilespmem:s4+$0x2840]  }
0x1dc: {  	v4 =	vld [tilespmem:s4+$0x2850];
	v2 =	vadd.f32 v2, v7  }
0x1dd: {  	[tilespmem:s4+$0x5000] =	vst v1;
	v1 =	vld [tilespmem:s4+$0x50];
	v3 =	vmax.f32 v3, $0.0e+00  }
0x1de: {  	v5 =	vld [tilespmem:s4+$0x2860];
	v7 =	vadd.f32 v9, v8;
	[tilespmem:s4+$0x5010] =	vst v3;
	v3 =	vmax.f32 v2, $0.0e+00  }
0x1df: {  	s10 =	simm.s32 $0x80;
	v2 =	vld [tilespmem:s4+$0x60];
	[tilespmem:s4+$0x5020] =	vst v3  }
0x1e0: {  	s21 =	simm.s32 $0x400;
	v7 =	vmax.f32 v7, $0.0e+00;
	v6 =	vadd.f32 v6, v10;
	v3 =	vld [tilespmem:s10+$0x70]  }
.LBB2_14:
0x1e1: {  	p1 =	sne.s32 s21, $0x4E00;
	v8 =	vld [tilespmem:s10+$0x2870];
	[tilespmem:s4+$0x5030] =	vst v7  }
0x1e2: {  	v7 =	vld [tilespmem:s10+$0x0];
	v6 =	vmax.f32 v6, $0.0e+00;
	v1 =	vadd.f32 v4, v1  }
0x1e3: {  	v4 =	vld [tilespmem:s10+$0x2800];
	[tilespmem:s4+$0x5040] =	vst v6  }
0x1e4: {  	v6 =	vld [tilespmem:s10+$0x10];
	v1 =	vmax.f32 v1, $0.0e+00;
	v2 =	vadd.f32 v5, v2  }
0x1e5: {  	v5 =	vld [tilespmem:s10+$0x2810];
	[tilespmem:s4+$0x5050] =	vst v1  }
0x1e6: {  	v1 =	vld [tilespmem:s10+$0x20];
	v3 =	vadd.f32 v8, v3;
	v2 =	vmax.f32 v2, $0.0e+00  }
0x1e7: {  	v8 =	vld [tilespmem:s10+$0x2820];
	[tilespmem:s4+$0x5060] =	vst v2;
	s4 =	smov.u32 s10  }
0x1e8: {  	v2 =	vadd.f32 v4, v7;
	v7 =	vld [tilespmem:s4+$0x30];
	v3 =	vmax.f32 v3, $0.0e+00  }
0x1e9: {  	v9 =	vld [tilespmem:s4+$0x2830];
	[tilespmem:s4+$0x5070] =	vst v3  }
0x1ea: {  	v2 =	vmax.f32 v2, $0.0e+00;
	v3 =	vadd.f32 v5, v6;
	v6 =	vld [tilespmem:s4+$0x40]  }
0x1eb: {  	[tilespmem:s4+$0x5000] =	vst v2;
	v10 =	vld [tilespmem:s4+$0x2840]  }
.Ltmp6:
0x1ec: {  	v2 =	vmax.f32 v3, $0.0e+00;
	v3 =	vadd.f32 v8, v1;
	v1 =	vld [tilespmem:s4+$0x50];
	(pc) =	sbr.rel @p1 .LBB2_14-.Ltmp6, $4  }
0x1ed: {  	[tilespmem:s4+$0x5010] =	vst v2;
	v4 =	vld [tilespmem:s4+$0x2850]  }
0x1ee: {  	v3 =	vmax.f32 v3, $0.0e+00;
	v7 =	vadd.f32 v9, v7;
	v2 =	vld [tilespmem:s4+$0x60]  }
0x1ef: {  	s10 =	sshra.s32 s21, $0x2;
	[tilespmem:s4+$0x5020] =	vst v3;
	v5 =	vld [tilespmem:s4+$0x2860]  }
0x1f0: {  	s21 =	sadd.s32 $0x200, s21;
	v3 =	vld [tilespmem:s10+$0x70];
	v7 =	vmax.f32 v7, $0.0e+00;
	v6 =	vadd.f32 v10, v6  }
0x1f1: {  	v8 =	vld [tilespmem:s10+$0x2870];
	[tilespmem:s4+$0x5030] =	vst v7  }
0x1f2: {  	v7 =	vld [tilespmem:s10+$0x0];
	v6 =	vmax.f32 v6, $0.0e+00;
	v1 =	vadd.f32 v4, v1  }
0x1f3: {  	v9 =	vld [tilespmem:s10+$0x2800];
	[tilespmem:s4+$0x5040] =	vst v6  }
0x1f4: {  	v4 =	vld [tilespmem:s10+$0x10];
	v1 =	vmax.f32 v1, $0.0e+00;
	v2 =	vadd.f32 v5, v2  }
0x1f5: {  	v6 =	vld [tilespmem:s10+$0x2810];
	[tilespmem:s4+$0x5050] =	vst v1  }
0x1f6: {  	v1 =	vld [tilespmem:s10+$0x20];
	v2 =	vmax.f32 v2, $0.0e+00  }
0x1f7: {  	v5 =	vld [tilespmem:s10+$0x2820];
	v3 =	vadd.f32 v8, v3;
	[tilespmem:s4+$0x5060] =	vst v2  }
0x1f8: {  	v7 =	vadd.f32 v9, v7;
	v2 =	vld [tilespmem:s10+$0x30]  }
0x1f9: {  	v3 =	vmax.f32 v3, $0.0e+00;
	v8 =	vld [tilespmem:s10+$0x2830]  }
0x1fa: {  	[tilespmem:s10+$0x5070] =	vst v3;
	v3 =	vmax.f32 v7, $0.0e+00;
	v7 =	vld [tilespmem:s10+$0x40]  }
0x1fb: {  	v4 =	vadd.f32 v6, v4;
	v6 =	vld [tilespmem:s10+$0x50]  }
0x1fc: {  	[tilespmem:s10+$0x5000] =	vst v3;
	v3 =	vld [tilespmem:s10+$0x2840];
	v1 =	vadd.f32 v5, v1  }
0x1fd: {  	v4 =	vmax.f32 v4, $0.0e+00;
	v5 =	vld [tilespmem:s10+$0x60]  }
0x1fe: {  	[tilespmem:s10+$0x5010] =	vst v4;
	v4 =	vld [tilespmem:s10+$0x2850];
	v1 =	vmax.f32 v1, $0.0e+00  }
0x1ff: {  	[tilespmem:s10+$0x5020] =	vst v1;
	v1 =	vld [tilespmem:s10+$0x2860];
	_ =	sdelay $0x1  }
0x200: {  	v2 =	vadd.f32 v8, v2  }
0x201: {  	v3 =	vadd.f32 v3, v7  }
0x202: {  	v2 =	vmax.f32 v2, $0.0e+00;
	v4 =	vadd.f32 v4, v6  }
0x203: {  	[tilespmem:s10+$0x5030] =	vst v2;
	v2 =	vmax.f32 v3, $0.0e+00;
	v1 =	vadd.f32 v1, v5  }
0x204: {  	[tilespmem:s10+$0x5040] =	vst v2;
	v2 =	vmax.f32 v4, $0.0e+00  }
0x205: {  	[tilespmem:s10+$0x5050] =	vst v2;
	v1 =	vmax.f32 v1, $0.0e+00  }
0x206: {  	[tilespmem:s10+$0x5060] =	vst v1  }
0x207: {  	_ =	swait.ge [sflag:s12], $0x28  }
0x208: {  	[sflag:s12] =	ssyncset.done $0x0  }
0x209: {  	[sflag:s12] =	ssyncadd.s32 $0xFFFFFFD8  }
0x20a: {  	[spmem:s2] =	stream.indirect.scatter.add.f32 [tilespmem:s23], [sflag:$0x3], $0x80, s3, s28, $0xb8;
	[tilespmem:$0x1B280] =	vst v63  }
0x20b: {  	_ =	swait.ge [sflag:s14], $0x1400  }
0x20c: {  	[sflag:s14] =	ssyncset.done $0x0  }
0x20d: {  	[sflag:s14] =	ssyncadd.s32 $0xFFFFEC00  }
0x20e: {  	_ =	swait.ge [sflag:s14], $0x1400  }
0x20f: {  	[sflag:s14] =	ssyncset.done $0x0  }
0x210: {  	[sflag:s14] =	ssyncadd.s32 $0xFFFFEC00  }
0x211: {  	_ =	swait.ge [sflag:s20], $0x1400  }
0x212: {  	s29 =	simm.s32 $0x0;
	[sflag:s20] =	ssyncset.done $0x0  }
0x213: {  	s4 =	simm.s32 $0x0;
	s30 =	rddreg [dreg:$0x11];
	[sflag:s20] =	ssyncadd.s32 $0xFFFFEC00  }
0x214: {  	[tilespmem:s15], [sflag:$0x8] =	stream.linear.gather [hbm4b:s30+s29], $0x28, $0x38;
	[tilespmem:$0x1B280] =	vst v63  }
0x215: {  	v1 =	vld [tilespmem:s4+$0x1470]  }
0x216: {  	v2 =	vld [tilespmem:s4+$0x3C70]  }
0x217: {  	v3 =	vld [tilespmem:s4+$0x1400]  }
0x218: {  	v4 =	vld [tilespmem:s4+$0x3C00]  }
0x219: {  	v5 =	vld [tilespmem:s4+$0x1410]  }
0x21a: {  	v6 =	vld [tilespmem:s4+$0x3C10]  }
0x21b: {  	v7 =	vld [tilespmem:s4+$0x1420]  }
0x21c: {  	v1 =	vadd.f32 v2, v1;
	v2 =	vld [tilespmem:s4+$0x3C20]  }
0x21d: {  	v8 =	vld [tilespmem:s4+$0x1430]  }
0x21e: {  	v63 =	vld [tilespmem:s4+$0x3C30];
	v3 =	vadd.f32 v4, v3  }
0x21f: {  	v10 =	vld [tilespmem:s4+$0x1440];
	v1 =	vmax.f32 v1, $0.0e+00  }
0x220: {  	[tilespmem:s4+$0x6470] =	vst v1;
	v1 =	vmax.f32 v3, $0.0e+00;
	v3 =	vadd.f32 v6, v5;
	v6 =	vld [tilespmem:s4+$0x3C40]  }
0x221: {  	v4 =	vld [tilespmem:s4+$0x3C50];
	v2 =	vadd.f32 v2, v7  }
0x222: {  	[tilespmem:s4+$0x6400] =	vst v1;
	v1 =	vld [tilespmem:s4+$0x1450];
	v3 =	vmax.f32 v3, $0.0e+00  }
0x223: {  	v5 =	vld [tilespmem:s4+$0x3C60];
	v7 =	vadd.f32 v63, v8;
	[tilespmem:s4+$0x6410] =	vst v3;
	v3 =	vmax.f32 v2, $0.0e+00  }
0x224: {  	s10 =	simm.s32 $0x80;
	v2 =	vld [tilespmem:s4+$0x1460];
	[tilespmem:s4+$0x6420] =	vst v3  }
0x225: {  	s21 =	simm.s32 $0x400;
	v7 =	vmax.f32 v7, $0.0e+00;
	v6 =	vadd.f32 v6, v10;
	v3 =	vld [tilespmem:s10+$0x1470]  }
.LBB2_16:
0x226: {  	p1 =	sne.s32 s21, $0x4E00;
	v8 =	vld [tilespmem:s10+$0x3C70];
	[tilespmem:s4+$0x6430] =	vst v7  }
0x227: {  	v7 =	vld [tilespmem:s10+$0x1400];
	v6 =	vmax.f32 v6, $0.0e+00;
	v1 =	vadd.f32 v4, v1  }
0x228: {  	v4 =	vld [tilespmem:s10+$0x3C00];
	[tilespmem:s4+$0x6440] =	vst v6  }
0x229: {  	v6 =	vld [tilespmem:s10+$0x1410];
	v1 =	vmax.f32 v1, $0.0e+00;
	v2 =	vadd.f32 v5, v2  }
0x22a: {  	v5 =	vld [tilespmem:s10+$0x3C10];
	[tilespmem:s4+$0x6450] =	vst v1  }
0x22b: {  	v1 =	vld [tilespmem:s10+$0x1420];
	v3 =	vadd.f32 v8, v3;
	v2 =	vmax.f32 v2, $0.0e+00  }
0x22c: {  	v8 =	vld [tilespmem:s10+$0x3C20];
	[tilespmem:s4+$0x6460] =	vst v2;
	s4 =	smov.u32 s10  }
0x22d: {  	v2 =	vadd.f32 v4, v7;
	v7 =	vld [tilespmem:s4+$0x1430];
	v3 =	vmax.f32 v3, $0.0e+00  }
0x22e: {  	v9 =	vld [tilespmem:s4+$0x3C30];
	[tilespmem:s4+$0x6470] =	vst v3  }
0x22f: {  	v2 =	vmax.f32 v2, $0.0e+00;
	v3 =	vadd.f32 v5, v6;
	v6 =	vld [tilespmem:s4+$0x1440]  }
0x230: {  	[tilespmem:s4+$0x6400] =	vst v2;
	v10 =	vld [tilespmem:s4+$0x3C40]  }
.Ltmp7:
0x231: {  	v2 =	vmax.f32 v3, $0.0e+00;
	v3 =	vadd.f32 v8, v1;
	v1 =	vld [tilespmem:s4+$0x1450];
	(pc) =	sbr.rel @p1 .LBB2_16-.Ltmp7, $4  }
0x232: {  	[tilespmem:s4+$0x6410] =	vst v2;
	v4 =	vld [tilespmem:s4+$0x3C50]  }
0x233: {  	v3 =	vmax.f32 v3, $0.0e+00;
	v7 =	vadd.f32 v9, v7;
	v2 =	vld [tilespmem:s4+$0x1460]  }
0x234: {  	s10 =	sshra.s32 s21, $0x2;
	[tilespmem:s4+$0x6420] =	vst v3;
	v5 =	vld [tilespmem:s4+$0x3C60]  }
0x235: {  	s21 =	sadd.s32 $0x200, s21;
	v3 =	vld [tilespmem:s10+$0x1470];
	v7 =	vmax.f32 v7, $0.0e+00;
	v6 =	vadd.f32 v10, v6  }
0x236: {  	v8 =	vld [tilespmem:s10+$0x3C70];
	[tilespmem:s4+$0x6430] =	vst v7  }
0x237: {  	v7 =	vld [tilespmem:s10+$0x1400];
	v6 =	vmax.f32 v6, $0.0e+00;
	v1 =	vadd.f32 v4, v1  }
0x238: {  	v9 =	vld [tilespmem:s10+$0x3C00];
	[tilespmem:s4+$0x6440] =	vst v6  }
0x239: {  	v57 =	vld [tilespmem:s10+$0x1410];
	v1 =	vmax.f32 v1, $0.0e+00;
	v2 =	vadd.f32 v5, v2  }
0x23a: {  	v6 =	vld [tilespmem:s10+$0x3C10];
	[tilespmem:s4+$0x6450] =	vst v1  }
0x23b: {  	v1 =	vld [tilespmem:s10+$0x1420];
	v2 =	vmax.f32 v2, $0.0e+00  }
0x23c: {  	v58 =	vld [tilespmem:s10+$0x3C20];
	[tilespmem:s4+$0x6460] =	vst v2  }
0x23d: {  	v2 =	vld [tilespmem:s10+$0x1430]  }
0x23e: {  	v3 =	vadd.f32 v8, v3;
	v59 =	vld [tilespmem:s10+$0x3C30]  }
0x23f: {  	v7 =	vadd.f32 v9, v7;
	v60 =	vld [tilespmem:s10+$0x1440]  }
0x240: {  	v3 =	vmax.f32 v3, $0.0e+00;
	v61 =	vld [tilespmem:s10+$0x1450]  }
0x241: {  	v62 =	vld [tilespmem:s10+$0x3C50];
	[tilespmem:s10+$0x6470] =	vst v3;
	v3 =	vmax.f32 v7, $0.0e+00;
	v1 =	vadd.f32 v58, v1  }
0x242: {  	[tilespmem:s10+$0x6400] =	vst v3;
	v3 =	vld [tilespmem:s10+$0x3C40]  }
0x243: {  	v63 =	vld [tilespmem:s10+$0x1460];
	v1 =	vmax.f32 v1, $0.0e+00  }
0x244: {  	[tilespmem:s10+$0x6420] =	vst v1;
	v1 =	vld [tilespmem:s10+$0x3C60]  }
0x245: {  	v4 =	vadd.f32 v6, v57  }
0x246: {  	v2 =	vadd.f32 v59, v2  }
0x247: {  	v4 =	vmax.f32 v4, $0.0e+00;
	v3 =	vadd.f32 v3, v60  }
0x248: {  	[tilespmem:s10+$0x6410] =	vst v4;
	v4 =	vadd.f32 v62, v61;
	v2 =	vmax.f32 v2, $0.0e+00  }
0x249: {  	[tilespmem:s10+$0x6430] =	vst v2;
	v2 =	vmax.f32 v3, $0.0e+00;
	v1 =	vadd.f32 v1, v63  }
0x24a: {  	[tilespmem:s10+$0x6440] =	vst v2;
	v2 =	vmax.f32 v4, $0.0e+00  }
0x24b: {  	[tilespmem:s10+$0x6450] =	vst v2;
	v1 =	vmax.f32 v1, $0.0e+00  }
0x24c: {  	[tilespmem:s10+$0x6460] =	vst v1  }
0x24d: {  	_ =	swait.ge [sflag:s16], $0x28  }
0x24e: {  	[sflag:s16] =	ssyncset.done $0x0  }
0x24f: {  	[sflag:s16] =	ssyncadd.s32 $0xFFFFFFD8  }
0x250: {  	[spmem:s2] =	stream.indirect.scatter.add.f32 [tilespmem:s17], [sflag:$0x4], $0x80, s15, s28, $0xb8;
	[tilespmem:$0x1B280] =	vst v63  }
0x251: {  	_ =	swait.ge [sflag:s19], $0x1400  }
0x252: {  	[sflag:s19] =	ssyncset.done $0x0  }
0x253: {  	[sflag:s19] =	ssyncadd.s32 $0xFFFFEC00  }
0x254: {  	_ =	swait.ge [sflag:s20], $0x1400  }
0x255: {  	[sflag:s20] =	ssyncset.done $0x0  }
0x256: {  	[sflag:s20] =	ssyncadd.s32 $0xFFFFEC00  }
0x257: {  	s21 =	stileid.u32;
	[bflag:$0x0] =	sbarrier.arrive $0xFFFF  }
0x258: {  	s4 =	sshll.u32 s21, $0x6;
	s22 =	rddreg [dreg:$0xb]  }
0x259: {  	s4 =	sor.u32 $0x1C09, s4;
	s21 =	rddreg [dreg:$0x14]  }
0x25a: {  	[hbm:s22], [sflag:s4] =	dma.local [spmem:s21], $0x2700  }
0x25b: {  	_ =	swait.ge [sflag:s24], $0x2700  }
0x25c: {  	[sflag:s24] =	ssyncset.done $0x0;
	s10 =	rddreg [dreg:$0x12]  }
0x25d: {  	s21 =	rddreg [dreg:$0x15];
	[sflag:s24] =	ssyncadd.s32 $0xFFFFD900  }
0x25e: {  	[hbm:s10], [sflag:s4] =	dma.local @!p0 [spmem:s21], $0x100  }
0x25f: {  	s4 =	simm.s32 @!p0 $0x9  }
0x260: {  	_ =	swait.ge @!p0 [sflag:s4], $0x100  }
0x261: {  	s29 =	sld [smem:$0x7F8];
	_ =	sdelay $0x2  }
0x262: {  	s30 =	rddreg [dreg:$0x13];
	s21 =	sadd.s32 $0x1, s29  }
0x263: {  	p1 =	sne.s32 s21, s30  }
.Ltmp8:
0x264: {  	_ = 	snop;
	(pc) =	sbr.rel @p1 .LBB2_1-.Ltmp8, $3  }
0x265: {  	_ =	sdelay $0x1  }
0x266: {  	[sflag:s4] =	ssyncset.done @!p0 $0x0  }
0x267: {  	[sflag:s4] =	ssyncadd.s32 @!p0 $0xFFFFFF00  }
0x268: {  	_ =	sfence.sel $0x180000  }
0x269: {  	[bflag:$0x0] =	sbarrier.arrive $0xFFFF  }
0x26a: {  	_ =	strace $0x9000004A  }
0x26b: {  	s0 =	stileid.u32;
	[bflag:$0x2] =	sbarrier.arrive $0xFFFF  }
0x26c: {  	p0 =	sne.s32 s0, $0x0;
	s0 =	rddreg [dreg:$0x3]  }
0x26d: {  	s0 =	sadd.s32 @!p0 $0x100000, s0  }
0x26e: {  	[sflag:s0] =	ssyncadd.tile.s32 @!p0 $0x1;
	_ =	shalt  }
.Lfunc_end2:
_tile_overlayer_lowered:
.L_overlay_start_2:
0x26f: {  	(tag) =	ssettag $0x2  }
0x270: {  	s0 =	rddreg [dreg:$0x0];
	s2 =	stileid.u32  }
0x271: {  	s1 =	rddreg [dreg:$0x1];
	p0 =	sne.s32 s2, $0x0  }
0x272: {  	s3 =	rddreg [dreg:$0x2];
	[bflag:$0x3] =	sbarrier.arrive $0xFFFF;
	s2 =	simm.s32 @!p0 $0x1C09  }
0x273: {  	[timem:s3], [sflag:s2] =	dma.local @!p0 [hbm:s0], s1  }
0x274: {  	s0 =	simm.s32 @!p0 $0x9  }
0x275: {  	_ =	swait.ge @!p0 [sflag:s0], s1  }
0x276: {  	s1 =	ssub.s32 @!p0 $0x0, s1;
	[sflag:s0] =	ssyncset.done @!p0 $0x0  }
0x277: {  	[sflag:s0] =	ssyncadd.s32 @!p0 s1  }
0x278: {  	[bflag:$0x3] =	sbarrier.arrive $0xFFFF  }
0x279: {  	_ =	shalt  }

// kernel: kernel.8.cloned.1.call-start
scs
__scs_entry_jumppad:
0x0: {  	(pc) =	sbr.rel $0x88, $3  }
0x1: {  	(tag) =	ssettag $0x0;
	lr =	simm.s32 $0x1  }
0x2: {  	[smem:$0x3F97] =	sst lr;
	_ =	strace $0xD0000000  }
0x3: {  	_ = 	snop  }
0x4: {  	_ = 	snop  }
0x5: {  	_ = 	snop  }
0x6: {  	_ = 	snop  }
0x7: {  	_ = 	snop  }
__scs_overlays_trampoline_lowered:
0x8: {  	[smem:$0x3FA6] =	sst s0  }
0x9: {  	[smem:$0x3FA7] =	sst s1  }
0xa: {  	[smem:$0x3FA8] =	sst s2  }
0xb: {  	[smem:$0x3FA9] =	sst s3  }
0xc: {  	[smem:$0x3FAA] =	sst s4  }
0xd: {  	[smem:$0x3FAB] =	sst s5  }
0xe: {  	[smem:$0x3FAC] =	sst s6  }
0xf: {  	[smem:$0x3FAD] =	sst s7  }
0x10: {  	[smem:$0x3FAE] =	sst s8  }
0x11: {  	[smem:$0x3FAF] =	sst s9;
	s0 =	simm.s32 @!p0 $0x0  }
0x12: {  	s1 =	sld [smem:$0x3F95];
	s0 =	simm.s32 @p0 $0x1  }
0x13: {  	[smem:$0x3FB0] =	sst s0;
	s0 =	simm.s32 @!p1 $0x0  }
0x14: {  	s2 =	sld [smem:$0x3F94];
	s0 =	simm.s32 @p1 $0x1  }
0x15: {  	[smem:$0x3FB1] =	sst s0;
	s0 =	simm.s32 @!p2 $0x0  }
0x16: {  	s3 =	sld [smem:$0x3FDB];
	s0 =	simm.s32 @p2 $0x1  }
0x17: {  	s4 =	simm.s32 $0x1BF5;
	[smem:$0x3FB3] =	sst s0  }
0x18: {  	s0 =	sld [smem:$0x3F96];
	_ =	swait.ge [sflag:s4], $0x0  }
0x19: {  	s7 =	sld [smem:$0x3F97]  }
0x1a: {  	s8 =	sadd.s32 $0xFFFFE003, lr  }
0x1b: {  	s9 =	sadd.s32 $0xFFFFFEF7, lr;
	s5 =	simm.s32 $0xFFFFFFFF;
	p2 =	slt.u32 s8, $0xFFFFF086  }
0x1c: {  	p1 =	slt.u32 s9, $0xF7A;
	s5 =	simm.s32 @!p2 $0x0  }
0x1d: {  	s5 =	simm.s32 @p1 $0x1;
	p0 =	seq.s32 s7, s2  }
0x1e: {  	s7 =	smul.u32 @!p0 $0xF7A, s2;
	p2 =	seq.s32 @!p0 s5, $0x0  }
0x1f: {  	s9 =	smul.u32 $0xF7A, s1;
	s8 =	simm.s32 @!p0 $0x1BF5;
	p2 =	por !p2, p0  }
0x20: {  	[sflag:s8] =	ssyncset.s32 @!p0 $0xFFFFF086;
	s6 =	sadd.s32 @!p0 s3, s7;
	s7 =	simm.s32 @!p0 $0x108  }
0x21: {  	s3 =	sadd.s32 s3, s9;
	s6 =	sadd.s32 @!p0 $0x88, s6;
	s7 =	simm.s32 @p2 $0x1082  }
0x22: {  	[simem:s7], [sflag:s8] =	dma.local @!p0 [hbm:s6], $0xF7A  }
0x23: {  	s9 =	sor.u32 $0xD0000000, s2;
	s6 =	simm.s32 $0x108;
	_ =	swait.ge @!p0 [sflag:s8], $0x0  }
0x24: {  	s3 =	sadd.s32 $0x88, s3;
	s6 =	simm.s32 @!p1 $0x1082;
	[sflag:s4] =	ssyncset.s32 $0xFFFFF086  }
0x25: {  	[simem:s6], [sflag:s4] =	dma.local [hbm:s3], $0xF7A  }
0x26: {  	[smem:$0x3F97] =	sst s1;
	(tag) =	ssettag s2;
	_ =	strace s9  }
0x27: {  	s1 =	sld [smem:$0x3FA7]  }
0x28: {  	s2 =	sld [smem:$0x3FA8]  }
0x29: {  	s4 =	sld [smem:$0x3FAA]  }
0x2a: {  	p0 =	seq.s32 s5, $0x0;
	s5 =	sld [smem:$0x3FAB]  }
0x2b: {  	s6 =	sld [smem:$0x3FAC]  }
0x2c: {  	s7 =	sld [smem:$0x3FAD]  }
0x2d: {  	s3 =	simm.s32 $0x108;
	s8 =	sld [smem:$0x3FAE]  }
0x2e: {  	s3 =	simm.s32 @!p0 $0x1082;
	s9 =	sld [smem:$0x3FAF]  }
0x2f: {  	lr =	sadd.s32 s0, s3;
	s0 =	sld [smem:$0x3FA6]  }
0x30: {  	s3 =	sld [smem:$0x3FA9]  }
0x31: {  	[smem:$0x3FB2] =	sst s10  }
0x32: {  	s10 =	sld [smem:$0x3FB0];
	_ =	sdelay $0x3  }
0x33: {  	p0 =	seq.s32 s10, $0x1;
	s10 =	sld [smem:$0x3FB2];
	_ =	sdelay $0x3  }
0x34: {  	[smem:$0x3FB2] =	sst s10  }
0x35: {  	s10 =	sld [smem:$0x3FB1];
	_ =	sdelay $0x3  }
0x36: {  	p1 =	seq.s32 s10, $0x1;
	s10 =	sld [smem:$0x3FB2];
	_ =	sdelay $0x3  }
0x37: {  	[smem:$0x3FB2] =	sst s10  }
0x38: {  	s10 =	sld [smem:$0x3FB3]  }
0x39: {  	_ = 	snop;
	(pc) =	sbr.ind lr, $3  }
0x3a: {  	_ = 	snop  }
0x3b: {  	_ = 	snop  }
0x3c: {  	p2 =	seq.s32 s10, $0x1;
	s10 =	sld [smem:$0x3FB2]  }
0x3d: {  	_ =	shalt  }
0x3e: {  	_ =	shalt  }
0x3f: {  	_ =	shalt  }
0x40: {  	_ =	shalt  }
0x41: {  	_ =	shalt  }
0x42: {  	_ =	shalt  }
0x43: {  	_ =	shalt  }
0x44: {  	_ =	shalt  }
0x45: {  	_ =	shalt  }
0x46: {  	_ =	shalt  }
0x47: {  	_ =	shalt  }
0x48: {  	_ =	shalt  }
0x49: {  	_ =	shalt  }
0x4a: {  	_ =	shalt  }
0x4b: {  	_ =	shalt  }
0x4c: {  	_ =	shalt  }
0x4d: {  	_ =	shalt  }
0x4e: {  	_ =	shalt  }
0x4f: {  	_ =	shalt  }
0x50: {  	_ =	shalt  }
0x51: {  	_ =	shalt  }
0x52: {  	_ =	shalt  }
0x53: {  	_ =	shalt  }
0x54: {  	_ =	shalt  }
0x55: {  	_ =	shalt  }
0x56: {  	_ =	shalt  }
0x57: {  	_ =	shalt  }
0x58: {  	_ =	shalt  }
0x59: {  	_ =	shalt  }
0x5a: {  	_ =	shalt  }
0x5b: {  	_ =	shalt  }
0x5c: {  	_ =	shalt  }
0x5d: {  	_ =	shalt  }
0x5e: {  	_ =	shalt  }
0x5f: {  	_ =	shalt  }
0x60: {  	_ =	shalt  }
0x61: {  	_ =	shalt  }
0x62: {  	_ =	shalt  }
0x63: {  	_ =	shalt  }
0x64: {  	_ =	shalt  }
0x65: {  	_ =	shalt  }
0x66: {  	_ =	shalt  }
0x67: {  	_ =	shalt  }
0x68: {  	_ =	shalt  }
0x69: {  	_ =	shalt  }
0x6a: {  	_ =	shalt  }
0x6b: {  	_ =	shalt  }
0x6c: {  	_ =	shalt  }
0x6d: {  	_ =	shalt  }
0x6e: {  	_ =	shalt  }
0x6f: {  	_ =	shalt  }
0x70: {  	_ =	shalt  }
0x71: {  	_ =	shalt  }
0x72: {  	_ =	shalt  }
0x73: {  	_ =	shalt  }
0x74: {  	_ =	shalt  }
0x75: {  	_ =	shalt  }
0x76: {  	_ =	shalt  }
0x77: {  	_ =	shalt  }
0x78: {  	_ =	shalt  }
0x79: {  	_ =	shalt  }
0x7a: {  	_ =	shalt  }
0x7b: {  	_ =	shalt  }
0x7c: {  	_ =	shalt  }
0x7d: {  	_ =	shalt  }
0x7e: {  	_ =	shalt  }
0x7f: {  	_ =	shalt  }
0x80: {  	_ =	shalt  }
0x81: {  	_ =	shalt  }
0x82: {  	_ =	shalt  }
0x83: {  	_ =	shalt  }
0x84: {  	_ =	shalt  }
0x85: {  	_ =	shalt  }
0x86: {  	_ =	shalt  }
0x87: {  	_ =	shalt  }
.Lfunc_end0:
.L_simem_size_0:
called_computation_lowered:
.L_overlay_start_0:
0x88: {  	s2 =	sld [smem:$0x3FD9]  }
0x89: {  	s3 =	sld [smem:$0x3FFE];
	_ =	sdelay $0x1  }
0x8a: {  	s1 =	srdreg.scid  }
0x8b: {  	s0 =	sand.u32 $0x1, s1  }
0x8c: {  	s14 =	sshll.u32 s0, $0xA;
	s2 =	sadd.s32 s3, s2  }
0x8d: {  	s2 =	sadd.s32 s2, s14  }
0x8e: {  	[smem:$0x3FBE] =	sst s2  }
0x8f: {  	_ = 	snop  }
0x90: {  	s2 =	sld [smem:$0x3FD0];
	_ =	sdelay $0x2  }
0x91: {  	s15 =	simm.s32 $0xB;
	s4 =	simm.s32 $0x10  }
0x92: {  	[smem:s4], [sflag:s15] =	dma.local [hbm:s2], $0x1  }
0x93: {  	_ =	swait.eq [sflag:s15], $0x1  }
0x94: {  	[sflag:s15] =	ssyncset.done $0x0  }
0x95: {  	[sflag:s15] =	ssyncadd.s32 $0xFFFFFFFF  }
0x96: {  	s16 =	sld [smem:$0x11];
	(tm) =	ssettm $0x1  }
0x97: {  	s17 =	sld [smem:$0x3FFB];
	_ =	sdelay $0x3  }
0x98: {  	_ =	strace s17  }
0x99: {  	s3 =	sld [smem:$0x3FFC];
	_ =	sdelay $0x3  }
0x9a: {  	_ =	strace s3  }
0x9b: {  	s3 =	sld [smem:$0x3FFD];
	_ =	sdelay $0x3  }
0x9c: {  	_ =	strace s3  }
0x9d: {  	_ =	strace $0x8FFFFFFF  }
0x9e: {  	s18 =	sld [smem:$0x3FDB];
	_ =	sdelay $0x1  }
0x9f: {  	s19 =	simm.s32 $_scs_section_size  }
0xa0: {  	s5 =	simm.s32 $_size__tile_overlayer_lowered;
	s6 =	simm.s32 $_tile_overlayer_lowered  }
0xa1: {  	s22 =	simm.s32 $0x1BFF;
	s21 =	sshll.u32 s6, $0x1;
	s3 =	sadd.s32 s19, s18  }
0xa2: {  	s7 =	simm.s32 $0x0;
	s20 =	sshll.u32 s5, $0x1;
	s5 =	sadd.s32 s21, s3  }
0xa3: {  	[timem:s7], [sflag:s22] =	dma.local [hbm:s5], s20  }
0xa4: {  	_ =	swait.ge [sflag:s22], s20  }
0xa5: {  	s4 =	ssub.s32 $0x0, s20;
	[sflag:s22] =	ssyncset.done $0x0  }
0xa6: {  	[sflag:s22] =	ssyncadd.s32 s4;
	_ =	sdelay $0x1  }
0xa7: {  	s23 =	simm.s32 $0x1B8B  }
0xa8: {  	_ =	swait.ge [sflag:s23], $0x1  }
0xa9: {  	[sflag:s23] =	ssyncset.done $0x0  }
0xaa: {  	s25 =	simm.s32 $0x1B8E;
	s24 =	sld [smem:$0x3FFE];
	[sflag:s23] =	ssyncadd.s32 $0xFFFFFFFF  }
0xab: {  	s26 =	simm.s32 $execute0_lowered;
	[smem:$0x3FD2] =	sst s25  }
0xac: {  	s5 =	sshll.u32 s26, $0x1;
	_ =	strace $0x80000046;
	[dreg:$0x1] =	wrdreg $0xFFFFFFFF  }
0xad: {  	s28 =	simm.s32 $_size_execute0_lowered;
	s3 =	sadd.s32 s3, s5;
	[dreg:$0x0] =	wrdreg $0x0  }
0xae: {  	s5 =	sshll.u32 s28, $0x1;
	[dreg:$0x2] =	wrdreg s3  }
0xaf: {  	[dreg:$0x3] =	wrdreg s5  }
0xb0: {  	[dreg:$0x4] =	wrdreg $0xC0  }
0xb1: {  	_ =	task [dreg:s7], $0x5FFFF  }
0xb2: {  	[dreg:$0x1] =	wrdreg $0xFFFFFFFF  }
0xb3: {  	[dreg:$0x0] =	wrdreg $0x60  }
0xb4: {  	[dreg:$0x2] =	wrdreg s24  }
0xb5: {  	[dreg:$0x3] =	wrdreg s16  }
0xb6: {  	[dreg:$0x4] =	wrdreg $0x7A000  }
0xb7: {  	[dreg:$0x5] =	wrdreg $0x9  }
0xb8: {  	_ =	task.clear_ibuf [dreg:s7], $0x6FFFF;
	_ =	strace $0x90000046  }
0xb9: {  	s29 =	simm.s32 $0x9;
	_ =	strace $0x80000048  }
0xba: {  	_ =	swait.ge [sflag:s29], $0x1  }
0xbb: {  	[sflag:s29] =	ssyncadd.s32 $0xFFFFFFFF  }
0xbc: {  	_ =	strace $0x90000048  }
0xbd: {  	_ =	sfence  }
0xbe: {  	s30 =	sld [smem:$0x0];
	_ =	sdelay $0x2  }
0xbf: {  	s31 =	sshll.u32 s1, $0xD;
	s1 =	sshrl.u32 s1, $0x2  }
0xc0: {  	s3 =	sand.u32 $0x4000, s31;
	s1 =	sadd.s32 s1, s30  }
0xc1: {  	s0 =	sor.u32 s3, s0;
	s1 =	sshll.u32 s1, $0x11  }
0xc2: {  	s0 =	sor.u32 s1, s0  }
0xc3: {  	s0 =	sadd.s32 $0x8F2B, s0  }
0xc4: {  	[sflag:s0] =	ssyncadd.remote.s32 $0x1  }
0xc5: {  	_ =	sfence.sel $0xFFFF  }
0xc6: {  	[dreg:$0x0] =	wrdreg $0xFFFFFFFF;
	(pc) =	sbr.abs _section_cstart, $3  }
0xc7: {  	[dreg:$0x1] =	wrdreg $0xFFFFFFFF  }
0xc8: {  	_ =	task.clear_ibuf [dreg:s7], $0x2FFFF;
	_ =	strace $0x9FFFFFFF  }
0xc9: {  	(tm) =	ssettm $0x7FFFFFFF  }
tec
execute0_lowered:
.L_overlay_start_1:
0x0: {  	(tag) =	ssettag $0x1  }
0x1: {  	s0 =	rddreg [dreg:$0x0]  }
0x2: {  	s1 =	rddreg [dreg:$0x1]  }
0x3: {  	s2 =	rddreg [dreg:$0x2];
	s3 =	srdreg.scid;
	s4 =	simm.s32 $0x0  }
0x4: {  	s15 =	stileid.u32;
	s28 =	simm.s32 $0x9;
	s29 =	simm.s32 $0x7800  }
0x5: {  	s30 =	simm.s32 $0x7880;
	s31 =	simm.s32 $0x28;
	s3 =	sand.u32 $0x1, s3  }
0x6: {  	[smem:$0x7FF] =	sst s4;
	s5 =	sadd.s32 $0xCE00, s0;
	s11 =	smul.u32 $0x4E200, s15  }
0x7: {  	s7 =	sadd.s32 $0x3000, s0;
	s8 =	sadd.s32 $0x16C00, s0;
	s26 =	smul.u32 $0x13800, s15  }
0x8: {  	s20 =	smul.u32 $0x4E000, s15;
	p0 =	sne.s32 s15, $0xF;
	s21 =	sshll.u32 s3, $0x4  }
0x9: {  	_ =	strace $0x80000047;
	s9 =	ssub.s32 $0x2, s3;
	s4 =	sor.u32 s15, s21  }
0xa: {  	s10 =	sshrl.u32 s9, $0x1;
	s11 =	sshrl.u32 s11, $0x2;
	s6 =	smul.u32 $0x12C0, s4  }
0xb: {  	s10 =	ssub.s32 s9, s10;
	s4 =	smul.u32 $0x12C00, s4;
	s16 =	sadd.s32 s11, s2  }
0xc: {  	s15 =	sadd.s32 $0xA000, s16;
	[dreg:$0x4] =	wrdreg s16;
	s9 =	sor.u32 $0x28, s6  }
0xd: {  	s22 =	sshrl.u32 s6, $0x3;
	s4 =	sadd.s32 s8, s4;
	[dreg:$0x1c] =	wrdreg s15  }
0xe: {  	s19 =	sadd.s32 $0x78, s6;
	s13 =	sadd.s32 s5, s22;
	[dreg:$0x7] =	wrdreg s4  }
0xf: {  	s12 =	sshrl.u32 s9, $0x3;
	s17 =	sadd.s32 s7, s22;
	[dreg:$0x5] =	wrdreg s13  }
0x10: {  	s24 =	sshll.u32 s9, $0x4;
	s23 =	sadd.s32 s5, s12;
	[dreg:$0xa] =	wrdreg s17  }
0x11: {  	s18 =	sshrl.u32 s19, $0x3;
	s4 =	sadd.s32 s8, s24;
	[dreg:$0x6] =	wrdreg s23  }
0x12: {  	s3 =	smul.u32 $0x138800, s3;
	s21 =	sadd.s32 s5, s18;
	[dreg:$0x8] =	wrdreg s4  }
0x13: {  	s0 =	sadd.s32 $0x26EC00, s0;
	s22 =	sadd.s32 s7, s12;
	[dreg:$0xd] =	wrdreg s21  }
0x14: {  	s13 =	sadd.s32 s26, s3;
	s26 =	sadd.s32 $0x1400, s16;
	[dreg:$0xe] =	wrdreg s22  }
0x15: {  	s14 =	sadd.s32 $0x50, s6;
	s12 =	sadd.s32 $0x7800, s16;
	[dreg:$0x15] =	wrdreg s26  }
0x16: {  	s25 =	sshrl.u32 s14, $0x3;
	s18 =	sadd.s32 $0xB400, s16;
	[dreg:$0x1a] =	wrdreg s12  }
0x17: {  	s15 =	simm.s32 $0x7;
	s4 =	sadd.s32 s5, s25;
	[dreg:$0x1d] =	wrdreg s18  }
0x18: {  	s11 =	sshll.u32 s14, $0x4;
	s25 =	smax.u32 s10, $0x1;
	[dreg:$0x9] =	wrdreg s4  }
0x19: {  	s3 =	sshrl.u32 s3, $0x3;
	s10 =	sadd.s32 $0x5000, s16;
	[dreg:$0x12] =	wrdreg s25  }
0x1a: {  	s24 =	sshll.u32 s19, $0x4;
	s21 =	sadd.s32 $0xDC00, s16;
	[dreg:$0x18] =	wrdreg s10  }
0x1b: {  	s23 =	sadd.s32 $0x1298, s6;
	s22 =	sadd.s32 $0xF000, s16;
	[dreg:$0x1f] =	wrdreg s21  }
0x1c: {  	s26 =	sadd.s32 $0x24E, s17;
	s12 =	simm.s32 $0x1;
	[smem:$0x7F9] =	sst s22  }
0x1d: {  	s18 =	simm.s32 $0x2;
	s4 =	sadd.s32 s8, s11;
	[smem:$0x7FD] =	sst s26  }
0x1e: {  	s17 =	simm.s32 $0x8;
	s11 =	sadd.s32 s8, s24;
	[dreg:$0xb] =	wrdreg s4  }
0x1f: {  	s24 =	sadd.s32 $0x11800, s16;
	s25 =	sadd.s32 $0x12C00, s16;
	[dreg:$0xf] =	wrdreg s11  }
0x20: {  	s26 =	simm.s32 $0x5000;
	s21 =	simm.s32 $0x6400;
	[smem:$0x7FB] =	sst s24  }
0x21: {  	s22 =	simm.s32 $0x6;
	s11 =	sadd.s32 $0x6400, s16;
	[smem:$0x7FC] =	sst s25  }
0x22: {  	s4 =	sshrl.u32 s13, $0x3;
	s13 =	sadd.s32 $0x8C00, s16;
	[dreg:$0x19] =	wrdreg s11  }
0x23: {  	s4 =	sadd.s32 s0, s4;
	s0 =	sadd.s32 s0, s3;
	[dreg:$0x1b] =	wrdreg s13  }
0x24: {  	s3 =	sshrl.u32 s20, $0x2;
	s20 =	sadd.s32 $0xC800, s16;
	[dreg:$0xc] =	wrdreg s4  }
0x25: {  	s24 =	simm.s32 $0x4;
	s0 =	sadd.s32 $0x27000, s0;
	[dreg:$0x1e] =	wrdreg s20  }
0x26: {  	s4 =	sshrl.u32 s23, $0x3;
	s23 =	sadd.s32 $0x10400, s16;
	[dreg:$0x11] =	wrdreg s0  }
0x27: {  	s3 =	sadd.s32 s3, s2;
	s4 =	sadd.s32 s7, s4;
	[smem:$0x7FA] =	sst s23  }
0x28: {  	s0 =	sadd.s32 $0x138000, s2;
	s3 =	sshrl.u32 s3, $0x3;
	[dreg:$0x10] =	wrdreg s4  }
0x29: {  	s13 =	simm.s32 $0x7900;
	[dreg:$0x13] =	wrdreg s3;
	s0 =	sshrl.u32 @!p0 s0, $0x3  }
0x2a: {  	s20 =	simm.s32 $0x7980;
	s3 =	sadd.s32 $0x2800, s16;
	[dreg:$0x14] =	wrdreg s0  }
0x2b: {  	s23 =	simm.s32 $0x3;
	s4 =	sadd.s32 $0x3C00, s16;
	[dreg:$0x16] =	wrdreg s3  }
0x2c: {  	v0 =	vimm.f32 $0.0e+00;
	s16 =	simm.s32 $0x5;
	[dreg:$0x17] =	wrdreg s4;
	s4 =	simm.s32 $0x0  }
.LBB2_1:
0x2d: {  	[smem:$0x7F8] =	sst s4;
	s0 =	simm.s32 $0x0;
	s3 =	simm.s32 $0x200  }
.LBB2_2:
0x2e: {  	p1 =	sne.s32 s3, $0x4E00;
	[tilespmem:s0+$0x5070] =	vst v0  }
0x2f: {  	[tilespmem:s0+$0x5000] =	vst v0  }
0x30: {  	[tilespmem:s0+$0x5010] =	vst v0  }
.Ltmp0:
0x31: {  	[tilespmem:s0+$0x5020] =	vst v0;
	(pc) =	sbr.rel @p1 .LBB2_2-.Ltmp0, $4  }
0x32: {  	[tilespmem:s0+$0x5030] =	vst v0  }
0x33: {  	[tilespmem:s0+$0x5040] =	vst v0  }
0x34: {  	[tilespmem:s0+$0x5050] =	vst v0  }
0x35: {  	[tilespmem:s0+$0x5060] =	vst v0;
	s0 =	sshra.s32 s3, $0x2;
	s3 =	sadd.s32 $0x200, s3  }
0x36: {  	[tilespmem:s0+$0x5070] =	vst v0  }
0x37: {  	[tilespmem:s0+$0x5000] =	vst v0  }
0x38: {  	[tilespmem:s0+$0x5010] =	vst v0  }
0x39: {  	[tilespmem:s0+$0x5020] =	vst v0  }
0x3a: {  	[tilespmem:s0+$0x5030] =	vst v0  }
0x3b: {  	[tilespmem:s0+$0x5040] =	vst v0  }
0x3c: {  	[tilespmem:s0+$0x5050] =	vst v0  }
0x3d: {  	[tilespmem:s0+$0x5060] =	vst v0;
	s4 =	rddreg [dreg:$0x4]  }
0x3e: {  	[spmem:s4] =	stream.linear.scatter [tilespmem:s26], [sflag:$0x9], $0x1400, $0x38;
	[tilespmem:$0x1B280] =	vst v63  }
0x3f: {  	_ =	swait.ge [sflag:s28], $0x1400  }
0x40: {  	[sflag:s28] =	ssyncset.done $0x0  }
0x41: {  	s10 =	rddreg [dreg:$0x15];
	[sflag:s28] =	ssyncadd.s32 $0xFFFFEC00  }
0x42: {  	[spmem:s10] =	stream.linear.scatter [tilespmem:s26], [sflag:$0x9], $0x1400, $0x38;
	[tilespmem:$0x1B280] =	vst v63  }
0x43: {  	_ =	swait.ge [sflag:s28], $0x1400  }
0x44: {  	[sflag:s28] =	ssyncset.done $0x0  }
0x45: {  	s11 =	rddreg [dreg:$0x16];
	[sflag:s28] =	ssyncadd.s32 $0xFFFFEC00  }
0x46: {  	[spmem:s11] =	stream.linear.scatter [tilespmem:s26], [sflag:$0x9], $0x1400, $0x38;
	[tilespmem:$0x1B280] =	vst v63  }
0x47: {  	_ =	swait.ge [sflag:s28], $0x1400  }
0x48: {  	[sflag:s28] =	ssyncset.done $0x0  }
0x49: {  	s25 =	rddreg [dreg:$0x17];
	[sflag:s28] =	ssyncadd.s32 $0xFFFFEC00  }
0x4a: {  	[spmem:s25] =	stream.linear.scatter [tilespmem:s26], [sflag:$0x9], $0x1400, $0x38;
	[tilespmem:$0x1B280] =	vst v63  }
0x4b: {  	_ =	swait.ge [sflag:s28], $0x1400  }
0x4c: {  	[sflag:s28] =	ssyncset.done $0x0  }
0x4d: {  	s3 =	rddreg [dreg:$0x18];
	[sflag:s28] =	ssyncadd.s32 $0xFFFFEC00  }
0x4e: {  	[spmem:s3] =	stream.linear.scatter [tilespmem:s26], [sflag:$0x9], $0x1400, $0x38;
	[tilespmem:$0x1B280] =	vst v63  }
0x4f: {  	_ =	swait.ge [sflag:s28], $0x1400  }
0x50: {  	[sflag:s28] =	ssyncset.done $0x0  }
0x51: {  	s4 =	rddreg [dreg:$0x19];
	[sflag:s28] =	ssyncadd.s32 $0xFFFFEC00  }
0x52: {  	[spmem:s4] =	stream.linear.scatter [tilespmem:s26], [sflag:$0x9], $0x1400, $0x38;
	[tilespmem:$0x1B280] =	vst v63  }
0x53: {  	_ =	swait.ge [sflag:s28], $0x1400  }
0x54: {  	[sflag:s28] =	ssyncset.done $0x0  }
0x55: {  	s10 =	rddreg [dreg:$0x1a];
	[sflag:s28] =	ssyncadd.s32 $0xFFFFEC00  }
0x56: {  	[spmem:s10] =	stream.linear.scatter [tilespmem:s26], [sflag:$0x9], $0x1400, $0x38;
	[tilespmem:$0x1B280] =	vst v63  }
0x57: {  	_ =	swait.ge [sflag:s28], $0x1400  }
0x58: {  	[sflag:s28] =	ssyncset.done $0x0  }
0x59: {  	s11 =	rddreg [dreg:$0x1b];
	[sflag:s28] =	ssyncadd.s32 $0xFFFFEC00  }
0x5a: {  	[spmem:s11] =	stream.linear.scatter [tilespmem:s26], [sflag:$0x9], $0x1400, $0x38;
	[tilespmem:$0x1B280] =	vst v63  }
0x5b: {  	_ =	swait.ge [sflag:s28], $0x1400  }
0x5c: {  	[sflag:s28] =	ssyncset.done $0x0  }
0x5d: {  	s25 =	rddreg [dreg:$0x1c];
	[sflag:s28] =	ssyncadd.s32 $0xFFFFEC00  }
0x5e: {  	[spmem:s25] =	stream.linear.scatter [tilespmem:s26], [sflag:$0x9], $0x1400, $0x38;
	[tilespmem:$0x1B280] =	vst v63  }
0x5f: {  	_ =	swait.ge [sflag:s28], $0x1400  }
0x60: {  	[sflag:s28] =	ssyncset.done $0x0  }
0x61: {  	s3 =	rddreg [dreg:$0x1d];
	[sflag:s28] =	ssyncadd.s32 $0xFFFFEC00  }
0x62: {  	[spmem:s3] =	stream.linear.scatter [tilespmem:s26], [sflag:$0x9], $0x1400, $0x38;
	[tilespmem:$0x1B280] =	vst v63  }
0x63: {  	_ =	swait.ge [sflag:s28], $0x1400  }
0x64: {  	[sflag:s28] =	ssyncset.done $0x0  }
0x65: {  	s4 =	rddreg [dreg:$0x1e];
	[sflag:s28] =	ssyncadd.s32 $0xFFFFEC00  }
0x66: {  	[spmem:s4] =	stream.linear.scatter [tilespmem:s26], [sflag:$0x9], $0x1400, $0x38;
	[tilespmem:$0x1B280] =	vst v63  }
0x67: {  	_ =	swait.ge [sflag:s28], $0x1400  }
0x68: {  	[sflag:s28] =	ssyncset.done $0x0  }
0x69: {  	s10 =	rddreg [dreg:$0x1f];
	[sflag:s28] =	ssyncadd.s32 $0xFFFFEC00  }
0x6a: {  	[spmem:s10] =	stream.linear.scatter [tilespmem:s26], [sflag:$0x9], $0x1400, $0x38;
	[tilespmem:$0x1B280] =	vst v63  }
0x6b: {  	_ =	swait.ge [sflag:s28], $0x1400  }
0x6c: {  	s11 =	sld [smem:$0x7F9]  }
0x6d: {  	[sflag:s28] =	ssyncset.done $0x0  }
0x6e: {  	[sflag:s28] =	ssyncadd.s32 $0xFFFFEC00  }
0x6f: {  	[spmem:s11] =	stream.linear.scatter [tilespmem:s26], [sflag:$0x9], $0x1400, $0x38;
	[tilespmem:$0x1B280] =	vst v63  }
0x70: {  	_ =	swait.ge [sflag:s28], $0x1400  }
0x71: {  	s25 =	sld [smem:$0x7FA]  }
0x72: {  	[sflag:s28] =	ssyncset.done $0x0  }
0x73: {  	[sflag:s28] =	ssyncadd.s32 $0xFFFFEC00  }
0x74: {  	[spmem:s25] =	stream.linear.scatter [tilespmem:s26], [sflag:$0x9], $0x1400, $0x38;
	[tilespmem:$0x1B280] =	vst v63  }
0x75: {  	_ =	swait.ge [sflag:s28], $0x1400  }
0x76: {  	s3 =	sld [smem:$0x7FB]  }
0x77: {  	[sflag:s28] =	ssyncset.done $0x0  }
0x78: {  	[sflag:s28] =	ssyncadd.s32 $0xFFFFEC00  }
0x79: {  	[spmem:s3] =	stream.linear.scatter [tilespmem:s26], [sflag:$0x9], $0x1400, $0x38;
	[tilespmem:$0x1B280] =	vst v63  }
0x7a: {  	_ =	swait.ge [sflag:s28], $0x1400  }
0x7b: {  	s4 =	sld [smem:$0x7FC]  }
0x7c: {  	[sflag:s28] =	ssyncset.done $0x0  }
0x7d: {  	[sflag:s28] =	ssyncadd.s32 $0xFFFFEC00  }
0x7e: {  	[spmem:s4] =	stream.linear.scatter [tilespmem:s26], [sflag:$0x9], $0xC80, $0x38;
	[tilespmem:$0x1B280] =	vst v63  }
0x7f: {  	_ =	swait.ge [sflag:s28], $0xC80  }
0x80: {  	[sflag:s28] =	ssyncset.done $0x0  }
0x81: {  	[sflag:s28] =	ssyncadd.s32 $0xFFFFF380  }
0x82: {  	[bflag:$0x0] =	sbarrier.arrive $0xFFFF  }
0x83: {  	s0 =	simm.s32 $0x0;
	s3 =	rddreg [dreg:$0x5]  }
0x84: {  	[tilespmem:s29], [sflag:$0x9] =	stream.linear.gather [hbm4b:s3+s0], $0x28, $0x38;
	[tilespmem:$0x1B280] =	vst v63  }
0x85: {  	_ =	swait.ge [sflag:s28], $0x28  }
0x86: {  	[sflag:s28] =	ssyncset.done $0x0  }
0x87: {  	s10 =	rddreg [dreg:$0x6];
	[sflag:s28] =	ssyncadd.s32 $0xFFFFFFD8  }
0x88: {  	[tilespmem:s30], [sflag:$0x9] =	stream.linear.gather [hbm4b:s10+s0], $0x28, $0x38;
	[tilespmem:$0x1B280] =	vst v63  }
0x89: {  	_ =	swait.ge [sflag:s28], $0x28  }
0x8a: {  	[sflag:s28] =	ssyncset.done $0x0  }
0x8b: {  	[sflag:s28] =	ssyncadd.s32 $0xFFFFFFD8  }
0x8c: {  	[tilespmem:s0], [sflag:$0x1] =	stream.indirect.gather [hbm4b:s1+s31], $0x80, s29, s31, $0xb8;
	[tilespmem:$0x1B280] =	vst v63  }
0x8d: {  	s4 =	simm.s32 $0x2800;
	s11 =	rddreg [dreg:$0x7]  }
0x8e: {  	[tilespmem:s4], [sflag:$0x1] =	stream.linear.gather [hbm4b:s11+s0], $0x1400, $0x38;
	[tilespmem:$0x1B280] =	vst v63  }
0x8f: {  	s25 =	simm.s32 $0x1400  }
0x90: {  	[tilespmem:s25], [sflag:$0x2] =	stream.indirect.gather [hbm4b:s1+s31], $0x80, s30, s31, $0xb8;
	[tilespmem:$0x1B280] =	vst v63  }
0x91: {  	s10 =	simm.s32 $0x3C00;
	s4 =	rddreg [dreg:$0x8]  }
0x92: {  	[tilespmem:s10], [sflag:$0x2] =	stream.linear.gather [hbm4b:s4+s0], $0x1400, $0x38;
	[tilespmem:$0x1B280] =	vst v63  }
0x93: {  	_ =	swait.ge [sflag:s12], $0x1400  }
0x94: {  	[sflag:s12] =	ssyncset.done $0x0  }
0x95: {  	[sflag:s12] =	ssyncadd.s32 $0xFFFFEC00  }
0x96: {  	_ =	swait.ge [sflag:s12], $0x1400  }
0x97: {  	[sflag:s12] =	ssyncset.done $0x0  }
0x98: {  	s11 =	rddreg [dreg:$0x9];
	[sflag:s12] =	ssyncadd.s32 $0xFFFFEC00  }
0x99: {  	[tilespmem:s29], [sflag:$0x5] =	stream.linear.gather [hbm4b:s11+s0], $0x28, $0x38;
	[tilespmem:$0x1B280] =	vst v63  }
0x9a: {  	s4 =	simm.s32 $0x0;
	s25 =	rddreg [dreg:$0xa]  }
0x9b: {  	[tilespmem:s13], [sflag:$0x7] =	stream.linear.gather [hbm4b:s25+s0], $0x28, $0x38;
	[tilespmem:$0x1B280] =	vst v63  }
0x9c: {  	v1 =	vld [tilespmem:s4+$0x70]  }
0x9d: {  	v2 =	vld [tilespmem:s4+$0x2870]  }
0x9e: {  	v3 =	vld [tilespmem:s4+$0x0]  }
0x9f: {  	v4 =	vld [tilespmem:s4+$0x2800]  }
0xa0: {  	v5 =	vld [tilespmem:s4+$0x10]  }
0xa1: {  	v6 =	vld [tilespmem:s4+$0x2810]  }
0xa2: {  	v7 =	vld [tilespmem:s4+$0x20]  }
0xa3: {  	v1 =	vadd.f32 v2, v1;
	v2 =	vld [tilespmem:s4+$0x2820]  }
0xa4: {  	v8 =	vld [tilespmem:s4+$0x30]  }
0xa5: {  	v9 =	vld [tilespmem:s4+$0x2830];
	v3 =	vadd.f32 v4, v3  }
0xa6: {  	v10 =	vld [tilespmem:s4+$0x40];
	v1 =	vmax.f32 v1, $0.0e+00  }
0xa7: {  	[tilespmem:s4+$0x5070] =	vst v1;
	v1 =	vmax.f32 v3, $0.0e+00;
	v3 =	vadd.f32 v6, v5;
	v6 =	vld [tilespmem:s4+$0x2840]  }
0xa8: {  	v4 =	vld [tilespmem:s4+$0x2850];
	v2 =	vadd.f32 v2, v7  }
0xa9: {  	[tilespmem:s4+$0x5000] =	vst v1;
	v1 =	vld [tilespmem:s4+$0x50];
	v3 =	vmax.f32 v3, $0.0e+00  }
0xaa: {  	v5 =	vld [tilespmem:s4+$0x2860];
	v7 =	vadd.f32 v9, v8;
	[tilespmem:s4+$0x5010] =	vst v3;
	v3 =	vmax.f32 v2, $0.0e+00  }
0xab: {  	s0 =	simm.s32 $0x80;
	v2 =	vld [tilespmem:s4+$0x60];
	[tilespmem:s4+$0x5020] =	vst v3  }
0xac: {  	s3 =	simm.s32 $0x400;
	v7 =	vmax.f32 v7, $0.0e+00;
	v6 =	vadd.f32 v6, v10;
	v3 =	vld [tilespmem:s0+$0x70]  }
.LBB2_4:
0xad: {  	p1 =	sne.s32 s3, $0x4E00;
	v8 =	vld [tilespmem:s0+$0x2870];
	[tilespmem:s4+$0x5030] =	vst v7  }
0xae: {  	v7 =	vld [tilespmem:s0+$0x0];
	v6 =	vmax.f32 v6, $0.0e+00;
	v1 =	vadd.f32 v4, v1  }
0xaf: {  	v4 =	vld [tilespmem:s0+$0x2800];
	[tilespmem:s4+$0x5040] =	vst v6  }
0xb0: {  	v6 =	vld [tilespmem:s0+$0x10];
	v1 =	vmax.f32 v1, $0.0e+00;
	v2 =	vadd.f32 v5, v2  }
0xb1: {  	v5 =	vld [tilespmem:s0+$0x2810];
	[tilespmem:s4+$0x5050] =	vst v1  }
0xb2: {  	v1 =	vld [tilespmem:s0+$0x20];
	v3 =	vadd.f32 v8, v3;
	v2 =	vmax.f32 v2, $0.0e+00  }
0xb3: {  	v8 =	vld [tilespmem:s0+$0x2820];
	[tilespmem:s4+$0x5060] =	vst v2;
	s4 =	smov.u32 s0  }
0xb4: {  	v2 =	vadd.f32 v4, v7;
	v7 =	vld [tilespmem:s4+$0x30];
	v3 =	vmax.f32 v3, $0.0e+00  }
0xb5: {  	v9 =	vld [tilespmem:s4+$0x2830];
	[tilespmem:s4+$0x5070] =	vst v3  }
0xb6: {  	v2 =	vmax.f32 v2, $0.0e+00;
	v3 =	vadd.f32 v5, v6;
	v6 =	vld [tilespmem:s4+$0x40]  }
0xb7: {  	[tilespmem:s4+$0x5000] =	vst v2;
	v10 =	vld [tilespmem:s4+$0x2840]  }
.Ltmp1:
0xb8: {  	v2 =	vmax.f32 v3, $0.0e+00;
	v3 =	vadd.f32 v8, v1;
	v1 =	vld [tilespmem:s4+$0x50];
	(pc) =	sbr.rel @p1 .LBB2_4-.Ltmp1, $4  }
0xb9: {  	[tilespmem:s4+$0x5010] =	vst v2;
	v4 =	vld [tilespmem:s4+$0x2850]  }
0xba: {  	v3 =	vmax.f32 v3, $0.0e+00;
	v7 =	vadd.f32 v9, v7;
	v2 =	vld [tilespmem:s4+$0x60]  }
0xbb: {  	s0 =	sshra.s32 s3, $0x2;
	[tilespmem:s4+$0x5020] =	vst v3;
	v5 =	vld [tilespmem:s4+$0x2860]  }
0xbc: {  	s3 =	sadd.s32 $0x200, s3;
	v3 =	vld [tilespmem:s0+$0x70];
	v7 =	vmax.f32 v7, $0.0e+00;
	v6 =	vadd.f32 v10, v6  }
0xbd: {  	v8 =	vld [tilespmem:s0+$0x2870];
	[tilespmem:s4+$0x5030] =	vst v7  }
0xbe: {  	v7 =	vld [tilespmem:s0+$0x0];
	v6 =	vmax.f32 v6, $0.0e+00;
	v1 =	vadd.f32 v4, v1  }
0xbf: {  	v9 =	vld [tilespmem:s0+$0x2800];
	[tilespmem:s4+$0x5040] =	vst v6  }
0xc0: {  	v4 =	vld [tilespmem:s0+$0x10];
	v1 =	vmax.f32 v1, $0.0e+00;
	v2 =	vadd.f32 v5, v2  }
0xc1: {  	v6 =	vld [tilespmem:s0+$0x2810];
	[tilespmem:s4+$0x5050] =	vst v1  }
0xc2: {  	v1 =	vld [tilespmem:s0+$0x20];
	v2 =	vmax.f32 v2, $0.0e+00  }
0xc3: {  	v5 =	vld [tilespmem:s0+$0x2820];
	v3 =	vadd.f32 v8, v3;
	[tilespmem:s4+$0x5060] =	vst v2  }
0xc4: {  	v7 =	vadd.f32 v9, v7;
	v2 =	vld [tilespmem:s0+$0x30]  }
0xc5: {  	v3 =	vmax.f32 v3, $0.0e+00;
	v8 =	vld [tilespmem:s0+$0x2830]  }
0xc6: {  	[tilespmem:s0+$0x5070] =	vst v3;
	v3 =	vmax.f32 v7, $0.0e+00;
	v7 =	vld [tilespmem:s0+$0x40]  }
0xc7: {  	v4 =	vadd.f32 v6, v4;
	v6 =	vld [tilespmem:s0+$0x50]  }
0xc8: {  	[tilespmem:s0+$0x5000] =	vst v3;
	v3 =	vld [tilespmem:s0+$0x2840];
	v1 =	vadd.f32 v5, v1  }
0xc9: {  	v4 =	vmax.f32 v4, $0.0e+00;
	v5 =	vld [tilespmem:s0+$0x60]  }
0xca: {  	[tilespmem:s0+$0x5010] =	vst v4;
	v4 =	vld [tilespmem:s0+$0x2850];
	v1 =	vmax.f32 v1, $0.0e+00  }
0xcb: {  	[tilespmem:s0+$0x5020] =	vst v1;
	v1 =	vld [tilespmem:s0+$0x2860];
	_ =	sdelay $0x1  }
0xcc: {  	v2 =	vadd.f32 v8, v2  }
0xcd: {  	v3 =	vadd.f32 v3, v7  }
0xce: {  	v2 =	vmax.f32 v2, $0.0e+00;
	v4 =	vadd.f32 v4, v6  }
0xcf: {  	[tilespmem:s0+$0x5030] =	vst v2;
	v2 =	vmax.f32 v3, $0.0e+00;
	v1 =	vadd.f32 v1, v5  }
0xd0: {  	[tilespmem:s0+$0x5040] =	vst v2;
	v2 =	vmax.f32 v4, $0.0e+00  }
0xd1: {  	[tilespmem:s0+$0x5050] =	vst v2;
	v1 =	vmax.f32 v1, $0.0e+00  }
0xd2: {  	[tilespmem:s0+$0x5060] =	vst v1  }
0xd3: {  	_ =	swait.ge [sflag:s15], $0x28  }
0xd4: {  	[sflag:s15] =	ssyncset.done $0x0  }
0xd5: {  	[sflag:s15] =	ssyncadd.s32 $0xFFFFFFD8  }
0xd6: {  	[spmem:s2] =	stream.indirect.scatter.add.f32 [tilespmem:s26], [sflag:$0x3], $0x80, s13, s31, $0xb8;
	[tilespmem:$0x1B280] =	vst v63  }
0xd7: {  	_ =	swait.ge [sflag:s16], $0x28  }
0xd8: {  	[sflag:s16] =	ssyncset.done $0x0  }
0xd9: {  	s0 =	simm.s32 $0x0;
	[sflag:s16] =	ssyncadd.s32 $0xFFFFFFD8  }
0xda: {  	[tilespmem:s0], [sflag:$0x1] =	stream.indirect.gather [hbm4b:s1+s31], $0x80, s29, s31, $0xb8;
	[tilespmem:$0x1B280] =	vst v63  }
0xdb: {  	s10 =	simm.s32 $0x2800;
	s3 =	rddreg [dreg:$0xb]  }
0xdc: {  	[tilespmem:s10], [sflag:$0x1] =	stream.linear.gather [hbm4b:s3+s0], $0x1400, $0x38;
	[tilespmem:$0x1B280] =	vst v63  }
0xdd: {  	_ =	swait.ge [sflag:s18], $0x1400  }
0xde: {  	[sflag:s18] =	ssyncset.done $0x0  }
0xdf: {  	[sflag:s18] =	ssyncadd.s32 $0xFFFFEC00  }
0xe0: {  	_ =	swait.ge [sflag:s18], $0x1400  }
0xe1: {  	[sflag:s18] =	ssyncset.done $0x0  }
0xe2: {  	s11 =	rddreg [dreg:$0xd];
	[sflag:s18] =	ssyncadd.s32 $0xFFFFEC00  }
0xe3: {  	[tilespmem:s30], [sflag:$0x6] =	stream.linear.gather [hbm4b:s11+s0], $0x28, $0x38;
	[tilespmem:$0x1B280] =	vst v63  }
0xe4: {  	s4 =	simm.s32 $0x0;
	s25 =	rddreg [dreg:$0xe]  }
0xe5: {  	[tilespmem:s20], [sflag:$0x8] =	stream.linear.gather [hbm4b:s25+s0], $0x28, $0x38;
	[tilespmem:$0x1B280] =	vst v63  }
0xe6: {  	v1 =	vld [tilespmem:s4+$0x1470]  }
0xe7: {  	v2 =	vld [tilespmem:s4+$0x3C70]  }
0xe8: {  	v3 =	vld [tilespmem:s4+$0x1400]  }
0xe9: {  	v4 =	vld [tilespmem:s4+$0x3C00]  }
0xea: {  	v5 =	vld [tilespmem:s4+$0x1410]  }
0xeb: {  	v6 =	vld [tilespmem:s4+$0x3C10]  }
0xec: {  	v7 =	vld [tilespmem:s4+$0x1420]  }
0xed: {  	v1 =	vadd.f32 v2, v1;
	v2 =	vld [tilespmem:s4+$0x3C20]  }
0xee: {  	v8 =	vld [tilespmem:s4+$0x1430]  }
0xef: {  	v63 =	vld [tilespmem:s4+$0x3C30];
	v3 =	vadd.f32 v4, v3  }
0xf0: {  	v10 =	vld [tilespmem:s4+$0x1440];
	v1 =	vmax.f32 v1, $0.0e+00  }
0xf1: {  	[tilespmem:s4+$0x6470] =	vst v1;
	v1 =	vmax.f32 v3, $0.0e+00;
	v3 =	vadd.f32 v6, v5;
	v6 =	vld [tilespmem:s4+$0x3C40]  }
0xf2: {  	v4 =	vld [tilespmem:s4+$0x3C50];
	v2 =	vadd.f32 v2, v7  }
0xf3: {  	[tilespmem:s4+$0x6400] =	vst v1;
	v1 =	vld [tilespmem:s4+$0x1450];
	v3 =	vmax.f32 v3, $0.0e+00  }
0xf4: {  	v5 =	vld [tilespmem:s4+$0x3C60];
	v7 =	vadd.f32 v63, v8;
	[tilespmem:s4+$0x6410] =	vst v3;
	v3 =	vmax.f32 v2, $0.0e+00  }
0xf5: {  	s0 =	simm.s32 $0x80;
	v2 =	vld [tilespmem:s4+$0x1460];
	[tilespmem:s4+$0x6420] =	vst v3  }
0xf6: {  	s3 =	simm.s32 $0x400;
	v7 =	vmax.f32 v7, $0.0e+00;
	v6 =	vadd.f32 v6, v10;
	v3 =	vld [tilespmem:s0+$0x1470]  }
.LBB2_6:
0xf7: {  	p1 =	sne.s32 s3, $0x4E00;
	v8 =	vld [tilespmem:s0+$0x3C70];
	[tilespmem:s4+$0x6430] =	vst v7  }
0xf8: {  	v7 =	vld [tilespmem:s0+$0x1400];
	v6 =	vmax.f32 v6, $0.0e+00;
	v1 =	vadd.f32 v4, v1  }
0xf9: {  	v4 =	vld [tilespmem:s0+$0x3C00];
	[tilespmem:s4+$0x6440] =	vst v6  }
0xfa: {  	v6 =	vld [tilespmem:s0+$0x1410];
	v1 =	vmax.f32 v1, $0.0e+00;
	v2 =	vadd.f32 v5, v2  }
0xfb: {  	v5 =	vld [tilespmem:s0+$0x3C10];
	[tilespmem:s4+$0x6450] =	vst v1  }
0xfc: {  	v1 =	vld [tilespmem:s0+$0x1420];
	v3 =	vadd.f32 v8, v3;
	v2 =	vmax.f32 v2, $0.0e+00  }
0xfd: {  	v8 =	vld [tilespmem:s0+$0x3C20];
	[tilespmem:s4+$0x6460] =	vst v2;
	s4 =	smov.u32 s0  }
0xfe: {  	v2 =	vadd.f32 v4, v7;
	v7 =	vld [tilespmem:s4+$0x1430];
	v3 =	vmax.f32 v3, $0.0e+00  }
0xff: {  	v9 =	vld [tilespmem:s4+$0x3C30];
	[tilespmem:s4+$0x6470] =	vst v3  }
0x100: {  	v2 =	vmax.f32 v2, $0.0e+00;
	v3 =	vadd.f32 v5, v6;
	v6 =	vld [tilespmem:s4+$0x1440]  }
0x101: {  	[tilespmem:s4+$0x6400] =	vst v2;
	v10 =	vld [tilespmem:s4+$0x3C40]  }
.Ltmp2:
0x102: {  	v2 =	vmax.f32 v3, $0.0e+00;
	v3 =	vadd.f32 v8, v1;
	v1 =	vld [tilespmem:s4+$0x1450];
	(pc) =	sbr.rel @p1 .LBB2_6-.Ltmp2, $4  }
0x103: {  	[tilespmem:s4+$0x6410] =	vst v2;
	v4 =	vld [tilespmem:s4+$0x3C50]  }
0x104: {  	v3 =	vmax.f32 v3, $0.0e+00;
	v7 =	vadd.f32 v9, v7;
	v2 =	vld [tilespmem:s4+$0x1460]  }
0x105: {  	s0 =	sshra.s32 s3, $0x2;
	[tilespmem:s4+$0x6420] =	vst v3;
	v5 =	vld [tilespmem:s4+$0x3C60]  }
0x106: {  	s3 =	sadd.s32 $0x200, s3;
	v3 =	vld [tilespmem:s0+$0x1470];
	v7 =	vmax.f32 v7, $0.0e+00;
	v6 =	vadd.f32 v10, v6  }
0x107: {  	v8 =	vld [tilespmem:s0+$0x3C70];
	[tilespmem:s4+$0x6430] =	vst v7  }
0x108: {  	v7 =	vld [tilespmem:s0+$0x1400];
	v6 =	vmax.f32 v6, $0.0e+00;
	v1 =	vadd.f32 v4, v1  }
0x109: {  	v9 =	vld [tilespmem:s0+$0x3C00];
	[tilespmem:s4+$0x6440] =	vst v6  }
0x10a: {  	v57 =	vld [tilespmem:s0+$0x1410];
	v1 =	vmax.f32 v1, $0.0e+00;
	v2 =	vadd.f32 v5, v2  }
0x10b: {  	v6 =	vld [tilespmem:s0+$0x3C10];
	[tilespmem:s4+$0x6450] =	vst v1  }
0x10c: {  	v1 =	vld [tilespmem:s0+$0x1420];
	v2 =	vmax.f32 v2, $0.0e+00  }
0x10d: {  	v58 =	vld [tilespmem:s0+$0x3C20];
	[tilespmem:s4+$0x6460] =	vst v2  }
0x10e: {  	v2 =	vld [tilespmem:s0+$0x1430]  }
0x10f: {  	v3 =	vadd.f32 v8, v3;
	v59 =	vld [tilespmem:s0+$0x3C30]  }
0x110: {  	v7 =	vadd.f32 v9, v7;
	v60 =	vld [tilespmem:s0+$0x1440]  }
0x111: {  	v3 =	vmax.f32 v3, $0.0e+00;
	v61 =	vld [tilespmem:s0+$0x1450]  }
0x112: {  	v62 =	vld [tilespmem:s0+$0x3C50];
	[tilespmem:s0+$0x6470] =	vst v3;
	v3 =	vmax.f32 v7, $0.0e+00;
	v1 =	vadd.f32 v58, v1  }
0x113: {  	[tilespmem:s0+$0x6400] =	vst v3;
	v3 =	vld [tilespmem:s0+$0x3C40]  }
0x114: {  	v63 =	vld [tilespmem:s0+$0x1460];
	v1 =	vmax.f32 v1, $0.0e+00  }
0x115: {  	[tilespmem:s0+$0x6420] =	vst v1;
	v1 =	vld [tilespmem:s0+$0x3C60]  }
0x116: {  	v4 =	vadd.f32 v6, v57  }
0x117: {  	v2 =	vadd.f32 v59, v2  }
0x118: {  	v4 =	vmax.f32 v4, $0.0e+00;
	v3 =	vadd.f32 v3, v60  }
0x119: {  	[tilespmem:s0+$0x6410] =	vst v4;
	v4 =	vadd.f32 v62, v61;
	v2 =	vmax.f32 v2, $0.0e+00  }
0x11a: {  	[tilespmem:s0+$0x6430] =	vst v2;
	v2 =	vmax.f32 v3, $0.0e+00;
	v1 =	vadd.f32 v1, v63  }
0x11b: {  	[tilespmem:s0+$0x6440] =	vst v2;
	v2 =	vmax.f32 v4, $0.0e+00  }
0x11c: {  	[tilespmem:s0+$0x6450] =	vst v2;
	v1 =	vmax.f32 v1, $0.0e+00  }
0x11d: {  	[tilespmem:s0+$0x6460] =	vst v1  }
0x11e: {  	_ =	swait.ge [sflag:s17], $0x28  }
0x11f: {  	[sflag:s17] =	ssyncset.done $0x0  }
0x120: {  	[sflag:s17] =	ssyncadd.s32 $0xFFFFFFD8  }
0x121: {  	[spmem:s2] =	stream.indirect.scatter.add.f32 [tilespmem:s21], [sflag:$0x4], $0x80, s20, s31, $0xb8;
	[tilespmem:$0x1B280] =	vst v63  }
0x122: {  	_ =	swait.ge [sflag:s22], $0x28  }
0x123: {  	[sflag:s22] =	ssyncset.done $0x0  }
0x124: {  	s10 =	simm.s32 $0x1400;
	s11 =	simm.s32 $0x0;
	[sflag:s22] =	ssyncadd.s32 $0xFFFFFFD8  }
0x125: {  	[tilespmem:s10], [sflag:$0x2] =	stream.indirect.gather [hbm4b:s1+s31], $0x80, s30, s31, $0xb8;
	[tilespmem:$0x1B280] =	vst v63  }
0x126: {  	s25 =	simm.s32 $0x3C00;
	s3 =	rddreg [dreg:$0xf];
	s10 =	simm.s32 $0x1  }
0x127: {  	[tilespmem:s25], [sflag:$0x2] =	stream.linear.gather [hbm4b:s3+s11], $0x1400, $0x38;
	[tilespmem:$0x1B280] =	vst v63  }
.LBB2_8:
0x128: {  	_ =	swait.ge [sflag:s12], $0x1400  }
0x129: {  	s25 =	smul.u32 $0x50, s10;
	[sflag:s12] =	ssyncset.done $0x0  }
0x12a: {  	[sflag:s12] =	ssyncadd.s32 $0xFFFFEC00  }
0x12b: {  	s4 =	sadd.s32 s25, s14;
	_ =	swait.ge [sflag:s12], $0x1400  }
0x12c: {  	s0 =	sshrl.u32 s4, $0x3;
	[sflag:s12] =	ssyncset.done $0x0  }
0x12d: {  	s3 =	simm.s32 $0x0;
	s0 =	sadd.s32 s5, s0;
	[sflag:s12] =	ssyncadd.s32 $0xFFFFEC00  }
0x12e: {  	[tilespmem:s29], [sflag:$0x5] =	stream.linear.gather [hbm4b:s0+s3], $0x28, $0x38;
	[tilespmem:$0x1B280] =	vst v63  }
0x12f: {  	s11 =	sadd.s32 s6, s25;
	_ =	swait.ge [sflag:s23], $0x1400  }
0x130: {  	s0 =	sshrl.u32 s11, $0x3;
	[sflag:s23] =	ssyncset.done $0x0  }
0x131: {  	s0 =	sadd.s32 s7, s0;
	[sflag:s23] =	ssyncadd.s32 $0xFFFFEC00  }
0x132: {  	[tilespmem:s13], [sflag:$0x7] =	stream.linear.gather [hbm4b:s0+s3], $0x28, $0x38;
	[tilespmem:$0x1B280] =	vst v63  }
0x133: {  	s0 =	simm.s32 $0x0  }
0x134: {  	v1 =	vld [tilespmem:s0+$0x70]  }
0x135: {  	v2 =	vld [tilespmem:s0+$0x2870]  }
0x136: {  	v3 =	vld [tilespmem:s0+$0x0]  }
0x137: {  	v4 =	vld [tilespmem:s0+$0x2800]  }
0x138: {  	v5 =	vld [tilespmem:s0+$0x10]  }
0x139: {  	v6 =	vld [tilespmem:s0+$0x2810]  }
0x13a: {  	v7 =	vld [tilespmem:s0+$0x20]  }
0x13b: {  	v1 =	vadd.f32 v2, v1;
	v2 =	vld [tilespmem:s0+$0x2820]  }
0x13c: {  	v8 =	vld [tilespmem:s0+$0x30]  }
0x13d: {  	v9 =	vld [tilespmem:s0+$0x2830];
	v3 =	vadd.f32 v4, v3  }
0x13e: {  	v10 =	vld [tilespmem:s0+$0x40];
	v1 =	vmax.f32 v1, $0.0e+00  }
0x13f: {  	[tilespmem:s0+$0x5070] =	vst v1;
	v1 =	vmax.f32 v3, $0.0e+00;
	v3 =	vadd.f32 v6, v5;
	v6 =	vld [tilespmem:s0+$0x2840]  }
0x140: {  	v4 =	vld [tilespmem:s0+$0x2850];
	v2 =	vadd.f32 v2, v7  }
0x141: {  	[tilespmem:s0+$0x5000] =	vst v1;
	v1 =	vld [tilespmem:s0+$0x50];
	v3 =	vmax.f32 v3, $0.0e+00  }
0x142: {  	v5 =	vld [tilespmem:s0+$0x2860];
	v7 =	vadd.f32 v9, v8;
	[tilespmem:s0+$0x5010] =	vst v3;
	v3 =	vmax.f32 v2, $0.0e+00  }
0x143: {  	s3 =	simm.s32 $0x80;
	v2 =	vld [tilespmem:s0+$0x60];
	[tilespmem:s0+$0x5020] =	vst v3  }
0x144: {  	s11 =	simm.s32 $0x400;
	v7 =	vmax.f32 v7, $0.0e+00;
	v6 =	vadd.f32 v6, v10;
	v3 =	vld [tilespmem:s3+$0x70]  }
.LBB2_9:
0x145: {  	p1 =	sne.s32 s11, $0x4E00;
	v8 =	vld [tilespmem:s3+$0x2870];
	[tilespmem:s0+$0x5030] =	vst v7  }
0x146: {  	v7 =	vld [tilespmem:s3+$0x0];
	v6 =	vmax.f32 v6, $0.0e+00;
	v1 =	vadd.f32 v4, v1  }
0x147: {  	v4 =	vld [tilespmem:s3+$0x2800];
	[tilespmem:s0+$0x5040] =	vst v6  }
0x148: {  	v6 =	vld [tilespmem:s3+$0x10];
	v1 =	vmax.f32 v1, $0.0e+00;
	v2 =	vadd.f32 v5, v2  }
0x149: {  	v5 =	vld [tilespmem:s3+$0x2810];
	[tilespmem:s0+$0x5050] =	vst v1  }
0x14a: {  	v1 =	vld [tilespmem:s3+$0x20];
	v3 =	vadd.f32 v8, v3;
	v2 =	vmax.f32 v2, $0.0e+00  }
0x14b: {  	v8 =	vld [tilespmem:s3+$0x2820];
	[tilespmem:s0+$0x5060] =	vst v2;
	s0 =	smov.u32 s3  }
0x14c: {  	v2 =	vadd.f32 v4, v7;
	v7 =	vld [tilespmem:s0+$0x30];
	v3 =	vmax.f32 v3, $0.0e+00  }
0x14d: {  	v9 =	vld [tilespmem:s0+$0x2830];
	[tilespmem:s0+$0x5070] =	vst v3  }
0x14e: {  	v2 =	vmax.f32 v2, $0.0e+00;
	v3 =	vadd.f32 v5, v6;
	v6 =	vld [tilespmem:s0+$0x40]  }
0x14f: {  	[tilespmem:s0+$0x5000] =	vst v2;
	v10 =	vld [tilespmem:s0+$0x2840]  }
.Ltmp3:
0x150: {  	v2 =	vmax.f32 v3, $0.0e+00;
	v3 =	vadd.f32 v8, v1;
	v1 =	vld [tilespmem:s0+$0x50];
	(pc) =	sbr.rel @p1 .LBB2_9-.Ltmp3, $4  }
0x151: {  	[tilespmem:s0+$0x5010] =	vst v2;
	v4 =	vld [tilespmem:s0+$0x2850]  }
0x152: {  	v3 =	vmax.f32 v3, $0.0e+00;
	v7 =	vadd.f32 v9, v7;
	v2 =	vld [tilespmem:s0+$0x60]  }
0x153: {  	s3 =	sshra.s32 s11, $0x2;
	[tilespmem:s0+$0x5020] =	vst v3;
	v5 =	vld [tilespmem:s0+$0x2860]  }
0x154: {  	s11 =	sadd.s32 $0x200, s11;
	v3 =	vld [tilespmem:s3+$0x70];
	v7 =	vmax.f32 v7, $0.0e+00;
	v6 =	vadd.f32 v10, v6  }
0x155: {  	v8 =	vld [tilespmem:s3+$0x2870];
	[tilespmem:s0+$0x5030] =	vst v7  }
0x156: {  	v7 =	vld [tilespmem:s3+$0x0];
	v6 =	vmax.f32 v6, $0.0e+00;
	v1 =	vadd.f32 v4, v1  }
0x157: {  	v9 =	vld [tilespmem:s3+$0x2800];
	[tilespmem:s0+$0x5040] =	vst v6  }
0x158: {  	v4 =	vld [tilespmem:s3+$0x10];
	v1 =	vmax.f32 v1, $0.0e+00;
	v2 =	vadd.f32 v5, v2  }
0x159: {  	v6 =	vld [tilespmem:s3+$0x2810];
	[tilespmem:s0+$0x5050] =	vst v1  }
0x15a: {  	v1 =	vld [tilespmem:s3+$0x20];
	v2 =	vmax.f32 v2, $0.0e+00  }
0x15b: {  	v5 =	vld [tilespmem:s3+$0x2820];
	v3 =	vadd.f32 v8, v3;
	[tilespmem:s0+$0x5060] =	vst v2  }
0x15c: {  	v7 =	vadd.f32 v9, v7;
	v2 =	vld [tilespmem:s3+$0x30]  }
0x15d: {  	v3 =	vmax.f32 v3, $0.0e+00;
	v8 =	vld [tilespmem:s3+$0x2830]  }
0x15e: {  	[tilespmem:s3+$0x5070] =	vst v3;
	v3 =	vmax.f32 v7, $0.0e+00;
	v7 =	vld [tilespmem:s3+$0x40]  }
0x15f: {  	v4 =	vadd.f32 v6, v4;
	v6 =	vld [tilespmem:s3+$0x50]  }
0x160: {  	[tilespmem:s3+$0x5000] =	vst v3;
	v3 =	vld [tilespmem:s3+$0x2840];
	v1 =	vadd.f32 v5, v1  }
0x161: {  	v4 =	vmax.f32 v4, $0.0e+00;
	v5 =	vld [tilespmem:s3+$0x60]  }
0x162: {  	[tilespmem:s3+$0x5010] =	vst v4;
	v4 =	vld [tilespmem:s3+$0x2850];
	v1 =	vmax.f32 v1, $0.0e+00  }
0x163: {  	[tilespmem:s3+$0x5020] =	vst v1;
	v1 =	vld [tilespmem:s3+$0x2860];
	_ =	sdelay $0x1  }
0x164: {  	v2 =	vadd.f32 v8, v2  }
0x165: {  	v3 =	vadd.f32 v3, v7  }
0x166: {  	v2 =	vmax.f32 v2, $0.0e+00;
	v4 =	vadd.f32 v4, v6  }
0x167: {  	[tilespmem:s3+$0x5030] =	vst v2;
	v2 =	vmax.f32 v3, $0.0e+00;
	v1 =	vadd.f32 v1, v5  }
0x168: {  	[tilespmem:s3+$0x5040] =	vst v2;
	v2 =	vmax.f32 v4, $0.0e+00  }
0x169: {  	[tilespmem:s3+$0x5050] =	vst v2;
	v1 =	vmax.f32 v1, $0.0e+00  }
0x16a: {  	[tilespmem:s3+$0x5060] =	vst v1  }
0x16b: {  	_ =	swait.ge [sflag:s15], $0x28  }
0x16c: {  	[sflag:s15] =	ssyncset.done $0x0  }
0x16d: {  	[sflag:s15] =	ssyncadd.s32 $0xFFFFFFD8  }
0x16e: {  	[spmem:s2] =	stream.indirect.scatter.add.f32 [tilespmem:s26], [sflag:$0x3], $0x80, s13, s31, $0xb8;
	[tilespmem:$0x1B280] =	vst v63  }
0x16f: {  	_ =	swait.ge [sflag:s16], $0x28  }
0x170: {  	[sflag:s16] =	ssyncset.done $0x0  }
0x171: {  	s4 =	sshll.u32 s4, $0x4;
	s0 =	simm.s32 $0x0;
	[sflag:s16] =	ssyncadd.s32 $0xFFFFFFD8  }
0x172: {  	[tilespmem:s0], [sflag:$0x1] =	stream.indirect.gather [hbm4b:s1+s31], $0x80, s29, s31, $0xb8;
	[tilespmem:$0x1B280] =	vst v63  }
0x173: {  	s11 =	simm.s32 $0x2800;
	s3 =	sadd.s32 s8, s4  }
0x174: {  	[tilespmem:s11], [sflag:$0x1] =	stream.linear.gather [hbm4b:s3+s0], $0x1400, $0x38;
	[tilespmem:$0x1B280] =	vst v63  }
0x175: {  	_ =	swait.ge [sflag:s18], $0x1400  }
0x176: {  	[sflag:s18] =	ssyncset.done $0x0  }
0x177: {  	[sflag:s18] =	ssyncadd.s32 $0xFFFFEC00  }
0x178: {  	s4 =	sadd.s32 s25, s19;
	_ =	swait.ge [sflag:s18], $0x1400  }
0x179: {  	s11 =	sshrl.u32 s4, $0x3;
	[sflag:s18] =	ssyncset.done $0x0  }
0x17a: {  	s3 =	sadd.s32 s5, s11;
	[sflag:s18] =	ssyncadd.s32 $0xFFFFEC00  }
0x17b: {  	[tilespmem:s30], [sflag:$0x6] =	stream.linear.gather [hbm4b:s3+s0], $0x28, $0x38;
	[tilespmem:$0x1B280] =	vst v63  }
0x17c: {  	s25 =	sadd.s32 s25, s9;
	_ =	swait.ge [sflag:s24], $0x1400  }
0x17d: {  	s3 =	sshrl.u32 s25, $0x3;
	[sflag:s24] =	ssyncset.done $0x0  }
0x17e: {  	s3 =	sadd.s32 s7, s3;
	[sflag:s24] =	ssyncadd.s32 $0xFFFFEC00  }
0x17f: {  	[tilespmem:s20], [sflag:$0x8] =	stream.linear.gather [hbm4b:s3+s0], $0x28, $0x38;
	[tilespmem:$0x1B280] =	vst v63  }
0x180: {  	s0 =	simm.s32 $0x0  }
0x181: {  	v1 =	vld [tilespmem:s0+$0x1470]  }
0x182: {  	v2 =	vld [tilespmem:s0+$0x3C70]  }
0x183: {  	v3 =	vld [tilespmem:s0+$0x1400]  }
0x184: {  	v4 =	vld [tilespmem:s0+$0x3C00]  }
0x185: {  	v5 =	vld [tilespmem:s0+$0x1410]  }
0x186: {  	v6 =	vld [tilespmem:s0+$0x3C10]  }
0x187: {  	v7 =	vld [tilespmem:s0+$0x1420]  }
0x188: {  	v1 =	vadd.f32 v2, v1;
	v2 =	vld [tilespmem:s0+$0x3C20]  }
0x189: {  	v8 =	vld [tilespmem:s0+$0x1430]  }
0x18a: {  	v63 =	vld [tilespmem:s0+$0x3C30];
	v3 =	vadd.f32 v4, v3  }
0x18b: {  	v10 =	vld [tilespmem:s0+$0x1440];
	v1 =	vmax.f32 v1, $0.0e+00  }
0x18c: {  	[tilespmem:s0+$0x6470] =	vst v1;
	v1 =	vmax.f32 v3, $0.0e+00;
	v3 =	vadd.f32 v6, v5;
	v6 =	vld [tilespmem:s0+$0x3C40]  }
0x18d: {  	v4 =	vld [tilespmem:s0+$0x3C50];
	v2 =	vadd.f32 v2, v7  }
0x18e: {  	[tilespmem:s0+$0x6400] =	vst v1;
	v1 =	vld [tilespmem:s0+$0x1450];
	v3 =	vmax.f32 v3, $0.0e+00  }
0x18f: {  	v5 =	vld [tilespmem:s0+$0x3C60];
	v7 =	vadd.f32 v63, v8;
	[tilespmem:s0+$0x6410] =	vst v3;
	v3 =	vmax.f32 v2, $0.0e+00  }
0x190: {  	s3 =	simm.s32 $0x80;
	v2 =	vld [tilespmem:s0+$0x1460];
	[tilespmem:s0+$0x6420] =	vst v3  }
0x191: {  	s11 =	simm.s32 $0x400;
	v7 =	vmax.f32 v7, $0.0e+00;
	v6 =	vadd.f32 v6, v10;
	v3 =	vld [tilespmem:s3+$0x1470]  }
.LBB2_11:
0x192: {  	p1 =	sne.s32 s11, $0x4E00;
	v8 =	vld [tilespmem:s3+$0x3C70];
	[tilespmem:s0+$0x6430] =	vst v7  }
0x193: {  	v7 =	vld [tilespmem:s3+$0x1400];
	v6 =	vmax.f32 v6, $0.0e+00;
	v1 =	vadd.f32 v4, v1  }
0x194: {  	v4 =	vld [tilespmem:s3+$0x3C00];
	[tilespmem:s0+$0x6440] =	vst v6  }
0x195: {  	v6 =	vld [tilespmem:s3+$0x1410];
	v1 =	vmax.f32 v1, $0.0e+00;
	v2 =	vadd.f32 v5, v2  }
0x196: {  	v5 =	vld [tilespmem:s3+$0x3C10];
	[tilespmem:s0+$0x6450] =	vst v1  }
0x197: {  	v1 =	vld [tilespmem:s3+$0x1420];
	v3 =	vadd.f32 v8, v3;
	v2 =	vmax.f32 v2, $0.0e+00  }
0x198: {  	v8 =	vld [tilespmem:s3+$0x3C20];
	[tilespmem:s0+$0x6460] =	vst v2;
	s0 =	smov.u32 s3  }
0x199: {  	v2 =	vadd.f32 v4, v7;
	v7 =	vld [tilespmem:s0+$0x1430];
	v3 =	vmax.f32 v3, $0.0e+00  }
0x19a: {  	v9 =	vld [tilespmem:s0+$0x3C30];
	[tilespmem:s0+$0x6470] =	vst v3  }
0x19b: {  	v2 =	vmax.f32 v2, $0.0e+00;
	v3 =	vadd.f32 v5, v6;
	v6 =	vld [tilespmem:s0+$0x1440]  }
0x19c: {  	[tilespmem:s0+$0x6400] =	vst v2;
	v10 =	vld [tilespmem:s0+$0x3C40]  }
.Ltmp4:
0x19d: {  	v2 =	vmax.f32 v3, $0.0e+00;
	v3 =	vadd.f32 v8, v1;
	v1 =	vld [tilespmem:s0+$0x1450];
	(pc) =	sbr.rel @p1 .LBB2_11-.Ltmp4, $4  }
0x19e: {  	[tilespmem:s0+$0x6410] =	vst v2;
	v4 =	vld [tilespmem:s0+$0x3C50]  }
0x19f: {  	v3 =	vmax.f32 v3, $0.0e+00;
	v7 =	vadd.f32 v9, v7;
	v2 =	vld [tilespmem:s0+$0x1460]  }
0x1a0: {  	s3 =	sshra.s32 s11, $0x2;
	[tilespmem:s0+$0x6420] =	vst v3;
	v5 =	vld [tilespmem:s0+$0x3C60]  }
0x1a1: {  	s11 =	sadd.s32 $0x200, s11;
	v3 =	vld [tilespmem:s3+$0x1470];
	v7 =	vmax.f32 v7, $0.0e+00;
	v6 =	vadd.f32 v10, v6  }
0x1a2: {  	v8 =	vld [tilespmem:s3+$0x3C70];
	[tilespmem:s0+$0x6430] =	vst v7  }
0x1a3: {  	v7 =	vld [tilespmem:s3+$0x1400];
	v6 =	vmax.f32 v6, $0.0e+00;
	v1 =	vadd.f32 v4, v1  }
0x1a4: {  	v9 =	vld [tilespmem:s3+$0x3C00];
	[tilespmem:s0+$0x6440] =	vst v6  }
0x1a5: {  	v57 =	vld [tilespmem:s3+$0x1410];
	v1 =	vmax.f32 v1, $0.0e+00;
	v2 =	vadd.f32 v5, v2  }
0x1a6: {  	v6 =	vld [tilespmem:s3+$0x3C10];
	[tilespmem:s0+$0x6450] =	vst v1  }
0x1a7: {  	v1 =	vld [tilespmem:s3+$0x1420];
	v2 =	vmax.f32 v2, $0.0e+00  }
0x1a8: {  	v58 =	vld [tilespmem:s3+$0x3C20];
	[tilespmem:s0+$0x6460] =	vst v2  }
0x1a9: {  	v2 =	vld [tilespmem:s3+$0x1430]  }
0x1aa: {  	v3 =	vadd.f32 v8, v3;
	v59 =	vld [tilespmem:s3+$0x3C30]  }
0x1ab: {  	v7 =	vadd.f32 v9, v7;
	v60 =	vld [tilespmem:s3+$0x1440]  }
0x1ac: {  	v3 =	vmax.f32 v3, $0.0e+00;
	v61 =	vld [tilespmem:s3+$0x1450]  }
0x1ad: {  	v62 =	vld [tilespmem:s3+$0x3C50];
	[tilespmem:s3+$0x6470] =	vst v3;
	v3 =	vmax.f32 v7, $0.0e+00;
	v1 =	vadd.f32 v58, v1  }
0x1ae: {  	[tilespmem:s3+$0x6400] =	vst v3;
	v3 =	vld [tilespmem:s3+$0x3C40]  }
0x1af: {  	v63 =	vld [tilespmem:s3+$0x1460];
	v1 =	vmax.f32 v1, $0.0e+00  }
0x1b0: {  	[tilespmem:s3+$0x6420] =	vst v1;
	v1 =	vld [tilespmem:s3+$0x3C60]  }
0x1b1: {  	v4 =	vadd.f32 v6, v57  }
0x1b2: {  	v2 =	vadd.f32 v59, v2  }
0x1b3: {  	v4 =	vmax.f32 v4, $0.0e+00;
	v3 =	vadd.f32 v3, v60  }
0x1b4: {  	[tilespmem:s3+$0x6410] =	vst v4;
	v4 =	vadd.f32 v62, v61;
	v2 =	vmax.f32 v2, $0.0e+00  }
0x1b5: {  	[tilespmem:s3+$0x6430] =	vst v2;
	v2 =	vmax.f32 v3, $0.0e+00;
	v1 =	vadd.f32 v1, v63  }
0x1b6: {  	[tilespmem:s3+$0x6440] =	vst v2;
	v2 =	vmax.f32 v4, $0.0e+00  }
0x1b7: {  	[tilespmem:s3+$0x6450] =	vst v2;
	v1 =	vmax.f32 v1, $0.0e+00  }
0x1b8: {  	[tilespmem:s3+$0x6460] =	vst v1  }
0x1b9: {  	_ =	swait.ge [sflag:s17], $0x28  }
0x1ba: {  	[sflag:s17] =	ssyncset.done $0x0  }
0x1bb: {  	s10 =	sadd.s32 $0x1, s10;
	[sflag:s17] =	ssyncadd.s32 $0xFFFFFFD8  }
0x1bc: {  	[spmem:s2] =	stream.indirect.scatter.add.f32 [tilespmem:s21], [sflag:$0x4], $0x80, s20, s31, $0xb8;
	[tilespmem:$0x1B280] =	vst v63  }
0x1bd: {  	p1 =	sne.s32 s10, $0x3B;
	_ =	swait.ge [sflag:s22], $0x28  }
.Ltmp5:
0x1be: {  	[sflag:s22] =	ssyncset.done $0x0;
	(pc) =	sbr.rel @p1 .LBB2_8-.Ltmp5, $4  }
0x1bf: {  	s4 =	sshll.u32 s4, $0x4;
	s3 =	simm.s32 $0x1400;
	[sflag:s22] =	ssyncadd.s32 $0xFFFFFFD8  }
0x1c0: {  	[tilespmem:s3], [sflag:$0x2] =	stream.indirect.gather [hbm4b:s1+s31], $0x80, s30, s31, $0xb8;
	[tilespmem:$0x1B280] =	vst v63  }
0x1c1: {  	s11 =	simm.s32 $0x0;
	s25 =	simm.s32 $0x3C00;
	s0 =	sadd.s32 s8, s4  }
0x1c2: {  	[tilespmem:s25], [sflag:$0x2] =	stream.linear.gather [hbm4b:s0+s11], $0x1400, $0x38;
	[tilespmem:$0x1B280] =	vst v63  }
0x1c3: {  	_ =	swait.ge [sflag:s12], $0x1400  }
0x1c4: {  	[sflag:s12] =	ssyncset.done $0x0  }
0x1c5: {  	[sflag:s12] =	ssyncadd.s32 $0xFFFFEC00  }
0x1c6: {  	_ =	swait.ge [sflag:s12], $0x1400  }
0x1c7: {  	[sflag:s12] =	ssyncset.done $0x0  }
0x1c8: {  	[sflag:s12] =	ssyncadd.s32 $0xFFFFEC00  }
0x1c9: {  	_ =	swait.ge [sflag:s23], $0x1400  }
0x1ca: {  	s3 =	sld [smem:$0x7FD]  }
0x1cb: {  	[sflag:s23] =	ssyncset.done $0x0  }
0x1cc: {  	s0 =	simm.s32 $0x0;
	[sflag:s23] =	ssyncadd.s32 $0xFFFFEC00  }
0x1cd: {  	[tilespmem:s13], [sflag:$0x7] =	stream.linear.gather [hbm4b:s3+s0], $0x28, $0x38;
	[tilespmem:$0x1B280] =	vst v63  }
0x1ce: {  	s0 =	simm.s32 $0x0  }
0x1cf: {  	v1 =	vld [tilespmem:s0+$0x70]  }
0x1d0: {  	v2 =	vld [tilespmem:s0+$0x2870]  }
0x1d1: {  	v3 =	vld [tilespmem:s0+$0x0]  }
0x1d2: {  	v4 =	vld [tilespmem:s0+$0x2800]  }
0x1d3: {  	v5 =	vld [tilespmem:s0+$0x10]  }
0x1d4: {  	v6 =	vld [tilespmem:s0+$0x2810]  }
0x1d5: {  	v7 =	vld [tilespmem:s0+$0x20]  }
0x1d6: {  	v1 =	vadd.f32 v2, v1;
	v2 =	vld [tilespmem:s0+$0x2820]  }
0x1d7: {  	v8 =	vld [tilespmem:s0+$0x30]  }
0x1d8: {  	v9 =	vld [tilespmem:s0+$0x2830];
	v3 =	vadd.f32 v4, v3  }
0x1d9: {  	v10 =	vld [tilespmem:s0+$0x40];
	v1 =	vmax.f32 v1, $0.0e+00  }
0x1da: {  	[tilespmem:s0+$0x5070] =	vst v1;
	v1 =	vmax.f32 v3, $0.0e+00;
	v3 =	vadd.f32 v6, v5;
	v6 =	vld [tilespmem:s0+$0x2840]  }
0x1db: {  	v4 =	vld [tilespmem:s0+$0x2850];
	v2 =	vadd.f32 v2, v7  }
0x1dc: {  	[tilespmem:s0+$0x5000] =	vst v1;
	v1 =	vld [tilespmem:s0+$0x50];
	v3 =	vmax.f32 v3, $0.0e+00  }
0x1dd: {  	v5 =	vld [tilespmem:s0+$0x2860];
	v7 =	vadd.f32 v9, v8;
	[tilespmem:s0+$0x5010] =	vst v3;
	v3 =	vmax.f32 v2, $0.0e+00  }
0x1de: {  	s3 =	simm.s32 $0x80;
	v2 =	vld [tilespmem:s0+$0x60];
	[tilespmem:s0+$0x5020] =	vst v3  }
0x1df: {  	s4 =	simm.s32 $0x400;
	v7 =	vmax.f32 v7, $0.0e+00;
	v6 =	vadd.f32 v6, v10;
	v3 =	vld [tilespmem:s3+$0x70]  }
.LBB2_14:
0x1e0: {  	p1 =	sne.s32 s4, $0x4E00;
	v8 =	vld [tilespmem:s3+$0x2870];
	[tilespmem:s0+$0x5030] =	vst v7  }
0x1e1: {  	v7 =	vld [tilespmem:s3+$0x0];
	v6 =	vmax.f32 v6, $0.0e+00;
	v1 =	vadd.f32 v4, v1  }
0x1e2: {  	v4 =	vld [tilespmem:s3+$0x2800];
	[tilespmem:s0+$0x5040] =	vst v6  }
0x1e3: {  	v6 =	vld [tilespmem:s3+$0x10];
	v1 =	vmax.f32 v1, $0.0e+00;
	v2 =	vadd.f32 v5, v2  }
0x1e4: {  	v5 =	vld [tilespmem:s3+$0x2810];
	[tilespmem:s0+$0x5050] =	vst v1  }
0x1e5: {  	v1 =	vld [tilespmem:s3+$0x20];
	v3 =	vadd.f32 v8, v3;
	v2 =	vmax.f32 v2, $0.0e+00  }
0x1e6: {  	v8 =	vld [tilespmem:s3+$0x2820];
	[tilespmem:s0+$0x5060] =	vst v2;
	s0 =	smov.u32 s3  }
0x1e7: {  	v2 =	vadd.f32 v4, v7;
	v7 =	vld [tilespmem:s0+$0x30];
	v3 =	vmax.f32 v3, $0.0e+00  }
0x1e8: {  	v9 =	vld [tilespmem:s0+$0x2830];
	[tilespmem:s0+$0x5070] =	vst v3  }
0x1e9: {  	v2 =	vmax.f32 v2, $0.0e+00;
	v3 =	vadd.f32 v5, v6;
	v6 =	vld [tilespmem:s0+$0x40]  }
0x1ea: {  	[tilespmem:s0+$0x5000] =	vst v2;
	v10 =	vld [tilespmem:s0+$0x2840]  }
.Ltmp6:
0x1eb: {  	v2 =	vmax.f32 v3, $0.0e+00;
	v3 =	vadd.f32 v8, v1;
	v1 =	vld [tilespmem:s0+$0x50];
	(pc) =	sbr.rel @p1 .LBB2_14-.Ltmp6, $4  }
0x1ec: {  	[tilespmem:s0+$0x5010] =	vst v2;
	v4 =	vld [tilespmem:s0+$0x2850]  }
0x1ed: {  	v3 =	vmax.f32 v3, $0.0e+00;
	v7 =	vadd.f32 v9, v7;
	v2 =	vld [tilespmem:s0+$0x60]  }
0x1ee: {  	s3 =	sshra.s32 s4, $0x2;
	[tilespmem:s0+$0x5020] =	vst v3;
	v5 =	vld [tilespmem:s0+$0x2860]  }
0x1ef: {  	s4 =	sadd.s32 $0x200, s4;
	v3 =	vld [tilespmem:s3+$0x70];
	v7 =	vmax.f32 v7, $0.0e+00;
	v6 =	vadd.f32 v10, v6  }
0x1f0: {  	v8 =	vld [tilespmem:s3+$0x2870];
	[tilespmem:s0+$0x5030] =	vst v7  }
0x1f1: {  	v7 =	vld [tilespmem:s3+$0x0];
	v6 =	vmax.f32 v6, $0.0e+00;
	v1 =	vadd.f32 v4, v1  }
0x1f2: {  	v9 =	vld [tilespmem:s3+$0x2800];
	[tilespmem:s0+$0x5040] =	vst v6  }
0x1f3: {  	v4 =	vld [tilespmem:s3+$0x10];
	v1 =	vmax.f32 v1, $0.0e+00;
	v2 =	vadd.f32 v5, v2  }
0x1f4: {  	v6 =	vld [tilespmem:s3+$0x2810];
	[tilespmem:s0+$0x5050] =	vst v1  }
0x1f5: {  	v1 =	vld [tilespmem:s3+$0x20];
	v2 =	vmax.f32 v2, $0.0e+00  }
0x1f6: {  	v5 =	vld [tilespmem:s3+$0x2820];
	v3 =	vadd.f32 v8, v3;
	[tilespmem:s0+$0x5060] =	vst v2  }
0x1f7: {  	v7 =	vadd.f32 v9, v7;
	v2 =	vld [tilespmem:s3+$0x30]  }
0x1f8: {  	v3 =	vmax.f32 v3, $0.0e+00;
	v8 =	vld [tilespmem:s3+$0x2830]  }
0x1f9: {  	[tilespmem:s3+$0x5070] =	vst v3;
	v3 =	vmax.f32 v7, $0.0e+00;
	v7 =	vld [tilespmem:s3+$0x40]  }
0x1fa: {  	v4 =	vadd.f32 v6, v4;
	v6 =	vld [tilespmem:s3+$0x50]  }
0x1fb: {  	[tilespmem:s3+$0x5000] =	vst v3;
	v3 =	vld [tilespmem:s3+$0x2840];
	v1 =	vadd.f32 v5, v1  }
0x1fc: {  	v4 =	vmax.f32 v4, $0.0e+00;
	v5 =	vld [tilespmem:s3+$0x60]  }
0x1fd: {  	[tilespmem:s3+$0x5010] =	vst v4;
	v4 =	vld [tilespmem:s3+$0x2850];
	v1 =	vmax.f32 v1, $0.0e+00  }
0x1fe: {  	[tilespmem:s3+$0x5020] =	vst v1;
	v1 =	vld [tilespmem:s3+$0x2860];
	_ =	sdelay $0x1  }
0x1ff: {  	v2 =	vadd.f32 v8, v2  }
0x200: {  	v3 =	vadd.f32 v3, v7  }
0x201: {  	v2 =	vmax.f32 v2, $0.0e+00;
	v4 =	vadd.f32 v4, v6  }
0x202: {  	[tilespmem:s3+$0x5030] =	vst v2;
	v2 =	vmax.f32 v3, $0.0e+00;
	v1 =	vadd.f32 v1, v5  }
0x203: {  	[tilespmem:s3+$0x5040] =	vst v2;
	v2 =	vmax.f32 v4, $0.0e+00  }
0x204: {  	[tilespmem:s3+$0x5050] =	vst v2;
	v1 =	vmax.f32 v1, $0.0e+00  }
0x205: {  	[tilespmem:s3+$0x5060] =	vst v1  }
0x206: {  	_ =	swait.ge [sflag:s15], $0x28  }
0x207: {  	[sflag:s15] =	ssyncset.done $0x0  }
0x208: {  	[sflag:s15] =	ssyncadd.s32 $0xFFFFFFD8  }
0x209: {  	[spmem:s2] =	stream.indirect.scatter.add.f32 [tilespmem:s26], [sflag:$0x3], $0x80, s13, s31, $0xb8;
	[tilespmem:$0x1B280] =	vst v63  }
0x20a: {  	_ =	swait.ge [sflag:s18], $0x1400  }
0x20b: {  	[sflag:s18] =	ssyncset.done $0x0  }
0x20c: {  	[sflag:s18] =	ssyncadd.s32 $0xFFFFEC00  }
0x20d: {  	_ =	swait.ge [sflag:s18], $0x1400  }
0x20e: {  	[sflag:s18] =	ssyncset.done $0x0  }
0x20f: {  	[sflag:s18] =	ssyncadd.s32 $0xFFFFEC00  }
0x210: {  	_ =	swait.ge [sflag:s24], $0x1400  }
0x211: {  	s11 =	simm.s32 $0x0;
	[sflag:s24] =	ssyncset.done $0x0  }
0x212: {  	s0 =	simm.s32 $0x0;
	s25 =	rddreg [dreg:$0x10];
	[sflag:s24] =	ssyncadd.s32 $0xFFFFEC00  }
0x213: {  	[tilespmem:s20], [sflag:$0x8] =	stream.linear.gather [hbm4b:s25+s11], $0x28, $0x38;
	[tilespmem:$0x1B280] =	vst v63  }
0x214: {  	v1 =	vld [tilespmem:s0+$0x1470]  }
0x215: {  	v2 =	vld [tilespmem:s0+$0x3C70]  }
0x216: {  	v3 =	vld [tilespmem:s0+$0x1400]  }
0x217: {  	v4 =	vld [tilespmem:s0+$0x3C00]  }
0x218: {  	v5 =	vld [tilespmem:s0+$0x1410]  }
0x219: {  	v6 =	vld [tilespmem:s0+$0x3C10]  }
0x21a: {  	v7 =	vld [tilespmem:s0+$0x1420]  }
0x21b: {  	v1 =	vadd.f32 v2, v1;
	v2 =	vld [tilespmem:s0+$0x3C20]  }
0x21c: {  	v8 =	vld [tilespmem:s0+$0x1430]  }
0x21d: {  	v63 =	vld [tilespmem:s0+$0x3C30];
	v3 =	vadd.f32 v4, v3  }
0x21e: {  	v10 =	vld [tilespmem:s0+$0x1440];
	v1 =	vmax.f32 v1, $0.0e+00  }
0x21f: {  	[tilespmem:s0+$0x6470] =	vst v1;
	v1 =	vmax.f32 v3, $0.0e+00;
	v3 =	vadd.f32 v6, v5;
	v6 =	vld [tilespmem:s0+$0x3C40]  }
0x220: {  	v4 =	vld [tilespmem:s0+$0x3C50];
	v2 =	vadd.f32 v2, v7  }
0x221: {  	[tilespmem:s0+$0x6400] =	vst v1;
	v1 =	vld [tilespmem:s0+$0x1450];
	v3 =	vmax.f32 v3, $0.0e+00  }
0x222: {  	v5 =	vld [tilespmem:s0+$0x3C60];
	v7 =	vadd.f32 v63, v8;
	[tilespmem:s0+$0x6410] =	vst v3;
	v3 =	vmax.f32 v2, $0.0e+00  }
0x223: {  	s3 =	simm.s32 $0x80;
	v2 =	vld [tilespmem:s0+$0x1460];
	[tilespmem:s0+$0x6420] =	vst v3  }
0x224: {  	s4 =	simm.s32 $0x400;
	v7 =	vmax.f32 v7, $0.0e+00;
	v6 =	vadd.f32 v6, v10;
	v3 =	vld [tilespmem:s3+$0x1470]  }
.LBB2_16:
0x225: {  	p1 =	sne.s32 s4, $0x4E00;
	v8 =	vld [tilespmem:s3+$0x3C70];
	[tilespmem:s0+$0x6430] =	vst v7  }
0x226: {  	v7 =	vld [tilespmem:s3+$0x1400];
	v6 =	vmax.f32 v6, $0.0e+00;
	v1 =	vadd.f32 v4, v1  }
0x227: {  	v4 =	vld [tilespmem:s3+$0x3C00];
	[tilespmem:s0+$0x6440] =	vst v6  }
0x228: {  	v6 =	vld [tilespmem:s3+$0x1410];
	v1 =	vmax.f32 v1, $0.0e+00;
	v2 =	vadd.f32 v5, v2  }
0x229: {  	v5 =	vld [tilespmem:s3+$0x3C10];
	[tilespmem:s0+$0x6450] =	vst v1  }
0x22a: {  	v1 =	vld [tilespmem:s3+$0x1420];
	v3 =	vadd.f32 v8, v3;
	v2 =	vmax.f32 v2, $0.0e+00  }
0x22b: {  	v8 =	vld [tilespmem:s3+$0x3C20];
	[tilespmem:s0+$0x6460] =	vst v2;
	s0 =	smov.u32 s3  }
0x22c: {  	v2 =	vadd.f32 v4, v7;
	v7 =	vld [tilespmem:s0+$0x1430];
	v3 =	vmax.f32 v3, $0.0e+00  }
0x22d: {  	v9 =	vld [tilespmem:s0+$0x3C30];
	[tilespmem:s0+$0x6470] =	vst v3  }
0x22e: {  	v2 =	vmax.f32 v2, $0.0e+00;
	v3 =	vadd.f32 v5, v6;
	v6 =	vld [tilespmem:s0+$0x1440]  }
0x22f: {  	[tilespmem:s0+$0x6400] =	vst v2;
	v10 =	vld [tilespmem:s0+$0x3C40]  }
.Ltmp7:
0x230: {  	v2 =	vmax.f32 v3, $0.0e+00;
	v3 =	vadd.f32 v8, v1;
	v1 =	vld [tilespmem:s0+$0x1450];
	(pc) =	sbr.rel @p1 .LBB2_16-.Ltmp7, $4  }
0x231: {  	[tilespmem:s0+$0x6410] =	vst v2;
	v4 =	vld [tilespmem:s0+$0x3C50]  }
0x232: {  	v3 =	vmax.f32 v3, $0.0e+00;
	v7 =	vadd.f32 v9, v7;
	v2 =	vld [tilespmem:s0+$0x1460]  }
0x233: {  	s3 =	sshra.s32 s4, $0x2;
	[tilespmem:s0+$0x6420] =	vst v3;
	v5 =	vld [tilespmem:s0+$0x3C60]  }
0x234: {  	s4 =	sadd.s32 $0x200, s4;
	v3 =	vld [tilespmem:s3+$0x1470];
	v7 =	vmax.f32 v7, $0.0e+00;
	v6 =	vadd.f32 v10, v6  }
0x235: {  	v8 =	vld [tilespmem:s3+$0x3C70];
	[tilespmem:s0+$0x6430] =	vst v7  }
0x236: {  	v7 =	vld [tilespmem:s3+$0x1400];
	v6 =	vmax.f32 v6, $0.0e+00;
	v1 =	vadd.f32 v4, v1  }
0x237: {  	v9 =	vld [tilespmem:s3+$0x3C00];
	[tilespmem:s0+$0x6440] =	vst v6  }
0x238: {  	v57 =	vld [tilespmem:s3+$0x1410];
	v1 =	vmax.f32 v1, $0.0e+00;
	v2 =	vadd.f32 v5, v2  }
0x239: {  	v6 =	vld [tilespmem:s3+$0x3C10];
	[tilespmem:s0+$0x6450] =	vst v1  }
0x23a: {  	v1 =	vld [tilespmem:s3+$0x1420];
	v2 =	vmax.f32 v2, $0.0e+00  }
0x23b: {  	v58 =	vld [tilespmem:s3+$0x3C20];
	[tilespmem:s0+$0x6460] =	vst v2  }
0x23c: {  	v2 =	vld [tilespmem:s3+$0x1430]  }
0x23d: {  	v3 =	vadd.f32 v8, v3;
	v59 =	vld [tilespmem:s3+$0x3C30]  }
0x23e: {  	v7 =	vadd.f32 v9, v7;
	v60 =	vld [tilespmem:s3+$0x1440]  }
0x23f: {  	v3 =	vmax.f32 v3, $0.0e+00;
	v61 =	vld [tilespmem:s3+$0x1450]  }
0x240: {  	v62 =	vld [tilespmem:s3+$0x3C50];
	[tilespmem:s3+$0x6470] =	vst v3;
	v3 =	vmax.f32 v7, $0.0e+00;
	v1 =	vadd.f32 v58, v1  }
0x241: {  	[tilespmem:s3+$0x6400] =	vst v3;
	v3 =	vld [tilespmem:s3+$0x3C40]  }
0x242: {  	v63 =	vld [tilespmem:s3+$0x1460];
	v1 =	vmax.f32 v1, $0.0e+00  }
0x243: {  	[tilespmem:s3+$0x6420] =	vst v1;
	v1 =	vld [tilespmem:s3+$0x3C60]  }
0x244: {  	v4 =	vadd.f32 v6, v57  }
0x245: {  	v2 =	vadd.f32 v59, v2  }
0x246: {  	v4 =	vmax.f32 v4, $0.0e+00;
	v3 =	vadd.f32 v3, v60  }
0x247: {  	[tilespmem:s3+$0x6410] =	vst v4;
	v4 =	vadd.f32 v62, v61;
	v2 =	vmax.f32 v2, $0.0e+00  }
0x248: {  	[tilespmem:s3+$0x6430] =	vst v2;
	v2 =	vmax.f32 v3, $0.0e+00;
	v1 =	vadd.f32 v1, v63  }
0x249: {  	[tilespmem:s3+$0x6440] =	vst v2;
	v2 =	vmax.f32 v4, $0.0e+00  }
0x24a: {  	[tilespmem:s3+$0x6450] =	vst v2;
	v1 =	vmax.f32 v1, $0.0e+00  }
0x24b: {  	[tilespmem:s3+$0x6460] =	vst v1  }
0x24c: {  	_ =	swait.ge [sflag:s17], $0x28  }
0x24d: {  	[sflag:s17] =	ssyncset.done $0x0  }
0x24e: {  	[sflag:s17] =	ssyncadd.s32 $0xFFFFFFD8  }
0x24f: {  	[spmem:s2] =	stream.indirect.scatter.add.f32 [tilespmem:s21], [sflag:$0x4], $0x80, s20, s31, $0xb8;
	[tilespmem:$0x1B280] =	vst v63  }
0x250: {  	_ =	swait.ge [sflag:s23], $0x1400  }
0x251: {  	[sflag:s23] =	ssyncset.done $0x0  }
0x252: {  	[sflag:s23] =	ssyncadd.s32 $0xFFFFEC00  }
0x253: {  	_ =	swait.ge [sflag:s24], $0x1400  }
0x254: {  	[sflag:s24] =	ssyncset.done $0x0  }
0x255: {  	[sflag:s24] =	ssyncadd.s32 $0xFFFFEC00  }
0x256: {  	s4 =	stileid.u32;
	[bflag:$0x0] =	sbarrier.arrive $0xFFFF  }
0x257: {  	s0 =	sshll.u32 s4, $0x6;
	s10 =	rddreg [dreg:$0xc]  }
0x258: {  	s0 =	sor.u32 $0x1C09, s0;
	s4 =	rddreg [dreg:$0x13]  }
0x259: {  	[hbm:s10], [sflag:s0] =	dma.local [spmem:s4], $0x2700  }
0x25a: {  	_ =	swait.ge [sflag:s28], $0x2700  }
0x25b: {  	[sflag:s28] =	ssyncset.done $0x0;
	s3 =	rddreg [dreg:$0x11]  }
0x25c: {  	s4 =	rddreg [dreg:$0x14];
	[sflag:s28] =	ssyncadd.s32 $0xFFFFD900  }
0x25d: {  	[hbm:s3], [sflag:s0] =	dma.local @!p0 [spmem:s4], $0x100  }
0x25e: {  	s0 =	simm.s32 @!p0 $0x9  }
0x25f: {  	_ =	swait.ge @!p0 [sflag:s0], $0x100  }
0x260: {  	s11 =	sld [smem:$0x7F8];
	_ =	sdelay $0x2  }
0x261: {  	s25 =	rddreg [dreg:$0x12];
	s4 =	sadd.s32 $0x1, s11  }
0x262: {  	p1 =	sne.s32 s4, s25  }
.Ltmp8:
0x263: {  	_ = 	snop;
	(pc) =	sbr.rel @p1 .LBB2_1-.Ltmp8, $3  }
0x264: {  	_ =	sdelay $0x1  }
0x265: {  	[sflag:s0] =	ssyncset.done @!p0 $0x0  }
0x266: {  	[sflag:s0] =	ssyncadd.s32 @!p0 $0xFFFFFF00  }
0x267: {  	_ =	sfence.sel $0x180000  }
0x268: {  	[bflag:$0x0] =	sbarrier.arrive $0xFFFF  }
0x269: {  	_ =	strace $0x90000047  }
0x26a: {  	s0 =	stileid.u32;
	[bflag:$0x2] =	sbarrier.arrive $0xFFFF  }
0x26b: {  	p0 =	sne.s32 s0, $0x0;
	s0 =	rddreg [dreg:$0x3]  }
0x26c: {  	s0 =	sadd.s32 @!p0 $0x100000, s0  }
0x26d: {  	[sflag:s0] =	ssyncadd.tile.s32 @!p0 $0x1;
	_ =	shalt  }
.Lfunc_end2:
_tile_overlayer_lowered:
.L_overlay_start_2:
0x26e: {  	(tag) =	ssettag $0x2  }
0x26f: {  	s0 =	rddreg [dreg:$0x0];
	s2 =	stileid.u32  }
0x270: {  	s1 =	rddreg [dreg:$0x1];
	p0 =	sne.s32 s2, $0x0  }
0x271: {  	s3 =	rddreg [dreg:$0x2];
	[bflag:$0x3] =	sbarrier.arrive $0xFFFF;
	s2 =	simm.s32 @!p0 $0x1C09  }
0x272: {  	[timem:s3], [sflag:s2] =	dma.local @!p0 [hbm:s0], s1  }
0x273: {  	s0 =	simm.s32 @!p0 $0x9  }
0x274: {  	_ =	swait.ge @!p0 [sflag:s0], s1  }
0x275: {  	s1 =	ssub.s32 @!p0 $0x0, s1;
	[sflag:s0] =	ssyncset.done @!p0 $0x0  }
0x276: {  	[sflag:s0] =	ssyncadd.s32 @!p0 s1  }
0x277: {  	[bflag:$0x3] =	sbarrier.arrive $0xFFFF  }
0x278: {  	_ =	shalt  }

</sc_bundles>
